<compile_context>
chip_gen: v7x
topology: tpu7x:2x2x1
jax: 0.10.2.dev20260603
libtpu: 0.0.44.dev20260713+nightly
codegen_flags: <defaults>
</compile_context>

<pallas_src>
import functools

import jax
import jax.numpy as jnp
from jax import lax
from jax.experimental import pallas as pl
from jax.experimental.pallas import tpu as pltpu
from jax.experimental.pallas import tpu_sc as plsc

_NC, _NS = 2, 16
_NW = _NC * _NS
_C = 80
_R = 25


def _deg_body(dst4d, zeros1d, cnt_out, idx_v, ones_v, acc_sh):
    cid = lax.axis_index("c")
    sid = lax.axis_index("s")
    wid = cid * _NS + sid
    npad = acc_sh.shape[0]
    seg = npad // _NS
    for l in range(_C // 16):
        ones_v[pl.ds(l * 16, 16)] = jnp.ones((16,), jnp.float32)
    pltpu.sync_copy(zeros1d.at[pl.ds(sid * seg, seg)],
                    acc_sh.at[pl.ds(sid * seg, seg)])
    plsc.subcore_barrier()
    nblk = dst4d.shape[1]

    def blk(b, carry):
        pltpu.sync_copy(dst4d.at[wid, b], idx_v)

        def row(j, c2):
            pltpu.sync_copy(ones_v, acc_sh.at[idx_v.at[j]], add=True)
            return c2

        lax.fori_loop(0, _R, row, 0)
        return carry

    lax.fori_loop(0, nblk, blk, 0)
    plsc.subcore_barrier()
    pltpu.sync_copy(acc_sh.at[pl.ds(sid * seg, seg)],
                    cnt_out.at[cid, pl.ds(sid * seg, seg)])


_NSETS = 4


def _layer_body(g_hbm, src4d, dst4d, out_hbm,
                idxs_v, idxd_v, rows_v, acc_sh, g_sh, *sems):
    gsems = sems[:_NSETS]
    ssems = sems[_NSETS:]
    cid = lax.axis_index("c")
    sid = lax.axis_index("s")
    wid = cid * _NS + sid
    n = acc_sh.shape[0]
    seg = n // _NS

    pltpu.sync_copy(g_hbm.at[pl.ds(sid * seg, seg)],
                    acc_sh.at[pl.ds(sid * seg, seg)])
    pltpu.sync_copy(g_hbm.at[pl.ds(sid * seg, seg)],
                    g_sh.at[pl.ds(sid * seg, seg)])

    nblk = src4d.shape[1]
    for b in range(nblk):
        pltpu.sync_copy(src4d.at[wid, b], idxs_v.at[b])
        pltpu.sync_copy(dst4d.at[wid, b], idxd_v.at[b])
    plsc.subcore_barrier()

    ngrp = nblk * _R

    def fire_gather(g, p):
        pltpu.async_copy(g_sh.at[idxs_v.at[g // _R, g % _R]],
                         rows_v.at[p], gsems[p])

    def drain_gather(p):
        pltpu.make_async_copy(g_sh.at[idxs_v.at[0, 0]],
                              rows_v.at[p], gsems[p]).wait()

    def fire_scatters(g, p):
        pltpu.async_copy(rows_v.at[p],
                         acc_sh.at[idxd_v.at[g // _R, g % _R]],
                         ssems[p], add=True)

    def drain_scatters(p):
        pltpu.make_async_copy(rows_v.at[p],
                              acc_sh.at[idxd_v.at[0, 0]],
                              ssems[p]).wait()

    def grp(g, carry):
        for p in range(_NSETS):
            @pl.when(g % _NSETS == p)
            def _(p=p):
                @pl.when(g >= _NSETS)
                def _(p=p):
                    drain_scatters(p)
                fire_gather(g, p)
                pm1 = (p + _NSETS - 1) % _NSETS

                @pl.when(g >= 1)
                def _(p=p, pm1=pm1):
                    drain_gather(pm1)
                    fire_scatters(g - 1, pm1)
        return carry

    lax.fori_loop(0, ngrp, grp, 0)
    plast = (ngrp - 1) % _NSETS
    drain_gather(plast)
    fire_scatters(ngrp - 1, plast)
    for d in range(_NSETS - 1):
        drain_scatters((ngrp - 2 - d) % _NSETS)
    drain_scatters(plast)
    plsc.subcore_barrier()
    pltpu.sync_copy(acc_sh.at[pl.ds(sid * seg, seg)],
                    out_hbm.at[cid, pl.ds(sid * seg, seg)])


def _deg_call(dst4d, zeros1d, npad):
    mesh = plsc.VectorSubcoreMesh(core_axis_name="c", subcore_axis_name="s")
    f = functools.partial(
        pl.kernel,
        mesh=mesh,
        compiler_params=pltpu.CompilerParams(use_tc_tiling_on_sc=False),
        out_type=jax.ShapeDtypeStruct((_NC, npad), jnp.float32),
        scratch_types=[
            pltpu.VMEM((_R, _C), jnp.int32),
            pltpu.VMEM((_C,), jnp.float32),
            pltpu.VMEM_SHARED((npad,), jnp.float32),
        ],
    )(_deg_body)
    return f(dst4d, zeros1d)


def _layer_call(g, src4d, dst4d):
    npad, hid = g.shape
    mesh = plsc.VectorSubcoreMesh(core_axis_name="c", subcore_axis_name="s")
    f = functools.partial(
        pl.kernel,
        mesh=mesh,
        compiler_params=pltpu.CompilerParams(use_tc_tiling_on_sc=False),
        out_type=jax.ShapeDtypeStruct((_NC, npad, hid), jnp.float32),
        scratch_types=[
            pltpu.VMEM((src4d.shape[1], _R, _C), jnp.int32),
            pltpu.VMEM((src4d.shape[1], _R, _C), jnp.int32),
            pltpu.VMEM((_NSETS, _C, hid), jnp.float32),
            pltpu.VMEM_SHARED((npad, hid), jnp.float32),
            pltpu.VMEM_SHARED((npad, hid), jnp.float32),
        ] + [pltpu.SemaphoreType.DMA] * (2 * _NSETS),
    )(_layer_body)
    return f(g, src4d, dst4d)


def _tc1_body(cnt_ref, x_ref, w_ref, ones_ref, g_ref, dinv_ref):
    n = x_ref.shape[0]
    crow = (cnt_ref[0] + cnt_ref[1] + 1.0).reshape(1, -1)
    drow = lax.rsqrt(crow)
    dinv = lax.dot_general(drow, ones_ref[...], (((0,), (0,)), ((), ())),
                           precision=lax.Precision.HIGHEST,
                           preferred_element_type=jnp.float32)[:n]
    h = jnp.dot(x_ref[...], w_ref[...], preferred_element_type=jnp.float32)
    g_ref[...] = h * dinv
    dinv_ref[...] = dinv


def _tc2_body(aa_ref, ab_ref, g1_ref, dinv_ref, b1_ref, w2_ref, g2_ref):
    dinv = dinv_ref[...]
    s = aa_ref[0] + ab_ref[0] - g1_ref[...]
    z1 = jnp.maximum(s * dinv + b1_ref[...], 0.0)
    g2_ref[...] = jnp.dot(z1, w2_ref[...],
                          preferred_element_type=jnp.float32) * dinv


def _tc3_body(aa_ref, ab_ref, g2_ref, dinv_ref, b2_ref, z_ref):
    s = aa_ref[0] + ab_ref[0] - g2_ref[...]
    z_ref[...] = s * dinv_ref[...] + b2_ref[...]


_TB = 2000


def _detile_body(e_ref, s_ref, d_ref):
    s_ref[...] = e_ref[0]
    d_ref[...] = e_ref[1]


def _detile_call(edge_index):
    e = edge_index.shape[1]
    return pl.pallas_call(
        _detile_body,
        out_shape=[jax.ShapeDtypeStruct((e,), jnp.int32),
                   jax.ShapeDtypeStruct((e,), jnp.int32)],
    )(edge_index)


def _tc1_call(cnt, x, w1):
    n, ind = x.shape
    hid = w1.shape[1]
    ones = jnp.ones((1, hid), jnp.float32)
    return pl.pallas_call(
        _tc1_body,
        out_shape=[
            jax.ShapeDtypeStruct((n, hid), jnp.float32),
            jax.ShapeDtypeStruct((n, hid), jnp.float32),
        ],
    )(cnt, x, w1, ones)


def _tc2_call(acc, g1, dinv, b1, w2):
    _, n, hid = acc.shape
    return pl.pallas_call(
        _tc2_body,
        grid=(n // _TB,),
        in_specs=[
            pl.BlockSpec((1, _TB, hid), lambda i: (0, i, 0)),
            pl.BlockSpec((1, _TB, hid), lambda i: (1, i, 0)),
            pl.BlockSpec((_TB, hid), lambda i: (i, 0)),
            pl.BlockSpec((_TB, hid), lambda i: (i, 0)),
            pl.BlockSpec((1, hid), lambda i: (0, 0)),
            pl.BlockSpec((hid, hid), lambda i: (0, 0)),
        ],
        out_specs=pl.BlockSpec((_TB, hid), lambda i: (i, 0)),
        out_shape=jax.ShapeDtypeStruct((n, hid), jnp.float32),
    )(acc, acc, g1, dinv, b1, w2)


def _tc3_call(acc, g2, dinv, b2):
    _, n, hid = acc.shape
    return pl.pallas_call(
        _tc3_body,
        grid=(n // _TB,),
        in_specs=[
            pl.BlockSpec((1, _TB, hid), lambda i: (0, i, 0)),
            pl.BlockSpec((1, _TB, hid), lambda i: (1, i, 0)),
            pl.BlockSpec((_TB, hid), lambda i: (i, 0)),
            pl.BlockSpec((_TB, hid), lambda i: (i, 0)),
            pl.BlockSpec((1, hid), lambda i: (0, 0)),
        ],
        out_specs=pl.BlockSpec((_TB, hid), lambda i: (i, 0)),
        out_shape=jax.ShapeDtypeStruct((n, hid), jnp.float32),
    )(acc, acc, g2, dinv, b2)


def kernel(x, edge_index, W1, b1, W2, b2):
    n, _ = x.shape
    hid = W1.shape[1]
    src1d, dst1d = _detile_call(edge_index)
    src4d = src1d.reshape(_NW, -1, _R, _C)
    dst4d = dst1d.reshape(_NW, -1, _R, _C)
    blk = 8 * _NS
    npad = ((n + blk - 1) // blk) * blk
    zeros1d = jnp.zeros((npad,), jnp.float32)

    cnt = _deg_call(dst4d, zeros1d, npad)
    g1, dinv = _tc1_call(cnt, x, W1)
    acc1 = _layer_call(g1, src4d, dst4d)
    g2 = _tc2_call(acc1, g1, dinv, b1.reshape(1, -1), W2)
    acc2 = _layer_call(g2, src4d, dst4d)
    z = _tc3_call(acc2, g2, dinv, b2.reshape(1, -1))
    return z

# --- scband reference (transcript-rebuilt; emitter-appended) ---
"""Pipeline reference for scband-small-gcnencoder-66133906423867 (READ-ONLY COPY).

The authoritative reference and input builder live on the scoring server;
editing this copy changes nothing except your own understanding.
"""

import jax, jax.numpy as jnp
import numpy as np

N = 10000
E = 320000
IN_DIM = 128
HID = 64


def gcn_conv(x, edge_index, W, b, n):
    # h = X W
    h = x @ W
    src = edge_index[0]
    dst = edge_index[1]
    # add self loops
    loop = jnp.arange(n, dtype=src.dtype)
    src = jnp.concatenate([src, loop])
    dst = jnp.concatenate([dst, loop])
    # symmetric normalization D^{-1/2} A_hat D^{-1/2}
    deg = jax.ops.segment_sum(jnp.ones(src.shape[0], dtype=h.dtype), dst, num_segments=n)
    dinv = jax.lax.rsqrt(jnp.maximum(deg, 1.0))
    norm = dinv[src] * dinv[dst]
    msg = h[src] * norm[:, None]
    out = jax.ops.segment_sum(msg, dst, num_segments=n)
    return out + b


def setup_inputs(seed: int = 0) -> dict:
    key = jax.random.key(seed)
    k1, k2, k3, k4, k5, k6 = jax.random.split(key, 6)
    x = jax.random.normal(k1, (N, IN_DIM), dtype=jnp.float32)
    edge_index = jax.random.randint(k2, (2, E), 0, N, dtype=jnp.int32)
    W1 = jax.random.normal(k3, (IN_DIM, HID), dtype=jnp.float32) * (1.0 / np.sqrt(IN_DIM))
    b1 = jnp.zeros((HID,), dtype=jnp.float32)
    W2 = jax.random.normal(k4, (HID, HID), dtype=jnp.float32) * (1.0 / np.sqrt(HID))
    b2 = jnp.zeros((HID,), dtype=jnp.float32)
    return {"x": x, "edge_index": edge_index, "W1": W1, "b1": b1, "W2": W2, "b2": b2}


def reference(x, edge_index, W1, b1, W2, b2):
    # conv1 + relu (+ dropout in eval mode = identity) + conv2
    h = gcn_conv(x, edge_index, W1, b1, N)
    h = jax.nn.relu(h)
    z = gcn_conv(h, edge_index, W2, b2, N)
    return z

if __name__ == "__main__":
    import jax
    _d = setup_inputs()
    print(jax.jit(kernel)(*tuple(_d.values())))

</pallas_src>

<mosaic_0001>
#map = affine_map<(d0, d1) -> (0, 0, 0, 0)>
#map1 = affine_map<(d0, d1) -> (0)>
#map2 = affine_map<(d0, d1) -> (0, 0)>
module attributes {stable_mosaic.version = 14 : i64} {
  func.func @_deg_body(%arg0: i32, %arg1: i32, %arg2: memref<32x5x25x80xi32, #tpu.memory_space<hbm>>, %arg3: memref<10112xf32, #tpu.memory_space<hbm>>, %arg4: memref<2x10112xf32, #tpu.memory_space<hbm>>, %arg5: memref<25x80xi32, #tpu.memory_space<vmem>>, %arg6: memref<80xf32, #tpu.memory_space<vmem>>, %arg7: memref<10112xf32, #tpu.memory_space<vmem_shared>>) attributes {dimension_semantics = [#tpu.dimension_semantics<core_parallel>, #tpu.dimension_semantics<subcore_parallel>], iteration_bounds = array<i64: 2, 16>, scalar_prefetch = 0 : i64, scratch_operands = 3 : i64, tpu.core_type = #tpu.core_type<sc_vector_subcore>, window_params = [{transform_indices = #map}, {transform_indices = #map1}, {transform_indices = #map2}]} {
    %mul3A = arith.constant 16 : i32
    %mul3A_0 = arith.muli %arg0, %mul3A : i32
    %add3A = arith.addi %mul3A_0, %arg1 : i32
    %broadcast_in_dim3A = arith.constant 1.000000e+00 : f32
    %broadcast_in_dim3A_1 = vector.broadcast %broadcast_in_dim3A : f32 to vector<16xf32>
    %swap3A = arith.constant 0 : index
    %swap3A_2 = tpu.vector_load %arg6[%swap3A] {strides = array<i32>} : memref<80xf32, #tpu.memory_space<vmem>>, vector<16xf32>,
    %swap3A_3 = vector.shape_cast %swap3A_2 : vector<16xf32> to vector<16xf32>
    %swap3A_4 = vector.shape_cast %broadcast_in_dim3A_1 : vector<16xf32> to vector<16xf32>
    tpu.vector_store %arg6[%swap3A], %swap3A_4 {strides = array<i32>} : memref<80xf32, #tpu.memory_space<vmem>>, vector<16xf32>,
    %broadcast_in_dim3A_5 = arith.constant 1.000000e+00 : f32
    %broadcast_in_dim3A_6 = vector.broadcast %broadcast_in_dim3A_5 : f32 to vector<16xf32>
    %swap3A_7 = arith.constant 16 : index
    %swap3A_8 = tpu.vector_load %arg6[%swap3A_7] {strides = array<i32>} : memref<80xf32, #tpu.memory_space<vmem>>, vector<16xf32>,
    %swap3A_9 = vector.shape_cast %swap3A_8 : vector<16xf32> to vector<16xf32>
    %swap3A_10 = vector.shape_cast %broadcast_in_dim3A_6 : vector<16xf32> to vector<16xf32>
    tpu.vector_store %arg6[%swap3A_7], %swap3A_10 {strides = array<i32>} : memref<80xf32, #tpu.memory_space<vmem>>, vector<16xf32>,
    %broadcast_in_dim3A_11 = arith.constant 1.000000e+00 : f32
    %broadcast_in_dim3A_12 = vector.broadcast %broadcast_in_dim3A_11 : f32 to vector<16xf32>
    %swap3A_13 = arith.constant 32 : index
    %swap3A_14 = tpu.vector_load %arg6[%swap3A_13] {strides = array<i32>} : memref<80xf32, #tpu.memory_space<vmem>>, vector<16xf32>,
    %swap3A_15 = vector.shape_cast %swap3A_14 : vector<16xf32> to vector<16xf32>
    %swap3A_16 = vector.shape_cast %broadcast_in_dim3A_12 : vector<16xf32> to vector<16xf32>
    tpu.vector_store %arg6[%swap3A_13], %swap3A_16 {strides = array<i32>} : memref<80xf32, #tpu.memory_space<vmem>>, vector<16xf32>,
    %broadcast_in_dim3A_17 = arith.constant 1.000000e+00 : f32
    %broadcast_in_dim3A_18 = vector.broadcast %broadcast_in_dim3A_17 : f32 to vector<16xf32>
    %swap3A_19 = arith.constant 48 : index
    %swap3A_20 = tpu.vector_load %arg6[%swap3A_19] {strides = array<i32>} : memref<80xf32, #tpu.memory_space<vmem>>, vector<16xf32>,
    %swap3A_21 = vector.shape_cast %swap3A_20 : vector<16xf32> to vector<16xf32>
    %swap3A_22 = vector.shape_cast %broadcast_in_dim3A_18 : vector<16xf32> to vector<16xf32>
    tpu.vector_store %arg6[%swap3A_19], %swap3A_22 {strides = array<i32>} : memref<80xf32, #tpu.memory_space<vmem>>, vector<16xf32>,
    %broadcast_in_dim3A_23 = arith.constant 1.000000e+00 : f32
    %broadcast_in_dim3A_24 = vector.broadcast %broadcast_in_dim3A_23 : f32 to vector<16xf32>
    %swap3A_25 = arith.constant 64 : index
    %swap3A_26 = tpu.vector_load %arg6[%swap3A_25] {strides = array<i32>} : memref<80xf32, #tpu.memory_space<vmem>>, vector<16xf32>,
    %swap3A_27 = vector.shape_cast %swap3A_26 : vector<16xf32> to vector<16xf32>
    %swap3A_28 = vector.shape_cast %broadcast_in_dim3A_24 : vector<16xf32> to vector<16xf32>
    tpu.vector_store %arg6[%swap3A_25], %swap3A_28 {strides = array<i32>} : memref<80xf32, #tpu.memory_space<vmem>>, vector<16xf32>,
    %mul3A_29 = arith.constant 632 : i32
    %mul3A_30 = arith.muli %arg1, %mul3A_29 : i32
    %mul3A_31 = arith.constant 632 : i32
    %mul3A_32 = arith.muli %arg1, %mul3A_31 : i32
    "tpu.region"() ({
      %run_scoped3A = tpu.sem_alloc : memref<!tpu.dma_semaphore, #tpu.memory_space<semaphore_mem>>
      %dma_start3A = tpu.memref_slice %arg7[%mul3A_32] : memref<10112xf32, #tpu.memory_space<vmem_shared>> -> memref<632xf32, #tpu.memory_space<vmem_shared>>
      %dma_start3A_43 = tpu.memref_slice %arg3[%mul3A_30] : memref<10112xf32, #tpu.memory_space<hbm>> -> memref<632xf32, #tpu.memory_space<hbm>>
      tpu.enqueue_dma source(%dma_start3A_43 : memref<632xf32, #tpu.memory_space<hbm>>) target(%dma_start3A : memref<632xf32, #tpu.memory_space<vmem_shared>>) target_semaphore(%run_scoped3A : memref<!tpu.dma_semaphore, #tpu.memory_space<semaphore_mem>>)
      %dma_wait3A = tpu.memref_slice %arg7[%mul3A_32] : memref<10112xf32, #tpu.memory_space<vmem_shared>> -> memref<632xf32, #tpu.memory_space<vmem_shared>>
      %dma_wait3A_44 = tpu.memref_slice %arg3[%mul3A_30] : memref<10112xf32, #tpu.memory_space<hbm>> -> memref<632xf32, #tpu.memory_space<hbm>>
      tpu.wait_dma2 semaphore(%run_scoped3A : memref<!tpu.dma_semaphore, #tpu.memory_space<semaphore_mem>>) src(%dma_wait3A_44 : memref<632xf32, #tpu.memory_space<hbm>>) dst(%dma_wait3A : memref<632xf32, #tpu.memory_space<vmem_shared>>)
      tpu.yield
    }) : () -> ()
    %barrier3A = arith.constant 0 : index
    tpu.barrier barrier_id(%barrier3A)
    %scan3A = arith.constant 0 : i32
    %scan3A_33 = arith.constant 0 : i32
    %scan3A_34 = arith.constant 5 : i32
    %scan3A_35 = arith.addi %scan3A_33, %scan3A_34 : i32
    %scan3A_36 = arith.constant 1 : i32
    scf.for %scan3A_43 = %scan3A_33 to %scan3A_35 step %scan3A_36  : i32 {
      "tpu.region"() ({
        %run_scoped3A = tpu.sem_alloc : memref<!tpu.dma_semaphore, #tpu.memory_space<semaphore_mem>>
        %dma_start3A = arith.constant 0 : i32
        %dma_start3A_50 = arith.constant 0 : i32
        %dma_start3A_51 = tpu.memref_slice %arg2[%add3A, %scan3A_43, %dma_start3A, %dma_start3A_50] : memref<32x5x25x80xi32, #tpu.memory_space<hbm>> -> memref<1x1x25x80xi32, #tpu.memory_space<hbm>>
        %dma_start3A_52 = tpu.memref_squeeze %dma_start3A_51 : memref<1x1x25x80xi32, #tpu.memory_space<hbm>> -> memref<25x80xi32, #tpu.memory_space<hbm>>
        %dma_start3A_53 = arith.constant 0 : i32
        %dma_start3A_54 = arith.constant 0 : i32
        %dma_start3A_55 = tpu.memref_slice %arg2[%add3A, %scan3A_43, %dma_start3A_53, %dma_start3A_54] : memref<32x5x25x80xi32, #tpu.memory_space<hbm>> -> memref<1x1x25x80xi32, #tpu.memory_space<hbm>>
        %dma_start3A_56 = tpu.memref_squeeze %dma_start3A_55 : memref<1x1x25x80xi32, #tpu.memory_space<hbm>> -> memref<25x80xi32, #tpu.memory_space<hbm>>
        tpu.enqueue_dma source(%dma_start3A_56 : memref<25x80xi32, #tpu.memory_space<hbm>>) target(%arg5 : memref<25x80xi32, #tpu.memory_space<vmem>>) target_semaphore(%run_scoped3A : memref<!tpu.dma_semaphore, #tpu.memory_space<semaphore_mem>>)
        %dma_wait3A = arith.constant 0 : i32
        %dma_wait3A_57 = arith.constant 0 : i32
        %dma_wait3A_58 = tpu.memref_slice %arg2[%add3A, %scan3A_43, %dma_wait3A, %dma_wait3A_57] : memref<32x5x25x80xi32, #tpu.memory_space<hbm>> -> memref<1x1x25x80xi32, #tpu.memory_space<hbm>>
        %dma_wait3A_59 = tpu.memref_squeeze %dma_wait3A_58 : memref<1x1x25x80xi32, #tpu.memory_space<hbm>> -> memref<25x80xi32, #tpu.memory_space<hbm>>
        %dma_wait3A_60 = arith.constant 0 : i32
        %dma_wait3A_61 = arith.constant 0 : i32
        %dma_wait3A_62 = tpu.memref_slice %arg2[%add3A, %scan3A_43, %dma_wait3A_60, %dma_wait3A_61] : memref<32x5x25x80xi32, #tpu.memory_space<hbm>> -> memref<1x1x25x80xi32, #tpu.memory_space<hbm>>
        %dma_wait3A_63 = tpu.memref_squeeze %dma_wait3A_62 : memref<1x1x25x80xi32, #tpu.memory_space<hbm>> -> memref<25x80xi32, #tpu.memory_space<hbm>>
        tpu.wait_dma2 semaphore(%run_scoped3A : memref<!tpu.dma_semaphore, #tpu.memory_space<semaphore_mem>>) src(%dma_wait3A_63 : memref<25x80xi32, #tpu.memory_space<hbm>>) dst(%arg5 : memref<25x80xi32, #tpu.memory_space<vmem>>)
        tpu.yield
      }) : () -> ()
      %scan3A_44 = arith.constant 0 : i32
      %scan3A_45 = arith.constant 0 : i32
      %scan3A_46 = arith.constant 25 : i32
      %scan3A_47 = arith.addi %scan3A_45, %scan3A_46 : i32
      %scan3A_48 = arith.constant 1 : i32
      scf.for %scan3A_50 = %scan3A_45 to %scan3A_47 step %scan3A_48  : i32 {
        "tpu.region"() ({
          %run_scoped3A = tpu.sem_alloc : memref<!tpu.dma_semaphore, #tpu.memory_space<semaphore_mem>>
          %dma_start3A = arith.constant 0 : i32
          %dma_start3A_51 = tpu.memref_slice %arg5[%scan3A_50, %dma_start3A] : memref<25x80xi32, #tpu.memory_space<vmem>> -> memref<1x80xi32, #tpu.memory_space<vmem>>
          %dma_start3A_52 = tpu.memref_squeeze %dma_start3A_51 : memref<1x80xi32, #tpu.memory_space<vmem>> -> memref<80xi32, #tpu.memory_space<vmem>>
          %dma_start3A_53 = arith.constant 0 : i32
          %dma_start3A_54 = tpu.memref_slice %arg7[%dma_start3A_53] : memref<10112xf32, #tpu.memory_space<vmem_shared>> -> memref<10112xf32, #tpu.memory_space<vmem_shared>>
          tpu.enqueue_indirect_dma source(%arg6 : memref<80xf32, #tpu.memory_space<vmem>>) target(%dma_start3A_54 : memref<10112xf32, #tpu.memory_space<vmem_shared>>) offsets(%dma_start3A_52 : memref<80xi32, #tpu.memory_space<vmem>>) semaphore(%run_scoped3A : memref<!tpu.dma_semaphore, #tpu.memory_space<semaphore_mem>>) {add = true}
          %dma_wait3A = arith.constant 0 : i32
          %dma_wait3A_55 = tpu.memref_slice %arg5[%scan3A_50, %dma_wait3A] : memref<25x80xi32, #tpu.memory_space<vmem>> -> memref<1x80xi32, #tpu.memory_space<vmem>>
          %dma_wait3A_56 = tpu.memref_squeeze %dma_wait3A_55 : memref<1x80xi32, #tpu.memory_space<vmem>> -> memref<80xi32, #tpu.memory_space<vmem>>
          %dma_wait3A_57 = arith.constant 0 : i32
          %dma_wait3A_58 = tpu.memref_slice %arg7[%dma_wait3A_57] : memref<10112xf32, #tpu.memory_space<vmem_shared>> -> memref<10112xf32, #tpu.memory_space<vmem_shared>>
          tpu.wait_indirect_dma semaphore(%run_scoped3A : memref<!tpu.dma_semaphore, #tpu.memory_space<semaphore_mem>>) src(%arg6 : memref<80xf32, #tpu.memory_space<vmem>>) dst(%dma_wait3A_58 : memref<10112xf32, #tpu.memory_space<vmem_shared>>)
          tpu.yield
        }) : () -> ()
      }
      %scan3A_49 = arith.constant 25 : i32
    }
    %scan3A_37 = arith.constant 5 : i32
    %barrier3A_38 = arith.constant 0 : index
    tpu.barrier barrier_id(%barrier3A_38)
    %mul3A_39 = arith.constant 632 : i32
    %mul3A_40 = arith.muli %arg1, %mul3A_39 : i32
    %mul3A_41 = arith.constant 632 : i32
    %mul3A_42 = arith.muli %arg1, %mul3A_41 : i32
    "tpu.region"() ({
      %run_scoped3A = tpu.sem_alloc : memref<!tpu.dma_semaphore, #tpu.memory_space<semaphore_mem>>
      %dma_start3A = tpu.memref_slice %arg4[%arg0, %mul3A_42] : memref<2x10112xf32, #tpu.memory_space<hbm>> -> memref<1x632xf32, #tpu.memory_space<hbm>>
      %dma_start3A_43 = tpu.memref_squeeze %dma_start3A : memref<1x632xf32, #tpu.memory_space<hbm>> -> memref<632xf32, #tpu.memory_space<hbm>>
      %dma_start3A_44 = tpu.memref_slice %arg7[%mul3A_40] : memref<10112xf32, #tpu.memory_space<vmem_shared>> -> memref<632xf32, #tpu.memory_space<vmem_shared>>
      tpu.enqueue_dma source(%dma_start3A_44 : memref<632xf32, #tpu.memory_space<vmem_shared>>) target(%dma_start3A_43 : memref<632xf32, #tpu.memory_space<hbm>>) target_semaphore(%run_scoped3A : memref<!tpu.dma_semaphore, #tpu.memory_space<semaphore_mem>>)
      %dma_wait3A = tpu.memref_slice %arg4[%arg0, %mul3A_42] : memref<2x10112xf32, #tpu.memory_space<hbm>> -> memref<1x632xf32, #tpu.memory_space<hbm>>
      %dma_wait3A_45 = tpu.memref_squeeze %dma_wait3A : memref<1x632xf32, #tpu.memory_space<hbm>> -> memref<632xf32, #tpu.memory_space<hbm>>
      %dma_wait3A_46 = tpu.memref_slice %arg7[%mul3A_40] : memref<10112xf32, #tpu.memory_space<vmem_shared>> -> memref<632xf32, #tpu.memory_space<vmem_shared>>
      tpu.wait_dma2 semaphore(%run_scoped3A : memref<!tpu.dma_semaphore, #tpu.memory_space<semaphore_mem>>) src(%dma_wait3A_46 : memref<632xf32, #tpu.memory_space<vmem_shared>>) dst(%dma_wait3A_45 : memref<632xf32, #tpu.memory_space<hbm>>)
      tpu.yield
    }) : () -> ()
    return
  }
}

#map = affine_map<(d0, d1) -> (0, 0)>
#map1 = affine_map<(d0, d1) -> (0, 0, 0, 0)>
#map2 = affine_map<(d0, d1) -> (0, 0, 0)>
module attributes {stable_mosaic.version = 14 : i64} {
  func.func @_layer_body(%arg0: i32, %arg1: i32, %arg2: memref<10000x64xf32, #tpu.memory_space<hbm>>, %arg3: memref<32x5x25x80xi32, #tpu.memory_space<hbm>>, %arg4: memref<32x5x25x80xi32, #tpu.memory_space<hbm>>, %arg5: memref<2x10000x64xf32, #tpu.memory_space<hbm>>, %arg6: memref<5x25x80xi32, #tpu.memory_space<vmem>>, %arg7: memref<5x25x80xi32, #tpu.memory_space<vmem>>, %arg8: memref<4x80x64xf32, #tpu.memory_space<vmem>>, %arg9: memref<10000x64xf32, #tpu.memory_space<vmem_shared>>, %arg10: memref<10000x64xf32, #tpu.memory_space<vmem_shared>>, %arg11: memref<!tpu.dma_semaphore, #tpu.memory_space<semaphore_mem>>, %arg12: memref<!tpu.dma_semaphore, #tpu.memory_space<semaphore_mem>>, %arg13: memref<!tpu.dma_semaphore, #tpu.memory_space<semaphore_mem>>, %arg14: memref<!tpu.dma_semaphore, #tpu.memory_space<semaphore_mem>>, %arg15: memref<!tpu.dma_semaphore, #tpu.memory_space<semaphore_mem>>, %arg16: memref<!tpu.dma_semaphore, #tpu.memory_space<semaphore_mem>>, %arg17: memref<!tpu.dma_semaphore, #tpu.memory_space<semaphore_mem>>, %arg18: memref<!tpu.dma_semaphore, #tpu.memory_space<semaphore_mem>>) attributes {dimension_semantics = [#tpu.dimension_semantics<core_parallel>, #tpu.dimension_semantics<subcore_parallel>], iteration_bounds = array<i64: 2, 16>, scalar_prefetch = 0 : i64, scratch_operands = 13 : i64, tpu.core_type = #tpu.core_type<sc_vector_subcore>, window_params = [{transform_indices = #map}, {transform_indices = #map1}, {transform_indices = #map1}, {transform_indices = #map2}]} {
    %mul3A = arith.constant 16 : i32
    %mul3A_0 = arith.muli %arg0, %mul3A : i32
    %add3A = arith.addi %mul3A_0, %arg1 : i32
    %mul3A_1 = arith.constant 625 : i32
    %mul3A_2 = arith.muli %arg1, %mul3A_1 : i32
    %mul3A_3 = arith.constant 625 : i32
    %mul3A_4 = arith.muli %arg1, %mul3A_3 : i32
    "tpu.region"() ({
      %run_scoped3A_114 = tpu.sem_alloc : memref<!tpu.dma_semaphore, #tpu.memory_space<semaphore_mem>>
      %dma_start3A_115 = arith.constant 0 : i32
      %dma_start3A_116 = tpu.memref_slice %arg9[%mul3A_4, %dma_start3A_115] : memref<10000x64xf32, #tpu.memory_space<vmem_shared>> -> memref<625x64xf32, #tpu.memory_space<vmem_shared>>
      %dma_start3A_117 = arith.constant 0 : i32
      %dma_start3A_118 = tpu.memref_slice %arg2[%mul3A_2, %dma_start3A_117] : memref<10000x64xf32, #tpu.memory_space<hbm>> -> memref<625x64xf32, #tpu.memory_space<hbm>>
      tpu.enqueue_dma source(%dma_start3A_118 : memref<625x64xf32, #tpu.memory_space<hbm>>) target(%dma_start3A_116 : memref<625x64xf32, #tpu.memory_space<vmem_shared>>) target_semaphore(%run_scoped3A_114 : memref<!tpu.dma_semaphore, #tpu.memory_space<semaphore_mem>>)
      %dma_wait3A_119 = arith.constant 0 : i32
      %dma_wait3A_120 = tpu.memref_slice %arg9[%mul3A_4, %dma_wait3A_119] : memref<10000x64xf32, #tpu.memory_space<vmem_shared>> -> memref<625x64xf32, #tpu.memory_space<vmem_shared>>
      %dma_wait3A_121 = arith.constant 0 : i32
      %dma_wait3A_122 = tpu.memref_slice %arg2[%mul3A_2, %dma_wait3A_121] : memref<10000x64xf32, #tpu.memory_space<hbm>> -> memref<625x64xf32, #tpu.memory_space<hbm>>
      tpu.wait_dma2 semaphore(%run_scoped3A_114 : memref<!tpu.dma_semaphore, #tpu.memory_space<semaphore_mem>>) src(%dma_wait3A_122 : memref<625x64xf32, #tpu.memory_space<hbm>>) dst(%dma_wait3A_120 : memref<625x64xf32, #tpu.memory_space<vmem_shared>>)
      tpu.yield
    }) : () -> ()
    %mul3A_5 = arith.constant 625 : i32
    %mul3A_6 = arith.muli %arg1, %mul3A_5 : i32
    %mul3A_7 = arith.constant 625 : i32
    %mul3A_8 = arith.muli %arg1, %mul3A_7 : i32
    "tpu.region"() ({
      %run_scoped3A_114 = tpu.sem_alloc : memref<!tpu.dma_semaphore, #tpu.memory_space<semaphore_mem>>
      %dma_start3A_115 = arith.constant 0 : i32
      %dma_start3A_116 = tpu.memref_slice %arg10[%mul3A_8, %dma_start3A_115] : memref<10000x64xf32, #tpu.memory_space<vmem_shared>> -> memref<625x64xf32, #tpu.memory_space<vmem_shared>>
      %dma_start3A_117 = arith.constant 0 : i32
      %dma_start3A_118 = tpu.memref_slice %arg2[%mul3A_6, %dma_start3A_117] : memref<10000x64xf32, #tpu.memory_space<hbm>> -> memref<625x64xf32, #tpu.memory_space<hbm>>
      tpu.enqueue_dma source(%dma_start3A_118 : memref<625x64xf32, #tpu.memory_space<hbm>>) target(%dma_start3A_116 : memref<625x64xf32, #tpu.memory_space<vmem_shared>>) target_semaphore(%run_scoped3A_114 : memref<!tpu.dma_semaphore, #tpu.memory_space<semaphore_mem>>)
      %dma_wait3A_119 = arith.constant 0 : i32
      %dma_wait3A_120 = tpu.memref_slice %arg10[%mul3A_8, %dma_wait3A_119] : memref<10000x64xf32, #tpu.memory_space<vmem_shared>> -> memref<625x64xf32, #tpu.memory_space<vmem_shared>>
      %dma_wait3A_121 = arith.constant 0 : i32
      %dma_wait3A_122 = tpu.memref_slice %arg2[%mul3A_6, %dma_wait3A_121] : memref<10000x64xf32, #tpu.memory_space<hbm>> -> memref<625x64xf32, #tpu.memory_space<hbm>>
      tpu.wait_dma2 semaphore(%run_scoped3A_114 : memref<!tpu.dma_semaphore, #tpu.memory_space<semaphore_mem>>) src(%dma_wait3A_122 : memref<625x64xf32, #tpu.memory_space<hbm>>) dst(%dma_wait3A_120 : memref<625x64xf32, #tpu.memory_space<vmem_shared>>)
      tpu.yield
    }) : () -> ()
    %run_scoped3A = arith.constant 0 : i32
    %run_scoped3A_9 = arith.constant 0 : i32
    "tpu.region"() ({
      %run_scoped3A_114 = tpu.sem_alloc : memref<!tpu.dma_semaphore, #tpu.memory_space<semaphore_mem>>
      %dma_start3A_115 = arith.constant 0 : i32
      %dma_start3A_116 = arith.constant 0 : i32
      %dma_start3A_117 = tpu.memref_slice %arg6[%run_scoped3A_9, %dma_start3A_115, %dma_start3A_116] : memref<5x25x80xi32, #tpu.memory_space<vmem>> -> memref<1x25x80xi32, #tpu.memory_space<vmem>>
      %dma_start3A_118 = tpu.memref_squeeze %dma_start3A_117 : memref<1x25x80xi32, #tpu.memory_space<vmem>> -> memref<25x80xi32, #tpu.memory_space<vmem>>
      %dma_start3A_119 = arith.constant 0 : i32
      %dma_start3A_120 = arith.constant 0 : i32
      %dma_start3A_121 = tpu.memref_slice %arg3[%add3A, %run_scoped3A, %dma_start3A_119, %dma_start3A_120] : memref<32x5x25x80xi32, #tpu.memory_space<hbm>> -> memref<1x1x25x80xi32, #tpu.memory_space<hbm>>
      %dma_start3A_122 = tpu.memref_squeeze %dma_start3A_121 : memref<1x1x25x80xi32, #tpu.memory_space<hbm>> -> memref<25x80xi32, #tpu.memory_space<hbm>>
      %dma_start3A_123 = arith.constant 0 : i32
      %dma_start3A_124 = arith.constant 0 : i32
      %dma_start3A_125 = tpu.memref_slice %arg6[%run_scoped3A_9, %dma_start3A_123, %dma_start3A_124] : memref<5x25x80xi32, #tpu.memory_space<vmem>> -> memref<1x25x80xi32, #tpu.memory_space<vmem>>
      %dma_start3A_126 = tpu.memref_squeeze %dma_start3A_125 : memref<1x25x80xi32, #tpu.memory_space<vmem>> -> memref<25x80xi32, #tpu.memory_space<vmem>>
      %dma_start3A_127 = arith.constant 0 : i32
      %dma_start3A_128 = arith.constant 0 : i32
      %dma_start3A_129 = tpu.memref_slice %arg3[%add3A, %run_scoped3A, %dma_start3A_127, %dma_start3A_128] : memref<32x5x25x80xi32, #tpu.memory_space<hbm>> -> memref<1x1x25x80xi32, #tpu.memory_space<hbm>>
      %dma_start3A_130 = tpu.memref_squeeze %dma_start3A_129 : memref<1x1x25x80xi32, #tpu.memory_space<hbm>> -> memref<25x80xi32, #tpu.memory_space<hbm>>
      tpu.enqueue_dma source(%dma_start3A_130 : memref<25x80xi32, #tpu.memory_space<hbm>>) target(%dma_start3A_126 : memref<25x80xi32, #tpu.memory_space<vmem>>) target_semaphore(%run_scoped3A_114 : memref<!tpu.dma_semaphore, #tpu.memory_space<semaphore_mem>>)
      %dma_wait3A_131 = arith.constant 0 : i32
      %dma_wait3A_132 = arith.constant 0 : i32
      %dma_wait3A_133 = tpu.memref_slice %arg6[%run_scoped3A_9, %dma_wait3A_131, %dma_wait3A_132] : memref<5x25x80xi32, #tpu.memory_space<vmem>> -> memref<1x25x80xi32, #tpu.memory_space<vmem>>
      %dma_wait3A_134 = tpu.memref_squeeze %dma_wait3A_133 : memref<1x25x80xi32, #tpu.memory_space<vmem>> -> memref<25x80xi32, #tpu.memory_space<vmem>>
      %dma_wait3A_135 = arith.constant 0 : i32
      %dma_wait3A_136 = arith.constant 0 : i32
      %dma_wait3A_137 = tpu.memref_slice %arg3[%add3A, %run_scoped3A, %dma_wait3A_135, %dma_wait3A_136] : memref<32x5x25x80xi32, #tpu.memory_space<hbm>> -> memref<1x1x25x80xi32, #tpu.memory_space<hbm>>
      %dma_wait3A_138 = tpu.memref_squeeze %dma_wait3A_137 : memref<1x1x25x80xi32, #tpu.memory_space<hbm>> -> memref<25x80xi32, #tpu.memory_space<hbm>>
      %dma_wait3A_139 = arith.constant 0 : i32
      %dma_wait3A_140 = arith.constant 0 : i32
      %dma_wait3A_141 = tpu.memref_slice %arg6[%run_scoped3A_9, %dma_wait3A_139, %dma_wait3A_140] : memref<5x25x80xi32, #tpu.memory_space<vmem>> -> memref<1x25x80xi32, #tpu.memory_space<vmem>>
      %dma_wait3A_142 = tpu.memref_squeeze %dma_wait3A_141 : memref<1x25x80xi32, #tpu.memory_space<vmem>> -> memref<25x80xi32, #tpu.memory_space<vmem>>
      %dma_wait3A_143 = arith.constant 0 : i32
      %dma_wait3A_144 = arith.constant 0 : i32
      %dma_wait3A_145 = tpu.memref_slice %arg3[%add3A, %run_scoped3A, %dma_wait3A_143, %dma_wait3A_144] : memref<32x5x25x80xi32, #tpu.memory_space<hbm>> -> memref<1x1x25x80xi32, #tpu.memory_space<hbm>>
      %dma_wait3A_146 = tpu.memref_squeeze %dma_wait3A_145 : memref<1x1x25x80xi32, #tpu.memory_space<hbm>> -> memref<25x80xi32, #tpu.memory_space<hbm>>
      tpu.wait_dma2 semaphore(%run_scoped3A_114 : memref<!tpu.dma_semaphore, #tpu.memory_space<semaphore_mem>>) src(%dma_wait3A_146 : memref<25x80xi32, #tpu.memory_space<hbm>>) dst(%dma_wait3A_142 : memref<25x80xi32, #tpu.memory_space<vmem>>)
      tpu.yield
    }) : () -> ()
    %run_scoped3A_10 = arith.constant 0 : i32
    %run_scoped3A_11 = arith.constant 0 : i32
    "tpu.region"() ({
      %run_scoped3A_114 = tpu.sem_alloc : memref<!tpu.dma_semaphore, #tpu.memory_space<semaphore_mem>>
      %dma_start3A_115 = arith.constant 0 : i32
      %dma_start3A_116 = arith.constant 0 : i32
      %dma_start3A_117 = tpu.memref_slice %arg7[%run_scoped3A_11, %dma_start3A_115, %dma_start3A_116] : memref<5x25x80xi32, #tpu.memory_space<vmem>> -> memref<1x25x80xi32, #tpu.memory_space<vmem>>
      %dma_start3A_118 = tpu.memref_squeeze %dma_start3A_117 : memref<1x25x80xi32, #tpu.memory_space<vmem>> -> memref<25x80xi32, #tpu.memory_space<vmem>>
      %dma_start3A_119 = arith.constant 0 : i32
      %dma_start3A_120 = arith.constant 0 : i32
      %dma_start3A_121 = tpu.memref_slice %arg4[%add3A, %run_scoped3A_10, %dma_start3A_119, %dma_start3A_120] : memref<32x5x25x80xi32, #tpu.memory_space<hbm>> -> memref<1x1x25x80xi32, #tpu.memory_space<hbm>>
      %dma_start3A_122 = tpu.memref_squeeze %dma_start3A_121 : memref<1x1x25x80xi32, #tpu.memory_space<hbm>> -> memref<25x80xi32, #tpu.memory_space<hbm>>
      %dma_start3A_123 = arith.constant 0 : i32
      %dma_start3A_124 = arith.constant 0 : i32
      %dma_start3A_125 = tpu.memref_slice %arg7[%run_scoped3A_11, %dma_start3A_123, %dma_start3A_124] : memref<5x25x80xi32, #tpu.memory_space<vmem>> -> memref<1x25x80xi32, #tpu.memory_space<vmem>>
      %dma_start3A_126 = tpu.memref_squeeze %dma_start3A_125 : memref<1x25x80xi32, #tpu.memory_space<vmem>> -> memref<25x80xi32, #tpu.memory_space<vmem>>
      %dma_start3A_127 = arith.constant 0 : i32
      %dma_start3A_128 = arith.constant 0 : i32
      %dma_start3A_129 = tpu.memref_slice %arg4[%add3A, %run_scoped3A_10, %dma_start3A_127, %dma_start3A_128] : memref<32x5x25x80xi32, #tpu.memory_space<hbm>> -> memref<1x1x25x80xi32, #tpu.memory_space<hbm>>
      %dma_start3A_130 = tpu.memref_squeeze %dma_start3A_129 : memref<1x1x25x80xi32, #tpu.memory_space<hbm>> -> memref<25x80xi32, #tpu.memory_space<hbm>>
      tpu.enqueue_dma source(%dma_start3A_130 : memref<25x80xi32, #tpu.memory_space<hbm>>) target(%dma_start3A_126 : memref<25x80xi32, #tpu.memory_space<vmem>>) target_semaphore(%run_scoped3A_114 : memref<!tpu.dma_semaphore, #tpu.memory_space<semaphore_mem>>)
      %dma_wait3A_131 = arith.constant 0 : i32
      %dma_wait3A_132 = arith.constant 0 : i32
      %dma_wait3A_133 = tpu.memref_slice %arg7[%run_scoped3A_11, %dma_wait3A_131, %dma_wait3A_132] : memref<5x25x80xi32, #tpu.memory_space<vmem>> -> memref<1x25x80xi32, #tpu.memory_space<vmem>>
      %dma_wait3A_134 = tpu.memref_squeeze %dma_wait3A_133 : memref<1x25x80xi32, #tpu.memory_space<vmem>> -> memref<25x80xi32, #tpu.memory_space<vmem>>
      %dma_wait3A_135 = arith.constant 0 : i32
      %dma_wait3A_136 = arith.constant 0 : i32
      %dma_wait3A_137 = tpu.memref_slice %arg4[%add3A, %run_scoped3A_10, %dma_wait3A_135, %dma_wait3A_136] : memref<32x5x25x80xi32, #tpu.memory_space<hbm>> -> memref<1x1x25x80xi32, #tpu.memory_space<hbm>>
      %dma_wait3A_138 = tpu.memref_squeeze %dma_wait3A_137 : memref<1x1x25x80xi32, #tpu.memory_space<hbm>> -> memref<25x80xi32, #tpu.memory_space<hbm>>
      %dma_wait3A_139 = arith.constant 0 : i32
      %dma_wait3A_140 = arith.constant 0 : i32
      %dma_wait3A_141 = tpu.memref_slice %arg7[%run_scoped3A_11, %dma_wait3A_139, %dma_wait3A_140] : memref<5x25x80xi32, #tpu.memory_space<vmem>> -> memref<1x25x80xi32, #tpu.memory_space<vmem>>
      %dma_wait3A_142 = tpu.memref_squeeze %dma_wait3A_141 : memref<1x25x80xi32, #tpu.memory_space<vmem>> -> memref<25x80xi32, #tpu.memory_space<vmem>>
      %dma_wait3A_143 = arith.constant 0 : i32
      %dma_wait3A_144 = arith.constant 0 : i32
      %dma_wait3A_145 = tpu.memref_slice %arg4[%add3A, %run_scoped3A_10, %dma_wait3A_143, %dma_wait3A_144] : memref<32x5x25x80xi32, #tpu.memory_space<hbm>> -> memref<1x1x25x80xi32, #tpu.memory_space<hbm>>
      %dma_wait3A_146 = tpu.memref_squeeze %dma_wait3A_145 : memref<1x1x25x80xi32, #tpu.memory_space<hbm>> -> memref<25x80xi32, #tpu.memory_space<hbm>>
      tpu.wait_dma2 semaphore(%run_scoped3A_114 : memref<!tpu.dma_semaphore, #tpu.memory_space<semaphore_mem>>) src(%dma_wait3A_146 : memref<25x80xi32, #tpu.memory_space<hbm>>) dst(%dma_wait3A_142 : memref<25x80xi32, #tpu.memory_space<vmem>>)
      tpu.yield
    }) : () -> ()
    %run_scoped3A_12 = arith.constant 1 : i32
    %run_scoped3A_13 = arith.constant 1 : i32
    "tpu.region"() ({
      %run_scoped3A_114 = tpu.sem_alloc : memref<!tpu.dma_semaphore, #tpu.memory_space<semaphore_mem>>
      %dma_start3A_115 = arith.constant 0 : i32
      %dma_start3A_116 = arith.constant 0 : i32
      %dma_start3A_117 = tpu.memref_slice %arg6[%run_scoped3A_13, %dma_start3A_115, %dma_start3A_116] : memref<5x25x80xi32, #tpu.memory_space<vmem>> -> memref<1x25x80xi32, #tpu.memory_space<vmem>>
      %dma_start3A_118 = tpu.memref_squeeze %dma_start3A_117 : memref<1x25x80xi32, #tpu.memory_space<vmem>> -> memref<25x80xi32, #tpu.memory_space<vmem>>
      %dma_start3A_119 = arith.constant 0 : i32
      %dma_start3A_120 = arith.constant 0 : i32
      %dma_start3A_121 = tpu.memref_slice %arg3[%add3A, %run_scoped3A_12, %dma_start3A_119, %dma_start3A_120] : memref<32x5x25x80xi32, #tpu.memory_space<hbm>> -> memref<1x1x25x80xi32, #tpu.memory_space<hbm>>
      %dma_start3A_122 = tpu.memref_squeeze %dma_start3A_121 : memref<1x1x25x80xi32, #tpu.memory_space<hbm>> -> memref<25x80xi32, #tpu.memory_space<hbm>>
      %dma_start3A_123 = arith.constant 0 : i32
      %dma_start3A_124 = arith.constant 0 : i32
      %dma_start3A_125 = tpu.memref_slice %arg6[%run_scoped3A_13, %dma_start3A_123, %dma_start3A_124] : memref<5x25x80xi32, #tpu.memory_space<vmem>> -> memref<1x25x80xi32, #tpu.memory_space<vmem>>
      %dma_start3A_126 = tpu.memref_squeeze %dma_start3A_125 : memref<1x25x80xi32, #tpu.memory_space<vmem>> -> memref<25x80xi32, #tpu.memory_space<vmem>>
      %dma_start3A_127 = arith.constant 0 : i32
      %dma_start3A_128 = arith.constant 0 : i32
      %dma_start3A_129 = tpu.memref_slice %arg3[%add3A, %run_scoped3A_12, %dma_start3A_127, %dma_start3A_128] : memref<32x5x25x80xi32, #tpu.memory_space<hbm>> -> memref<1x1x25x80xi32, #tpu.memory_space<hbm>>
      %dma_start3A_130 = tpu.memref_squeeze %dma_start3A_129 : memref<1x1x25x80xi32, #tpu.memory_space<hbm>> -> memref<25x80xi32, #tpu.memory_space<hbm>>
      tpu.enqueue_dma source(%dma_start3A_130 : memref<25x80xi32, #tpu.memory_space<hbm>>) target(%dma_start3A_126 : memref<25x80xi32, #tpu.memory_space<vmem>>) target_semaphore(%run_scoped3A_114 : memref<!tpu.dma_semaphore, #tpu.memory_space<semaphore_mem>>)
      %dma_wait3A_131 = arith.constant 0 : i32
      %dma_wait3A_132 = arith.constant 0 : i32
      %dma_wait3A_133 = tpu.memref_slice %arg6[%run_scoped3A_13, %dma_wait3A_131, %dma_wait3A_132] : memref<5x25x80xi32, #tpu.memory_space<vmem>> -> memref<1x25x80xi32, #tpu.memory_space<vmem>>
      %dma_wait3A_134 = tpu.memref_squeeze %dma_wait3A_133 : memref<1x25x80xi32, #tpu.memory_space<vmem>> -> memref<25x80xi32, #tpu.memory_space<vmem>>
      %dma_wait3A_135 = arith.constant 0 : i32
      %dma_wait3A_136 = arith.constant 0 : i32
      %dma_wait3A_137 = tpu.memref_slice %arg3[%add3A, %run_scoped3A_12, %dma_wait3A_135, %dma_wait3A_136] : memref<32x5x25x80xi32, #tpu.memory_space<hbm>> -> memref<1x1x25x80xi32, #tpu.memory_space<hbm>>
      %dma_wait3A_138 = tpu.memref_squeeze %dma_wait3A_137 : memref<1x1x25x80xi32, #tpu.memory_space<hbm>> -> memref<25x80xi32, #tpu.memory_space<hbm>>
      %dma_wait3A_139 = arith.constant 0 : i32
      %dma_wait3A_140 = arith.constant 0 : i32
      %dma_wait3A_141 = tpu.memref_slice %arg6[%run_scoped3A_13, %dma_wait3A_139, %dma_wait3A_140] : memref<5x25x80xi32, #tpu.memory_space<vmem>> -> memref<1x25x80xi32, #tpu.memory_space<vmem>>
      %dma_wait3A_142 = tpu.memref_squeeze %dma_wait3A_141 : memref<1x25x80xi32, #tpu.memory_space<vmem>> -> memref<25x80xi32, #tpu.memory_space<vmem>>
      %dma_wait3A_143 = arith.constant 0 : i32
      %dma_wait3A_144 = arith.constant 0 : i32
      %dma_wait3A_145 = tpu.memref_slice %arg3[%add3A, %run_scoped3A_12, %dma_wait3A_143, %dma_wait3A_144] : memref<32x5x25x80xi32, #tpu.memory_space<hbm>> -> memref<1x1x25x80xi32, #tpu.memory_space<hbm>>
      %dma_wait3A_146 = tpu.memref_squeeze %dma_wait3A_145 : memref<1x1x25x80xi32, #tpu.memory_space<hbm>> -> memref<25x80xi32, #tpu.memory_space<hbm>>
      tpu.wait_dma2 semaphore(%run_scoped3A_114 : memref<!tpu.dma_semaphore, #tpu.memory_space<semaphore_mem>>) src(%dma_wait3A_146 : memref<25x80xi32, #tpu.memory_space<hbm>>) dst(%dma_wait3A_142 : memref<25x80xi32, #tpu.memory_space<vmem>>)
      tpu.yield
    }) : () -> ()
    %run_scoped3A_14 = arith.constant 1 : i32
    %run_scoped3A_15 = arith.constant 1 : i32
    "tpu.region"() ({
      %run_scoped3A_114 = tpu.sem_alloc : memref<!tpu.dma_semaphore, #tpu.memory_space<semaphore_mem>>
      %dma_start3A_115 = arith.constant 0 : i32
      %dma_start3A_116 = arith.constant 0 : i32
      %dma_start3A_117 = tpu.memref_slice %arg7[%run_scoped3A_15, %dma_start3A_115, %dma_start3A_116] : memref<5x25x80xi32, #tpu.memory_space<vmem>> -> memref<1x25x80xi32, #tpu.memory_space<vmem>>
      %dma_start3A_118 = tpu.memref_squeeze %dma_start3A_117 : memref<1x25x80xi32, #tpu.memory_space<vmem>> -> memref<25x80xi32, #tpu.memory_space<vmem>>
      %dma_start3A_119 = arith.constant 0 : i32
      %dma_start3A_120 = arith.constant 0 : i32
      %dma_start3A_121 = tpu.memref_slice %arg4[%add3A, %run_scoped3A_14, %dma_start3A_119, %dma_start3A_120] : memref<32x5x25x80xi32, #tpu.memory_space<hbm>> -> memref<1x1x25x80xi32, #tpu.memory_space<hbm>>
      %dma_start3A_122 = tpu.memref_squeeze %dma_start3A_121 : memref<1x1x25x80xi32, #tpu.memory_space<hbm>> -> memref<25x80xi32, #tpu.memory_space<hbm>>
      %dma_start3A_123 = arith.constant 0 : i32
      %dma_start3A_124 = arith.constant 0 : i32
      %dma_start3A_125 = tpu.memref_slice %arg7[%run_scoped3A_15, %dma_start3A_123, %dma_start3A_124] : memref<5x25x80xi32, #tpu.memory_space<vmem>> -> memref<1x25x80xi32, #tpu.memory_space<vmem>>
      %dma_start3A_126 = tpu.memref_squeeze %dma_start3A_125 : memref<1x25x80xi32, #tpu.memory_space<vmem>> -> memref<25x80xi32, #tpu.memory_space<vmem>>
      %dma_start3A_127 = arith.constant 0 : i32
      %dma_start3A_128 = arith.constant 0 : i32
      %dma_start3A_129 = tpu.memref_slice %arg4[%add3A, %run_scoped3A_14, %dma_start3A_127, %dma_start3A_128] : memref<32x5x25x80xi32, #tpu.memory_space<hbm>> -> memref<1x1x25x80xi32, #tpu.memory_space<hbm>>
      %dma_start3A_130 = tpu.memref_squeeze %dma_start3A_129 : memref<1x1x25x80xi32, #tpu.memory_space<hbm>> -> memref<25x80xi32, #tpu.memory_space<hbm>>
      tpu.enqueue_dma source(%dma_start3A_130 : memref<25x80xi32, #tpu.memory_space<hbm>>) target(%dma_start3A_126 : memref<25x80xi32, #tpu.memory_space<vmem>>) target_semaphore(%run_scoped3A_114 : memref<!tpu.dma_semaphore, #tpu.memory_space<semaphore_mem>>)
      %dma_wait3A_131 = arith.constant 0 : i32
      %dma_wait3A_132 = arith.constant 0 : i32
      %dma_wait3A_133 = tpu.memref_slice %arg7[%run_scoped3A_15, %dma_wait3A_131, %dma_wait3A_132] : memref<5x25x80xi32, #tpu.memory_space<vmem>> -> memref<1x25x80xi32, #tpu.memory_space<vmem>>
      %dma_wait3A_134 = tpu.memref_squeeze %dma_wait3A_133 : memref<1x25x80xi32, #tpu.memory_space<vmem>> -> memref<25x80xi32, #tpu.memory_space<vmem>>
      %dma_wait3A_135 = arith.constant 0 : i32
      %dma_wait3A_136 = arith.constant 0 : i32
      %dma_wait3A_137 = tpu.memref_slice %arg4[%add3A, %run_scoped3A_14, %dma_wait3A_135, %dma_wait3A_136] : memref<32x5x25x80xi32, #tpu.memory_space<hbm>> -> memref<1x1x25x80xi32, #tpu.memory_space<hbm>>
      %dma_wait3A_138 = tpu.memref_squeeze %dma_wait3A_137 : memref<1x1x25x80xi32, #tpu.memory_space<hbm>> -> memref<25x80xi32, #tpu.memory_space<hbm>>
      %dma_wait3A_139 = arith.constant 0 : i32
      %dma_wait3A_140 = arith.constant 0 : i32
      %dma_wait3A_141 = tpu.memref_slice %arg7[%run_scoped3A_15, %dma_wait3A_139, %dma_wait3A_140] : memref<5x25x80xi32, #tpu.memory_space<vmem>> -> memref<1x25x80xi32, #tpu.memory_space<vmem>>
      %dma_wait3A_142 = tpu.memref_squeeze %dma_wait3A_141 : memref<1x25x80xi32, #tpu.memory_space<vmem>> -> memref<25x80xi32, #tpu.memory_space<vmem>>
      %dma_wait3A_143 = arith.constant 0 : i32
      %dma_wait3A_144 = arith.constant 0 : i32
      %dma_wait3A_145 = tpu.memref_slice %arg4[%add3A, %run_scoped3A_14, %dma_wait3A_143, %dma_wait3A_144] : memref<32x5x25x80xi32, #tpu.memory_space<hbm>> -> memref<1x1x25x80xi32, #tpu.memory_space<hbm>>
      %dma_wait3A_146 = tpu.memref_squeeze %dma_wait3A_145 : memref<1x1x25x80xi32, #tpu.memory_space<hbm>> -> memref<25x80xi32, #tpu.memory_space<hbm>>
      tpu.wait_dma2 semaphore(%run_scoped3A_114 : memref<!tpu.dma_semaphore, #tpu.memory_space<semaphore_mem>>) src(%dma_wait3A_146 : memref<25x80xi32, #tpu.memory_space<hbm>>) dst(%dma_wait3A_142 : memref<25x80xi32, #tpu.memory_space<vmem>>)
      tpu.yield
    }) : () -> ()
    %run_scoped3A_16 = arith.constant 2 : i32
    %run_scoped3A_17 = arith.constant 2 : i32
    "tpu.region"() ({
      %run_scoped3A_114 = tpu.sem_alloc : memref<!tpu.dma_semaphore, #tpu.memory_space<semaphore_mem>>
      %dma_start3A_115 = arith.constant 0 : i32
      %dma_start3A_116 = arith.constant 0 : i32
      %dma_start3A_117 = tpu.memref_slice %arg6[%run_scoped3A_17, %dma_start3A_115, %dma_start3A_116] : memref<5x25x80xi32, #tpu.memory_space<vmem>> -> memref<1x25x80xi32, #tpu.memory_space<vmem>>
      %dma_start3A_118 = tpu.memref_squeeze %dma_start3A_117 : memref<1x25x80xi32, #tpu.memory_space<vmem>> -> memref<25x80xi32, #tpu.memory_space<vmem>>
      %dma_start3A_119 = arith.constant 0 : i32
      %dma_start3A_120 = arith.constant 0 : i32
      %dma_start3A_121 = tpu.memref_slice %arg3[%add3A, %run_scoped3A_16, %dma_start3A_119, %dma_start3A_120] : memref<32x5x25x80xi32, #tpu.memory_space<hbm>> -> memref<1x1x25x80xi32, #tpu.memory_space<hbm>>
      %dma_start3A_122 = tpu.memref_squeeze %dma_start3A_121 : memref<1x1x25x80xi32, #tpu.memory_space<hbm>> -> memref<25x80xi32, #tpu.memory_space<hbm>>
      %dma_start3A_123 = arith.constant 0 : i32
      %dma_start3A_124 = arith.constant 0 : i32
      %dma_start3A_125 = tpu.memref_slice %arg6[%run_scoped3A_17, %dma_start3A_123, %dma_start3A_124] : memref<5x25x80xi32, #tpu.memory_space<vmem>> -> memref<1x25x80xi32, #tpu.memory_space<vmem>>
      %dma_start3A_126 = tpu.memref_squeeze %dma_start3A_125 : memref<1x25x80xi32, #tpu.memory_space<vmem>> -> memref<25x80xi32, #tpu.memory_space<vmem>>
      %dma_start3A_127 = arith.constant 0 : i32
      %dma_start3A_128 = arith.constant 0 : i32
      %dma_start3A_129 = tpu.memref_slice %arg3[%add3A, %run_scoped3A_16, %dma_start3A_127, %dma_start3A_128] : memref<32x5x25x80xi32, #tpu.memory_space<hbm>> -> memref<1x1x25x80xi32, #tpu.memory_space<hbm>>
      %dma_start3A_130 = tpu.memref_squeeze %dma_start3A_129 : memref<1x1x25x80xi32, #tpu.memory_space<hbm>> -> memref<25x80xi32, #tpu.memory_space<hbm>>
      tpu.enqueue_dma source(%dma_start3A_130 : memref<25x80xi32, #tpu.memory_space<hbm>>) target(%dma_start3A_126 : memref<25x80xi32, #tpu.memory_space<vmem>>) target_semaphore(%run_scoped3A_114 : memref<!tpu.dma_semaphore, #tpu.memory_space<semaphore_mem>>)
      %dma_wait3A_131 = arith.constant 0 : i32
      %dma_wait3A_132 = arith.constant 0 : i32
      %dma_wait3A_133 = tpu.memref_slice %arg6[%run_scoped3A_17, %dma_wait3A_131, %dma_wait3A_132] : memref<5x25x80xi32, #tpu.memory_space<vmem>> -> memref<1x25x80xi32, #tpu.memory_space<vmem>>
      %dma_wait3A_134 = tpu.memref_squeeze %dma_wait3A_133 : memref<1x25x80xi32, #tpu.memory_space<vmem>> -> memref<25x80xi32, #tpu.memory_space<vmem>>
      %dma_wait3A_135 = arith.constant 0 : i32
      %dma_wait3A_136 = arith.constant 0 : i32
      %dma_wait3A_137 = tpu.memref_slice %arg3[%add3A, %run_scoped3A_16, %dma_wait3A_135, %dma_wait3A_136] : memref<32x5x25x80xi32, #tpu.memory_space<hbm>> -> memref<1x1x25x80xi32, #tpu.memory_space<hbm>>
      %dma_wait3A_138 = tpu.memref_squeeze %dma_wait3A_137 : memref<1x1x25x80xi32, #tpu.memory_space<hbm>> -> memref<25x80xi32, #tpu.memory_space<hbm>>
      %dma_wait3A_139 = arith.constant 0 : i32
      %dma_wait3A_140 = arith.constant 0 : i32
      %dma_wait3A_141 = tpu.memref_slice %arg6[%run_scoped3A_17, %dma_wait3A_139, %dma_wait3A_140] : memref<5x25x80xi32, #tpu.memory_space<vmem>> -> memref<1x25x80xi32, #tpu.memory_space<vmem>>
      %dma_wait3A_142 = tpu.memref_squeeze %dma_wait3A_141 : memref<1x25x80xi32, #tpu.memory_space<vmem>> -> memref<25x80xi32, #tpu.memory_space<vmem>>
      %dma_wait3A_143 = arith.constant 0 : i32
      %dma_wait3A_144 = arith.constant 0 : i32
      %dma_wait3A_145 = tpu.memref_slice %arg3[%add3A, %run_scoped3A_16, %dma_wait3A_143, %dma_wait3A_144] : memref<32x5x25x80xi32, #tpu.memory_space<hbm>> -> memref<1x1x25x80xi32, #tpu.memory_space<hbm>>
      %dma_wait3A_146 = tpu.memref_squeeze %dma_wait3A_145 : memref<1x1x25x80xi32, #tpu.memory_space<hbm>> -> memref<25x80xi32, #tpu.memory_space<hbm>>
      tpu.wait_dma2 semaphore(%run_scoped3A_114 : memref<!tpu.dma_semaphore, #tpu.memory_space<semaphore_mem>>) src(%dma_wait3A_146 : memref<25x80xi32, #tpu.memory_space<hbm>>) dst(%dma_wait3A_142 : memref<25x80xi32, #tpu.memory_space<vmem>>)
      tpu.yield
    }) : () -> ()
    %run_scoped3A_18 = arith.constant 2 : i32
    %run_scoped3A_19 = arith.constant 2 : i32
    "tpu.region"() ({
      %run_scoped3A_114 = tpu.sem_alloc : memref<!tpu.dma_semaphore, #tpu.memory_space<semaphore_mem>>
      %dma_start3A_115 = arith.constant 0 : i32
      %dma_start3A_116 = arith.constant 0 : i32
      %dma_start3A_117 = tpu.memref_slice %arg7[%run_scoped3A_19, %dma_start3A_115, %dma_start3A_116] : memref<5x25x80xi32, #tpu.memory_space<vmem>> -> memref<1x25x80xi32, #tpu.memory_space<vmem>>
      %dma_start3A_118 = tpu.memref_squeeze %dma_start3A_117 : memref<1x25x80xi32, #tpu.memory_space<vmem>> -> memref<25x80xi32, #tpu.memory_space<vmem>>
      %dma_start3A_119 = arith.constant 0 : i32
      %dma_start3A_120 = arith.constant 0 : i32
      %dma_start3A_121 = tpu.memref_slice %arg4[%add3A, %run_scoped3A_18, %dma_start3A_119, %dma_start3A_120] : memref<32x5x25x80xi32, #tpu.memory_space<hbm>> -> memref<1x1x25x80xi32, #tpu.memory_space<hbm>>
      %dma_start3A_122 = tpu.memref_squeeze %dma_start3A_121 : memref<1x1x25x80xi32, #tpu.memory_space<hbm>> -> memref<25x80xi32, #tpu.memory_space<hbm>>
      %dma_start3A_123 = arith.constant 0 : i32
      %dma_start3A_124 = arith.constant 0 : i32
      %dma_start3A_125 = tpu.memref_slice %arg7[%run_scoped3A_19, %dma_start3A_123, %dma_start3A_124] : memref<5x25x80xi32, #tpu.memory_space<vmem>> -> memref<1x25x80xi32, #tpu.memory_space<vmem>>
      %dma_start3A_126 = tpu.memref_squeeze %dma_start3A_125 : memref<1x25x80xi32, #tpu.memory_space<vmem>> -> memref<25x80xi32, #tpu.memory_space<vmem>>
      %dma_start3A_127 = arith.constant 0 : i32
      %dma_start3A_128 = arith.constant 0 : i32
      %dma_start3A_129 = tpu.memref_slice %arg4[%add3A, %run_scoped3A_18, %dma_start3A_127, %dma_start3A_128] : memref<32x5x25x80xi32, #tpu.memory_space<hbm>> -> memref<1x1x25x80xi32, #tpu.memory_space<hbm>>
      %dma_start3A_130 = tpu.memref_squeeze %dma_start3A_129 : memref<1x1x25x80xi32, #tpu.memory_space<hbm>> -> memref<25x80xi32, #tpu.memory_space<hbm>>
      tpu.enqueue_dma source(%dma_start3A_130 : memref<25x80xi32, #tpu.memory_space<hbm>>) target(%dma_start3A_126 : memref<25x80xi32, #tpu.memory_space<vmem>>) target_semaphore(%run_scoped3A_114 : memref<!tpu.dma_semaphore, #tpu.memory_space<semaphore_mem>>)
      %dma_wait3A_131 = arith.constant 0 : i32
      %dma_wait3A_132 = arith.constant 0 : i32
      %dma_wait3A_133 = tpu.memref_slice %arg7[%run_scoped3A_19, %dma_wait3A_131, %dma_wait3A_132] : memref<5x25x80xi32, #tpu.memory_space<vmem>> -> memref<1x25x80xi32, #tpu.memory_space<vmem>>
      %dma_wait3A_134 = tpu.memref_squeeze %dma_wait3A_133 : memref<1x25x80xi32, #tpu.memory_space<vmem>> -> memref<25x80xi32, #tpu.memory_space<vmem>>
      %dma_wait3A_135 = arith.constant 0 : i32
      %dma_wait3A_136 = arith.constant 0 : i32
      %dma_wait3A_137 = tpu.memref_slice %arg4[%add3A, %run_scoped3A_18, %dma_wait3A_135, %dma_wait3A_136] : memref<32x5x25x80xi32, #tpu.memory_space<hbm>> -> memref<1x1x25x80xi32, #tpu.memory_space<hbm>>
      %dma_wait3A_138 = tpu.memref_squeeze %dma_wait3A_137 : memref<1x1x25x80xi32, #tpu.memory_space<hbm>> -> memref<25x80xi32, #tpu.memory_space<hbm>>
      %dma_wait3A_139 = arith.constant 0 : i32
      %dma_wait3A_140 = arith.constant 0 : i32
      %dma_wait3A_141 = tpu.memref_slice %arg7[%run_scoped3A_19, %dma_wait3A_139, %dma_wait3A_140] : memref<5x25x80xi32, #tpu.memory_space<vmem>> -> memref<1x25x80xi32, #tpu.memory_space<vmem>>
      %dma_wait3A_142 = tpu.memref_squeeze %dma_wait3A_141 : memref<1x25x80xi32, #tpu.memory_space<vmem>> -> memref<25x80xi32, #tpu.memory_space<vmem>>
      %dma_wait3A_143 = arith.constant 0 : i32
      %dma_wait3A_144 = arith.constant 0 : i32
      %dma_wait3A_145 = tpu.memref_slice %arg4[%add3A, %run_scoped3A_18, %dma_wait3A_143, %dma_wait3A_144] : memref<32x5x25x80xi32, #tpu.memory_space<hbm>> -> memref<1x1x25x80xi32, #tpu.memory_space<hbm>>
      %dma_wait3A_146 = tpu.memref_squeeze %dma_wait3A_145 : memref<1x1x25x80xi32, #tpu.memory_space<hbm>> -> memref<25x80xi32, #tpu.memory_space<hbm>>
      tpu.wait_dma2 semaphore(%run_scoped3A_114 : memref<!tpu.dma_semaphore, #tpu.memory_space<semaphore_mem>>) src(%dma_wait3A_146 : memref<25x80xi32, #tpu.memory_space<hbm>>) dst(%dma_wait3A_142 : memref<25x80xi32, #tpu.memory_space<vmem>>)
      tpu.yield
    }) : () -> ()
    %run_scoped3A_20 = arith.constant 3 : i32
    %run_scoped3A_21 = arith.constant 3 : i32
    "tpu.region"() ({
      %run_scoped3A_114 = tpu.sem_alloc : memref<!tpu.dma_semaphore, #tpu.memory_space<semaphore_mem>>
      %dma_start3A_115 = arith.constant 0 : i32
      %dma_start3A_116 = arith.constant 0 : i32
      %dma_start3A_117 = tpu.memref_slice %arg6[%run_scoped3A_21, %dma_start3A_115, %dma_start3A_116] : memref<5x25x80xi32, #tpu.memory_space<vmem>> -> memref<1x25x80xi32, #tpu.memory_space<vmem>>
      %dma_start3A_118 = tpu.memref_squeeze %dma_start3A_117 : memref<1x25x80xi32, #tpu.memory_space<vmem>> -> memref<25x80xi32, #tpu.memory_space<vmem>>
      %dma_start3A_119 = arith.constant 0 : i32
      %dma_start3A_120 = arith.constant 0 : i32
      %dma_start3A_121 = tpu.memref_slice %arg3[%add3A, %run_scoped3A_20, %dma_start3A_119, %dma_start3A_120] : memref<32x5x25x80xi32, #tpu.memory_space<hbm>> -> memref<1x1x25x80xi32, #tpu.memory_space<hbm>>
      %dma_start3A_122 = tpu.memref_squeeze %dma_start3A_121 : memref<1x1x25x80xi32, #tpu.memory_space<hbm>> -> memref<25x80xi32, #tpu.memory_space<hbm>>
      %dma_start3A_123 = arith.constant 0 : i32
      %dma_start3A_124 = arith.constant 0 : i32
      %dma_start3A_125 = tpu.memref_slice %arg6[%run_scoped3A_21, %dma_start3A_123, %dma_start3A_124] : memref<5x25x80xi32, #tpu.memory_space<vmem>> -> memref<1x25x80xi32, #tpu.memory_space<vmem>>
      %dma_start3A_126 = tpu.memref_squeeze %dma_start3A_125 : memref<1x25x80xi32, #tpu.memory_space<vmem>> -> memref<25x80xi32, #tpu.memory_space<vmem>>
      %dma_start3A_127 = arith.constant 0 : i32
      %dma_start3A_128 = arith.constant 0 : i32
      %dma_start3A_129 = tpu.memref_slice %arg3[%add3A, %run_scoped3A_20, %dma_start3A_127, %dma_start3A_128] : memref<32x5x25x80xi32, #tpu.memory_space<hbm>> -> memref<1x1x25x80xi32, #tpu.memory_space<hbm>>
      %dma_start3A_130 = tpu.memref_squeeze %dma_start3A_129 : memref<1x1x25x80xi32, #tpu.memory_space<hbm>> -> memref<25x80xi32, #tpu.memory_space<hbm>>
      tpu.enqueue_dma source(%dma_start3A_130 : memref<25x80xi32, #tpu.memory_space<hbm>>) target(%dma_start3A_126 : memref<25x80xi32, #tpu.memory_space<vmem>>) target_semaphore(%run_scoped3A_114 : memref<!tpu.dma_semaphore, #tpu.memory_space<semaphore_mem>>)
      %dma_wait3A_131 = arith.constant 0 : i32
      %dma_wait3A_132 = arith.constant 0 : i32
      %dma_wait3A_133 = tpu.memref_slice %arg6[%run_scoped3A_21, %dma_wait3A_131, %dma_wait3A_132] : memref<5x25x80xi32, #tpu.memory_space<vmem>> -> memref<1x25x80xi32, #tpu.memory_space<vmem>>
      %dma_wait3A_134 = tpu.memref_squeeze %dma_wait3A_133 : memref<1x25x80xi32, #tpu.memory_space<vmem>> -> memref<25x80xi32, #tpu.memory_space<vmem>>
      %dma_wait3A_135 = arith.constant 0 : i32
      %dma_wait3A_136 = arith.constant 0 : i32
      %dma_wait3A_137 = tpu.memref_slice %arg3[%add3A, %run_scoped3A_20, %dma_wait3A_135, %dma_wait3A_136] : memref<32x5x25x80xi32, #tpu.memory_space<hbm>> -> memref<1x1x25x80xi32, #tpu.memory_space<hbm>>
      %dma_wait3A_138 = tpu.memref_squeeze %dma_wait3A_137 : memref<1x1x25x80xi32, #tpu.memory_space<hbm>> -> memref<25x80xi32, #tpu.memory_space<hbm>>
      %dma_wait3A_139 = arith.constant 0 : i32
      %dma_wait3A_140 = arith.constant 0 : i32
      %dma_wait3A_141 = tpu.memref_slice %arg6[%run_scoped3A_21, %dma_wait3A_139, %dma_wait3A_140] : memref<5x25x80xi32, #tpu.memory_space<vmem>> -> memref<1x25x80xi32, #tpu.memory_space<vmem>>
      %dma_wait3A_142 = tpu.memref_squeeze %dma_wait3A_141 : memref<1x25x80xi32, #tpu.memory_space<vmem>> -> memref<25x80xi32, #tpu.memory_space<vmem>>
      %dma_wait3A_143 = arith.constant 0 : i32
      %dma_wait3A_144 = arith.constant 0 : i32
      %dma_wait3A_145 = tpu.memref_slice %arg3[%add3A, %run_scoped3A_20, %dma_wait3A_143, %dma_wait3A_144] : memref<32x5x25x80xi32, #tpu.memory_space<hbm>> -> memref<1x1x25x80xi32, #tpu.memory_space<hbm>>
      %dma_wait3A_146 = tpu.memref_squeeze %dma_wait3A_145 : memref<1x1x25x80xi32, #tpu.memory_space<hbm>> -> memref<25x80xi32, #tpu.memory_space<hbm>>
      tpu.wait_dma2 semaphore(%run_scoped3A_114 : memref<!tpu.dma_semaphore, #tpu.memory_space<semaphore_mem>>) src(%dma_wait3A_146 : memref<25x80xi32, #tpu.memory_space<hbm>>) dst(%dma_wait3A_142 : memref<25x80xi32, #tpu.memory_space<vmem>>)
      tpu.yield
    }) : () -> ()
    %run_scoped3A_22 = arith.constant 3 : i32
    %run_scoped3A_23 = arith.constant 3 : i32
    "tpu.region"() ({
      %run_scoped3A_114 = tpu.sem_alloc : memref<!tpu.dma_semaphore, #tpu.memory_space<semaphore_mem>>
      %dma_start3A_115 = arith.constant 0 : i32
      %dma_start3A_116 = arith.constant 0 : i32
      %dma_start3A_117 = tpu.memref_slice %arg7[%run_scoped3A_23, %dma_start3A_115, %dma_start3A_116] : memref<5x25x80xi32, #tpu.memory_space<vmem>> -> memref<1x25x80xi32, #tpu.memory_space<vmem>>
      %dma_start3A_118 = tpu.memref_squeeze %dma_start3A_117 : memref<1x25x80xi32, #tpu.memory_space<vmem>> -> memref<25x80xi32, #tpu.memory_space<vmem>>
      %dma_start3A_119 = arith.constant 0 : i32
      %dma_start3A_120 = arith.constant 0 : i32
      %dma_start3A_121 = tpu.memref_slice %arg4[%add3A, %run_scoped3A_22, %dma_start3A_119, %dma_start3A_120] : memref<32x5x25x80xi32, #tpu.memory_space<hbm>> -> memref<1x1x25x80xi32, #tpu.memory_space<hbm>>
      %dma_start3A_122 = tpu.memref_squeeze %dma_start3A_121 : memref<1x1x25x80xi32, #tpu.memory_space<hbm>> -> memref<25x80xi32, #tpu.memory_space<hbm>>
      %dma_start3A_123 = arith.constant 0 : i32
      %dma_start3A_124 = arith.constant 0 : i32
      %dma_start3A_125 = tpu.memref_slice %arg7[%run_scoped3A_23, %dma_start3A_123, %dma_start3A_124] : memref<5x25x80xi32, #tpu.memory_space<vmem>> -> memref<1x25x80xi32, #tpu.memory_space<vmem>>
      %dma_start3A_126 = tpu.memref_squeeze %dma_start3A_125 : memref<1x25x80xi32, #tpu.memory_space<vmem>> -> memref<25x80xi32, #tpu.memory_space<vmem>>
      %dma_start3A_127 = arith.constant 0 : i32
      %dma_start3A_128 = arith.constant 0 : i32
      %dma_start3A_129 = tpu.memref_slice %arg4[%add3A, %run_scoped3A_22, %dma_start3A_127, %dma_start3A_128] : memref<32x5x25x80xi32, #tpu.memory_space<hbm>> -> memref<1x1x25x80xi32, #tpu.memory_space<hbm>>
      %dma_start3A_130 = tpu.memref_squeeze %dma_start3A_129 : memref<1x1x25x80xi32, #tpu.memory_space<hbm>> -> memref<25x80xi32, #tpu.memory_space<hbm>>
      tpu.enqueue_dma source(%dma_start3A_130 : memref<25x80xi32, #tpu.memory_space<hbm>>) target(%dma_start3A_126 : memref<25x80xi32, #tpu.memory_space<vmem>>) target_semaphore(%run_scoped3A_114 : memref<!tpu.dma_semaphore, #tpu.memory_space<semaphore_mem>>)
      %dma_wait3A_131 = arith.constant 0 : i32
      %dma_wait3A_132 = arith.constant 0 : i32
      %dma_wait3A_133 = tpu.memref_slice %arg7[%run_scoped3A_23, %dma_wait3A_131, %dma_wait3A_132] : memref<5x25x80xi32, #tpu.memory_space<vmem>> -> memref<1x25x80xi32, #tpu.memory_space<vmem>>
      %dma_wait3A_134 = tpu.memref_squeeze %dma_wait3A_133 : memref<1x25x80xi32, #tpu.memory_space<vmem>> -> memref<25x80xi32, #tpu.memory_space<vmem>>
      %dma_wait3A_135 = arith.constant 0 : i32
      %dma_wait3A_136 = arith.constant 0 : i32
      %dma_wait3A_137 = tpu.memref_slice %arg4[%add3A, %run_scoped3A_22, %dma_wait3A_135, %dma_wait3A_136] : memref<32x5x25x80xi32, #tpu.memory_space<hbm>> -> memref<1x1x25x80xi32, #tpu.memory_space<hbm>>
      %dma_wait3A_138 = tpu.memref_squeeze %dma_wait3A_137 : memref<1x1x25x80xi32, #tpu.memory_space<hbm>> -> memref<25x80xi32, #tpu.memory_space<hbm>>
      %dma_wait3A_139 = arith.constant 0 : i32
      %dma_wait3A_140 = arith.constant 0 : i32
      %dma_wait3A_141 = tpu.memref_slice %arg7[%run_scoped3A_23, %dma_wait3A_139, %dma_wait3A_140] : memref<5x25x80xi32, #tpu.memory_space<vmem>> -> memref<1x25x80xi32, #tpu.memory_space<vmem>>
      %dma_wait3A_142 = tpu.memref_squeeze %dma_wait3A_141 : memref<1x25x80xi32, #tpu.memory_space<vmem>> -> memref<25x80xi32, #tpu.memory_space<vmem>>
      %dma_wait3A_143 = arith.constant 0 : i32
      %dma_wait3A_144 = arith.constant 0 : i32
      %dma_wait3A_145 = tpu.memref_slice %arg4[%add3A, %run_scoped3A_22, %dma_wait3A_143, %dma_wait3A_144] : memref<32x5x25x80xi32, #tpu.memory_space<hbm>> -> memref<1x1x25x80xi32, #tpu.memory_space<hbm>>
      %dma_wait3A_146 = tpu.memref_squeeze %dma_wait3A_145 : memref<1x1x25x80xi32, #tpu.memory_space<hbm>> -> memref<25x80xi32, #tpu.memory_space<hbm>>
      tpu.wait_dma2 semaphore(%run_scoped3A_114 : memref<!tpu.dma_semaphore, #tpu.memory_space<semaphore_mem>>) src(%dma_wait3A_146 : memref<25x80xi32, #tpu.memory_space<hbm>>) dst(%dma_wait3A_142 : memref<25x80xi32, #tpu.memory_space<vmem>>)
      tpu.yield
    }) : () -> ()
    %run_scoped3A_24 = arith.constant 4 : i32
    %run_scoped3A_25 = arith.constant 4 : i32
    "tpu.region"() ({
      %run_scoped3A_114 = tpu.sem_alloc : memref<!tpu.dma_semaphore, #tpu.memory_space<semaphore_mem>>
      %dma_start3A_115 = arith.constant 0 : i32
      %dma_start3A_116 = arith.constant 0 : i32
      %dma_start3A_117 = tpu.memref_slice %arg6[%run_scoped3A_25, %dma_start3A_115, %dma_start3A_116] : memref<5x25x80xi32, #tpu.memory_space<vmem>> -> memref<1x25x80xi32, #tpu.memory_space<vmem>>
      %dma_start3A_118 = tpu.memref_squeeze %dma_start3A_117 : memref<1x25x80xi32, #tpu.memory_space<vmem>> -> memref<25x80xi32, #tpu.memory_space<vmem>>
      %dma_start3A_119 = arith.constant 0 : i32
      %dma_start3A_120 = arith.constant 0 : i32
      %dma_start3A_121 = tpu.memref_slice %arg3[%add3A, %run_scoped3A_24, %dma_start3A_119, %dma_start3A_120] : memref<32x5x25x80xi32, #tpu.memory_space<hbm>> -> memref<1x1x25x80xi32, #tpu.memory_space<hbm>>
      %dma_start3A_122 = tpu.memref_squeeze %dma_start3A_121 : memref<1x1x25x80xi32, #tpu.memory_space<hbm>> -> memref<25x80xi32, #tpu.memory_space<hbm>>
      %dma_start3A_123 = arith.constant 0 : i32
      %dma_start3A_124 = arith.constant 0 : i32
      %dma_start3A_125 = tpu.memref_slice %arg6[%run_scoped3A_25, %dma_start3A_123, %dma_start3A_124] : memref<5x25x80xi32, #tpu.memory_space<vmem>> -> memref<1x25x80xi32, #tpu.memory_space<vmem>>
      %dma_start3A_126 = tpu.memref_squeeze %dma_start3A_125 : memref<1x25x80xi32, #tpu.memory_space<vmem>> -> memref<25x80xi32, #tpu.memory_space<vmem>>
      %dma_start3A_127 = arith.constant 0 : i32
      %dma_start3A_128 = arith.constant 0 : i32
      %dma_start3A_129 = tpu.memref_slice %arg3[%add3A, %run_scoped3A_24, %dma_start3A_127, %dma_start3A_128] : memref<32x5x25x80xi32, #tpu.memory_space<hbm>> -> memref<1x1x25x80xi32, #tpu.memory_space<hbm>>
      %dma_start3A_130 = tpu.memref_squeeze %dma_start3A_129 : memref<1x1x25x80xi32, #tpu.memory_space<hbm>> -> memref<25x80xi32, #tpu.memory_space<hbm>>
      tpu.enqueue_dma source(%dma_start3A_130 : memref<25x80xi32, #tpu.memory_space<hbm>>) target(%dma_start3A_126 : memref<25x80xi32, #tpu.memory_space<vmem>>) target_semaphore(%run_scoped3A_114 : memref<!tpu.dma_semaphore, #tpu.memory_space<semaphore_mem>>)
      %dma_wait3A_131 = arith.constant 0 : i32
      %dma_wait3A_132 = arith.constant 0 : i32
      %dma_wait3A_133 = tpu.memref_slice %arg6[%run_scoped3A_25, %dma_wait3A_131, %dma_wait3A_132] : memref<5x25x80xi32, #tpu.memory_space<vmem>> -> memref<1x25x80xi32, #tpu.memory_space<vmem>>
      %dma_wait3A_134 = tpu.memref_squeeze %dma_wait3A_133 : memref<1x25x80xi32, #tpu.memory_space<vmem>> -> memref<25x80xi32, #tpu.memory_space<vmem>>
      %dma_wait3A_135 = arith.constant 0 : i32
      %dma_wait3A_136 = arith.constant 0 : i32
      %dma_wait3A_137 = tpu.memref_slice %arg3[%add3A, %run_scoped3A_24, %dma_wait3A_135, %dma_wait3A_136] : memref<32x5x25x80xi32, #tpu.memory_space<hbm>> -> memref<1x1x25x80xi32, #tpu.memory_space<hbm>>
      %dma_wait3A_138 = tpu.memref_squeeze %dma_wait3A_137 : memref<1x1x25x80xi32, #tpu.memory_space<hbm>> -> memref<25x80xi32, #tpu.memory_space<hbm>>
      %dma_wait3A_139 = arith.constant 0 : i32
      %dma_wait3A_140 = arith.constant 0 : i32
      %dma_wait3A_141 = tpu.memref_slice %arg6[%run_scoped3A_25, %dma_wait3A_139, %dma_wait3A_140] : memref<5x25x80xi32, #tpu.memory_space<vmem>> -> memref<1x25x80xi32, #tpu.memory_space<vmem>>
      %dma_wait3A_142 = tpu.memref_squeeze %dma_wait3A_141 : memref<1x25x80xi32, #tpu.memory_space<vmem>> -> memref<25x80xi32, #tpu.memory_space<vmem>>
      %dma_wait3A_143 = arith.constant 0 : i32
      %dma_wait3A_144 = arith.constant 0 : i32
      %dma_wait3A_145 = tpu.memref_slice %arg3[%add3A, %run_scoped3A_24, %dma_wait3A_143, %dma_wait3A_144] : memref<32x5x25x80xi32, #tpu.memory_space<hbm>> -> memref<1x1x25x80xi32, #tpu.memory_space<hbm>>
      %dma_wait3A_146 = tpu.memref_squeeze %dma_wait3A_145 : memref<1x1x25x80xi32, #tpu.memory_space<hbm>> -> memref<25x80xi32, #tpu.memory_space<hbm>>
      tpu.wait_dma2 semaphore(%run_scoped3A_114 : memref<!tpu.dma_semaphore, #tpu.memory_space<semaphore_mem>>) src(%dma_wait3A_146 : memref<25x80xi32, #tpu.memory_space<hbm>>) dst(%dma_wait3A_142 : memref<25x80xi32, #tpu.memory_space<vmem>>)
      tpu.yield
    }) : () -> ()
    %run_scoped3A_26 = arith.constant 4 : i32
    %run_scoped3A_27 = arith.constant 4 : i32
    "tpu.region"() ({
      %run_scoped3A_114 = tpu.sem_alloc : memref<!tpu.dma_semaphore, #tpu.memory_space<semaphore_mem>>
      %dma_start3A_115 = arith.constant 0 : i32
      %dma_start3A_116 = arith.constant 0 : i32
      %dma_start3A_117 = tpu.memref_slice %arg7[%run_scoped3A_27, %dma_start3A_115, %dma_start3A_116] : memref<5x25x80xi32, #tpu.memory_space<vmem>> -> memref<1x25x80xi32, #tpu.memory_space<vmem>>
      %dma_start3A_118 = tpu.memref_squeeze %dma_start3A_117 : memref<1x25x80xi32, #tpu.memory_space<vmem>> -> memref<25x80xi32, #tpu.memory_space<vmem>>
      %dma_start3A_119 = arith.constant 0 : i32
      %dma_start3A_120 = arith.constant 0 : i32
      %dma_start3A_121 = tpu.memref_slice %arg4[%add3A, %run_scoped3A_26, %dma_start3A_119, %dma_start3A_120] : memref<32x5x25x80xi32, #tpu.memory_space<hbm>> -> memref<1x1x25x80xi32, #tpu.memory_space<hbm>>
      %dma_start3A_122 = tpu.memref_squeeze %dma_start3A_121 : memref<1x1x25x80xi32, #tpu.memory_space<hbm>> -> memref<25x80xi32, #tpu.memory_space<hbm>>
      %dma_start3A_123 = arith.constant 0 : i32
      %dma_start3A_124 = arith.constant 0 : i32
      %dma_start3A_125 = tpu.memref_slice %arg7[%run_scoped3A_27, %dma_start3A_123, %dma_start3A_124] : memref<5x25x80xi32, #tpu.memory_space<vmem>> -> memref<1x25x80xi32, #tpu.memory_space<vmem>>
      %dma_start3A_126 = tpu.memref_squeeze %dma_start3A_125 : memref<1x25x80xi32, #tpu.memory_space<vmem>> -> memref<25x80xi32, #tpu.memory_space<vmem>>
      %dma_start3A_127 = arith.constant 0 : i32
      %dma_start3A_128 = arith.constant 0 : i32
      %dma_start3A_129 = tpu.memref_slice %arg4[%add3A, %run_scoped3A_26, %dma_start3A_127, %dma_start3A_128] : memref<32x5x25x80xi32, #tpu.memory_space<hbm>> -> memref<1x1x25x80xi32, #tpu.memory_space<hbm>>
      %dma_start3A_130 = tpu.memref_squeeze %dma_start3A_129 : memref<1x1x25x80xi32, #tpu.memory_space<hbm>> -> memref<25x80xi32, #tpu.memory_space<hbm>>
      tpu.enqueue_dma source(%dma_start3A_130 : memref<25x80xi32, #tpu.memory_space<hbm>>) target(%dma_start3A_126 : memref<25x80xi32, #tpu.memory_space<vmem>>) target_semaphore(%run_scoped3A_114 : memref<!tpu.dma_semaphore, #tpu.memory_space<semaphore_mem>>)
      %dma_wait3A_131 = arith.constant 0 : i32
      %dma_wait3A_132 = arith.constant 0 : i32
      %dma_wait3A_133 = tpu.memref_slice %arg7[%run_scoped3A_27, %dma_wait3A_131, %dma_wait3A_132] : memref<5x25x80xi32, #tpu.memory_space<vmem>> -> memref<1x25x80xi32, #tpu.memory_space<vmem>>
      %dma_wait3A_134 = tpu.memref_squeeze %dma_wait3A_133 : memref<1x25x80xi32, #tpu.memory_space<vmem>> -> memref<25x80xi32, #tpu.memory_space<vmem>>
      %dma_wait3A_135 = arith.constant 0 : i32
      %dma_wait3A_136 = arith.constant 0 : i32
      %dma_wait3A_137 = tpu.memref_slice %arg4[%add3A, %run_scoped3A_26, %dma_wait3A_135, %dma_wait3A_136] : memref<32x5x25x80xi32, #tpu.memory_space<hbm>> -> memref<1x1x25x80xi32, #tpu.memory_space<hbm>>
      %dma_wait3A_138 = tpu.memref_squeeze %dma_wait3A_137 : memref<1x1x25x80xi32, #tpu.memory_space<hbm>> -> memref<25x80xi32, #tpu.memory_space<hbm>>
      %dma_wait3A_139 = arith.constant 0 : i32
      %dma_wait3A_140 = arith.constant 0 : i32
      %dma_wait3A_141 = tpu.memref_slice %arg7[%run_scoped3A_27, %dma_wait3A_139, %dma_wait3A_140] : memref<5x25x80xi32, #tpu.memory_space<vmem>> -> memref<1x25x80xi32, #tpu.memory_space<vmem>>
      %dma_wait3A_142 = tpu.memref_squeeze %dma_wait3A_141 : memref<1x25x80xi32, #tpu.memory_space<vmem>> -> memref<25x80xi32, #tpu.memory_space<vmem>>
      %dma_wait3A_143 = arith.constant 0 : i32
      %dma_wait3A_144 = arith.constant 0 : i32
      %dma_wait3A_145 = tpu.memref_slice %arg4[%add3A, %run_scoped3A_26, %dma_wait3A_143, %dma_wait3A_144] : memref<32x5x25x80xi32, #tpu.memory_space<hbm>> -> memref<1x1x25x80xi32, #tpu.memory_space<hbm>>
      %dma_wait3A_146 = tpu.memref_squeeze %dma_wait3A_145 : memref<1x1x25x80xi32, #tpu.memory_space<hbm>> -> memref<25x80xi32, #tpu.memory_space<hbm>>
      tpu.wait_dma2 semaphore(%run_scoped3A_114 : memref<!tpu.dma_semaphore, #tpu.memory_space<semaphore_mem>>) src(%dma_wait3A_146 : memref<25x80xi32, #tpu.memory_space<hbm>>) dst(%dma_wait3A_142 : memref<25x80xi32, #tpu.memory_space<vmem>>)
      tpu.yield
    }) : () -> ()
    %barrier3A = arith.constant 0 : index
    tpu.barrier barrier_id(%barrier3A)
    %scan3A = arith.constant 0 : i32
    %scan3A_28 = arith.constant 0 : i32
    %scan3A_29 = arith.constant 125 : i32
    %scan3A_30 = arith.addi %scan3A_28, %scan3A_29 : i32
    %scan3A_31 = arith.constant 1 : i32
    scf.for %scan3A_114 = %scan3A_28 to %scan3A_30 step %scan3A_31  : i32 {
      %jit3A = arith.constant 4 : i32
      %eq3A = arith.constant 0 : i32
      %eq3A_115 = arith.cmpi eq, %jit3A, %eq3A : i32
      %jit3A_116 = arith.constant 1 : i32
      %select_n3A = arith.select %eq3A_115, %jit3A_116, %jit3A : i32
      %rem3A = arith.remsi %scan3A_114, %select_n3A : i32
      %ne3A = arith.constant 0 : i32
      %ne3A_117 = arith.cmpi ne, %rem3A, %ne3A : i32
      %lt3A = arith.constant 0 : i32
      %lt3A_118 = arith.cmpi slt, %rem3A, %lt3A : i32
      %lt3A_119 = arith.constant 0 : i32
      %lt3A_120 = arith.cmpi slt, %select_n3A, %lt3A_119 : i32
      %ne3A_121 = arith.xori %lt3A_118, %lt3A_120 : i1
      %and3A = arith.andi %ne3A_121, %ne3A_117 : i1
      %add3A_122 = arith.addi %rem3A, %select_n3A : i32
      %select_n3A_123 = arith.select %and3A, %add3A_122, %rem3A : i32
      %eq3A_124 = arith.constant 0 : i32
      %eq3A_125 = arith.cmpi eq, %select_n3A_123, %eq3A_124 : i32
      %convert_element_type3A = arith.extui %eq3A_125 : i1 to i32
      %cond3A = arith.constant 0 : i32
      %cond3A_126 = arith.cmpi ne, %convert_element_type3A, %cond3A : i32
      scf.if %cond3A_126 {
        %ge3A = arith.constant 4 : i32
        %ge3A_190 = arith.cmpi sge, %scan3A_114, %ge3A : i32
        %convert_element_type3A_191 = arith.extui %ge3A_190 : i1 to i32
        %cond3A_192 = arith.constant 0 : i32
        %cond3A_193 = arith.cmpi ne, %convert_element_type3A_191, %cond3A_192 : i32
        scf.if %cond3A_193 {
          %dma_wait3A_247 = arith.constant 0 : i32
          %dma_wait3A_248 = arith.constant 0 : i32
          %dma_wait3A_249 = arith.constant 0 : i32
          %dma_wait3A_250 = arith.constant 0 : i32
          %dma_wait3A_251 = arith.constant 0 : i32
          %dma_wait3A_252 = tpu.memref_slice %arg8[%dma_wait3A_247, %dma_wait3A_250, %dma_wait3A_251] : memref<4x80x64xf32, #tpu.memory_space<vmem>> -> memref<1x80x64xf32, #tpu.memory_space<vmem>>
          %dma_wait3A_253 = tpu.memref_squeeze %dma_wait3A_252 : memref<1x80x64xf32, #tpu.memory_space<vmem>> -> memref<80x64xf32, #tpu.memory_space<vmem>>
          %dma_wait3A_254 = arith.constant 0 : i32
          %dma_wait3A_255 = tpu.memref_slice %arg7[%dma_wait3A_248, %dma_wait3A_249, %dma_wait3A_254] : memref<5x25x80xi32, #tpu.memory_space<vmem>> -> memref<1x1x80xi32, #tpu.memory_space<vmem>>
          %dma_wait3A_256 = tpu.memref_squeeze %dma_wait3A_255 : memref<1x1x80xi32, #tpu.memory_space<vmem>> -> memref<80xi32, #tpu.memory_space<vmem>>
          %dma_wait3A_257 = arith.constant 0 : i32
          %dma_wait3A_258 = arith.constant 0 : i32
          %dma_wait3A_259 = tpu.memref_slice %arg9[%dma_wait3A_257, %dma_wait3A_258] : memref<10000x64xf32, #tpu.memory_space<vmem_shared>> -> memref<10000x64xf32, #tpu.memory_space<vmem_shared>>
          tpu.wait_indirect_dma semaphore(%arg15 : memref<!tpu.dma_semaphore, #tpu.memory_space<semaphore_mem>>) src(%dma_wait3A_253 : memref<80x64xf32, #tpu.memory_space<vmem>>) dst(%dma_wait3A_259 : memref<10000x64xf32, #tpu.memory_space<vmem_shared>>)
        } else {
        }
        %jit3A_194 = arith.constant 25 : i32
        %div3A = arith.divsi %scan3A_114, %jit3A_194 : i32
        %sign3A = arith.constant 0 : i32
        %sign3A_195 = arith.cmpi sgt, %scan3A_114, %sign3A : i32
        %sign3A_196 = arith.extui %sign3A_195 : i1 to i32
        %sign3A_197 = arith.constant 0 : i32
        %sign3A_198 = arith.cmpi slt, %scan3A_114, %sign3A_197 : i32
        %sign3A_199 = arith.extui %sign3A_198 : i1 to i32
        %sign3A_200 = arith.subi %sign3A_196, %sign3A_199 : i32
        %sign3A_201 = arith.constant 0 : i32
        %sign3A_202 = arith.cmpi sgt, %jit3A_194, %sign3A_201 : i32
        %sign3A_203 = arith.extui %sign3A_202 : i1 to i32
        %sign3A_204 = arith.constant 0 : i32
        %sign3A_205 = arith.cmpi slt, %jit3A_194, %sign3A_204 : i32
        %sign3A_206 = arith.extui %sign3A_205 : i1 to i32
        %sign3A_207 = arith.subi %sign3A_203, %sign3A_206 : i32
        %ne3A_208 = arith.cmpi ne, %sign3A_200, %sign3A_207 : i32
        %rem3A_209 = arith.remsi %scan3A_114, %jit3A_194 : i32
        %ne3A_210 = arith.constant 0 : i32
        %ne3A_211 = arith.cmpi ne, %rem3A_209, %ne3A_210 : i32
        %and3A_212 = arith.andi %ne3A_208, %ne3A_211 : i1
        %sub3A = arith.constant 1 : i32
        %sub3A_213 = arith.subi %div3A, %sub3A : i32
        %select_n3A_214 = arith.select %and3A_212, %sub3A_213, %div3A : i32
        %jit3A_215 = arith.constant 25 : i32
        %eq3A_216 = arith.constant 0 : i32
        %eq3A_217 = arith.cmpi eq, %jit3A_215, %eq3A_216 : i32
        %jit3A_218 = arith.constant 1 : i32
        %select_n3A_219 = arith.select %eq3A_217, %jit3A_218, %jit3A_215 : i32
        %rem3A_220 = arith.remsi %scan3A_114, %select_n3A_219 : i32
        %ne3A_221 = arith.constant 0 : i32
        %ne3A_222 = arith.cmpi ne, %rem3A_220, %ne3A_221 : i32
        %lt3A_223 = arith.constant 0 : i32
        %lt3A_224 = arith.cmpi slt, %rem3A_220, %lt3A_223 : i32
        %lt3A_225 = arith.constant 0 : i32
        %lt3A_226 = arith.cmpi slt, %select_n3A_219, %lt3A_225 : i32
        %ne3A_227 = arith.xori %lt3A_224, %lt3A_226 : i1
        %and3A_228 = arith.andi %ne3A_227, %ne3A_222 : i1
        %add3A_229 = arith.addi %rem3A_220, %select_n3A_219 : i32
        %select_n3A_230 = arith.select %and3A_228, %add3A_229, %rem3A_220 : i32
        %dma_start3A_231 = arith.constant 0 : i32
        %dma_start3A_232 = arith.constant 0 : i32
        %dma_start3A_233 = arith.constant 0 : i32
        %dma_start3A_234 = tpu.memref_slice %arg8[%dma_start3A_231, %dma_start3A_232, %dma_start3A_233] : memref<4x80x64xf32, #tpu.memory_space<vmem>> -> memref<1x80x64xf32, #tpu.memory_space<vmem>>
        %dma_start3A_235 = tpu.memref_squeeze %dma_start3A_234 : memref<1x80x64xf32, #tpu.memory_space<vmem>> -> memref<80x64xf32, #tpu.memory_space<vmem>>
        %dma_start3A_236 = arith.constant 0 : i32
        %dma_start3A_237 = tpu.memref_slice %arg6[%select_n3A_214, %select_n3A_230, %dma_start3A_236] : memref<5x25x80xi32, #tpu.memory_space<vmem>> -> memref<1x1x80xi32, #tpu.memory_space<vmem>>
        %dma_start3A_238 = tpu.memref_squeeze %dma_start3A_237 : memref<1x1x80xi32, #tpu.memory_space<vmem>> -> memref<80xi32, #tpu.memory_space<vmem>>
        %dma_start3A_239 = arith.constant 0 : i32
        %dma_start3A_240 = arith.constant 0 : i32
        %dma_start3A_241 = tpu.memref_slice %arg10[%dma_start3A_239, %dma_start3A_240] : memref<10000x64xf32, #tpu.memory_space<vmem_shared>> -> memref<10000x64xf32, #tpu.memory_space<vmem_shared>>
        tpu.enqueue_indirect_dma source(%dma_start3A_241 : memref<10000x64xf32, #tpu.memory_space<vmem_shared>>) target(%dma_start3A_235 : memref<80x64xf32, #tpu.memory_space<vmem>>) offsets(%dma_start3A_238 : memref<80xi32, #tpu.memory_space<vmem>>) semaphore(%arg11 : memref<!tpu.dma_semaphore, #tpu.memory_space<semaphore_mem>>)
        %ge3A_242 = arith.constant 1 : i32
        %ge3A_243 = arith.cmpi sge, %scan3A_114, %ge3A_242 : i32
        %convert_element_type3A_244 = arith.extui %ge3A_243 : i1 to i32
        %cond3A_245 = arith.constant 0 : i32
        %cond3A_246 = arith.cmpi ne, %convert_element_type3A_244, %cond3A_245 : i32
        scf.if %cond3A_246 {
          %dma_wait3A_247 = arith.constant 0 : i32
          %dma_wait3A_248 = arith.constant 0 : i32
          %dma_wait3A_249 = arith.constant 3 : i32
          %dma_wait3A_250 = arith.constant 0 : i32
          %dma_wait3A_251 = arith.constant 0 : i32
          %dma_wait3A_252 = tpu.memref_slice %arg8[%dma_wait3A_249, %dma_wait3A_250, %dma_wait3A_251] : memref<4x80x64xf32, #tpu.memory_space<vmem>> -> memref<1x80x64xf32, #tpu.memory_space<vmem>>
          %dma_wait3A_253 = tpu.memref_squeeze %dma_wait3A_252 : memref<1x80x64xf32, #tpu.memory_space<vmem>> -> memref<80x64xf32, #tpu.memory_space<vmem>>
          %dma_wait3A_254 = arith.constant 0 : i32
          %dma_wait3A_255 = tpu.memref_slice %arg6[%dma_wait3A_247, %dma_wait3A_248, %dma_wait3A_254] : memref<5x25x80xi32, #tpu.memory_space<vmem>> -> memref<1x1x80xi32, #tpu.memory_space<vmem>>
          %dma_wait3A_256 = tpu.memref_squeeze %dma_wait3A_255 : memref<1x1x80xi32, #tpu.memory_space<vmem>> -> memref<80xi32, #tpu.memory_space<vmem>>
          %dma_wait3A_257 = arith.constant 0 : i32
          %dma_wait3A_258 = arith.constant 0 : i32
          %dma_wait3A_259 = tpu.memref_slice %arg10[%dma_wait3A_257, %dma_wait3A_258] : memref<10000x64xf32, #tpu.memory_space<vmem_shared>> -> memref<10000x64xf32, #tpu.memory_space<vmem_shared>>
          tpu.wait_indirect_dma semaphore(%arg14 : memref<!tpu.dma_semaphore, #tpu.memory_space<semaphore_mem>>) src(%dma_wait3A_259 : memref<10000x64xf32, #tpu.memory_space<vmem_shared>>) dst(%dma_wait3A_253 : memref<80x64xf32, #tpu.memory_space<vmem>>)
          %sub3A_260 = arith.constant 1 : i32
          %sub3A_261 = arith.subi %scan3A_114, %sub3A_260 : i32
          %jit3A_262 = arith.constant 25 : i32
          %div3A_263 = arith.divsi %sub3A_261, %jit3A_262 : i32
          %sign3A_264 = arith.constant 0 : i32
          %sign3A_265 = arith.cmpi sgt, %sub3A_261, %sign3A_264 : i32
          %sign3A_266 = arith.extui %sign3A_265 : i1 to i32
          %sign3A_267 = arith.constant 0 : i32
          %sign3A_268 = arith.cmpi slt, %sub3A_261, %sign3A_267 : i32
          %sign3A_269 = arith.extui %sign3A_268 : i1 to i32
          %sign3A_270 = arith.subi %sign3A_266, %sign3A_269 : i32
          %sign3A_271 = arith.constant 0 : i32
          %sign3A_272 = arith.cmpi sgt, %jit3A_262, %sign3A_271 : i32
          %sign3A_273 = arith.extui %sign3A_272 : i1 to i32
          %sign3A_274 = arith.constant 0 : i32
          %sign3A_275 = arith.cmpi slt, %jit3A_262, %sign3A_274 : i32
          %sign3A_276 = arith.extui %sign3A_275 : i1 to i32
          %sign3A_277 = arith.subi %sign3A_273, %sign3A_276 : i32
          %ne3A_278 = arith.cmpi ne, %sign3A_270, %sign3A_277 : i32
          %rem3A_279 = arith.remsi %sub3A_261, %jit3A_262 : i32
          %ne3A_280 = arith.constant 0 : i32
          %ne3A_281 = arith.cmpi ne, %rem3A_279, %ne3A_280 : i32
          %and3A_282 = arith.andi %ne3A_278, %ne3A_281 : i1
          %sub3A_283 = arith.constant 1 : i32
          %sub3A_284 = arith.subi %div3A_263, %sub3A_283 : i32
          %select_n3A_285 = arith.select %and3A_282, %sub3A_284, %div3A_263 : i32
          %jit3A_286 = arith.constant 25 : i32
          %eq3A_287 = arith.constant 0 : i32
          %eq3A_288 = arith.cmpi eq, %jit3A_286, %eq3A_287 : i32
          %jit3A_289 = arith.constant 1 : i32
          %select_n3A_290 = arith.select %eq3A_288, %jit3A_289, %jit3A_286 : i32
          %rem3A_291 = arith.remsi %sub3A_261, %select_n3A_290 : i32
          %ne3A_292 = arith.constant 0 : i32
          %ne3A_293 = arith.cmpi ne, %rem3A_291, %ne3A_292 : i32
          %lt3A_294 = arith.constant 0 : i32
          %lt3A_295 = arith.cmpi slt, %rem3A_291, %lt3A_294 : i32
          %lt3A_296 = arith.constant 0 : i32
          %lt3A_297 = arith.cmpi slt, %select_n3A_290, %lt3A_296 : i32
          %ne3A_298 = arith.xori %lt3A_295, %lt3A_297 : i1
          %and3A_299 = arith.andi %ne3A_298, %ne3A_293 : i1
          %add3A_300 = arith.addi %rem3A_291, %select_n3A_290 : i32
          %select_n3A_301 = arith.select %and3A_299, %add3A_300, %rem3A_291 : i32
          %dma_start3A_302 = arith.constant 3 : i32
          %dma_start3A_303 = arith.constant 0 : i32
          %dma_start3A_304 = arith.constant 0 : i32
          %dma_start3A_305 = tpu.memref_slice %arg8[%dma_start3A_302, %dma_start3A_303, %dma_start3A_304] : memref<4x80x64xf32, #tpu.memory_space<vmem>> -> memref<1x80x64xf32, #tpu.memory_space<vmem>>
          %dma_start3A_306 = tpu.memref_squeeze %dma_start3A_305 : memref<1x80x64xf32, #tpu.memory_space<vmem>> -> memref<80x64xf32, #tpu.memory_space<vmem>>
          %dma_start3A_307 = arith.constant 0 : i32
          %dma_start3A_308 = tpu.memref_slice %arg7[%select_n3A_285, %select_n3A_301, %dma_start3A_307] : memref<5x25x80xi32, #tpu.memory_space<vmem>> -> memref<1x1x80xi32, #tpu.memory_space<vmem>>
          %dma_start3A_309 = tpu.memref_squeeze %dma_start3A_308 : memref<1x1x80xi32, #tpu.memory_space<vmem>> -> memref<80xi32, #tpu.memory_space<vmem>>
          %dma_start3A_310 = arith.constant 0 : i32
          %dma_start3A_311 = arith.constant 0 : i32
          %dma_start3A_312 = tpu.memref_slice %arg9[%dma_start3A_310, %dma_start3A_311] : memref<10000x64xf32, #tpu.memory_space<vmem_shared>> -> memref<10000x64xf32, #tpu.memory_space<vmem_shared>>
          tpu.enqueue_indirect_dma source(%dma_start3A_306 : memref<80x64xf32, #tpu.memory_space<vmem>>) target(%dma_start3A_312 : memref<10000x64xf32, #tpu.memory_space<vmem_shared>>) offsets(%dma_start3A_309 : memref<80xi32, #tpu.memory_space<vmem>>) semaphore(%arg18 : memref<!tpu.dma_semaphore, #tpu.memory_space<semaphore_mem>>) {add = true}
        } else {
        }
      } else {
      }
      %jit3A_127 = arith.constant 4 : i32
      %eq3A_128 = arith.constant 0 : i32
      %eq3A_129 = arith.cmpi eq, %jit3A_127, %eq3A_128 : i32
      %jit3A_130 = arith.constant 1 : i32
      %select_n3A_131 = arith.select %eq3A_129, %jit3A_130, %jit3A_127 : i32
      %rem3A_132 = arith.remsi %scan3A_114, %select_n3A_131 : i32
      %ne3A_133 = arith.constant 0 : i32
      %ne3A_134 = arith.cmpi ne, %rem3A_132, %ne3A_133 : i32
      %lt3A_135 = arith.constant 0 : i32
      %lt3A_136 = arith.cmpi slt, %rem3A_132, %lt3A_135 : i32
      %lt3A_137 = arith.constant 0 : i32
      %lt3A_138 = arith.cmpi slt, %select_n3A_131, %lt3A_137 : i32
      %ne3A_139 = arith.xori %lt3A_136, %lt3A_138 : i1
      %and3A_140 = arith.andi %ne3A_139, %ne3A_134 : i1
      %add3A_141 = arith.addi %rem3A_132, %select_n3A_131 : i32
      %select_n3A_142 = arith.select %and3A_140, %add3A_141, %rem3A_132 : i32
      %eq3A_143 = arith.constant 1 : i32
      %eq3A_144 = arith.cmpi eq, %select_n3A_142, %eq3A_143 : i32
      %convert_element_type3A_145 = arith.extui %eq3A_144 : i1 to i32
      %cond3A_146 = arith.constant 0 : i32
      %cond3A_147 = arith.cmpi ne, %convert_element_type3A_145, %cond3A_146 : i32
      scf.if %cond3A_147 {
        %ge3A = arith.constant 4 : i32
        %ge3A_190 = arith.cmpi sge, %scan3A_114, %ge3A : i32
        %convert_element_type3A_191 = arith.extui %ge3A_190 : i1 to i32
        %cond3A_192 = arith.constant 0 : i32
        %cond3A_193 = arith.cmpi ne, %convert_element_type3A_191, %cond3A_192 : i32
        scf.if %cond3A_193 {
          %dma_wait3A_247 = arith.constant 1 : i32
          %dma_wait3A_248 = arith.constant 0 : i32
          %dma_wait3A_249 = arith.constant 0 : i32
          %dma_wait3A_250 = arith.constant 0 : i32
          %dma_wait3A_251 = arith.constant 0 : i32
          %dma_wait3A_252 = tpu.memref_slice %arg8[%dma_wait3A_247, %dma_wait3A_250, %dma_wait3A_251] : memref<4x80x64xf32, #tpu.memory_space<vmem>> -> memref<1x80x64xf32, #tpu.memory_space<vmem>>
          %dma_wait3A_253 = tpu.memref_squeeze %dma_wait3A_252 : memref<1x80x64xf32, #tpu.memory_space<vmem>> -> memref<80x64xf32, #tpu.memory_space<vmem>>
          %dma_wait3A_254 = arith.constant 0 : i32
          %dma_wait3A_255 = tpu.memref_slice %arg7[%dma_wait3A_248, %dma_wait3A_249, %dma_wait3A_254] : memref<5x25x80xi32, #tpu.memory_space<vmem>> -> memref<1x1x80xi32, #tpu.memory_space<vmem>>
          %dma_wait3A_256 = tpu.memref_squeeze %dma_wait3A_255 : memref<1x1x80xi32, #tpu.memory_space<vmem>> -> memref<80xi32, #tpu.memory_space<vmem>>
          %dma_wait3A_257 = arith.constant 0 : i32
          %dma_wait3A_258 = arith.constant 0 : i32
          %dma_wait3A_259 = tpu.memref_slice %arg9[%dma_wait3A_257, %dma_wait3A_258] : memref<10000x64xf32, #tpu.memory_space<vmem_shared>> -> memref<10000x64xf32, #tpu.memory_space<vmem_shared>>
          tpu.wait_indirect_dma semaphore(%arg16 : memref<!tpu.dma_semaphore, #tpu.memory_space<semaphore_mem>>) src(%dma_wait3A_253 : memref<80x64xf32, #tpu.memory_space<vmem>>) dst(%dma_wait3A_259 : memref<10000x64xf32, #tpu.memory_space<vmem_shared>>)
        } else {
        }
        %jit3A_194 = arith.constant 25 : i32
        %div3A = arith.divsi %scan3A_114, %jit3A_194 : i32
        %sign3A = arith.constant 0 : i32
        %sign3A_195 = arith.cmpi sgt, %scan3A_114, %sign3A : i32
        %sign3A_196 = arith.extui %sign3A_195 : i1 to i32
        %sign3A_197 = arith.constant 0 : i32
        %sign3A_198 = arith.cmpi slt, %scan3A_114, %sign3A_197 : i32
        %sign3A_199 = arith.extui %sign3A_198 : i1 to i32
        %sign3A_200 = arith.subi %sign3A_196, %sign3A_199 : i32
        %sign3A_201 = arith.constant 0 : i32
        %sign3A_202 = arith.cmpi sgt, %jit3A_194, %sign3A_201 : i32
        %sign3A_203 = arith.extui %sign3A_202 : i1 to i32
        %sign3A_204 = arith.constant 0 : i32
        %sign3A_205 = arith.cmpi slt, %jit3A_194, %sign3A_204 : i32
        %sign3A_206 = arith.extui %sign3A_205 : i1 to i32
        %sign3A_207 = arith.subi %sign3A_203, %sign3A_206 : i32
        %ne3A_208 = arith.cmpi ne, %sign3A_200, %sign3A_207 : i32
        %rem3A_209 = arith.remsi %scan3A_114, %jit3A_194 : i32
        %ne3A_210 = arith.constant 0 : i32
        %ne3A_211 = arith.cmpi ne, %rem3A_209, %ne3A_210 : i32
        %and3A_212 = arith.andi %ne3A_208, %ne3A_211 : i1
        %sub3A = arith.constant 1 : i32
        %sub3A_213 = arith.subi %div3A, %sub3A : i32
        %select_n3A_214 = arith.select %and3A_212, %sub3A_213, %div3A : i32
        %jit3A_215 = arith.constant 25 : i32
        %eq3A_216 = arith.constant 0 : i32
        %eq3A_217 = arith.cmpi eq, %jit3A_215, %eq3A_216 : i32
        %jit3A_218 = arith.constant 1 : i32
        %select_n3A_219 = arith.select %eq3A_217, %jit3A_218, %jit3A_215 : i32
        %rem3A_220 = arith.remsi %scan3A_114, %select_n3A_219 : i32
        %ne3A_221 = arith.constant 0 : i32
        %ne3A_222 = arith.cmpi ne, %rem3A_220, %ne3A_221 : i32
        %lt3A_223 = arith.constant 0 : i32
        %lt3A_224 = arith.cmpi slt, %rem3A_220, %lt3A_223 : i32
        %lt3A_225 = arith.constant 0 : i32
        %lt3A_226 = arith.cmpi slt, %select_n3A_219, %lt3A_225 : i32
        %ne3A_227 = arith.xori %lt3A_224, %lt3A_226 : i1
        %and3A_228 = arith.andi %ne3A_227, %ne3A_222 : i1
        %add3A_229 = arith.addi %rem3A_220, %select_n3A_219 : i32
        %select_n3A_230 = arith.select %and3A_228, %add3A_229, %rem3A_220 : i32
        %dma_start3A_231 = arith.constant 1 : i32
        %dma_start3A_232 = arith.constant 0 : i32
        %dma_start3A_233 = arith.constant 0 : i32
        %dma_start3A_234 = tpu.memref_slice %arg8[%dma_start3A_231, %dma_start3A_232, %dma_start3A_233] : memref<4x80x64xf32, #tpu.memory_space<vmem>> -> memref<1x80x64xf32, #tpu.memory_space<vmem>>
        %dma_start3A_235 = tpu.memref_squeeze %dma_start3A_234 : memref<1x80x64xf32, #tpu.memory_space<vmem>> -> memref<80x64xf32, #tpu.memory_space<vmem>>
        %dma_start3A_236 = arith.constant 0 : i32
        %dma_start3A_237 = tpu.memref_slice %arg6[%select_n3A_214, %select_n3A_230, %dma_start3A_236] : memref<5x25x80xi32, #tpu.memory_space<vmem>> -> memref<1x1x80xi32, #tpu.memory_space<vmem>>
        %dma_start3A_238 = tpu.memref_squeeze %dma_start3A_237 : memref<1x1x80xi32, #tpu.memory_space<vmem>> -> memref<80xi32, #tpu.memory_space<vmem>>
        %dma_start3A_239 = arith.constant 0 : i32
        %dma_start3A_240 = arith.constant 0 : i32
        %dma_start3A_241 = tpu.memref_slice %arg10[%dma_start3A_239, %dma_start3A_240] : memref<10000x64xf32, #tpu.memory_space<vmem_shared>> -> memref<10000x64xf32, #tpu.memory_space<vmem_shared>>
        tpu.enqueue_indirect_dma source(%dma_start3A_241 : memref<10000x64xf32, #tpu.memory_space<vmem_shared>>) target(%dma_start3A_235 : memref<80x64xf32, #tpu.memory_space<vmem>>) offsets(%dma_start3A_238 : memref<80xi32, #tpu.memory_space<vmem>>) semaphore(%arg12 : memref<!tpu.dma_semaphore, #tpu.memory_space<semaphore_mem>>)
        %ge3A_242 = arith.constant 1 : i32
        %ge3A_243 = arith.cmpi sge, %scan3A_114, %ge3A_242 : i32
        %convert_element_type3A_244 = arith.extui %ge3A_243 : i1 to i32
        %cond3A_245 = arith.constant 0 : i32
        %cond3A_246 = arith.cmpi ne, %convert_element_type3A_244, %cond3A_245 : i32
        scf.if %cond3A_246 {
          %dma_wait3A_247 = arith.constant 0 : i32
          %dma_wait3A_248 = arith.constant 0 : i32
          %dma_wait3A_249 = arith.constant 0 : i32
          %dma_wait3A_250 = arith.constant 0 : i32
          %dma_wait3A_251 = arith.constant 0 : i32
          %dma_wait3A_252 = tpu.memref_slice %arg8[%dma_wait3A_249, %dma_wait3A_250, %dma_wait3A_251] : memref<4x80x64xf32, #tpu.memory_space<vmem>> -> memref<1x80x64xf32, #tpu.memory_space<vmem>>
          %dma_wait3A_253 = tpu.memref_squeeze %dma_wait3A_252 : memref<1x80x64xf32, #tpu.memory_space<vmem>> -> memref<80x64xf32, #tpu.memory_space<vmem>>
          %dma_wait3A_254 = arith.constant 0 : i32
          %dma_wait3A_255 = tpu.memref_slice %arg6[%dma_wait3A_247, %dma_wait3A_248, %dma_wait3A_254] : memref<5x25x80xi32, #tpu.memory_space<vmem>> -> memref<1x1x80xi32, #tpu.memory_space<vmem>>
          %dma_wait3A_256 = tpu.memref_squeeze %dma_wait3A_255 : memref<1x1x80xi32, #tpu.memory_space<vmem>> -> memref<80xi32, #tpu.memory_space<vmem>>
          %dma_wait3A_257 = arith.constant 0 : i32
          %dma_wait3A_258 = arith.constant 0 : i32
          %dma_wait3A_259 = tpu.memref_slice %arg10[%dma_wait3A_257, %dma_wait3A_258] : memref<10000x64xf32, #tpu.memory_space<vmem_shared>> -> memref<10000x64xf32, #tpu.memory_space<vmem_shared>>
          tpu.wait_indirect_dma semaphore(%arg11 : memref<!tpu.dma_semaphore, #tpu.memory_space<semaphore_mem>>) src(%dma_wait3A_259 : memref<10000x64xf32, #tpu.memory_space<vmem_shared>>) dst(%dma_wait3A_253 : memref<80x64xf32, #tpu.memory_space<vmem>>)
          %sub3A_260 = arith.constant 1 : i32
          %sub3A_261 = arith.subi %scan3A_114, %sub3A_260 : i32
          %jit3A_262 = arith.constant 25 : i32
          %div3A_263 = arith.divsi %sub3A_261, %jit3A_262 : i32
          %sign3A_264 = arith.constant 0 : i32
          %sign3A_265 = arith.cmpi sgt, %sub3A_261, %sign3A_264 : i32
          %sign3A_266 = arith.extui %sign3A_265 : i1 to i32
          %sign3A_267 = arith.constant 0 : i32
          %sign3A_268 = arith.cmpi slt, %sub3A_261, %sign3A_267 : i32
          %sign3A_269 = arith.extui %sign3A_268 : i1 to i32
          %sign3A_270 = arith.subi %sign3A_266, %sign3A_269 : i32
          %sign3A_271 = arith.constant 0 : i32
          %sign3A_272 = arith.cmpi sgt, %jit3A_262, %sign3A_271 : i32
          %sign3A_273 = arith.extui %sign3A_272 : i1 to i32
          %sign3A_274 = arith.constant 0 : i32
          %sign3A_275 = arith.cmpi slt, %jit3A_262, %sign3A_274 : i32
          %sign3A_276 = arith.extui %sign3A_275 : i1 to i32
          %sign3A_277 = arith.subi %sign3A_273, %sign3A_276 : i32
          %ne3A_278 = arith.cmpi ne, %sign3A_270, %sign3A_277 : i32
          %rem3A_279 = arith.remsi %sub3A_261, %jit3A_262 : i32
          %ne3A_280 = arith.constant 0 : i32
          %ne3A_281 = arith.cmpi ne, %rem3A_279, %ne3A_280 : i32
          %and3A_282 = arith.andi %ne3A_278, %ne3A_281 : i1
          %sub3A_283 = arith.constant 1 : i32
          %sub3A_284 = arith.subi %div3A_263, %sub3A_283 : i32
          %select_n3A_285 = arith.select %and3A_282, %sub3A_284, %div3A_263 : i32
          %jit3A_286 = arith.constant 25 : i32
          %eq3A_287 = arith.constant 0 : i32
          %eq3A_288 = arith.cmpi eq, %jit3A_286, %eq3A_287 : i32
          %jit3A_289 = arith.constant 1 : i32
          %select_n3A_290 = arith.select %eq3A_288, %jit3A_289, %jit3A_286 : i32
          %rem3A_291 = arith.remsi %sub3A_261, %select_n3A_290 : i32
          %ne3A_292 = arith.constant 0 : i32
          %ne3A_293 = arith.cmpi ne, %rem3A_291, %ne3A_292 : i32
          %lt3A_294 = arith.constant 0 : i32
          %lt3A_295 = arith.cmpi slt, %rem3A_291, %lt3A_294 : i32
          %lt3A_296 = arith.constant 0 : i32
          %lt3A_297 = arith.cmpi slt, %select_n3A_290, %lt3A_296 : i32
          %ne3A_298 = arith.xori %lt3A_295, %lt3A_297 : i1
          %and3A_299 = arith.andi %ne3A_298, %ne3A_293 : i1
          %add3A_300 = arith.addi %rem3A_291, %select_n3A_290 : i32
          %select_n3A_301 = arith.select %and3A_299, %add3A_300, %rem3A_291 : i32
          %dma_start3A_302 = arith.constant 0 : i32
          %dma_start3A_303 = arith.constant 0 : i32
          %dma_start3A_304 = arith.constant 0 : i32
          %dma_start3A_305 = tpu.memref_slice %arg8[%dma_start3A_302, %dma_start3A_303, %dma_start3A_304] : memref<4x80x64xf32, #tpu.memory_space<vmem>> -> memref<1x80x64xf32, #tpu.memory_space<vmem>>
          %dma_start3A_306 = tpu.memref_squeeze %dma_start3A_305 : memref<1x80x64xf32, #tpu.memory_space<vmem>> -> memref<80x64xf32, #tpu.memory_space<vmem>>
          %dma_start3A_307 = arith.constant 0 : i32
          %dma_start3A_308 = tpu.memref_slice %arg7[%select_n3A_285, %select_n3A_301, %dma_start3A_307] : memref<5x25x80xi32, #tpu.memory_space<vmem>> -> memref<1x1x80xi32, #tpu.memory_space<vmem>>
          %dma_start3A_309 = tpu.memref_squeeze %dma_start3A_308 : memref<1x1x80xi32, #tpu.memory_space<vmem>> -> memref<80xi32, #tpu.memory_space<vmem>>
          %dma_start3A_310 = arith.constant 0 : i32
          %dma_start3A_311 = arith.constant 0 : i32
          %dma_start3A_312 = tpu.memref_slice %arg9[%dma_start3A_310, %dma_start3A_311] : memref<10000x64xf32, #tpu.memory_space<vmem_shared>> -> memref<10000x64xf32, #tpu.memory_space<vmem_shared>>
          tpu.enqueue_indirect_dma source(%dma_start3A_306 : memref<80x64xf32, #tpu.memory_space<vmem>>) target(%dma_start3A_312 : memref<10000x64xf32, #tpu.memory_space<vmem_shared>>) offsets(%dma_start3A_309 : memref<80xi32, #tpu.memory_space<vmem>>) semaphore(%arg15 : memref<!tpu.dma_semaphore, #tpu.memory_space<semaphore_mem>>) {add = true}
        } else {
        }
      } else {
      }
      %jit3A_148 = arith.constant 4 : i32
      %eq3A_149 = arith.constant 0 : i32
      %eq3A_150 = arith.cmpi eq, %jit3A_148, %eq3A_149 : i32
      %jit3A_151 = arith.constant 1 : i32
      %select_n3A_152 = arith.select %eq3A_150, %jit3A_151, %jit3A_148 : i32
      %rem3A_153 = arith.remsi %scan3A_114, %select_n3A_152 : i32
      %ne3A_154 = arith.constant 0 : i32
      %ne3A_155 = arith.cmpi ne, %rem3A_153, %ne3A_154 : i32
      %lt3A_156 = arith.constant 0 : i32
      %lt3A_157 = arith.cmpi slt, %rem3A_153, %lt3A_156 : i32
      %lt3A_158 = arith.constant 0 : i32
      %lt3A_159 = arith.cmpi slt, %select_n3A_152, %lt3A_158 : i32
      %ne3A_160 = arith.xori %lt3A_157, %lt3A_159 : i1
      %and3A_161 = arith.andi %ne3A_160, %ne3A_155 : i1
      %add3A_162 = arith.addi %rem3A_153, %select_n3A_152 : i32
      %select_n3A_163 = arith.select %and3A_161, %add3A_162, %rem3A_153 : i32
      %eq3A_164 = arith.constant 2 : i32
      %eq3A_165 = arith.cmpi eq, %select_n3A_163, %eq3A_164 : i32
      %convert_element_type3A_166 = arith.extui %eq3A_165 : i1 to i32
      %cond3A_167 = arith.constant 0 : i32
      %cond3A_168 = arith.cmpi ne, %convert_element_type3A_166, %cond3A_167 : i32
      scf.if %cond3A_168 {
        %ge3A = arith.constant 4 : i32
        %ge3A_190 = arith.cmpi sge, %scan3A_114, %ge3A : i32
        %convert_element_type3A_191 = arith.extui %ge3A_190 : i1 to i32
        %cond3A_192 = arith.constant 0 : i32
        %cond3A_193 = arith.cmpi ne, %convert_element_type3A_191, %cond3A_192 : i32
        scf.if %cond3A_193 {
          %dma_wait3A_247 = arith.constant 2 : i32
          %dma_wait3A_248 = arith.constant 0 : i32
          %dma_wait3A_249 = arith.constant 0 : i32
          %dma_wait3A_250 = arith.constant 0 : i32
          %dma_wait3A_251 = arith.constant 0 : i32
          %dma_wait3A_252 = tpu.memref_slice %arg8[%dma_wait3A_247, %dma_wait3A_250, %dma_wait3A_251] : memref<4x80x64xf32, #tpu.memory_space<vmem>> -> memref<1x80x64xf32, #tpu.memory_space<vmem>>
          %dma_wait3A_253 = tpu.memref_squeeze %dma_wait3A_252 : memref<1x80x64xf32, #tpu.memory_space<vmem>> -> memref<80x64xf32, #tpu.memory_space<vmem>>
          %dma_wait3A_254 = arith.constant 0 : i32
          %dma_wait3A_255 = tpu.memref_slice %arg7[%dma_wait3A_248, %dma_wait3A_249, %dma_wait3A_254] : memref<5x25x80xi32, #tpu.memory_space<vmem>> -> memref<1x1x80xi32, #tpu.memory_space<vmem>>
          %dma_wait3A_256 = tpu.memref_squeeze %dma_wait3A_255 : memref<1x1x80xi32, #tpu.memory_space<vmem>> -> memref<80xi32, #tpu.memory_space<vmem>>
          %dma_wait3A_257 = arith.constant 0 : i32
          %dma_wait3A_258 = arith.constant 0 : i32
          %dma_wait3A_259 = tpu.memref_slice %arg9[%dma_wait3A_257, %dma_wait3A_258] : memref<10000x64xf32, #tpu.memory_space<vmem_shared>> -> memref<10000x64xf32, #tpu.memory_space<vmem_shared>>
          tpu.wait_indirect_dma semaphore(%arg17 : memref<!tpu.dma_semaphore, #tpu.memory_space<semaphore_mem>>) src(%dma_wait3A_253 : memref<80x64xf32, #tpu.memory_space<vmem>>) dst(%dma_wait3A_259 : memref<10000x64xf32, #tpu.memory_space<vmem_shared>>)
        } else {
        }
        %jit3A_194 = arith.constant 25 : i32
        %div3A = arith.divsi %scan3A_114, %jit3A_194 : i32
        %sign3A = arith.constant 0 : i32
        %sign3A_195 = arith.cmpi sgt, %scan3A_114, %sign3A : i32
        %sign3A_196 = arith.extui %sign3A_195 : i1 to i32
        %sign3A_197 = arith.constant 0 : i32
        %sign3A_198 = arith.cmpi slt, %scan3A_114, %sign3A_197 : i32
        %sign3A_199 = arith.extui %sign3A_198 : i1 to i32
        %sign3A_200 = arith.subi %sign3A_196, %sign3A_199 : i32
        %sign3A_201 = arith.constant 0 : i32
        %sign3A_202 = arith.cmpi sgt, %jit3A_194, %sign3A_201 : i32
        %sign3A_203 = arith.extui %sign3A_202 : i1 to i32
        %sign3A_204 = arith.constant 0 : i32
        %sign3A_205 = arith.cmpi slt, %jit3A_194, %sign3A_204 : i32
        %sign3A_206 = arith.extui %sign3A_205 : i1 to i32
        %sign3A_207 = arith.subi %sign3A_203, %sign3A_206 : i32
        %ne3A_208 = arith.cmpi ne, %sign3A_200, %sign3A_207 : i32
        %rem3A_209 = arith.remsi %scan3A_114, %jit3A_194 : i32
        %ne3A_210 = arith.constant 0 : i32
        %ne3A_211 = arith.cmpi ne, %rem3A_209, %ne3A_210 : i32
        %and3A_212 = arith.andi %ne3A_208, %ne3A_211 : i1
        %sub3A = arith.constant 1 : i32
        %sub3A_213 = arith.subi %div3A, %sub3A : i32
        %select_n3A_214 = arith.select %and3A_212, %sub3A_213, %div3A : i32
        %jit3A_215 = arith.constant 25 : i32
        %eq3A_216 = arith.constant 0 : i32
        %eq3A_217 = arith.cmpi eq, %jit3A_215, %eq3A_216 : i32
        %jit3A_218 = arith.constant 1 : i32
        %select_n3A_219 = arith.select %eq3A_217, %jit3A_218, %jit3A_215 : i32
        %rem3A_220 = arith.remsi %scan3A_114, %select_n3A_219 : i32
        %ne3A_221 = arith.constant 0 : i32
        %ne3A_222 = arith.cmpi ne, %rem3A_220, %ne3A_221 : i32
        %lt3A_223 = arith.constant 0 : i32
        %lt3A_224 = arith.cmpi slt, %rem3A_220, %lt3A_223 : i32
        %lt3A_225 = arith.constant 0 : i32
        %lt3A_226 = arith.cmpi slt, %select_n3A_219, %lt3A_225 : i32
        %ne3A_227 = arith.xori %lt3A_224, %lt3A_226 : i1
        %and3A_228 = arith.andi %ne3A_227, %ne3A_222 : i1
        %add3A_229 = arith.addi %rem3A_220, %select_n3A_219 : i32
        %select_n3A_230 = arith.select %and3A_228, %add3A_229, %rem3A_220 : i32
        %dma_start3A_231 = arith.constant 2 : i32
        %dma_start3A_232 = arith.constant 0 : i32
        %dma_start3A_233 = arith.constant 0 : i32
        %dma_start3A_234 = tpu.memref_slice %arg8[%dma_start3A_231, %dma_start3A_232, %dma_start3A_233] : memref<4x80x64xf32, #tpu.memory_space<vmem>> -> memref<1x80x64xf32, #tpu.memory_space<vmem>>
        %dma_start3A_235 = tpu.memref_squeeze %dma_start3A_234 : memref<1x80x64xf32, #tpu.memory_space<vmem>> -> memref<80x64xf32, #tpu.memory_space<vmem>>
        %dma_start3A_236 = arith.constant 0 : i32
        %dma_start3A_237 = tpu.memref_slice %arg6[%select_n3A_214, %select_n3A_230, %dma_start3A_236] : memref<5x25x80xi32, #tpu.memory_space<vmem>> -> memref<1x1x80xi32, #tpu.memory_space<vmem>>
        %dma_start3A_238 = tpu.memref_squeeze %dma_start3A_237 : memref<1x1x80xi32, #tpu.memory_space<vmem>> -> memref<80xi32, #tpu.memory_space<vmem>>
        %dma_start3A_239 = arith.constant 0 : i32
        %dma_start3A_240 = arith.constant 0 : i32
        %dma_start3A_241 = tpu.memref_slice %arg10[%dma_start3A_239, %dma_start3A_240] : memref<10000x64xf32, #tpu.memory_space<vmem_shared>> -> memref<10000x64xf32, #tpu.memory_space<vmem_shared>>
        tpu.enqueue_indirect_dma source(%dma_start3A_241 : memref<10000x64xf32, #tpu.memory_space<vmem_shared>>) target(%dma_start3A_235 : memref<80x64xf32, #tpu.memory_space<vmem>>) offsets(%dma_start3A_238 : memref<80xi32, #tpu.memory_space<vmem>>) semaphore(%arg13 : memref<!tpu.dma_semaphore, #tpu.memory_space<semaphore_mem>>)
        %ge3A_242 = arith.constant 1 : i32
        %ge3A_243 = arith.cmpi sge, %scan3A_114, %ge3A_242 : i32
        %convert_element_type3A_244 = arith.extui %ge3A_243 : i1 to i32
        %cond3A_245 = arith.constant 0 : i32
        %cond3A_246 = arith.cmpi ne, %convert_element_type3A_244, %cond3A_245 : i32
        scf.if %cond3A_246 {
          %dma_wait3A_247 = arith.constant 0 : i32
          %dma_wait3A_248 = arith.constant 0 : i32
          %dma_wait3A_249 = arith.constant 1 : i32
          %dma_wait3A_250 = arith.constant 0 : i32
          %dma_wait3A_251 = arith.constant 0 : i32
          %dma_wait3A_252 = tpu.memref_slice %arg8[%dma_wait3A_249, %dma_wait3A_250, %dma_wait3A_251] : memref<4x80x64xf32, #tpu.memory_space<vmem>> -> memref<1x80x64xf32, #tpu.memory_space<vmem>>
          %dma_wait3A_253 = tpu.memref_squeeze %dma_wait3A_252 : memref<1x80x64xf32, #tpu.memory_space<vmem>> -> memref<80x64xf32, #tpu.memory_space<vmem>>
          %dma_wait3A_254 = arith.constant 0 : i32
          %dma_wait3A_255 = tpu.memref_slice %arg6[%dma_wait3A_247, %dma_wait3A_248, %dma_wait3A_254] : memref<5x25x80xi32, #tpu.memory_space<vmem>> -> memref<1x1x80xi32, #tpu.memory_space<vmem>>
          %dma_wait3A_256 = tpu.memref_squeeze %dma_wait3A_255 : memref<1x1x80xi32, #tpu.memory_space<vmem>> -> memref<80xi32, #tpu.memory_space<vmem>>
          %dma_wait3A_257 = arith.constant 0 : i32
          %dma_wait3A_258 = arith.constant 0 : i32
          %dma_wait3A_259 = tpu.memref_slice %arg10[%dma_wait3A_257, %dma_wait3A_258] : memref<10000x64xf32, #tpu.memory_space<vmem_shared>> -> memref<10000x64xf32, #tpu.memory_space<vmem_shared>>
          tpu.wait_indirect_dma semaphore(%arg12 : memref<!tpu.dma_semaphore, #tpu.memory_space<semaphore_mem>>) src(%dma_wait3A_259 : memref<10000x64xf32, #tpu.memory_space<vmem_shared>>) dst(%dma_wait3A_253 : memref<80x64xf32, #tpu.memory_space<vmem>>)
          %sub3A_260 = arith.constant 1 : i32
          %sub3A_261 = arith.subi %scan3A_114, %sub3A_260 : i32
          %jit3A_262 = arith.constant 25 : i32
          %div3A_263 = arith.divsi %sub3A_261, %jit3A_262 : i32
          %sign3A_264 = arith.constant 0 : i32
          %sign3A_265 = arith.cmpi sgt, %sub3A_261, %sign3A_264 : i32
          %sign3A_266 = arith.extui %sign3A_265 : i1 to i32
          %sign3A_267 = arith.constant 0 : i32
          %sign3A_268 = arith.cmpi slt, %sub3A_261, %sign3A_267 : i32
          %sign3A_269 = arith.extui %sign3A_268 : i1 to i32
          %sign3A_270 = arith.subi %sign3A_266, %sign3A_269 : i32
          %sign3A_271 = arith.constant 0 : i32
          %sign3A_272 = arith.cmpi sgt, %jit3A_262, %sign3A_271 : i32
          %sign3A_273 = arith.extui %sign3A_272 : i1 to i32
          %sign3A_274 = arith.constant 0 : i32
          %sign3A_275 = arith.cmpi slt, %jit3A_262, %sign3A_274 : i32
          %sign3A_276 = arith.extui %sign3A_275 : i1 to i32
          %sign3A_277 = arith.subi %sign3A_273, %sign3A_276 : i32
          %ne3A_278 = arith.cmpi ne, %sign3A_270, %sign3A_277 : i32
          %rem3A_279 = arith.remsi %sub3A_261, %jit3A_262 : i32
          %ne3A_280 = arith.constant 0 : i32
          %ne3A_281 = arith.cmpi ne, %rem3A_279, %ne3A_280 : i32
          %and3A_282 = arith.andi %ne3A_278, %ne3A_281 : i1
          %sub3A_283 = arith.constant 1 : i32
          %sub3A_284 = arith.subi %div3A_263, %sub3A_283 : i32
          %select_n3A_285 = arith.select %and3A_282, %sub3A_284, %div3A_263 : i32
          %jit3A_286 = arith.constant 25 : i32
          %eq3A_287 = arith.constant 0 : i32
          %eq3A_288 = arith.cmpi eq, %jit3A_286, %eq3A_287 : i32
          %jit3A_289 = arith.constant 1 : i32
          %select_n3A_290 = arith.select %eq3A_288, %jit3A_289, %jit3A_286 : i32
          %rem3A_291 = arith.remsi %sub3A_261, %select_n3A_290 : i32
          %ne3A_292 = arith.constant 0 : i32
          %ne3A_293 = arith.cmpi ne, %rem3A_291, %ne3A_292 : i32
          %lt3A_294 = arith.constant 0 : i32
          %lt3A_295 = arith.cmpi slt, %rem3A_291, %lt3A_294 : i32
          %lt3A_296 = arith.constant 0 : i32
          %lt3A_297 = arith.cmpi slt, %select_n3A_290, %lt3A_296 : i32
          %ne3A_298 = arith.xori %lt3A_295, %lt3A_297 : i1
          %and3A_299 = arith.andi %ne3A_298, %ne3A_293 : i1
          %add3A_300 = arith.addi %rem3A_291, %select_n3A_290 : i32
          %select_n3A_301 = arith.select %and3A_299, %add3A_300, %rem3A_291 : i32
          %dma_start3A_302 = arith.constant 1 : i32
          %dma_start3A_303 = arith.constant 0 : i32
          %dma_start3A_304 = arith.constant 0 : i32
          %dma_start3A_305 = tpu.memref_slice %arg8[%dma_start3A_302, %dma_start3A_303, %dma_start3A_304] : memref<4x80x64xf32, #tpu.memory_space<vmem>> -> memref<1x80x64xf32, #tpu.memory_space<vmem>>
          %dma_start3A_306 = tpu.memref_squeeze %dma_start3A_305 : memref<1x80x64xf32, #tpu.memory_space<vmem>> -> memref<80x64xf32, #tpu.memory_space<vmem>>
          %dma_start3A_307 = arith.constant 0 : i32
          %dma_start3A_308 = tpu.memref_slice %arg7[%select_n3A_285, %select_n3A_301, %dma_start3A_307] : memref<5x25x80xi32, #tpu.memory_space<vmem>> -> memref<1x1x80xi32, #tpu.memory_space<vmem>>
          %dma_start3A_309 = tpu.memref_squeeze %dma_start3A_308 : memref<1x1x80xi32, #tpu.memory_space<vmem>> -> memref<80xi32, #tpu.memory_space<vmem>>
          %dma_start3A_310 = arith.constant 0 : i32
          %dma_start3A_311 = arith.constant 0 : i32
          %dma_start3A_312 = tpu.memref_slice %arg9[%dma_start3A_310, %dma_start3A_311] : memref<10000x64xf32, #tpu.memory_space<vmem_shared>> -> memref<10000x64xf32, #tpu.memory_space<vmem_shared>>
          tpu.enqueue_indirect_dma source(%dma_start3A_306 : memref<80x64xf32, #tpu.memory_space<vmem>>) target(%dma_start3A_312 : memref<10000x64xf32, #tpu.memory_space<vmem_shared>>) offsets(%dma_start3A_309 : memref<80xi32, #tpu.memory_space<vmem>>) semaphore(%arg16 : memref<!tpu.dma_semaphore, #tpu.memory_space<semaphore_mem>>) {add = true}
        } else {
        }
      } else {
      }
      %jit3A_169 = arith.constant 4 : i32
      %eq3A_170 = arith.constant 0 : i32
      %eq3A_171 = arith.cmpi eq, %jit3A_169, %eq3A_170 : i32
      %jit3A_172 = arith.constant 1 : i32
      %select_n3A_173 = arith.select %eq3A_171, %jit3A_172, %jit3A_169 : i32
      %rem3A_174 = arith.remsi %scan3A_114, %select_n3A_173 : i32
      %ne3A_175 = arith.constant 0 : i32
      %ne3A_176 = arith.cmpi ne, %rem3A_174, %ne3A_175 : i32
      %lt3A_177 = arith.constant 0 : i32
      %lt3A_178 = arith.cmpi slt, %rem3A_174, %lt3A_177 : i32
      %lt3A_179 = arith.constant 0 : i32
      %lt3A_180 = arith.cmpi slt, %select_n3A_173, %lt3A_179 : i32
      %ne3A_181 = arith.xori %lt3A_178, %lt3A_180 : i1
      %and3A_182 = arith.andi %ne3A_181, %ne3A_176 : i1
      %add3A_183 = arith.addi %rem3A_174, %select_n3A_173 : i32
      %select_n3A_184 = arith.select %and3A_182, %add3A_183, %rem3A_174 : i32
      %eq3A_185 = arith.constant 3 : i32
      %eq3A_186 = arith.cmpi eq, %select_n3A_184, %eq3A_185 : i32
      %convert_element_type3A_187 = arith.extui %eq3A_186 : i1 to i32
      %cond3A_188 = arith.constant 0 : i32
      %cond3A_189 = arith.cmpi ne, %convert_element_type3A_187, %cond3A_188 : i32
      scf.if %cond3A_189 {
        %ge3A = arith.constant 4 : i32
        %ge3A_190 = arith.cmpi sge, %scan3A_114, %ge3A : i32
        %convert_element_type3A_191 = arith.extui %ge3A_190 : i1 to i32
        %cond3A_192 = arith.constant 0 : i32
        %cond3A_193 = arith.cmpi ne, %convert_element_type3A_191, %cond3A_192 : i32
        scf.if %cond3A_193 {
          %dma_wait3A_247 = arith.constant 3 : i32
          %dma_wait3A_248 = arith.constant 0 : i32
          %dma_wait3A_249 = arith.constant 0 : i32
          %dma_wait3A_250 = arith.constant 0 : i32
          %dma_wait3A_251 = arith.constant 0 : i32
          %dma_wait3A_252 = tpu.memref_slice %arg8[%dma_wait3A_247, %dma_wait3A_250, %dma_wait3A_251] : memref<4x80x64xf32, #tpu.memory_space<vmem>> -> memref<1x80x64xf32, #tpu.memory_space<vmem>>
          %dma_wait3A_253 = tpu.memref_squeeze %dma_wait3A_252 : memref<1x80x64xf32, #tpu.memory_space<vmem>> -> memref<80x64xf32, #tpu.memory_space<vmem>>
          %dma_wait3A_254 = arith.constant 0 : i32
          %dma_wait3A_255 = tpu.memref_slice %arg7[%dma_wait3A_248, %dma_wait3A_249, %dma_wait3A_254] : memref<5x25x80xi32, #tpu.memory_space<vmem>> -> memref<1x1x80xi32, #tpu.memory_space<vmem>>
          %dma_wait3A_256 = tpu.memref_squeeze %dma_wait3A_255 : memref<1x1x80xi32, #tpu.memory_space<vmem>> -> memref<80xi32, #tpu.memory_space<vmem>>
          %dma_wait3A_257 = arith.constant 0 : i32
          %dma_wait3A_258 = arith.constant 0 : i32
          %dma_wait3A_259 = tpu.memref_slice %arg9[%dma_wait3A_257, %dma_wait3A_258] : memref<10000x64xf32, #tpu.memory_space<vmem_shared>> -> memref<10000x64xf32, #tpu.memory_space<vmem_shared>>
          tpu.wait_indirect_dma semaphore(%arg18 : memref<!tpu.dma_semaphore, #tpu.memory_space<semaphore_mem>>) src(%dma_wait3A_253 : memref<80x64xf32, #tpu.memory_space<vmem>>) dst(%dma_wait3A_259 : memref<10000x64xf32, #tpu.memory_space<vmem_shared>>)
        } else {
        }
        %jit3A_194 = arith.constant 25 : i32
        %div3A = arith.divsi %scan3A_114, %jit3A_194 : i32
        %sign3A = arith.constant 0 : i32
        %sign3A_195 = arith.cmpi sgt, %scan3A_114, %sign3A : i32
        %sign3A_196 = arith.extui %sign3A_195 : i1 to i32
        %sign3A_197 = arith.constant 0 : i32
        %sign3A_198 = arith.cmpi slt, %scan3A_114, %sign3A_197 : i32
        %sign3A_199 = arith.extui %sign3A_198 : i1 to i32
        %sign3A_200 = arith.subi %sign3A_196, %sign3A_199 : i32
        %sign3A_201 = arith.constant 0 : i32
        %sign3A_202 = arith.cmpi sgt, %jit3A_194, %sign3A_201 : i32
        %sign3A_203 = arith.extui %sign3A_202 : i1 to i32
        %sign3A_204 = arith.constant 0 : i32
        %sign3A_205 = arith.cmpi slt, %jit3A_194, %sign3A_204 : i32
        %sign3A_206 = arith.extui %sign3A_205 : i1 to i32
        %sign3A_207 = arith.subi %sign3A_203, %sign3A_206 : i32
        %ne3A_208 = arith.cmpi ne, %sign3A_200, %sign3A_207 : i32
        %rem3A_209 = arith.remsi %scan3A_114, %jit3A_194 : i32
        %ne3A_210 = arith.constant 0 : i32
        %ne3A_211 = arith.cmpi ne, %rem3A_209, %ne3A_210 : i32
        %and3A_212 = arith.andi %ne3A_208, %ne3A_211 : i1
        %sub3A = arith.constant 1 : i32
        %sub3A_213 = arith.subi %div3A, %sub3A : i32
        %select_n3A_214 = arith.select %and3A_212, %sub3A_213, %div3A : i32
        %jit3A_215 = arith.constant 25 : i32
        %eq3A_216 = arith.constant 0 : i32
        %eq3A_217 = arith.cmpi eq, %jit3A_215, %eq3A_216 : i32
        %jit3A_218 = arith.constant 1 : i32
        %select_n3A_219 = arith.select %eq3A_217, %jit3A_218, %jit3A_215 : i32
        %rem3A_220 = arith.remsi %scan3A_114, %select_n3A_219 : i32
        %ne3A_221 = arith.constant 0 : i32
        %ne3A_222 = arith.cmpi ne, %rem3A_220, %ne3A_221 : i32
        %lt3A_223 = arith.constant 0 : i32
        %lt3A_224 = arith.cmpi slt, %rem3A_220, %lt3A_223 : i32
        %lt3A_225 = arith.constant 0 : i32
        %lt3A_226 = arith.cmpi slt, %select_n3A_219, %lt3A_225 : i32
        %ne3A_227 = arith.xori %lt3A_224, %lt3A_226 : i1
        %and3A_228 = arith.andi %ne3A_227, %ne3A_222 : i1
        %add3A_229 = arith.addi %rem3A_220, %select_n3A_219 : i32
        %select_n3A_230 = arith.select %and3A_228, %add3A_229, %rem3A_220 : i32
        %dma_start3A_231 = arith.constant 3 : i32
        %dma_start3A_232 = arith.constant 0 : i32
        %dma_start3A_233 = arith.constant 0 : i32
        %dma_start3A_234 = tpu.memref_slice %arg8[%dma_start3A_231, %dma_start3A_232, %dma_start3A_233] : memref<4x80x64xf32, #tpu.memory_space<vmem>> -> memref<1x80x64xf32, #tpu.memory_space<vmem>>
        %dma_start3A_235 = tpu.memref_squeeze %dma_start3A_234 : memref<1x80x64xf32, #tpu.memory_space<vmem>> -> memref<80x64xf32, #tpu.memory_space<vmem>>
        %dma_start3A_236 = arith.constant 0 : i32
        %dma_start3A_237 = tpu.memref_slice %arg6[%select_n3A_214, %select_n3A_230, %dma_start3A_236] : memref<5x25x80xi32, #tpu.memory_space<vmem>> -> memref<1x1x80xi32, #tpu.memory_space<vmem>>
        %dma_start3A_238 = tpu.memref_squeeze %dma_start3A_237 : memref<1x1x80xi32, #tpu.memory_space<vmem>> -> memref<80xi32, #tpu.memory_space<vmem>>
        %dma_start3A_239 = arith.constant 0 : i32
        %dma_start3A_240 = arith.constant 0 : i32
        %dma_start3A_241 = tpu.memref_slice %arg10[%dma_start3A_239, %dma_start3A_240] : memref<10000x64xf32, #tpu.memory_space<vmem_shared>> -> memref<10000x64xf32, #tpu.memory_space<vmem_shared>>
        tpu.enqueue_indirect_dma source(%dma_start3A_241 : memref<10000x64xf32, #tpu.memory_space<vmem_shared>>) target(%dma_start3A_235 : memref<80x64xf32, #tpu.memory_space<vmem>>) offsets(%dma_start3A_238 : memref<80xi32, #tpu.memory_space<vmem>>) semaphore(%arg14 : memref<!tpu.dma_semaphore, #tpu.memory_space<semaphore_mem>>)
        %ge3A_242 = arith.constant 1 : i32
        %ge3A_243 = arith.cmpi sge, %scan3A_114, %ge3A_242 : i32
        %convert_element_type3A_244 = arith.extui %ge3A_243 : i1 to i32
        %cond3A_245 = arith.constant 0 : i32
        %cond3A_246 = arith.cmpi ne, %convert_element_type3A_244, %cond3A_245 : i32
        scf.if %cond3A_246 {
          %dma_wait3A_247 = arith.constant 0 : i32
          %dma_wait3A_248 = arith.constant 0 : i32
          %dma_wait3A_249 = arith.constant 2 : i32
          %dma_wait3A_250 = arith.constant 0 : i32
          %dma_wait3A_251 = arith.constant 0 : i32
          %dma_wait3A_252 = tpu.memref_slice %arg8[%dma_wait3A_249, %dma_wait3A_250, %dma_wait3A_251] : memref<4x80x64xf32, #tpu.memory_space<vmem>> -> memref<1x80x64xf32, #tpu.memory_space<vmem>>
          %dma_wait3A_253 = tpu.memref_squeeze %dma_wait3A_252 : memref<1x80x64xf32, #tpu.memory_space<vmem>> -> memref<80x64xf32, #tpu.memory_space<vmem>>
          %dma_wait3A_254 = arith.constant 0 : i32
          %dma_wait3A_255 = tpu.memref_slice %arg6[%dma_wait3A_247, %dma_wait3A_248, %dma_wait3A_254] : memref<5x25x80xi32, #tpu.memory_space<vmem>> -> memref<1x1x80xi32, #tpu.memory_space<vmem>>
          %dma_wait3A_256 = tpu.memref_squeeze %dma_wait3A_255 : memref<1x1x80xi32, #tpu.memory_space<vmem>> -> memref<80xi32, #tpu.memory_space<vmem>>
          %dma_wait3A_257 = arith.constant 0 : i32
          %dma_wait3A_258 = arith.constant 0 : i32
          %dma_wait3A_259 = tpu.memref_slice %arg10[%dma_wait3A_257, %dma_wait3A_258] : memref<10000x64xf32, #tpu.memory_space<vmem_shared>> -> memref<10000x64xf32, #tpu.memory_space<vmem_shared>>
          tpu.wait_indirect_dma semaphore(%arg13 : memref<!tpu.dma_semaphore, #tpu.memory_space<semaphore_mem>>) src(%dma_wait3A_259 : memref<10000x64xf32, #tpu.memory_space<vmem_shared>>) dst(%dma_wait3A_253 : memref<80x64xf32, #tpu.memory_space<vmem>>)
          %sub3A_260 = arith.constant 1 : i32
          %sub3A_261 = arith.subi %scan3A_114, %sub3A_260 : i32
          %jit3A_262 = arith.constant 25 : i32
          %div3A_263 = arith.divsi %sub3A_261, %jit3A_262 : i32
          %sign3A_264 = arith.constant 0 : i32
          %sign3A_265 = arith.cmpi sgt, %sub3A_261, %sign3A_264 : i32
          %sign3A_266 = arith.extui %sign3A_265 : i1 to i32
          %sign3A_267 = arith.constant 0 : i32
          %sign3A_268 = arith.cmpi slt, %sub3A_261, %sign3A_267 : i32
          %sign3A_269 = arith.extui %sign3A_268 : i1 to i32
          %sign3A_270 = arith.subi %sign3A_266, %sign3A_269 : i32
          %sign3A_271 = arith.constant 0 : i32
          %sign3A_272 = arith.cmpi sgt, %jit3A_262, %sign3A_271 : i32
          %sign3A_273 = arith.extui %sign3A_272 : i1 to i32
          %sign3A_274 = arith.constant 0 : i32
          %sign3A_275 = arith.cmpi slt, %jit3A_262, %sign3A_274 : i32
          %sign3A_276 = arith.extui %sign3A_275 : i1 to i32
          %sign3A_277 = arith.subi %sign3A_273, %sign3A_276 : i32
          %ne3A_278 = arith.cmpi ne, %sign3A_270, %sign3A_277 : i32
          %rem3A_279 = arith.remsi %sub3A_261, %jit3A_262 : i32
          %ne3A_280 = arith.constant 0 : i32
          %ne3A_281 = arith.cmpi ne, %rem3A_279, %ne3A_280 : i32
          %and3A_282 = arith.andi %ne3A_278, %ne3A_281 : i1
          %sub3A_283 = arith.constant 1 : i32
          %sub3A_284 = arith.subi %div3A_263, %sub3A_283 : i32
          %select_n3A_285 = arith.select %and3A_282, %sub3A_284, %div3A_263 : i32
          %jit3A_286 = arith.constant 25 : i32
          %eq3A_287 = arith.constant 0 : i32
          %eq3A_288 = arith.cmpi eq, %jit3A_286, %eq3A_287 : i32
          %jit3A_289 = arith.constant 1 : i32
          %select_n3A_290 = arith.select %eq3A_288, %jit3A_289, %jit3A_286 : i32
          %rem3A_291 = arith.remsi %sub3A_261, %select_n3A_290 : i32
          %ne3A_292 = arith.constant 0 : i32
          %ne3A_293 = arith.cmpi ne, %rem3A_291, %ne3A_292 : i32
          %lt3A_294 = arith.constant 0 : i32
          %lt3A_295 = arith.cmpi slt, %rem3A_291, %lt3A_294 : i32
          %lt3A_296 = arith.constant 0 : i32
          %lt3A_297 = arith.cmpi slt, %select_n3A_290, %lt3A_296 : i32
          %ne3A_298 = arith.xori %lt3A_295, %lt3A_297 : i1
          %and3A_299 = arith.andi %ne3A_298, %ne3A_293 : i1
          %add3A_300 = arith.addi %rem3A_291, %select_n3A_290 : i32
          %select_n3A_301 = arith.select %and3A_299, %add3A_300, %rem3A_291 : i32
          %dma_start3A_302 = arith.constant 2 : i32
          %dma_start3A_303 = arith.constant 0 : i32
          %dma_start3A_304 = arith.constant 0 : i32
          %dma_start3A_305 = tpu.memref_slice %arg8[%dma_start3A_302, %dma_start3A_303, %dma_start3A_304] : memref<4x80x64xf32, #tpu.memory_space<vmem>> -> memref<1x80x64xf32, #tpu.memory_space<vmem>>
          %dma_start3A_306 = tpu.memref_squeeze %dma_start3A_305 : memref<1x80x64xf32, #tpu.memory_space<vmem>> -> memref<80x64xf32, #tpu.memory_space<vmem>>
          %dma_start3A_307 = arith.constant 0 : i32
          %dma_start3A_308 = tpu.memref_slice %arg7[%select_n3A_285, %select_n3A_301, %dma_start3A_307] : memref<5x25x80xi32, #tpu.memory_space<vmem>> -> memref<1x1x80xi32, #tpu.memory_space<vmem>>
          %dma_start3A_309 = tpu.memref_squeeze %dma_start3A_308 : memref<1x1x80xi32, #tpu.memory_space<vmem>> -> memref<80xi32, #tpu.memory_space<vmem>>
          %dma_start3A_310 = arith.constant 0 : i32
          %dma_start3A_311 = arith.constant 0 : i32
          %dma_start3A_312 = tpu.memref_slice %arg9[%dma_start3A_310, %dma_start3A_311] : memref<10000x64xf32, #tpu.memory_space<vmem_shared>> -> memref<10000x64xf32, #tpu.memory_space<vmem_shared>>
          tpu.enqueue_indirect_dma source(%dma_start3A_306 : memref<80x64xf32, #tpu.memory_space<vmem>>) target(%dma_start3A_312 : memref<10000x64xf32, #tpu.memory_space<vmem_shared>>) offsets(%dma_start3A_309 : memref<80xi32, #tpu.memory_space<vmem>>) semaphore(%arg17 : memref<!tpu.dma_semaphore, #tpu.memory_space<semaphore_mem>>) {add = true}
        } else {
        }
      } else {
      }
    }
    %scan3A_32 = arith.constant 125 : i32
    %dma_wait3A = arith.constant 0 : i32
    %dma_wait3A_33 = arith.constant 0 : i32
    %dma_wait3A_34 = arith.constant 0 : i32
    %dma_wait3A_35 = arith.constant 0 : i32
    %dma_wait3A_36 = arith.constant 0 : i32
    %dma_wait3A_37 = tpu.memref_slice %arg8[%dma_wait3A_34, %dma_wait3A_35, %dma_wait3A_36] : memref<4x80x64xf32, #tpu.memory_space<vmem>> -> memref<1x80x64xf32, #tpu.memory_space<vmem>>
    %dma_wait3A_38 = tpu.memref_squeeze %dma_wait3A_37 : memref<1x80x64xf32, #tpu.memory_space<vmem>> -> memref<80x64xf32, #tpu.memory_space<vmem>>
    %dma_wait3A_39 = arith.constant 0 : i32
    %dma_wait3A_40 = tpu.memref_slice %arg6[%dma_wait3A, %dma_wait3A_33, %dma_wait3A_39] : memref<5x25x80xi32, #tpu.memory_space<vmem>> -> memref<1x1x80xi32, #tpu.memory_space<vmem>>
    %dma_wait3A_41 = tpu.memref_squeeze %dma_wait3A_40 : memref<1x1x80xi32, #tpu.memory_space<vmem>> -> memref<80xi32, #tpu.memory_space<vmem>>
    %dma_wait3A_42 = arith.constant 0 : i32
    %dma_wait3A_43 = arith.constant 0 : i32
    %dma_wait3A_44 = tpu.memref_slice %arg10[%dma_wait3A_42, %dma_wait3A_43] : memref<10000x64xf32, #tpu.memory_space<vmem_shared>> -> memref<10000x64xf32, #tpu.memory_space<vmem_shared>>
    tpu.wait_indirect_dma semaphore(%arg11 : memref<!tpu.dma_semaphore, #tpu.memory_space<semaphore_mem>>) src(%dma_wait3A_44 : memref<10000x64xf32, #tpu.memory_space<vmem_shared>>) dst(%dma_wait3A_38 : memref<80x64xf32, #tpu.memory_space<vmem>>)
    %dma_start3A = arith.constant 0 : i32
    %dma_start3A_45 = arith.constant 4 : i32
    %dma_start3A_46 = arith.constant 24 : i32
    %dma_start3A_47 = arith.constant 0 : i32
    %dma_start3A_48 = arith.constant 0 : i32
    %dma_start3A_49 = tpu.memref_slice %arg8[%dma_start3A, %dma_start3A_47, %dma_start3A_48] : memref<4x80x64xf32, #tpu.memory_space<vmem>> -> memref<1x80x64xf32, #tpu.memory_space<vmem>>
    %dma_start3A_50 = tpu.memref_squeeze %dma_start3A_49 : memref<1x80x64xf32, #tpu.memory_space<vmem>> -> memref<80x64xf32, #tpu.memory_space<vmem>>
    %dma_start3A_51 = arith.constant 0 : i32
    %dma_start3A_52 = tpu.memref_slice %arg7[%dma_start3A_45, %dma_start3A_46, %dma_start3A_51] : memref<5x25x80xi32, #tpu.memory_space<vmem>> -> memref<1x1x80xi32, #tpu.memory_space<vmem>>
    %dma_start3A_53 = tpu.memref_squeeze %dma_start3A_52 : memref<1x1x80xi32, #tpu.memory_space<vmem>> -> memref<80xi32, #tpu.memory_space<vmem>>
    %dma_start3A_54 = arith.constant 0 : i32
    %dma_start3A_55 = arith.constant 0 : i32
    %dma_start3A_56 = tpu.memref_slice %arg9[%dma_start3A_54, %dma_start3A_55] : memref<10000x64xf32, #tpu.memory_space<vmem_shared>> -> memref<10000x64xf32, #tpu.memory_space<vmem_shared>>
    tpu.enqueue_indirect_dma source(%dma_start3A_50 : memref<80x64xf32, #tpu.memory_space<vmem>>) target(%dma_start3A_56 : memref<10000x64xf32, #tpu.memory_space<vmem_shared>>) offsets(%dma_start3A_53 : memref<80xi32, #tpu.memory_space<vmem>>) semaphore(%arg15 : memref<!tpu.dma_semaphore, #tpu.memory_space<semaphore_mem>>) {add = true}
    %dma_wait3A_57 = arith.constant 3 : i32
    %dma_wait3A_58 = arith.constant 0 : i32
    %dma_wait3A_59 = arith.constant 0 : i32
    %dma_wait3A_60 = arith.constant 0 : i32
    %dma_wait3A_61 = arith.constant 0 : i32
    %dma_wait3A_62 = tpu.memref_slice %arg8[%dma_wait3A_57, %dma_wait3A_60, %dma_wait3A_61] : memref<4x80x64xf32, #tpu.memory_space<vmem>> -> memref<1x80x64xf32, #tpu.memory_space<vmem>>
    %dma_wait3A_63 = tpu.memref_squeeze %dma_wait3A_62 : memref<1x80x64xf32, #tpu.memory_space<vmem>> -> memref<80x64xf32, #tpu.memory_space<vmem>>
    %dma_wait3A_64 = arith.constant 0 : i32
    %dma_wait3A_65 = tpu.memref_slice %arg7[%dma_wait3A_58, %dma_wait3A_59, %dma_wait3A_64] : memref<5x25x80xi32, #tpu.memory_space<vmem>> -> memref<1x1x80xi32, #tpu.memory_space<vmem>>
    %dma_wait3A_66 = tpu.memref_squeeze %dma_wait3A_65 : memref<1x1x80xi32, #tpu.memory_space<vmem>> -> memref<80xi32, #tpu.memory_space<vmem>>
    %dma_wait3A_67 = arith.constant 0 : i32
    %dma_wait3A_68 = arith.constant 0 : i32
    %dma_wait3A_69 = tpu.memref_slice %arg9[%dma_wait3A_67, %dma_wait3A_68] : memref<10000x64xf32, #tpu.memory_space<vmem_shared>> -> memref<10000x64xf32, #tpu.memory_space<vmem_shared>>
    tpu.wait_indirect_dma semaphore(%arg18 : memref<!tpu.dma_semaphore, #tpu.memory_space<semaphore_mem>>) src(%dma_wait3A_63 : memref<80x64xf32, #tpu.memory_space<vmem>>) dst(%dma_wait3A_69 : memref<10000x64xf32, #tpu.memory_space<vmem_shared>>)
    %dma_wait3A_70 = arith.constant 2 : i32
    %dma_wait3A_71 = arith.constant 0 : i32
    %dma_wait3A_72 = arith.constant 0 : i32
    %dma_wait3A_73 = arith.constant 0 : i32
    %dma_wait3A_74 = arith.constant 0 : i32
    %dma_wait3A_75 = tpu.memref_slice %arg8[%dma_wait3A_70, %dma_wait3A_73, %dma_wait3A_74] : memref<4x80x64xf32, #tpu.memory_space<vmem>> -> memref<1x80x64xf32, #tpu.memory_space<vmem>>
    %dma_wait3A_76 = tpu.memref_squeeze %dma_wait3A_75 : memref<1x80x64xf32, #tpu.memory_space<vmem>> -> memref<80x64xf32, #tpu.memory_space<vmem>>
    %dma_wait3A_77 = arith.constant 0 : i32
    %dma_wait3A_78 = tpu.memref_slice %arg7[%dma_wait3A_71, %dma_wait3A_72, %dma_wait3A_77] : memref<5x25x80xi32, #tpu.memory_space<vmem>> -> memref<1x1x80xi32, #tpu.memory_space<vmem>>
    %dma_wait3A_79 = tpu.memref_squeeze %dma_wait3A_78 : memref<1x1x80xi32, #tpu.memory_space<vmem>> -> memref<80xi32, #tpu.memory_space<vmem>>
    %dma_wait3A_80 = arith.constant 0 : i32
    %dma_wait3A_81 = arith.constant 0 : i32
    %dma_wait3A_82 = tpu.memref_slice %arg9[%dma_wait3A_80, %dma_wait3A_81] : memref<10000x64xf32, #tpu.memory_space<vmem_shared>> -> memref<10000x64xf32, #tpu.memory_space<vmem_shared>>
    tpu.wait_indirect_dma semaphore(%arg17 : memref<!tpu.dma_semaphore, #tpu.memory_space<semaphore_mem>>) src(%dma_wait3A_76 : memref<80x64xf32, #tpu.memory_space<vmem>>) dst(%dma_wait3A_82 : memref<10000x64xf32, #tpu.memory_space<vmem_shared>>)
    %dma_wait3A_83 = arith.constant 1 : i32
    %dma_wait3A_84 = arith.constant 0 : i32
    %dma_wait3A_85 = arith.constant 0 : i32
    %dma_wait3A_86 = arith.constant 0 : i32
    %dma_wait3A_87 = arith.constant 0 : i32
    %dma_wait3A_88 = tpu.memref_slice %arg8[%dma_wait3A_83, %dma_wait3A_86, %dma_wait3A_87] : memref<4x80x64xf32, #tpu.memory_space<vmem>> -> memref<1x80x64xf32, #tpu.memory_space<vmem>>
    %dma_wait3A_89 = tpu.memref_squeeze %dma_wait3A_88 : memref<1x80x64xf32, #tpu.memory_space<vmem>> -> memref<80x64xf32, #tpu.memory_space<vmem>>
    %dma_wait3A_90 = arith.constant 0 : i32
    %dma_wait3A_91 = tpu.memref_slice %arg7[%dma_wait3A_84, %dma_wait3A_85, %dma_wait3A_90] : memref<5x25x80xi32, #tpu.memory_space<vmem>> -> memref<1x1x80xi32, #tpu.memory_space<vmem>>
    %dma_wait3A_92 = tpu.memref_squeeze %dma_wait3A_91 : memref<1x1x80xi32, #tpu.memory_space<vmem>> -> memref<80xi32, #tpu.memory_space<vmem>>
    %dma_wait3A_93 = arith.constant 0 : i32
    %dma_wait3A_94 = arith.constant 0 : i32
    %dma_wait3A_95 = tpu.memref_slice %arg9[%dma_wait3A_93, %dma_wait3A_94] : memref<10000x64xf32, #tpu.memory_space<vmem_shared>> -> memref<10000x64xf32, #tpu.memory_space<vmem_shared>>
    tpu.wait_indirect_dma semaphore(%arg16 : memref<!tpu.dma_semaphore, #tpu.memory_space<semaphore_mem>>) src(%dma_wait3A_89 : memref<80x64xf32, #tpu.memory_space<vmem>>) dst(%dma_wait3A_95 : memref<10000x64xf32, #tpu.memory_space<vmem_shared>>)
    %dma_wait3A_96 = arith.constant 0 : i32
    %dma_wait3A_97 = arith.constant 0 : i32
    %dma_wait3A_98 = arith.constant 0 : i32
    %dma_wait3A_99 = arith.constant 0 : i32
    %dma_wait3A_100 = arith.constant 0 : i32
    %dma_wait3A_101 = tpu.memref_slice %arg8[%dma_wait3A_96, %dma_wait3A_99, %dma_wait3A_100] : memref<4x80x64xf32, #tpu.memory_space<vmem>> -> memref<1x80x64xf32, #tpu.memory_space<vmem>>
    %dma_wait3A_102 = tpu.memref_squeeze %dma_wait3A_101 : memref<1x80x64xf32, #tpu.memory_space<vmem>> -> memref<80x64xf32, #tpu.memory_space<vmem>>
    %dma_wait3A_103 = arith.constant 0 : i32
    %dma_wait3A_104 = tpu.memref_slice %arg7[%dma_wait3A_97, %dma_wait3A_98, %dma_wait3A_103] : memref<5x25x80xi32, #tpu.memory_space<vmem>> -> memref<1x1x80xi32, #tpu.memory_space<vmem>>
    %dma_wait3A_105 = tpu.memref_squeeze %dma_wait3A_104 : memref<1x1x80xi32, #tpu.memory_space<vmem>> -> memref<80xi32, #tpu.memory_space<vmem>>
    %dma_wait3A_106 = arith.constant 0 : i32
    %dma_wait3A_107 = arith.constant 0 : i32
    %dma_wait3A_108 = tpu.memref_slice %arg9[%dma_wait3A_106, %dma_wait3A_107] : memref<10000x64xf32, #tpu.memory_space<vmem_shared>> -> memref<10000x64xf32, #tpu.memory_space<vmem_shared>>
    tpu.wait_indirect_dma semaphore(%arg15 : memref<!tpu.dma_semaphore, #tpu.memory_space<semaphore_mem>>) src(%dma_wait3A_102 : memref<80x64xf32, #tpu.memory_space<vmem>>) dst(%dma_wait3A_108 : memref<10000x64xf32, #tpu.memory_space<vmem_shared>>)
    %barrier3A_109 = arith.constant 0 : index
    tpu.barrier barrier_id(%barrier3A_109)
    %mul3A_110 = arith.constant 625 : i32
    %mul3A_111 = arith.muli %arg1, %mul3A_110 : i32
    %mul3A_112 = arith.constant 625 : i32
    %mul3A_113 = arith.muli %arg1, %mul3A_112 : i32
    "tpu.region"() ({
      %run_scoped3A_114 = tpu.sem_alloc : memref<!tpu.dma_semaphore, #tpu.memory_space<semaphore_mem>>
      %dma_start3A_115 = arith.constant 0 : i32
      %dma_start3A_116 = tpu.memref_slice %arg5[%arg0, %mul3A_113, %dma_start3A_115] : memref<2x10000x64xf32, #tpu.memory_space<hbm>> -> memref<1x625x64xf32, #tpu.memory_space<hbm>>
      %dma_start3A_117 = tpu.memref_squeeze %dma_start3A_116 : memref<1x625x64xf32, #tpu.memory_space<hbm>> -> memref<625x64xf32, #tpu.memory_space<hbm>>
      %dma_start3A_118 = arith.constant 0 : i32
      %dma_start3A_119 = tpu.memref_slice %arg9[%mul3A_111, %dma_start3A_118] : memref<10000x64xf32, #tpu.memory_space<vmem_shared>> -> memref<625x64xf32, #tpu.memory_space<vmem_shared>>
      tpu.enqueue_dma source(%dma_start3A_119 : memref<625x64xf32, #tpu.memory_space<vmem_shared>>) target(%dma_start3A_117 : memref<625x64xf32, #tpu.memory_space<hbm>>) target_semaphore(%run_scoped3A_114 : memref<!tpu.dma_semaphore, #tpu.memory_space<semaphore_mem>>)
      %dma_wait3A_120 = arith.constant 0 : i32
      %dma_wait3A_121 = tpu.memref_slice %arg5[%arg0, %mul3A_113, %dma_wait3A_120] : memref<2x10000x64xf32, #tpu.memory_space<hbm>> -> memref<1x625x64xf32, #tpu.memory_space<hbm>>
      %dma_wait3A_122 = tpu.memref_squeeze %dma_wait3A_121 : memref<1x625x64xf32, #tpu.memory_space<hbm>> -> memref<625x64xf32, #tpu.memory_space<hbm>>
      %dma_wait3A_123 = arith.constant 0 : i32
      %dma_wait3A_124 = tpu.memref_slice %arg9[%mul3A_111, %dma_wait3A_123] : memref<10000x64xf32, #tpu.memory_space<vmem_shared>> -> memref<625x64xf32, #tpu.memory_space<vmem_shared>>
      tpu.wait_dma2 semaphore(%run_scoped3A_114 : memref<!tpu.dma_semaphore, #tpu.memory_space<semaphore_mem>>) src(%dma_wait3A_124 : memref<625x64xf32, #tpu.memory_space<vmem_shared>>) dst(%dma_wait3A_122 : memref<625x64xf32, #tpu.memory_space<hbm>>)
      tpu.yield
    }) : () -> ()
    return
  }
}

#map = affine_map<(d0, d1) -> (0, 0)>
#map1 = affine_map<(d0, d1) -> (0, 0, 0, 0)>
#map2 = affine_map<(d0, d1) -> (0, 0, 0)>
module attributes {stable_mosaic.version = 14 : i64} {
  func.func @_layer_body(%arg0: i32, %arg1: i32, %arg2: memref<10000x64xf32, #tpu.memory_space<hbm>>, %arg3: memref<32x5x25x80xi32, #tpu.memory_space<hbm>>, %arg4: memref<32x5x25x80xi32, #tpu.memory_space<hbm>>, %arg5: memref<2x10000x64xf32, #tpu.memory_space<hbm>>, %arg6: memref<5x25x80xi32, #tpu.memory_space<vmem>>, %arg7: memref<5x25x80xi32, #tpu.memory_space<vmem>>, %arg8: memref<4x80x64xf32, #tpu.memory_space<vmem>>, %arg9: memref<10000x64xf32, #tpu.memory_space<vmem_shared>>, %arg10: memref<10000x64xf32, #tpu.memory_space<vmem_shared>>, %arg11: memref<!tpu.dma_semaphore, #tpu.memory_space<semaphore_mem>>, %arg12: memref<!tpu.dma_semaphore, #tpu.memory_space<semaphore_mem>>, %arg13: memref<!tpu.dma_semaphore, #tpu.memory_space<semaphore_mem>>, %arg14: memref<!tpu.dma_semaphore, #tpu.memory_space<semaphore_mem>>, %arg15: memref<!tpu.dma_semaphore, #tpu.memory_space<semaphore_mem>>, %arg16: memref<!tpu.dma_semaphore, #tpu.memory_space<semaphore_mem>>, %arg17: memref<!tpu.dma_semaphore, #tpu.memory_space<semaphore_mem>>, %arg18: memref<!tpu.dma_semaphore, #tpu.memory_space<semaphore_mem>>) attributes {dimension_semantics = [#tpu.dimension_semantics<core_parallel>, #tpu.dimension_semantics<subcore_parallel>], iteration_bounds = array<i64: 2, 16>, scalar_prefetch = 0 : i64, scratch_operands = 13 : i64, tpu.core_type = #tpu.core_type<sc_vector_subcore>, window_params = [{transform_indices = #map}, {transform_indices = #map1}, {transform_indices = #map1}, {transform_indices = #map2}]} {
    %mul3A = arith.constant 16 : i32
    %mul3A_0 = arith.muli %arg0, %mul3A : i32
    %add3A = arith.addi %mul3A_0, %arg1 : i32
    %mul3A_1 = arith.constant 625 : i32
    %mul3A_2 = arith.muli %arg1, %mul3A_1 : i32
    %mul3A_3 = arith.constant 625 : i32
    %mul3A_4 = arith.muli %arg1, %mul3A_3 : i32
    "tpu.region"() ({
      %run_scoped3A_114 = tpu.sem_alloc : memref<!tpu.dma_semaphore, #tpu.memory_space<semaphore_mem>>
      %dma_start3A_115 = arith.constant 0 : i32
      %dma_start3A_116 = tpu.memref_slice %arg9[%mul3A_4, %dma_start3A_115] : memref<10000x64xf32, #tpu.memory_space<vmem_shared>> -> memref<625x64xf32, #tpu.memory_space<vmem_shared>>
      %dma_start3A_117 = arith.constant 0 : i32
      %dma_start3A_118 = tpu.memref_slice %arg2[%mul3A_2, %dma_start3A_117] : memref<10000x64xf32, #tpu.memory_space<hbm>> -> memref<625x64xf32, #tpu.memory_space<hbm>>
      tpu.enqueue_dma source(%dma_start3A_118 : memref<625x64xf32, #tpu.memory_space<hbm>>) target(%dma_start3A_116 : memref<625x64xf32, #tpu.memory_space<vmem_shared>>) target_semaphore(%run_scoped3A_114 : memref<!tpu.dma_semaphore, #tpu.memory_space<semaphore_mem>>)
      %dma_wait3A_119 = arith.constant 0 : i32
      %dma_wait3A_120 = tpu.memref_slice %arg9[%mul3A_4, %dma_wait3A_119] : memref<10000x64xf32, #tpu.memory_space<vmem_shared>> -> memref<625x64xf32, #tpu.memory_space<vmem_shared>>
      %dma_wait3A_121 = arith.constant 0 : i32
      %dma_wait3A_122 = tpu.memref_slice %arg2[%mul3A_2, %dma_wait3A_121] : memref<10000x64xf32, #tpu.memory_space<hbm>> -> memref<625x64xf32, #tpu.memory_space<hbm>>
      tpu.wait_dma2 semaphore(%run_scoped3A_114 : memref<!tpu.dma_semaphore, #tpu.memory_space<semaphore_mem>>) src(%dma_wait3A_122 : memref<625x64xf32, #tpu.memory_space<hbm>>) dst(%dma_wait3A_120 : memref<625x64xf32, #tpu.memory_space<vmem_shared>>)
      tpu.yield
    }) : () -> ()
    %mul3A_5 = arith.constant 625 : i32
    %mul3A_6 = arith.muli %arg1, %mul3A_5 : i32
    %mul3A_7 = arith.constant 625 : i32
    %mul3A_8 = arith.muli %arg1, %mul3A_7 : i32
    "tpu.region"() ({
      %run_scoped3A_114 = tpu.sem_alloc : memref<!tpu.dma_semaphore, #tpu.memory_space<semaphore_mem>>
      %dma_start3A_115 = arith.constant 0 : i32
      %dma_start3A_116 = tpu.memref_slice %arg10[%mul3A_8, %dma_start3A_115] : memref<10000x64xf32, #tpu.memory_space<vmem_shared>> -> memref<625x64xf32, #tpu.memory_space<vmem_shared>>
      %dma_start3A_117 = arith.constant 0 : i32
      %dma_start3A_118 = tpu.memref_slice %arg2[%mul3A_6, %dma_start3A_117] : memref<10000x64xf32, #tpu.memory_space<hbm>> -> memref<625x64xf32, #tpu.memory_space<hbm>>
      tpu.enqueue_dma source(%dma_start3A_118 : memref<625x64xf32, #tpu.memory_space<hbm>>) target(%dma_start3A_116 : memref<625x64xf32, #tpu.memory_space<vmem_shared>>) target_semaphore(%run_scoped3A_114 : memref<!tpu.dma_semaphore, #tpu.memory_space<semaphore_mem>>)
      %dma_wait3A_119 = arith.constant 0 : i32
      %dma_wait3A_120 = tpu.memref_slice %arg10[%mul3A_8, %dma_wait3A_119] : memref<10000x64xf32, #tpu.memory_space<vmem_shared>> -> memref<625x64xf32, #tpu.memory_space<vmem_shared>>
      %dma_wait3A_121 = arith.constant 0 : i32
      %dma_wait3A_122 = tpu.memref_slice %arg2[%mul3A_6, %dma_wait3A_121] : memref<10000x64xf32, #tpu.memory_space<hbm>> -> memref<625x64xf32, #tpu.memory_space<hbm>>
      tpu.wait_dma2 semaphore(%run_scoped3A_114 : memref<!tpu.dma_semaphore, #tpu.memory_space<semaphore_mem>>) src(%dma_wait3A_122 : memref<625x64xf32, #tpu.memory_space<hbm>>) dst(%dma_wait3A_120 : memref<625x64xf32, #tpu.memory_space<vmem_shared>>)
      tpu.yield
    }) : () -> ()
    %run_scoped3A = arith.constant 0 : i32
    %run_scoped3A_9 = arith.constant 0 : i32
    "tpu.region"() ({
      %run_scoped3A_114 = tpu.sem_alloc : memref<!tpu.dma_semaphore, #tpu.memory_space<semaphore_mem>>
      %dma_start3A_115 = arith.constant 0 : i32
      %dma_start3A_116 = arith.constant 0 : i32
      %dma_start3A_117 = tpu.memref_slice %arg6[%run_scoped3A_9, %dma_start3A_115, %dma_start3A_116] : memref<5x25x80xi32, #tpu.memory_space<vmem>> -> memref<1x25x80xi32, #tpu.memory_space<vmem>>
      %dma_start3A_118 = tpu.memref_squeeze %dma_start3A_117 : memref<1x25x80xi32, #tpu.memory_space<vmem>> -> memref<25x80xi32, #tpu.memory_space<vmem>>
      %dma_start3A_119 = arith.constant 0 : i32
      %dma_start3A_120 = arith.constant 0 : i32
      %dma_start3A_121 = tpu.memref_slice %arg3[%add3A, %run_scoped3A, %dma_start3A_119, %dma_start3A_120] : memref<32x5x25x80xi32, #tpu.memory_space<hbm>> -> memref<1x1x25x80xi32, #tpu.memory_space<hbm>>
      %dma_start3A_122 = tpu.memref_squeeze %dma_start3A_121 : memref<1x1x25x80xi32, #tpu.memory_space<hbm>> -> memref<25x80xi32, #tpu.memory_space<hbm>>
      %dma_start3A_123 = arith.constant 0 : i32
      %dma_start3A_124 = arith.constant 0 : i32
      %dma_start3A_125 = tpu.memref_slice %arg6[%run_scoped3A_9, %dma_start3A_123, %dma_start3A_124] : memref<5x25x80xi32, #tpu.memory_space<vmem>> -> memref<1x25x80xi32, #tpu.memory_space<vmem>>
      %dma_start3A_126 = tpu.memref_squeeze %dma_start3A_125 : memref<1x25x80xi32, #tpu.memory_space<vmem>> -> memref<25x80xi32, #tpu.memory_space<vmem>>
      %dma_start3A_127 = arith.constant 0 : i32
      %dma_start3A_128 = arith.constant 0 : i32
      %dma_start3A_129 = tpu.memref_slice %arg3[%add3A, %run_scoped3A, %dma_start3A_127, %dma_start3A_128] : memref<32x5x25x80xi32, #tpu.memory_space<hbm>> -> memref<1x1x25x80xi32, #tpu.memory_space<hbm>>
      %dma_start3A_130 = tpu.memref_squeeze %dma_start3A_129 : memref<1x1x25x80xi32, #tpu.memory_space<hbm>> -> memref<25x80xi32, #tpu.memory_space<hbm>>
      tpu.enqueue_dma source(%dma_start3A_130 : memref<25x80xi32, #tpu.memory_space<hbm>>) target(%dma_start3A_126 : memref<25x80xi32, #tpu.memory_space<vmem>>) target_semaphore(%run_scoped3A_114 : memref<!tpu.dma_semaphore, #tpu.memory_space<semaphore_mem>>)
      %dma_wait3A_131 = arith.constant 0 : i32
      %dma_wait3A_132 = arith.constant 0 : i32
      %dma_wait3A_133 = tpu.memref_slice %arg6[%run_scoped3A_9, %dma_wait3A_131, %dma_wait3A_132] : memref<5x25x80xi32, #tpu.memory_space<vmem>> -> memref<1x25x80xi32, #tpu.memory_space<vmem>>
      %dma_wait3A_134 = tpu.memref_squeeze %dma_wait3A_133 : memref<1x25x80xi32, #tpu.memory_space<vmem>> -> memref<25x80xi32, #tpu.memory_space<vmem>>
      %dma_wait3A_135 = arith.constant 0 : i32
      %dma_wait3A_136 = arith.constant 0 : i32
      %dma_wait3A_137 = tpu.memref_slice %arg3[%add3A, %run_scoped3A, %dma_wait3A_135, %dma_wait3A_136] : memref<32x5x25x80xi32, #tpu.memory_space<hbm>> -> memref<1x1x25x80xi32, #tpu.memory_space<hbm>>
      %dma_wait3A_138 = tpu.memref_squeeze %dma_wait3A_137 : memref<1x1x25x80xi32, #tpu.memory_space<hbm>> -> memref<25x80xi32, #tpu.memory_space<hbm>>
      %dma_wait3A_139 = arith.constant 0 : i32
      %dma_wait3A_140 = arith.constant 0 : i32
      %dma_wait3A_141 = tpu.memref_slice %arg6[%run_scoped3A_9, %dma_wait3A_139, %dma_wait3A_140] : memref<5x25x80xi32, #tpu.memory_space<vmem>> -> memref<1x25x80xi32, #tpu.memory_space<vmem>>
      %dma_wait3A_142 = tpu.memref_squeeze %dma_wait3A_141 : memref<1x25x80xi32, #tpu.memory_space<vmem>> -> memref<25x80xi32, #tpu.memory_space<vmem>>
      %dma_wait3A_143 = arith.constant 0 : i32
      %dma_wait3A_144 = arith.constant 0 : i32
      %dma_wait3A_145 = tpu.memref_slice %arg3[%add3A, %run_scoped3A, %dma_wait3A_143, %dma_wait3A_144] : memref<32x5x25x80xi32, #tpu.memory_space<hbm>> -> memref<1x1x25x80xi32, #tpu.memory_space<hbm>>
      %dma_wait3A_146 = tpu.memref_squeeze %dma_wait3A_145 : memref<1x1x25x80xi32, #tpu.memory_space<hbm>> -> memref<25x80xi32, #tpu.memory_space<hbm>>
      tpu.wait_dma2 semaphore(%run_scoped3A_114 : memref<!tpu.dma_semaphore, #tpu.memory_space<semaphore_mem>>) src(%dma_wait3A_146 : memref<25x80xi32, #tpu.memory_space<hbm>>) dst(%dma_wait3A_142 : memref<25x80xi32, #tpu.memory_space<vmem>>)
      tpu.yield
    }) : () -> ()
    %run_scoped3A_10 = arith.constant 0 : i32
    %run_scoped3A_11 = arith.constant 0 : i32
    "tpu.region"() ({
      %run_scoped3A_114 = tpu.sem_alloc : memref<!tpu.dma_semaphore, #tpu.memory_space<semaphore_mem>>
      %dma_start3A_115 = arith.constant 0 : i32
      %dma_start3A_116 = arith.constant 0 : i32
      %dma_start3A_117 = tpu.memref_slice %arg7[%run_scoped3A_11, %dma_start3A_115, %dma_start3A_116] : memref<5x25x80xi32, #tpu.memory_space<vmem>> -> memref<1x25x80xi32, #tpu.memory_space<vmem>>
      %dma_start3A_118 = tpu.memref_squeeze %dma_start3A_117 : memref<1x25x80xi32, #tpu.memory_space<vmem>> -> memref<25x80xi32, #tpu.memory_space<vmem>>
      %dma_start3A_119 = arith.constant 0 : i32
      %dma_start3A_120 = arith.constant 0 : i32
      %dma_start3A_121 = tpu.memref_slice %arg4[%add3A, %run_scoped3A_10, %dma_start3A_119, %dma_start3A_120] : memref<32x5x25x80xi32, #tpu.memory_space<hbm>> -> memref<1x1x25x80xi32, #tpu.memory_space<hbm>>
      %dma_start3A_122 = tpu.memref_squeeze %dma_start3A_121 : memref<1x1x25x80xi32, #tpu.memory_space<hbm>> -> memref<25x80xi32, #tpu.memory_space<hbm>>
      %dma_start3A_123 = arith.constant 0 : i32
      %dma_start3A_124 = arith.constant 0 : i32
      %dma_start3A_125 = tpu.memref_slice %arg7[%run_scoped3A_11, %dma_start3A_123, %dma_start3A_124] : memref<5x25x80xi32, #tpu.memory_space<vmem>> -> memref<1x25x80xi32, #tpu.memory_space<vmem>>
      %dma_start3A_126 = tpu.memref_squeeze %dma_start3A_125 : memref<1x25x80xi32, #tpu.memory_space<vmem>> -> memref<25x80xi32, #tpu.memory_space<vmem>>
      %dma_start3A_127 = arith.constant 0 : i32
      %dma_start3A_128 = arith.constant 0 : i32
      %dma_start3A_129 = tpu.memref_slice %arg4[%add3A, %run_scoped3A_10, %dma_start3A_127, %dma_start3A_128] : memref<32x5x25x80xi32, #tpu.memory_space<hbm>> -> memref<1x1x25x80xi32, #tpu.memory_space<hbm>>
      %dma_start3A_130 = tpu.memref_squeeze %dma_start3A_129 : memref<1x1x25x80xi32, #tpu.memory_space<hbm>> -> memref<25x80xi32, #tpu.memory_space<hbm>>
      tpu.enqueue_dma source(%dma_start3A_130 : memref<25x80xi32, #tpu.memory_space<hbm>>) target(%dma_start3A_126 : memref<25x80xi32, #tpu.memory_space<vmem>>) target_semaphore(%run_scoped3A_114 : memref<!tpu.dma_semaphore, #tpu.memory_space<semaphore_mem>>)
      %dma_wait3A_131 = arith.constant 0 : i32
      %dma_wait3A_132 = arith.constant 0 : i32
      %dma_wait3A_133 = tpu.memref_slice %arg7[%run_scoped3A_11, %dma_wait3A_131, %dma_wait3A_132] : memref<5x25x80xi32, #tpu.memory_space<vmem>> -> memref<1x25x80xi32, #tpu.memory_space<vmem>>
      %dma_wait3A_134 = tpu.memref_squeeze %dma_wait3A_133 : memref<1x25x80xi32, #tpu.memory_space<vmem>> -> memref<25x80xi32, #tpu.memory_space<vmem>>
      %dma_wait3A_135 = arith.constant 0 : i32
      %dma_wait3A_136 = arith.constant 0 : i32
      %dma_wait3A_137 = tpu.memref_slice %arg4[%add3A, %run_scoped3A_10, %dma_wait3A_135, %dma_wait3A_136] : memref<32x5x25x80xi32, #tpu.memory_space<hbm>> -> memref<1x1x25x80xi32, #tpu.memory_space<hbm>>
      %dma_wait3A_138 = tpu.memref_squeeze %dma_wait3A_137 : memref<1x1x25x80xi32, #tpu.memory_space<hbm>> -> memref<25x80xi32, #tpu.memory_space<hbm>>
      %dma_wait3A_139 = arith.constant 0 : i32
      %dma_wait3A_140 = arith.constant 0 : i32
      %dma_wait3A_141 = tpu.memref_slice %arg7[%run_scoped3A_11, %dma_wait3A_139, %dma_wait3A_140] : memref<5x25x80xi32, #tpu.memory_space<vmem>> -> memref<1x25x80xi32, #tpu.memory_space<vmem>>
      %dma_wait3A_142 = tpu.memref_squeeze %dma_wait3A_141 : memref<1x25x80xi32, #tpu.memory_space<vmem>> -> memref<25x80xi32, #tpu.memory_space<vmem>>
      %dma_wait3A_143 = arith.constant 0 : i32
      %dma_wait3A_144 = arith.constant 0 : i32
      %dma_wait3A_145 = tpu.memref_slice %arg4[%add3A, %run_scoped3A_10, %dma_wait3A_143, %dma_wait3A_144] : memref<32x5x25x80xi32, #tpu.memory_space<hbm>> -> memref<1x1x25x80xi32, #tpu.memory_space<hbm>>
      %dma_wait3A_146 = tpu.memref_squeeze %dma_wait3A_145 : memref<1x1x25x80xi32, #tpu.memory_space<hbm>> -> memref<25x80xi32, #tpu.memory_space<hbm>>
      tpu.wait_dma2 semaphore(%run_scoped3A_114 : memref<!tpu.dma_semaphore, #tpu.memory_space<semaphore_mem>>) src(%dma_wait3A_146 : memref<25x80xi32, #tpu.memory_space<hbm>>) dst(%dma_wait3A_142 : memref<25x80xi32, #tpu.memory_space<vmem>>)
      tpu.yield
    }) : () -> ()
    %run_scoped3A_12 = arith.constant 1 : i32
    %run_scoped3A_13 = arith.constant 1 : i32
    "tpu.region"() ({
      %run_scoped3A_114 = tpu.sem_alloc : memref<!tpu.dma_semaphore, #tpu.memory_space<semaphore_mem>>
      %dma_start3A_115 = arith.constant 0 : i32
      %dma_start3A_116 = arith.constant 0 : i32
      %dma_start3A_117 = tpu.memref_slice %arg6[%run_scoped3A_13, %dma_start3A_115, %dma_start3A_116] : memref<5x25x80xi32, #tpu.memory_space<vmem>> -> memref<1x25x80xi32, #tpu.memory_space<vmem>>
      %dma_start3A_118 = tpu.memref_squeeze %dma_start3A_117 : memref<1x25x80xi32, #tpu.memory_space<vmem>> -> memref<25x80xi32, #tpu.memory_space<vmem>>
      %dma_start3A_119 = arith.constant 0 : i32
      %dma_start3A_120 = arith.constant 0 : i32
      %dma_start3A_121 = tpu.memref_slice %arg3[%add3A, %run_scoped3A_12, %dma_start3A_119, %dma_start3A_120] : memref<32x5x25x80xi32, #tpu.memory_space<hbm>> -> memref<1x1x25x80xi32, #tpu.memory_space<hbm>>
      %dma_start3A_122 = tpu.memref_squeeze %dma_start3A_121 : memref<1x1x25x80xi32, #tpu.memory_space<hbm>> -> memref<25x80xi32, #tpu.memory_space<hbm>>
      %dma_start3A_123 = arith.constant 0 : i32
      %dma_start3A_124 = arith.constant 0 : i32
      %dma_start3A_125 = tpu.memref_slice %arg6[%run_scoped3A_13, %dma_start3A_123, %dma_start3A_124] : memref<5x25x80xi32, #tpu.memory_space<vmem>> -> memref<1x25x80xi32, #tpu.memory_space<vmem>>
      %dma_start3A_126 = tpu.memref_squeeze %dma_start3A_125 : memref<1x25x80xi32, #tpu.memory_space<vmem>> -> memref<25x80xi32, #tpu.memory_space<vmem>>
      %dma_start3A_127 = arith.constant 0 : i32
      %dma_start3A_128 = arith.constant 0 : i32
      %dma_start3A_129 = tpu.memref_slice %arg3[%add3A, %run_scoped3A_12, %dma_start3A_127, %dma_start3A_128] : memref<32x5x25x80xi32, #tpu.memory_space<hbm>> -> memref<1x1x25x80xi32, #tpu.memory_space<hbm>>
      %dma_start3A_130 = tpu.memref_squeeze %dma_start3A_129 : memref<1x1x25x80xi32, #tpu.memory_space<hbm>> -> memref<25x80xi32, #tpu.memory_space<hbm>>
      tpu.enqueue_dma source(%dma_start3A_130 : memref<25x80xi32, #tpu.memory_space<hbm>>) target(%dma_start3A_126 : memref<25x80xi32, #tpu.memory_space<vmem>>) target_semaphore(%run_scoped3A_114 : memref<!tpu.dma_semaphore, #tpu.memory_space<semaphore_mem>>)
      %dma_wait3A_131 = arith.constant 0 : i32
      %dma_wait3A_132 = arith.constant 0 : i32
      %dma_wait3A_133 = tpu.memref_slice %arg6[%run_scoped3A_13, %dma_wait3A_131, %dma_wait3A_132] : memref<5x25x80xi32, #tpu.memory_space<vmem>> -> memref<1x25x80xi32, #tpu.memory_space<vmem>>
      %dma_wait3A_134 = tpu.memref_squeeze %dma_wait3A_133 : memref<1x25x80xi32, #tpu.memory_space<vmem>> -> memref<25x80xi32, #tpu.memory_space<vmem>>
      %dma_wait3A_135 = arith.constant 0 : i32
      %dma_wait3A_136 = arith.constant 0 : i32
      %dma_wait3A_137 = tpu.memref_slice %arg3[%add3A, %run_scoped3A_12, %dma_wait3A_135, %dma_wait3A_136] : memref<32x5x25x80xi32, #tpu.memory_space<hbm>> -> memref<1x1x25x80xi32, #tpu.memory_space<hbm>>
      %dma_wait3A_138 = tpu.memref_squeeze %dma_wait3A_137 : memref<1x1x25x80xi32, #tpu.memory_space<hbm>> -> memref<25x80xi32, #tpu.memory_space<hbm>>
      %dma_wait3A_139 = arith.constant 0 : i32
      %dma_wait3A_140 = arith.constant 0 : i32
      %dma_wait3A_141 = tpu.memref_slice %arg6[%run_scoped3A_13, %dma_wait3A_139, %dma_wait3A_140] : memref<5x25x80xi32, #tpu.memory_space<vmem>> -> memref<1x25x80xi32, #tpu.memory_space<vmem>>
      %dma_wait3A_142 = tpu.memref_squeeze %dma_wait3A_141 : memref<1x25x80xi32, #tpu.memory_space<vmem>> -> memref<25x80xi32, #tpu.memory_space<vmem>>
      %dma_wait3A_143 = arith.constant 0 : i32
      %dma_wait3A_144 = arith.constant 0 : i32
      %dma_wait3A_145 = tpu.memref_slice %arg3[%add3A, %run_scoped3A_12, %dma_wait3A_143, %dma_wait3A_144] : memref<32x5x25x80xi32, #tpu.memory_space<hbm>> -> memref<1x1x25x80xi32, #tpu.memory_space<hbm>>
      %dma_wait3A_146 = tpu.memref_squeeze %dma_wait3A_145 : memref<1x1x25x80xi32, #tpu.memory_space<hbm>> -> memref<25x80xi32, #tpu.memory_space<hbm>>
      tpu.wait_dma2 semaphore(%run_scoped3A_114 : memref<!tpu.dma_semaphore, #tpu.memory_space<semaphore_mem>>) src(%dma_wait3A_146 : memref<25x80xi32, #tpu.memory_space<hbm>>) dst(%dma_wait3A_142 : memref<25x80xi32, #tpu.memory_space<vmem>>)
      tpu.yield
    }) : () -> ()
    %run_scoped3A_14 = arith.constant 1 : i32
    %run_scoped3A_15 = arith.constant 1 : i32
    "tpu.region"() ({
      %run_scoped3A_114 = tpu.sem_alloc : memref<!tpu.dma_semaphore, #tpu.memory_space<semaphore_mem>>
      %dma_start3A_115 = arith.constant 0 : i32
      %dma_start3A_116 = arith.constant 0 : i32
      %dma_start3A_117 = tpu.memref_slice %arg7[%run_scoped3A_15, %dma_start3A_115, %dma_start3A_116] : memref<5x25x80xi32, #tpu.memory_space<vmem>> -> memref<1x25x80xi32, #tpu.memory_space<vmem>>
      %dma_start3A_118 = tpu.memref_squeeze %dma_start3A_117 : memref<1x25x80xi32, #tpu.memory_space<vmem>> -> memref<25x80xi32, #tpu.memory_space<vmem>>
      %dma_start3A_119 = arith.constant 0 : i32
      %dma_start3A_120 = arith.constant 0 : i32
      %dma_start3A_121 = tpu.memref_slice %arg4[%add3A, %run_scoped3A_14, %dma_start3A_119, %dma_start3A_120] : memref<32x5x25x80xi32, #tpu.memory_space<hbm>> -> memref<1x1x25x80xi32, #tpu.memory_space<hbm>>
      %dma_start3A_122 = tpu.memref_squeeze %dma_start3A_121 : memref<1x1x25x80xi32, #tpu.memory_space<hbm>> -> memref<25x80xi32, #tpu.memory_space<hbm>>
      %dma_start3A_123 = arith.constant 0 : i32
      %dma_start3A_124 = arith.constant 0 : i32
      %dma_start3A_125 = tpu.memref_slice %arg7[%run_scoped3A_15, %dma_start3A_123, %dma_start3A_124] : memref<5x25x80xi32, #tpu.memory_space<vmem>> -> memref<1x25x80xi32, #tpu.memory_space<vmem>>
      %dma_start3A_126 = tpu.memref_squeeze %dma_start3A_125 : memref<1x25x80xi32, #tpu.memory_space<vmem>> -> memref<25x80xi32, #tpu.memory_space<vmem>>
      %dma_start3A_127 = arith.constant 0 : i32
      %dma_start3A_128 = arith.constant 0 : i32
      %dma_start3A_129 = tpu.memref_slice %arg4[%add3A, %run_scoped3A_14, %dma_start3A_127, %dma_start3A_128] : memref<32x5x25x80xi32, #tpu.memory_space<hbm>> -> memref<1x1x25x80xi32, #tpu.memory_space<hbm>>
      %dma_start3A_130 = tpu.memref_squeeze %dma_start3A_129 : memref<1x1x25x80xi32, #tpu.memory_space<hbm>> -> memref<25x80xi32, #tpu.memory_space<hbm>>
      tpu.enqueue_dma source(%dma_start3A_130 : memref<25x80xi32, #tpu.memory_space<hbm>>) target(%dma_start3A_126 : memref<25x80xi32, #tpu.memory_space<vmem>>) target_semaphore(%run_scoped3A_114 : memref<!tpu.dma_semaphore, #tpu.memory_space<semaphore_mem>>)
      %dma_wait3A_131 = arith.constant 0 : i32
      %dma_wait3A_132 = arith.constant 0 : i32
      %dma_wait3A_133 = tpu.memref_slice %arg7[%run_scoped3A_15, %dma_wait3A_131, %dma_wait3A_132] : memref<5x25x80xi32, #tpu.memory_space<vmem>> -> memref<1x25x80xi32, #tpu.memory_space<vmem>>
      %dma_wait3A_134 = tpu.memref_squeeze %dma_wait3A_133 : memref<1x25x80xi32, #tpu.memory_space<vmem>> -> memref<25x80xi32, #tpu.memory_space<vmem>>
      %dma_wait3A_135 = arith.constant 0 : i32
      %dma_wait3A_136 = arith.constant 0 : i32
      %dma_wait3A_137 = tpu.memref_slice %arg4[%add3A, %run_scoped3A_14, %dma_wait3A_135, %dma_wait3A_136] : memref<32x5x25x80xi32, #tpu.memory_space<hbm>> -> memref<1x1x25x80xi32, #tpu.memory_space<hbm>>
      %dma_wait3A_138 = tpu.memref_squeeze %dma_wait3A_137 : memref<1x1x25x80xi32, #tpu.memory_space<hbm>> -> memref<25x80xi32, #tpu.memory_space<hbm>>
      %dma_wait3A_139 = arith.constant 0 : i32
      %dma_wait3A_140 = arith.constant 0 : i32
      %dma_wait3A_141 = tpu.memref_slice %arg7[%run_scoped3A_15, %dma_wait3A_139, %dma_wait3A_140] : memref<5x25x80xi32, #tpu.memory_space<vmem>> -> memref<1x25x80xi32, #tpu.memory_space<vmem>>
      %dma_wait3A_142 = tpu.memref_squeeze %dma_wait3A_141 : memref<1x25x80xi32, #tpu.memory_space<vmem>> -> memref<25x80xi32, #tpu.memory_space<vmem>>
      %dma_wait3A_143 = arith.constant 0 : i32
      %dma_wait3A_144 = arith.constant 0 : i32
      %dma_wait3A_145 = tpu.memref_slice %arg4[%add3A, %run_scoped3A_14, %dma_wait3A_143, %dma_wait3A_144] : memref<32x5x25x80xi32, #tpu.memory_space<hbm>> -> memref<1x1x25x80xi32, #tpu.memory_space<hbm>>
      %dma_wait3A_146 = tpu.memref_squeeze %dma_wait3A_145 : memref<1x1x25x80xi32, #tpu.memory_space<hbm>> -> memref<25x80xi32, #tpu.memory_space<hbm>>
      tpu.wait_dma2 semaphore(%run_scoped3A_114 : memref<!tpu.dma_semaphore, #tpu.memory_space<semaphore_mem>>) src(%dma_wait3A_146 : memref<25x80xi32, #tpu.memory_space<hbm>>) dst(%dma_wait3A_142 : memref<25x80xi32, #tpu.memory_space<vmem>>)
      tpu.yield
    }) : () -> ()
    %run_scoped3A_16 = arith.constant 2 : i32
    %run_scoped3A_17 = arith.constant 2 : i32
    "tpu.region"() ({
      %run_scoped3A_114 = tpu.sem_alloc : memref<!tpu.dma_semaphore, #tpu.memory_space<semaphore_mem>>
      %dma_start3A_115 = arith.constant 0 : i32
      %dma_start3A_116 = arith.constant 0 : i32
      %dma_start3A_117 = tpu.memref_slice %arg6[%run_scoped3A_17, %dma_start3A_115, %dma_start3A_116] : memref<5x25x80xi32, #tpu.memory_space<vmem>> -> memref<1x25x80xi32, #tpu.memory_space<vmem>>
      %dma_start3A_118 = tpu.memref_squeeze %dma_start3A_117 : memref<1x25x80xi32, #tpu.memory_space<vmem>> -> memref<25x80xi32, #tpu.memory_space<vmem>>
      %dma_start3A_119 = arith.constant 0 : i32
      %dma_start3A_120 = arith.constant 0 : i32
      %dma_start3A_121 = tpu.memref_slice %arg3[%add3A, %run_scoped3A_16, %dma_start3A_119, %dma_start3A_120] : memref<32x5x25x80xi32, #tpu.memory_space<hbm>> -> memref<1x1x25x80xi32, #tpu.memory_space<hbm>>
      %dma_start3A_122 = tpu.memref_squeeze %dma_start3A_121 : memref<1x1x25x80xi32, #tpu.memory_space<hbm>> -> memref<25x80xi32, #tpu.memory_space<hbm>>
      %dma_start3A_123 = arith.constant 0 : i32
      %dma_start3A_124 = arith.constant 0 : i32
      %dma_start3A_125 = tpu.memref_slice %arg6[%run_scoped3A_17, %dma_start3A_123, %dma_start3A_124] : memref<5x25x80xi32, #tpu.memory_space<vmem>> -> memref<1x25x80xi32, #tpu.memory_space<vmem>>
      %dma_start3A_126 = tpu.memref_squeeze %dma_start3A_125 : memref<1x25x80xi32, #tpu.memory_space<vmem>> -> memref<25x80xi32, #tpu.memory_space<vmem>>
      %dma_start3A_127 = arith.constant 0 : i32
      %dma_start3A_128 = arith.constant 0 : i32
      %dma_start3A_129 = tpu.memref_slice %arg3[%add3A, %run_scoped3A_16, %dma_start3A_127, %dma_start3A_128] : memref<32x5x25x80xi32, #tpu.memory_space<hbm>> -> memref<1x1x25x80xi32, #tpu.memory_space<hbm>>
      %dma_start3A_130 = tpu.memref_squeeze %dma_start3A_129 : memref<1x1x25x80xi32, #tpu.memory_space<hbm>> -> memref<25x80xi32, #tpu.memory_space<hbm>>
      tpu.enqueue_dma source(%dma_start3A_130 : memref<25x80xi32, #tpu.memory_space<hbm>>) target(%dma_start3A_126 : memref<25x80xi32, #tpu.memory_space<vmem>>) target_semaphore(%run_scoped3A_114 : memref<!tpu.dma_semaphore, #tpu.memory_space<semaphore_mem>>)
      %dma_wait3A_131 = arith.constant 0 : i32
      %dma_wait3A_132 = arith.constant 0 : i32
      %dma_wait3A_133 = tpu.memref_slice %arg6[%run_scoped3A_17, %dma_wait3A_131, %dma_wait3A_132] : memref<5x25x80xi32, #tpu.memory_space<vmem>> -> memref<1x25x80xi32, #tpu.memory_space<vmem>>
      %dma_wait3A_134 = tpu.memref_squeeze %dma_wait3A_133 : memref<1x25x80xi32, #tpu.memory_space<vmem>> -> memref<25x80xi32, #tpu.memory_space<vmem>>
      %dma_wait3A_135 = arith.constant 0 : i32
      %dma_wait3A_136 = arith.constant 0 : i32
      %dma_wait3A_137 = tpu.memref_slice %arg3[%add3A, %run_scoped3A_16, %dma_wait3A_135, %dma_wait3A_136] : memref<32x5x25x80xi32, #tpu.memory_space<hbm>> -> memref<1x1x25x80xi32, #tpu.memory_space<hbm>>
      %dma_wait3A_138 = tpu.memref_squeeze %dma_wait3A_137 : memref<1x1x25x80xi32, #tpu.memory_space<hbm>> -> memref<25x80xi32, #tpu.memory_space<hbm>>
      %dma_wait3A_139 = arith.constant 0 : i32
      %dma_wait3A_140 = arith.constant 0 : i32
      %dma_wait3A_141 = tpu.memref_slice %arg6[%run_scoped3A_17, %dma_wait3A_139, %dma_wait3A_140] : memref<5x25x80xi32, #tpu.memory_space<vmem>> -> memref<1x25x80xi32, #tpu.memory_space<vmem>>
      %dma_wait3A_142 = tpu.memref_squeeze %dma_wait3A_141 : memref<1x25x80xi32, #tpu.memory_space<vmem>> -> memref<25x80xi32, #tpu.memory_space<vmem>>
      %dma_wait3A_143 = arith.constant 0 : i32
      %dma_wait3A_144 = arith.constant 0 : i32
      %dma_wait3A_145 = tpu.memref_slice %arg3[%add3A, %run_scoped3A_16, %dma_wait3A_143, %dma_wait3A_144] : memref<32x5x25x80xi32, #tpu.memory_space<hbm>> -> memref<1x1x25x80xi32, #tpu.memory_space<hbm>>
      %dma_wait3A_146 = tpu.memref_squeeze %dma_wait3A_145 : memref<1x1x25x80xi32, #tpu.memory_space<hbm>> -> memref<25x80xi32, #tpu.memory_space<hbm>>
      tpu.wait_dma2 semaphore(%run_scoped3A_114 : memref<!tpu.dma_semaphore, #tpu.memory_space<semaphore_mem>>) src(%dma_wait3A_146 : memref<25x80xi32, #tpu.memory_space<hbm>>) dst(%dma_wait3A_142 : memref<25x80xi32, #tpu.memory_space<vmem>>)
      tpu.yield
    }) : () -> ()
    %run_scoped3A_18 = arith.constant 2 : i32
    %run_scoped3A_19 = arith.constant 2 : i32
    "tpu.region"() ({
      %run_scoped3A_114 = tpu.sem_alloc : memref<!tpu.dma_semaphore, #tpu.memory_space<semaphore_mem>>
      %dma_start3A_115 = arith.constant 0 : i32
      %dma_start3A_116 = arith.constant 0 : i32
      %dma_start3A_117 = tpu.memref_slice %arg7[%run_scoped3A_19, %dma_start3A_115, %dma_start3A_116] : memref<5x25x80xi32, #tpu.memory_space<vmem>> -> memref<1x25x80xi32, #tpu.memory_space<vmem>>
      %dma_start3A_118 = tpu.memref_squeeze %dma_start3A_117 : memref<1x25x80xi32, #tpu.memory_space<vmem>> -> memref<25x80xi32, #tpu.memory_space<vmem>>
      %dma_start3A_119 = arith.constant 0 : i32
      %dma_start3A_120 = arith.constant 0 : i32
      %dma_start3A_121 = tpu.memref_slice %arg4[%add3A, %run_scoped3A_18, %dma_start3A_119, %dma_start3A_120] : memref<32x5x25x80xi32, #tpu.memory_space<hbm>> -> memref<1x1x25x80xi32, #tpu.memory_space<hbm>>
      %dma_start3A_122 = tpu.memref_squeeze %dma_start3A_121 : memref<1x1x25x80xi32, #tpu.memory_space<hbm>> -> memref<25x80xi32, #tpu.memory_space<hbm>>
      %dma_start3A_123 = arith.constant 0 : i32
      %dma_start3A_124 = arith.constant 0 : i32
      %dma_start3A_125 = tpu.memref_slice %arg7[%run_scoped3A_19, %dma_start3A_123, %dma_start3A_124] : memref<5x25x80xi32, #tpu.memory_space<vmem>> -> memref<1x25x80xi32, #tpu.memory_space<vmem>>
      %dma_start3A_126 = tpu.memref_squeeze %dma_start3A_125 : memref<1x25x80xi32, #tpu.memory_space<vmem>> -> memref<25x80xi32, #tpu.memory_space<vmem>>
      %dma_start3A_127 = arith.constant 0 : i32
      %dma_start3A_128 = arith.constant 0 : i32
      %dma_start3A_129 = tpu.memref_slice %arg4[%add3A, %run_scoped3A_18, %dma_start3A_127, %dma_start3A_128] : memref<32x5x25x80xi32, #tpu.memory_space<hbm>> -> memref<1x1x25x80xi32, #tpu.memory_space<hbm>>
      %dma_start3A_130 = tpu.memref_squeeze %dma_start3A_129 : memref<1x1x25x80xi32, #tpu.memory_space<hbm>> -> memref<25x80xi32, #tpu.memory_space<hbm>>
      tpu.enqueue_dma source(%dma_start3A_130 : memref<25x80xi32, #tpu.memory_space<hbm>>) target(%dma_start3A_126 : memref<25x80xi32, #tpu.memory_space<vmem>>) target_semaphore(%run_scoped3A_114 : memref<!tpu.dma_semaphore, #tpu.memory_space<semaphore_mem>>)
      %dma_wait3A_131 = arith.constant 0 : i32
      %dma_wait3A_132 = arith.constant 0 : i32
      %dma_wait3A_133 = tpu.memref_slice %arg7[%run_scoped3A_19, %dma_wait3A_131, %dma_wait3A_132] : memref<5x25x80xi32, #tpu.memory_space<vmem>> -> memref<1x25x80xi32, #tpu.memory_space<vmem>>
      %dma_wait3A_134 = tpu.memref_squeeze %dma_wait3A_133 : memref<1x25x80xi32, #tpu.memory_space<vmem>> -> memref<25x80xi32, #tpu.memory_space<vmem>>
      %dma_wait3A_135 = arith.constant 0 : i32
      %dma_wait3A_136 = arith.constant 0 : i32
      %dma_wait3A_137 = tpu.memref_slice %arg4[%add3A, %run_scoped3A_18, %dma_wait3A_135, %dma_wait3A_136] : memref<32x5x25x80xi32, #tpu.memory_space<hbm>> -> memref<1x1x25x80xi32, #tpu.memory_space<hbm>>
      %dma_wait3A_138 = tpu.memref_squeeze %dma_wait3A_137 : memref<1x1x25x80xi32, #tpu.memory_space<hbm>> -> memref<25x80xi32, #tpu.memory_space<hbm>>
      %dma_wait3A_139 = arith.constant 0 : i32
      %dma_wait3A_140 = arith.constant 0 : i32
      %dma_wait3A_141 = tpu.memref_slice %arg7[%run_scoped3A_19, %dma_wait3A_139, %dma_wait3A_140] : memref<5x25x80xi32, #tpu.memory_space<vmem>> -> memref<1x25x80xi32, #tpu.memory_space<vmem>>
      %dma_wait3A_142 = tpu.memref_squeeze %dma_wait3A_141 : memref<1x25x80xi32, #tpu.memory_space<vmem>> -> memref<25x80xi32, #tpu.memory_space<vmem>>
      %dma_wait3A_143 = arith.constant 0 : i32
      %dma_wait3A_144 = arith.constant 0 : i32
      %dma_wait3A_145 = tpu.memref_slice %arg4[%add3A, %run_scoped3A_18, %dma_wait3A_143, %dma_wait3A_144] : memref<32x5x25x80xi32, #tpu.memory_space<hbm>> -> memref<1x1x25x80xi32, #tpu.memory_space<hbm>>
      %dma_wait3A_146 = tpu.memref_squeeze %dma_wait3A_145 : memref<1x1x25x80xi32, #tpu.memory_space<hbm>> -> memref<25x80xi32, #tpu.memory_space<hbm>>
      tpu.wait_dma2 semaphore(%run_scoped3A_114 : memref<!tpu.dma_semaphore, #tpu.memory_space<semaphore_mem>>) src(%dma_wait3A_146 : memref<25x80xi32, #tpu.memory_space<hbm>>) dst(%dma_wait3A_142 : memref<25x80xi32, #tpu.memory_space<vmem>>)
      tpu.yield
    }) : () -> ()
    %run_scoped3A_20 = arith.constant 3 : i32
    %run_scoped3A_21 = arith.constant 3 : i32
    "tpu.region"() ({
      %run_scoped3A_114 = tpu.sem_alloc : memref<!tpu.dma_semaphore, #tpu.memory_space<semaphore_mem>>
      %dma_start3A_115 = arith.constant 0 : i32
      %dma_start3A_116 = arith.constant 0 : i32
      %dma_start3A_117 = tpu.memref_slice %arg6[%run_scoped3A_21, %dma_start3A_115, %dma_start3A_116] : memref<5x25x80xi32, #tpu.memory_space<vmem>> -> memref<1x25x80xi32, #tpu.memory_space<vmem>>
      %dma_start3A_118 = tpu.memref_squeeze %dma_start3A_117 : memref<1x25x80xi32, #tpu.memory_space<vmem>> -> memref<25x80xi32, #tpu.memory_space<vmem>>
      %dma_start3A_119 = arith.constant 0 : i32
      %dma_start3A_120 = arith.constant 0 : i32
      %dma_start3A_121 = tpu.memref_slice %arg3[%add3A, %run_scoped3A_20, %dma_start3A_119, %dma_start3A_120] : memref<32x5x25x80xi32, #tpu.memory_space<hbm>> -> memref<1x1x25x80xi32, #tpu.memory_space<hbm>>
      %dma_start3A_122 = tpu.memref_squeeze %dma_start3A_121 : memref<1x1x25x80xi32, #tpu.memory_space<hbm>> -> memref<25x80xi32, #tpu.memory_space<hbm>>
      %dma_start3A_123 = arith.constant 0 : i32
      %dma_start3A_124 = arith.constant 0 : i32
      %dma_start3A_125 = tpu.memref_slice %arg6[%run_scoped3A_21, %dma_start3A_123, %dma_start3A_124] : memref<5x25x80xi32, #tpu.memory_space<vmem>> -> memref<1x25x80xi32, #tpu.memory_space<vmem>>
      %dma_start3A_126 = tpu.memref_squeeze %dma_start3A_125 : memref<1x25x80xi32, #tpu.memory_space<vmem>> -> memref<25x80xi32, #tpu.memory_space<vmem>>
      %dma_start3A_127 = arith.constant 0 : i32
      %dma_start3A_128 = arith.constant 0 : i32
      %dma_start3A_129 = tpu.memref_slice %arg3[%add3A, %run_scoped3A_20, %dma_start3A_127, %dma_start3A_128] : memref<32x5x25x80xi32, #tpu.memory_space<hbm>> -> memref<1x1x25x80xi32, #tpu.memory_space<hbm>>
      %dma_start3A_130 = tpu.memref_squeeze %dma_start3A_129 : memref<1x1x25x80xi32, #tpu.memory_space<hbm>> -> memref<25x80xi32, #tpu.memory_space<hbm>>
      tpu.enqueue_dma source(%dma_start3A_130 : memref<25x80xi32, #tpu.memory_space<hbm>>) target(%dma_start3A_126 : memref<25x80xi32, #tpu.memory_space<vmem>>) target_semaphore(%run_scoped3A_114 : memref<!tpu.dma_semaphore, #tpu.memory_space<semaphore_mem>>)
      %dma_wait3A_131 = arith.constant 0 : i32
      %dma_wait3A_132 = arith.constant 0 : i32
      %dma_wait3A_133 = tpu.memref_slice %arg6[%run_scoped3A_21, %dma_wait3A_131, %dma_wait3A_132] : memref<5x25x80xi32, #tpu.memory_space<vmem>> -> memref<1x25x80xi32, #tpu.memory_space<vmem>>
      %dma_wait3A_134 = tpu.memref_squeeze %dma_wait3A_133 : memref<1x25x80xi32, #tpu.memory_space<vmem>> -> memref<25x80xi32, #tpu.memory_space<vmem>>
      %dma_wait3A_135 = arith.constant 0 : i32
      %dma_wait3A_136 = arith.constant 0 : i32
      %dma_wait3A_137 = tpu.memref_slice %arg3[%add3A, %run_scoped3A_20, %dma_wait3A_135, %dma_wait3A_136] : memref<32x5x25x80xi32, #tpu.memory_space<hbm>> -> memref<1x1x25x80xi32, #tpu.memory_space<hbm>>
      %dma_wait3A_138 = tpu.memref_squeeze %dma_wait3A_137 : memref<1x1x25x80xi32, #tpu.memory_space<hbm>> -> memref<25x80xi32, #tpu.memory_space<hbm>>
      %dma_wait3A_139 = arith.constant 0 : i32
      %dma_wait3A_140 = arith.constant 0 : i32
      %dma_wait3A_141 = tpu.memref_slice %arg6[%run_scoped3A_21, %dma_wait3A_139, %dma_wait3A_140] : memref<5x25x80xi32, #tpu.memory_space<vmem>> -> memref<1x25x80xi32, #tpu.memory_space<vmem>>
      %dma_wait3A_142 = tpu.memref_squeeze %dma_wait3A_141 : memref<1x25x80xi32, #tpu.memory_space<vmem>> -> memref<25x80xi32, #tpu.memory_space<vmem>>
      %dma_wait3A_143 = arith.constant 0 : i32
      %dma_wait3A_144 = arith.constant 0 : i32
      %dma_wait3A_145 = tpu.memref_slice %arg3[%add3A, %run_scoped3A_20, %dma_wait3A_143, %dma_wait3A_144] : memref<32x5x25x80xi32, #tpu.memory_space<hbm>> -> memref<1x1x25x80xi32, #tpu.memory_space<hbm>>
      %dma_wait3A_146 = tpu.memref_squeeze %dma_wait3A_145 : memref<1x1x25x80xi32, #tpu.memory_space<hbm>> -> memref<25x80xi32, #tpu.memory_space<hbm>>
      tpu.wait_dma2 semaphore(%run_scoped3A_114 : memref<!tpu.dma_semaphore, #tpu.memory_space<semaphore_mem>>) src(%dma_wait3A_146 : memref<25x80xi32, #tpu.memory_space<hbm>>) dst(%dma_wait3A_142 : memref<25x80xi32, #tpu.memory_space<vmem>>)
      tpu.yield
    }) : () -> ()
    %run_scoped3A_22 = arith.constant 3 : i32
    %run_scoped3A_23 = arith.constant 3 : i32
    "tpu.region"() ({
      %run_scoped3A_114 = tpu.sem_alloc : memref<!tpu.dma_semaphore, #tpu.memory_space<semaphore_mem>>
      %dma_start3A_115 = arith.constant 0 : i32
      %dma_start3A_116 = arith.constant 0 : i32
      %dma_start3A_117 = tpu.memref_slice %arg7[%run_scoped3A_23, %dma_start3A_115, %dma_start3A_116] : memref<5x25x80xi32, #tpu.memory_space<vmem>> -> memref<1x25x80xi32, #tpu.memory_space<vmem>>
      %dma_start3A_118 = tpu.memref_squeeze %dma_start3A_117 : memref<1x25x80xi32, #tpu.memory_space<vmem>> -> memref<25x80xi32, #tpu.memory_space<vmem>>
      %dma_start3A_119 = arith.constant 0 : i32
      %dma_start3A_120 = arith.constant 0 : i32
      %dma_start3A_121 = tpu.memref_slice %arg4[%add3A, %run_scoped3A_22, %dma_start3A_119, %dma_start3A_120] : memref<32x5x25x80xi32, #tpu.memory_space<hbm>> -> memref<1x1x25x80xi32, #tpu.memory_space<hbm>>
      %dma_start3A_122 = tpu.memref_squeeze %dma_start3A_121 : memref<1x1x25x80xi32, #tpu.memory_space<hbm>> -> memref<25x80xi32, #tpu.memory_space<hbm>>
      %dma_start3A_123 = arith.constant 0 : i32
      %dma_start3A_124 = arith.constant 0 : i32
      %dma_start3A_125 = tpu.memref_slice %arg7[%run_scoped3A_23, %dma_start3A_123, %dma_start3A_124] : memref<5x25x80xi32, #tpu.memory_space<vmem>> -> memref<1x25x80xi32, #tpu.memory_space<vmem>>
      %dma_start3A_126 = tpu.memref_squeeze %dma_start3A_125 : memref<1x25x80xi32, #tpu.memory_space<vmem>> -> memref<25x80xi32, #tpu.memory_space<vmem>>
      %dma_start3A_127 = arith.constant 0 : i32
      %dma_start3A_128 = arith.constant 0 : i32
      %dma_start3A_129 = tpu.memref_slice %arg4[%add3A, %run_scoped3A_22, %dma_start3A_127, %dma_start3A_128] : memref<32x5x25x80xi32, #tpu.memory_space<hbm>> -> memref<1x1x25x80xi32, #tpu.memory_space<hbm>>
      %dma_start3A_130 = tpu.memref_squeeze %dma_start3A_129 : memref<1x1x25x80xi32, #tpu.memory_space<hbm>> -> memref<25x80xi32, #tpu.memory_space<hbm>>
      tpu.enqueue_dma source(%dma_start3A_130 : memref<25x80xi32, #tpu.memory_space<hbm>>) target(%dma_start3A_126 : memref<25x80xi32, #tpu.memory_space<vmem>>) target_semaphore(%run_scoped3A_114 : memref<!tpu.dma_semaphore, #tpu.memory_space<semaphore_mem>>)
      %dma_wait3A_131 = arith.constant 0 : i32
      %dma_wait3A_132 = arith.constant 0 : i32
      %dma_wait3A_133 = tpu.memref_slice %arg7[%run_scoped3A_23, %dma_wait3A_131, %dma_wait3A_132] : memref<5x25x80xi32, #tpu.memory_space<vmem>> -> memref<1x25x80xi32, #tpu.memory_space<vmem>>
      %dma_wait3A_134 = tpu.memref_squeeze %dma_wait3A_133 : memref<1x25x80xi32, #tpu.memory_space<vmem>> -> memref<25x80xi32, #tpu.memory_space<vmem>>
      %dma_wait3A_135 = arith.constant 0 : i32
      %dma_wait3A_136 = arith.constant 0 : i32
      %dma_wait3A_137 = tpu.memref_slice %arg4[%add3A, %run_scoped3A_22, %dma_wait3A_135, %dma_wait3A_136] : memref<32x5x25x80xi32, #tpu.memory_space<hbm>> -> memref<1x1x25x80xi32, #tpu.memory_space<hbm>>
      %dma_wait3A_138 = tpu.memref_squeeze %dma_wait3A_137 : memref<1x1x25x80xi32, #tpu.memory_space<hbm>> -> memref<25x80xi32, #tpu.memory_space<hbm>>
      %dma_wait3A_139 = arith.constant 0 : i32
      %dma_wait3A_140 = arith.constant 0 : i32
      %dma_wait3A_141 = tpu.memref_slice %arg7[%run_scoped3A_23, %dma_wait3A_139, %dma_wait3A_140] : memref<5x25x80xi32, #tpu.memory_space<vmem>> -> memref<1x25x80xi32, #tpu.memory_space<vmem>>
      %dma_wait3A_142 = tpu.memref_squeeze %dma_wait3A_141 : memref<1x25x80xi32, #tpu.memory_space<vmem>> -> memref<25x80xi32, #tpu.memory_space<vmem>>
      %dma_wait3A_143 = arith.constant 0 : i32
      %dma_wait3A_144 = arith.constant 0 : i32
      %dma_wait3A_145 = tpu.memref_slice %arg4[%add3A, %run_scoped3A_22, %dma_wait3A_143, %dma_wait3A_144] : memref<32x5x25x80xi32, #tpu.memory_space<hbm>> -> memref<1x1x25x80xi32, #tpu.memory_space<hbm>>
      %dma_wait3A_146 = tpu.memref_squeeze %dma_wait3A_145 : memref<1x1x25x80xi32, #tpu.memory_space<hbm>> -> memref<25x80xi32, #tpu.memory_space<hbm>>
      tpu.wait_dma2 semaphore(%run_scoped3A_114 : memref<!tpu.dma_semaphore, #tpu.memory_space<semaphore_mem>>) src(%dma_wait3A_146 : memref<25x80xi32, #tpu.memory_space<hbm>>) dst(%dma_wait3A_142 : memref<25x80xi32, #tpu.memory_space<vmem>>)
      tpu.yield
    }) : () -> ()
    %run_scoped3A_24 = arith.constant 4 : i32
    %run_scoped3A_25 = arith.constant 4 : i32
    "tpu.region"() ({
      %run_scoped3A_114 = tpu.sem_alloc : memref<!tpu.dma_semaphore, #tpu.memory_space<semaphore_mem>>
      %dma_start3A_115 = arith.constant 0 : i32
      %dma_start3A_116 = arith.constant 0 : i32
      %dma_start3A_117 = tpu.memref_slice %arg6[%run_scoped3A_25, %dma_start3A_115, %dma_start3A_116] : memref<5x25x80xi32, #tpu.memory_space<vmem>> -> memref<1x25x80xi32, #tpu.memory_space<vmem>>
      %dma_start3A_118 = tpu.memref_squeeze %dma_start3A_117 : memref<1x25x80xi32, #tpu.memory_space<vmem>> -> memref<25x80xi32, #tpu.memory_space<vmem>>
      %dma_start3A_119 = arith.constant 0 : i32
      %dma_start3A_120 = arith.constant 0 : i32
      %dma_start3A_121 = tpu.memref_slice %arg3[%add3A, %run_scoped3A_24, %dma_start3A_119, %dma_start3A_120] : memref<32x5x25x80xi32, #tpu.memory_space<hbm>> -> memref<1x1x25x80xi32, #tpu.memory_space<hbm>>
      %dma_start3A_122 = tpu.memref_squeeze %dma_start3A_121 : memref<1x1x25x80xi32, #tpu.memory_space<hbm>> -> memref<25x80xi32, #tpu.memory_space<hbm>>
      %dma_start3A_123 = arith.constant 0 : i32
      %dma_start3A_124 = arith.constant 0 : i32
      %dma_start3A_125 = tpu.memref_slice %arg6[%run_scoped3A_25, %dma_start3A_123, %dma_start3A_124] : memref<5x25x80xi32, #tpu.memory_space<vmem>> -> memref<1x25x80xi32, #tpu.memory_space<vmem>>
      %dma_start3A_126 = tpu.memref_squeeze %dma_start3A_125 : memref<1x25x80xi32, #tpu.memory_space<vmem>> -> memref<25x80xi32, #tpu.memory_space<vmem>>
      %dma_start3A_127 = arith.constant 0 : i32
      %dma_start3A_128 = arith.constant 0 : i32
      %dma_start3A_129 = tpu.memref_slice %arg3[%add3A, %run_scoped3A_24, %dma_start3A_127, %dma_start3A_128] : memref<32x5x25x80xi32, #tpu.memory_space<hbm>> -> memref<1x1x25x80xi32, #tpu.memory_space<hbm>>
      %dma_start3A_130 = tpu.memref_squeeze %dma_start3A_129 : memref<1x1x25x80xi32, #tpu.memory_space<hbm>> -> memref<25x80xi32, #tpu.memory_space<hbm>>
      tpu.enqueue_dma source(%dma_start3A_130 : memref<25x80xi32, #tpu.memory_space<hbm>>) target(%dma_start3A_126 : memref<25x80xi32, #tpu.memory_space<vmem>>) target_semaphore(%run_scoped3A_114 : memref<!tpu.dma_semaphore, #tpu.memory_space<semaphore_mem>>)
      %dma_wait3A_131 = arith.constant 0 : i32
      %dma_wait3A_132 = arith.constant 0 : i32
      %dma_wait3A_133 = tpu.memref_slice %arg6[%run_scoped3A_25, %dma_wait3A_131, %dma_wait3A_132] : memref<5x25x80xi32, #tpu.memory_space<vmem>> -> memref<1x25x80xi32, #tpu.memory_space<vmem>>
      %dma_wait3A_134 = tpu.memref_squeeze %dma_wait3A_133 : memref<1x25x80xi32, #tpu.memory_space<vmem>> -> memref<25x80xi32, #tpu.memory_space<vmem>>
      %dma_wait3A_135 = arith.constant 0 : i32
      %dma_wait3A_136 = arith.constant 0 : i32
      %dma_wait3A_137 = tpu.memref_slice %arg3[%add3A, %run_scoped3A_24, %dma_wait3A_135, %dma_wait3A_136] : memref<32x5x25x80xi32, #tpu.memory_space<hbm>> -> memref<1x1x25x80xi32, #tpu.memory_space<hbm>>
      %dma_wait3A_138 = tpu.memref_squeeze %dma_wait3A_137 : memref<1x1x25x80xi32, #tpu.memory_space<hbm>> -> memref<25x80xi32, #tpu.memory_space<hbm>>
      %dma_wait3A_139 = arith.constant 0 : i32
      %dma_wait3A_140 = arith.constant 0 : i32
      %dma_wait3A_141 = tpu.memref_slice %arg6[%run_scoped3A_25, %dma_wait3A_139, %dma_wait3A_140] : memref<5x25x80xi32, #tpu.memory_space<vmem>> -> memref<1x25x80xi32, #tpu.memory_space<vmem>>
      %dma_wait3A_142 = tpu.memref_squeeze %dma_wait3A_141 : memref<1x25x80xi32, #tpu.memory_space<vmem>> -> memref<25x80xi32, #tpu.memory_space<vmem>>
      %dma_wait3A_143 = arith.constant 0 : i32
      %dma_wait3A_144 = arith.constant 0 : i32
      %dma_wait3A_145 = tpu.memref_slice %arg3[%add3A, %run_scoped3A_24, %dma_wait3A_143, %dma_wait3A_144] : memref<32x5x25x80xi32, #tpu.memory_space<hbm>> -> memref<1x1x25x80xi32, #tpu.memory_space<hbm>>
      %dma_wait3A_146 = tpu.memref_squeeze %dma_wait3A_145 : memref<1x1x25x80xi32, #tpu.memory_space<hbm>> -> memref<25x80xi32, #tpu.memory_space<hbm>>
      tpu.wait_dma2 semaphore(%run_scoped3A_114 : memref<!tpu.dma_semaphore, #tpu.memory_space<semaphore_mem>>) src(%dma_wait3A_146 : memref<25x80xi32, #tpu.memory_space<hbm>>) dst(%dma_wait3A_142 : memref<25x80xi32, #tpu.memory_space<vmem>>)
      tpu.yield
    }) : () -> ()
    %run_scoped3A_26 = arith.constant 4 : i32
    %run_scoped3A_27 = arith.constant 4 : i32
    "tpu.region"() ({
      %run_scoped3A_114 = tpu.sem_alloc : memref<!tpu.dma_semaphore, #tpu.memory_space<semaphore_mem>>
      %dma_start3A_115 = arith.constant 0 : i32
      %dma_start3A_116 = arith.constant 0 : i32
      %dma_start3A_117 = tpu.memref_slice %arg7[%run_scoped3A_27, %dma_start3A_115, %dma_start3A_116] : memref<5x25x80xi32, #tpu.memory_space<vmem>> -> memref<1x25x80xi32, #tpu.memory_space<vmem>>
      %dma_start3A_118 = tpu.memref_squeeze %dma_start3A_117 : memref<1x25x80xi32, #tpu.memory_space<vmem>> -> memref<25x80xi32, #tpu.memory_space<vmem>>
      %dma_start3A_119 = arith.constant 0 : i32
      %dma_start3A_120 = arith.constant 0 : i32
      %dma_start3A_121 = tpu.memref_slice %arg4[%add3A, %run_scoped3A_26, %dma_start3A_119, %dma_start3A_120] : memref<32x5x25x80xi32, #tpu.memory_space<hbm>> -> memref<1x1x25x80xi32, #tpu.memory_space<hbm>>
      %dma_start3A_122 = tpu.memref_squeeze %dma_start3A_121 : memref<1x1x25x80xi32, #tpu.memory_space<hbm>> -> memref<25x80xi32, #tpu.memory_space<hbm>>
      %dma_start3A_123 = arith.constant 0 : i32
      %dma_start3A_124 = arith.constant 0 : i32
      %dma_start3A_125 = tpu.memref_slice %arg7[%run_scoped3A_27, %dma_start3A_123, %dma_start3A_124] : memref<5x25x80xi32, #tpu.memory_space<vmem>> -> memref<1x25x80xi32, #tpu.memory_space<vmem>>
      %dma_start3A_126 = tpu.memref_squeeze %dma_start3A_125 : memref<1x25x80xi32, #tpu.memory_space<vmem>> -> memref<25x80xi32, #tpu.memory_space<vmem>>
      %dma_start3A_127 = arith.constant 0 : i32
      %dma_start3A_128 = arith.constant 0 : i32
      %dma_start3A_129 = tpu.memref_slice %arg4[%add3A, %run_scoped3A_26, %dma_start3A_127, %dma_start3A_128] : memref<32x5x25x80xi32, #tpu.memory_space<hbm>> -> memref<1x1x25x80xi32, #tpu.memory_space<hbm>>
      %dma_start3A_130 = tpu.memref_squeeze %dma_start3A_129 : memref<1x1x25x80xi32, #tpu.memory_space<hbm>> -> memref<25x80xi32, #tpu.memory_space<hbm>>
      tpu.enqueue_dma source(%dma_start3A_130 : memref<25x80xi32, #tpu.memory_space<hbm>>) target(%dma_start3A_126 : memref<25x80xi32, #tpu.memory_space<vmem>>) target_semaphore(%run_scoped3A_114 : memref<!tpu.dma_semaphore, #tpu.memory_space<semaphore_mem>>)
      %dma_wait3A_131 = arith.constant 0 : i32
      %dma_wait3A_132 = arith.constant 0 : i32
      %dma_wait3A_133 = tpu.memref_slice %arg7[%run_scoped3A_27, %dma_wait3A_131, %dma_wait3A_132] : memref<5x25x80xi32, #tpu.memory_space<vmem>> -> memref<1x25x80xi32, #tpu.memory_space<vmem>>
      %dma_wait3A_134 = tpu.memref_squeeze %dma_wait3A_133 : memref<1x25x80xi32, #tpu.memory_space<vmem>> -> memref<25x80xi32, #tpu.memory_space<vmem>>
      %dma_wait3A_135 = arith.constant 0 : i32
      %dma_wait3A_136 = arith.constant 0 : i32
      %dma_wait3A_137 = tpu.memref_slice %arg4[%add3A, %run_scoped3A_26, %dma_wait3A_135, %dma_wait3A_136] : memref<32x5x25x80xi32, #tpu.memory_space<hbm>> -> memref<1x1x25x80xi32, #tpu.memory_space<hbm>>
      %dma_wait3A_138 = tpu.memref_squeeze %dma_wait3A_137 : memref<1x1x25x80xi32, #tpu.memory_space<hbm>> -> memref<25x80xi32, #tpu.memory_space<hbm>>
      %dma_wait3A_139 = arith.constant 0 : i32
      %dma_wait3A_140 = arith.constant 0 : i32
      %dma_wait3A_141 = tpu.memref_slice %arg7[%run_scoped3A_27, %dma_wait3A_139, %dma_wait3A_140] : memref<5x25x80xi32, #tpu.memory_space<vmem>> -> memref<1x25x80xi32, #tpu.memory_space<vmem>>
      %dma_wait3A_142 = tpu.memref_squeeze %dma_wait3A_141 : memref<1x25x80xi32, #tpu.memory_space<vmem>> -> memref<25x80xi32, #tpu.memory_space<vmem>>
      %dma_wait3A_143 = arith.constant 0 : i32
      %dma_wait3A_144 = arith.constant 0 : i32
      %dma_wait3A_145 = tpu.memref_slice %arg4[%add3A, %run_scoped3A_26, %dma_wait3A_143, %dma_wait3A_144] : memref<32x5x25x80xi32, #tpu.memory_space<hbm>> -> memref<1x1x25x80xi32, #tpu.memory_space<hbm>>
      %dma_wait3A_146 = tpu.memref_squeeze %dma_wait3A_145 : memref<1x1x25x80xi32, #tpu.memory_space<hbm>> -> memref<25x80xi32, #tpu.memory_space<hbm>>
      tpu.wait_dma2 semaphore(%run_scoped3A_114 : memref<!tpu.dma_semaphore, #tpu.memory_space<semaphore_mem>>) src(%dma_wait3A_146 : memref<25x80xi32, #tpu.memory_space<hbm>>) dst(%dma_wait3A_142 : memref<25x80xi32, #tpu.memory_space<vmem>>)
      tpu.yield
    }) : () -> ()
    %barrier3A = arith.constant 0 : index
    tpu.barrier barrier_id(%barrier3A)
    %scan3A = arith.constant 0 : i32
    %scan3A_28 = arith.constant 0 : i32
    %scan3A_29 = arith.constant 125 : i32
    %scan3A_30 = arith.addi %scan3A_28, %scan3A_29 : i32
    %scan3A_31 = arith.constant 1 : i32
    scf.for %scan3A_114 = %scan3A_28 to %scan3A_30 step %scan3A_31  : i32 {
      %jit3A = arith.constant 4 : i32
      %eq3A = arith.constant 0 : i32
      %eq3A_115 = arith.cmpi eq, %jit3A, %eq3A : i32
      %jit3A_116 = arith.constant 1 : i32
      %select_n3A = arith.select %eq3A_115, %jit3A_116, %jit3A : i32
      %rem3A = arith.remsi %scan3A_114, %select_n3A : i32
      %ne3A = arith.constant 0 : i32
      %ne3A_117 = arith.cmpi ne, %rem3A, %ne3A : i32
      %lt3A = arith.constant 0 : i32
      %lt3A_118 = arith.cmpi slt, %rem3A, %lt3A : i32
      %lt3A_119 = arith.constant 0 : i32
      %lt3A_120 = arith.cmpi slt, %select_n3A, %lt3A_119 : i32
      %ne3A_121 = arith.xori %lt3A_118, %lt3A_120 : i1
      %and3A = arith.andi %ne3A_121, %ne3A_117 : i1
      %add3A_122 = arith.addi %rem3A, %select_n3A : i32
      %select_n3A_123 = arith.select %and3A, %add3A_122, %rem3A : i32
      %eq3A_124 = arith.constant 0 : i32
      %eq3A_125 = arith.cmpi eq, %select_n3A_123, %eq3A_124 : i32
      %convert_element_type3A = arith.extui %eq3A_125 : i1 to i32
      %cond3A = arith.constant 0 : i32
      %cond3A_126 = arith.cmpi ne, %convert_element_type3A, %cond3A : i32
      scf.if %cond3A_126 {
        %ge3A = arith.constant 4 : i32
        %ge3A_190 = arith.cmpi sge, %scan3A_114, %ge3A : i32
        %convert_element_type3A_191 = arith.extui %ge3A_190 : i1 to i32
        %cond3A_192 = arith.constant 0 : i32
        %cond3A_193 = arith.cmpi ne, %convert_element_type3A_191, %cond3A_192 : i32
        scf.if %cond3A_193 {
          %dma_wait3A_247 = arith.constant 0 : i32
          %dma_wait3A_248 = arith.constant 0 : i32
          %dma_wait3A_249 = arith.constant 0 : i32
          %dma_wait3A_250 = arith.constant 0 : i32
          %dma_wait3A_251 = arith.constant 0 : i32
          %dma_wait3A_252 = tpu.memref_slice %arg8[%dma_wait3A_247, %dma_wait3A_250, %dma_wait3A_251] : memref<4x80x64xf32, #tpu.memory_space<vmem>> -> memref<1x80x64xf32, #tpu.memory_space<vmem>>
          %dma_wait3A_253 = tpu.memref_squeeze %dma_wait3A_252 : memref<1x80x64xf32, #tpu.memory_space<vmem>> -> memref<80x64xf32, #tpu.memory_space<vmem>>
          %dma_wait3A_254 = arith.constant 0 : i32
          %dma_wait3A_255 = tpu.memref_slice %arg7[%dma_wait3A_248, %dma_wait3A_249, %dma_wait3A_254] : memref<5x25x80xi32, #tpu.memory_space<vmem>> -> memref<1x1x80xi32, #tpu.memory_space<vmem>>
          %dma_wait3A_256 = tpu.memref_squeeze %dma_wait3A_255 : memref<1x1x80xi32, #tpu.memory_space<vmem>> -> memref<80xi32, #tpu.memory_space<vmem>>
          %dma_wait3A_257 = arith.constant 0 : i32
          %dma_wait3A_258 = arith.constant 0 : i32
          %dma_wait3A_259 = tpu.memref_slice %arg9[%dma_wait3A_257, %dma_wait3A_258] : memref<10000x64xf32, #tpu.memory_space<vmem_shared>> -> memref<10000x64xf32, #tpu.memory_space<vmem_shared>>
          tpu.wait_indirect_dma semaphore(%arg15 : memref<!tpu.dma_semaphore, #tpu.memory_space<semaphore_mem>>) src(%dma_wait3A_253 : memref<80x64xf32, #tpu.memory_space<vmem>>) dst(%dma_wait3A_259 : memref<10000x64xf32, #tpu.memory_space<vmem_shared>>)
        } else {
        }
        %jit3A_194 = arith.constant 25 : i32
        %div3A = arith.divsi %scan3A_114, %jit3A_194 : i32
        %sign3A = arith.constant 0 : i32
        %sign3A_195 = arith.cmpi sgt, %scan3A_114, %sign3A : i32
        %sign3A_196 = arith.extui %sign3A_195 : i1 to i32
        %sign3A_197 = arith.constant 0 : i32
        %sign3A_198 = arith.cmpi slt, %scan3A_114, %sign3A_197 : i32
        %sign3A_199 = arith.extui %sign3A_198 : i1 to i32
        %sign3A_200 = arith.subi %sign3A_196, %sign3A_199 : i32
        %sign3A_201 = arith.constant 0 : i32
        %sign3A_202 = arith.cmpi sgt, %jit3A_194, %sign3A_201 : i32
        %sign3A_203 = arith.extui %sign3A_202 : i1 to i32
        %sign3A_204 = arith.constant 0 : i32
        %sign3A_205 = arith.cmpi slt, %jit3A_194, %sign3A_204 : i32
        %sign3A_206 = arith.extui %sign3A_205 : i1 to i32
        %sign3A_207 = arith.subi %sign3A_203, %sign3A_206 : i32
        %ne3A_208 = arith.cmpi ne, %sign3A_200, %sign3A_207 : i32
        %rem3A_209 = arith.remsi %scan3A_114, %jit3A_194 : i32
        %ne3A_210 = arith.constant 0 : i32
        %ne3A_211 = arith.cmpi ne, %rem3A_209, %ne3A_210 : i32
        %and3A_212 = arith.andi %ne3A_208, %ne3A_211 : i1
        %sub3A = arith.constant 1 : i32
        %sub3A_213 = arith.subi %div3A, %sub3A : i32
        %select_n3A_214 = arith.select %and3A_212, %sub3A_213, %div3A : i32
        %jit3A_215 = arith.constant 25 : i32
        %eq3A_216 = arith.constant 0 : i32
        %eq3A_217 = arith.cmpi eq, %jit3A_215, %eq3A_216 : i32
        %jit3A_218 = arith.constant 1 : i32
        %select_n3A_219 = arith.select %eq3A_217, %jit3A_218, %jit3A_215 : i32
        %rem3A_220 = arith.remsi %scan3A_114, %select_n3A_219 : i32
        %ne3A_221 = arith.constant 0 : i32
        %ne3A_222 = arith.cmpi ne, %rem3A_220, %ne3A_221 : i32
        %lt3A_223 = arith.constant 0 : i32
        %lt3A_224 = arith.cmpi slt, %rem3A_220, %lt3A_223 : i32
        %lt3A_225 = arith.constant 0 : i32
        %lt3A_226 = arith.cmpi slt, %select_n3A_219, %lt3A_225 : i32
        %ne3A_227 = arith.xori %lt3A_224, %lt3A_226 : i1
        %and3A_228 = arith.andi %ne3A_227, %ne3A_222 : i1
        %add3A_229 = arith.addi %rem3A_220, %select_n3A_219 : i32
        %select_n3A_230 = arith.select %and3A_228, %add3A_229, %rem3A_220 : i32
        %dma_start3A_231 = arith.constant 0 : i32
        %dma_start3A_232 = arith.constant 0 : i32
        %dma_start3A_233 = arith.constant 0 : i32
        %dma_start3A_234 = tpu.memref_slice %arg8[%dma_start3A_231, %dma_start3A_232, %dma_start3A_233] : memref<4x80x64xf32, #tpu.memory_space<vmem>> -> memref<1x80x64xf32, #tpu.memory_space<vmem>>
        %dma_start3A_235 = tpu.memref_squeeze %dma_start3A_234 : memref<1x80x64xf32, #tpu.memory_space<vmem>> -> memref<80x64xf32, #tpu.memory_space<vmem>>
        %dma_start3A_236 = arith.constant 0 : i32
        %dma_start3A_237 = tpu.memref_slice %arg6[%select_n3A_214, %select_n3A_230, %dma_start3A_236] : memref<5x25x80xi32, #tpu.memory_space<vmem>> -> memref<1x1x80xi32, #tpu.memory_space<vmem>>
        %dma_start3A_238 = tpu.memref_squeeze %dma_start3A_237 : memref<1x1x80xi32, #tpu.memory_space<vmem>> -> memref<80xi32, #tpu.memory_space<vmem>>
        %dma_start3A_239 = arith.constant 0 : i32
        %dma_start3A_240 = arith.constant 0 : i32
        %dma_start3A_241 = tpu.memref_slice %arg10[%dma_start3A_239, %dma_start3A_240] : memref<10000x64xf32, #tpu.memory_space<vmem_shared>> -> memref<10000x64xf32, #tpu.memory_space<vmem_shared>>
        tpu.enqueue_indirect_dma source(%dma_start3A_241 : memref<10000x64xf32, #tpu.memory_space<vmem_shared>>) target(%dma_start3A_235 : memref<80x64xf32, #tpu.memory_space<vmem>>) offsets(%dma_start3A_238 : memref<80xi32, #tpu.memory_space<vmem>>) semaphore(%arg11 : memref<!tpu.dma_semaphore, #tpu.memory_space<semaphore_mem>>)
        %ge3A_242 = arith.constant 1 : i32
        %ge3A_243 = arith.cmpi sge, %scan3A_114, %ge3A_242 : i32
        %convert_element_type3A_244 = arith.extui %ge3A_243 : i1 to i32
        %cond3A_245 = arith.constant 0 : i32
        %cond3A_246 = arith.cmpi ne, %convert_element_type3A_244, %cond3A_245 : i32
        scf.if %cond3A_246 {
          %dma_wait3A_247 = arith.constant 0 : i32
          %dma_wait3A_248 = arith.constant 0 : i32
          %dma_wait3A_249 = arith.constant 3 : i32
          %dma_wait3A_250 = arith.constant 0 : i32
          %dma_wait3A_251 = arith.constant 0 : i32
          %dma_wait3A_252 = tpu.memref_slice %arg8[%dma_wait3A_249, %dma_wait3A_250, %dma_wait3A_251] : memref<4x80x64xf32, #tpu.memory_space<vmem>> -> memref<1x80x64xf32, #tpu.memory_space<vmem>>
          %dma_wait3A_253 = tpu.memref_squeeze %dma_wait3A_252 : memref<1x80x64xf32, #tpu.memory_space<vmem>> -> memref<80x64xf32, #tpu.memory_space<vmem>>
          %dma_wait3A_254 = arith.constant 0 : i32
          %dma_wait3A_255 = tpu.memref_slice %arg6[%dma_wait3A_247, %dma_wait3A_248, %dma_wait3A_254] : memref<5x25x80xi32, #tpu.memory_space<vmem>> -> memref<1x1x80xi32, #tpu.memory_space<vmem>>
          %dma_wait3A_256 = tpu.memref_squeeze %dma_wait3A_255 : memref<1x1x80xi32, #tpu.memory_space<vmem>> -> memref<80xi32, #tpu.memory_space<vmem>>
          %dma_wait3A_257 = arith.constant 0 : i32
          %dma_wait3A_258 = arith.constant 0 : i32
          %dma_wait3A_259 = tpu.memref_slice %arg10[%dma_wait3A_257, %dma_wait3A_258] : memref<10000x64xf32, #tpu.memory_space<vmem_shared>> -> memref<10000x64xf32, #tpu.memory_space<vmem_shared>>
          tpu.wait_indirect_dma semaphore(%arg14 : memref<!tpu.dma_semaphore, #tpu.memory_space<semaphore_mem>>) src(%dma_wait3A_259 : memref<10000x64xf32, #tpu.memory_space<vmem_shared>>) dst(%dma_wait3A_253 : memref<80x64xf32, #tpu.memory_space<vmem>>)
          %sub3A_260 = arith.constant 1 : i32
          %sub3A_261 = arith.subi %scan3A_114, %sub3A_260 : i32
          %jit3A_262 = arith.constant 25 : i32
          %div3A_263 = arith.divsi %sub3A_261, %jit3A_262 : i32
          %sign3A_264 = arith.constant 0 : i32
          %sign3A_265 = arith.cmpi sgt, %sub3A_261, %sign3A_264 : i32
          %sign3A_266 = arith.extui %sign3A_265 : i1 to i32
          %sign3A_267 = arith.constant 0 : i32
          %sign3A_268 = arith.cmpi slt, %sub3A_261, %sign3A_267 : i32
          %sign3A_269 = arith.extui %sign3A_268 : i1 to i32
          %sign3A_270 = arith.subi %sign3A_266, %sign3A_269 : i32
          %sign3A_271 = arith.constant 0 : i32
          %sign3A_272 = arith.cmpi sgt, %jit3A_262, %sign3A_271 : i32
          %sign3A_273 = arith.extui %sign3A_272 : i1 to i32
          %sign3A_274 = arith.constant 0 : i32
          %sign3A_275 = arith.cmpi slt, %jit3A_262, %sign3A_274 : i32
          %sign3A_276 = arith.extui %sign3A_275 : i1 to i32
          %sign3A_277 = arith.subi %sign3A_273, %sign3A_276 : i32
          %ne3A_278 = arith.cmpi ne, %sign3A_270, %sign3A_277 : i32
          %rem3A_279 = arith.remsi %sub3A_261, %jit3A_262 : i32
          %ne3A_280 = arith.constant 0 : i32
          %ne3A_281 = arith.cmpi ne, %rem3A_279, %ne3A_280 : i32
          %and3A_282 = arith.andi %ne3A_278, %ne3A_281 : i1
          %sub3A_283 = arith.constant 1 : i32
          %sub3A_284 = arith.subi %div3A_263, %sub3A_283 : i32
          %select_n3A_285 = arith.select %and3A_282, %sub3A_284, %div3A_263 : i32
          %jit3A_286 = arith.constant 25 : i32
          %eq3A_287 = arith.constant 0 : i32
          %eq3A_288 = arith.cmpi eq, %jit3A_286, %eq3A_287 : i32
          %jit3A_289 = arith.constant 1 : i32
          %select_n3A_290 = arith.select %eq3A_288, %jit3A_289, %jit3A_286 : i32
          %rem3A_291 = arith.remsi %sub3A_261, %select_n3A_290 : i32
          %ne3A_292 = arith.constant 0 : i32
          %ne3A_293 = arith.cmpi ne, %rem3A_291, %ne3A_292 : i32
          %lt3A_294 = arith.constant 0 : i32
          %lt3A_295 = arith.cmpi slt, %rem3A_291, %lt3A_294 : i32
          %lt3A_296 = arith.constant 0 : i32
          %lt3A_297 = arith.cmpi slt, %select_n3A_290, %lt3A_296 : i32
          %ne3A_298 = arith.xori %lt3A_295, %lt3A_297 : i1
          %and3A_299 = arith.andi %ne3A_298, %ne3A_293 : i1
          %add3A_300 = arith.addi %rem3A_291, %select_n3A_290 : i32
          %select_n3A_301 = arith.select %and3A_299, %add3A_300, %rem3A_291 : i32
          %dma_start3A_302 = arith.constant 3 : i32
          %dma_start3A_303 = arith.constant 0 : i32
          %dma_start3A_304 = arith.constant 0 : i32
          %dma_start3A_305 = tpu.memref_slice %arg8[%dma_start3A_302, %dma_start3A_303, %dma_start3A_304] : memref<4x80x64xf32, #tpu.memory_space<vmem>> -> memref<1x80x64xf32, #tpu.memory_space<vmem>>
          %dma_start3A_306 = tpu.memref_squeeze %dma_start3A_305 : memref<1x80x64xf32, #tpu.memory_space<vmem>> -> memref<80x64xf32, #tpu.memory_space<vmem>>
          %dma_start3A_307 = arith.constant 0 : i32
          %dma_start3A_308 = tpu.memref_slice %arg7[%select_n3A_285, %select_n3A_301, %dma_start3A_307] : memref<5x25x80xi32, #tpu.memory_space<vmem>> -> memref<1x1x80xi32, #tpu.memory_space<vmem>>
          %dma_start3A_309 = tpu.memref_squeeze %dma_start3A_308 : memref<1x1x80xi32, #tpu.memory_space<vmem>> -> memref<80xi32, #tpu.memory_space<vmem>>
          %dma_start3A_310 = arith.constant 0 : i32
          %dma_start3A_311 = arith.constant 0 : i32
          %dma_start3A_312 = tpu.memref_slice %arg9[%dma_start3A_310, %dma_start3A_311] : memref<10000x64xf32, #tpu.memory_space<vmem_shared>> -> memref<10000x64xf32, #tpu.memory_space<vmem_shared>>
          tpu.enqueue_indirect_dma source(%dma_start3A_306 : memref<80x64xf32, #tpu.memory_space<vmem>>) target(%dma_start3A_312 : memref<10000x64xf32, #tpu.memory_space<vmem_shared>>) offsets(%dma_start3A_309 : memref<80xi32, #tpu.memory_space<vmem>>) semaphore(%arg18 : memref<!tpu.dma_semaphore, #tpu.memory_space<semaphore_mem>>) {add = true}
        } else {
        }
      } else {
      }
      %jit3A_127 = arith.constant 4 : i32
      %eq3A_128 = arith.constant 0 : i32
      %eq3A_129 = arith.cmpi eq, %jit3A_127, %eq3A_128 : i32
      %jit3A_130 = arith.constant 1 : i32
      %select_n3A_131 = arith.select %eq3A_129, %jit3A_130, %jit3A_127 : i32
      %rem3A_132 = arith.remsi %scan3A_114, %select_n3A_131 : i32
      %ne3A_133 = arith.constant 0 : i32
      %ne3A_134 = arith.cmpi ne, %rem3A_132, %ne3A_133 : i32
      %lt3A_135 = arith.constant 0 : i32
      %lt3A_136 = arith.cmpi slt, %rem3A_132, %lt3A_135 : i32
      %lt3A_137 = arith.constant 0 : i32
      %lt3A_138 = arith.cmpi slt, %select_n3A_131, %lt3A_137 : i32
      %ne3A_139 = arith.xori %lt3A_136, %lt3A_138 : i1
      %and3A_140 = arith.andi %ne3A_139, %ne3A_134 : i1
      %add3A_141 = arith.addi %rem3A_132, %select_n3A_131 : i32
      %select_n3A_142 = arith.select %and3A_140, %add3A_141, %rem3A_132 : i32
      %eq3A_143 = arith.constant 1 : i32
      %eq3A_144 = arith.cmpi eq, %select_n3A_142, %eq3A_143 : i32
      %convert_element_type3A_145 = arith.extui %eq3A_144 : i1 to i32
      %cond3A_146 = arith.constant 0 : i32
      %cond3A_147 = arith.cmpi ne, %convert_element_type3A_145, %cond3A_146 : i32
      scf.if %cond3A_147 {
        %ge3A = arith.constant 4 : i32
        %ge3A_190 = arith.cmpi sge, %scan3A_114, %ge3A : i32
        %convert_element_type3A_191 = arith.extui %ge3A_190 : i1 to i32
        %cond3A_192 = arith.constant 0 : i32
        %cond3A_193 = arith.cmpi ne, %convert_element_type3A_191, %cond3A_192 : i32
        scf.if %cond3A_193 {
          %dma_wait3A_247 = arith.constant 1 : i32
          %dma_wait3A_248 = arith.constant 0 : i32
          %dma_wait3A_249 = arith.constant 0 : i32
          %dma_wait3A_250 = arith.constant 0 : i32
          %dma_wait3A_251 = arith.constant 0 : i32
          %dma_wait3A_252 = tpu.memref_slice %arg8[%dma_wait3A_247, %dma_wait3A_250, %dma_wait3A_251] : memref<4x80x64xf32, #tpu.memory_space<vmem>> -> memref<1x80x64xf32, #tpu.memory_space<vmem>>
          %dma_wait3A_253 = tpu.memref_squeeze %dma_wait3A_252 : memref<1x80x64xf32, #tpu.memory_space<vmem>> -> memref<80x64xf32, #tpu.memory_space<vmem>>
          %dma_wait3A_254 = arith.constant 0 : i32
          %dma_wait3A_255 = tpu.memref_slice %arg7[%dma_wait3A_248, %dma_wait3A_249, %dma_wait3A_254] : memref<5x25x80xi32, #tpu.memory_space<vmem>> -> memref<1x1x80xi32, #tpu.memory_space<vmem>>
          %dma_wait3A_256 = tpu.memref_squeeze %dma_wait3A_255 : memref<1x1x80xi32, #tpu.memory_space<vmem>> -> memref<80xi32, #tpu.memory_space<vmem>>
          %dma_wait3A_257 = arith.constant 0 : i32
          %dma_wait3A_258 = arith.constant 0 : i32
          %dma_wait3A_259 = tpu.memref_slice %arg9[%dma_wait3A_257, %dma_wait3A_258] : memref<10000x64xf32, #tpu.memory_space<vmem_shared>> -> memref<10000x64xf32, #tpu.memory_space<vmem_shared>>
          tpu.wait_indirect_dma semaphore(%arg16 : memref<!tpu.dma_semaphore, #tpu.memory_space<semaphore_mem>>) src(%dma_wait3A_253 : memref<80x64xf32, #tpu.memory_space<vmem>>) dst(%dma_wait3A_259 : memref<10000x64xf32, #tpu.memory_space<vmem_shared>>)
        } else {
        }
        %jit3A_194 = arith.constant 25 : i32
        %div3A = arith.divsi %scan3A_114, %jit3A_194 : i32
        %sign3A = arith.constant 0 : i32
        %sign3A_195 = arith.cmpi sgt, %scan3A_114, %sign3A : i32
        %sign3A_196 = arith.extui %sign3A_195 : i1 to i32
        %sign3A_197 = arith.constant 0 : i32
        %sign3A_198 = arith.cmpi slt, %scan3A_114, %sign3A_197 : i32
        %sign3A_199 = arith.extui %sign3A_198 : i1 to i32
        %sign3A_200 = arith.subi %sign3A_196, %sign3A_199 : i32
        %sign3A_201 = arith.constant 0 : i32
        %sign3A_202 = arith.cmpi sgt, %jit3A_194, %sign3A_201 : i32
        %sign3A_203 = arith.extui %sign3A_202 : i1 to i32
        %sign3A_204 = arith.constant 0 : i32
        %sign3A_205 = arith.cmpi slt, %jit3A_194, %sign3A_204 : i32
        %sign3A_206 = arith.extui %sign3A_205 : i1 to i32
        %sign3A_207 = arith.subi %sign3A_203, %sign3A_206 : i32
        %ne3A_208 = arith.cmpi ne, %sign3A_200, %sign3A_207 : i32
        %rem3A_209 = arith.remsi %scan3A_114, %jit3A_194 : i32
        %ne3A_210 = arith.constant 0 : i32
        %ne3A_211 = arith.cmpi ne, %rem3A_209, %ne3A_210 : i32
        %and3A_212 = arith.andi %ne3A_208, %ne3A_211 : i1
        %sub3A = arith.constant 1 : i32
        %sub3A_213 = arith.subi %div3A, %sub3A : i32
        %select_n3A_214 = arith.select %and3A_212, %sub3A_213, %div3A : i32
        %jit3A_215 = arith.constant 25 : i32
        %eq3A_216 = arith.constant 0 : i32
        %eq3A_217 = arith.cmpi eq, %jit3A_215, %eq3A_216 : i32
        %jit3A_218 = arith.constant 1 : i32
        %select_n3A_219 = arith.select %eq3A_217, %jit3A_218, %jit3A_215 : i32
        %rem3A_220 = arith.remsi %scan3A_114, %select_n3A_219 : i32
        %ne3A_221 = arith.constant 0 : i32
        %ne3A_222 = arith.cmpi ne, %rem3A_220, %ne3A_221 : i32
        %lt3A_223 = arith.constant 0 : i32
        %lt3A_224 = arith.cmpi slt, %rem3A_220, %lt3A_223 : i32
        %lt3A_225 = arith.constant 0 : i32
        %lt3A_226 = arith.cmpi slt, %select_n3A_219, %lt3A_225 : i32
        %ne3A_227 = arith.xori %lt3A_224, %lt3A_226 : i1
        %and3A_228 = arith.andi %ne3A_227, %ne3A_222 : i1
        %add3A_229 = arith.addi %rem3A_220, %select_n3A_219 : i32
        %select_n3A_230 = arith.select %and3A_228, %add3A_229, %rem3A_220 : i32
        %dma_start3A_231 = arith.constant 1 : i32
        %dma_start3A_232 = arith.constant 0 : i32
        %dma_start3A_233 = arith.constant 0 : i32
        %dma_start3A_234 = tpu.memref_slice %arg8[%dma_start3A_231, %dma_start3A_232, %dma_start3A_233] : memref<4x80x64xf32, #tpu.memory_space<vmem>> -> memref<1x80x64xf32, #tpu.memory_space<vmem>>
        %dma_start3A_235 = tpu.memref_squeeze %dma_start3A_234 : memref<1x80x64xf32, #tpu.memory_space<vmem>> -> memref<80x64xf32, #tpu.memory_space<vmem>>
        %dma_start3A_236 = arith.constant 0 : i32
        %dma_start3A_237 = tpu.memref_slice %arg6[%select_n3A_214, %select_n3A_230, %dma_start3A_236] : memref<5x25x80xi32, #tpu.memory_space<vmem>> -> memref<1x1x80xi32, #tpu.memory_space<vmem>>
        %dma_start3A_238 = tpu.memref_squeeze %dma_start3A_237 : memref<1x1x80xi32, #tpu.memory_space<vmem>> -> memref<80xi32, #tpu.memory_space<vmem>>
        %dma_start3A_239 = arith.constant 0 : i32
        %dma_start3A_240 = arith.constant 0 : i32
        %dma_start3A_241 = tpu.memref_slice %arg10[%dma_start3A_239, %dma_start3A_240] : memref<10000x64xf32, #tpu.memory_space<vmem_shared>> -> memref<10000x64xf32, #tpu.memory_space<vmem_shared>>
        tpu.enqueue_indirect_dma source(%dma_start3A_241 : memref<10000x64xf32, #tpu.memory_space<vmem_shared>>) target(%dma_start3A_235 : memref<80x64xf32, #tpu.memory_space<vmem>>) offsets(%dma_start3A_238 : memref<80xi32, #tpu.memory_space<vmem>>) semaphore(%arg12 : memref<!tpu.dma_semaphore, #tpu.memory_space<semaphore_mem>>)
        %ge3A_242 = arith.constant 1 : i32
        %ge3A_243 = arith.cmpi sge, %scan3A_114, %ge3A_242 : i32
        %convert_element_type3A_244 = arith.extui %ge3A_243 : i1 to i32
        %cond3A_245 = arith.constant 0 : i32
        %cond3A_246 = arith.cmpi ne, %convert_element_type3A_244, %cond3A_245 : i32
        scf.if %cond3A_246 {
          %dma_wait3A_247 = arith.constant 0 : i32
          %dma_wait3A_248 = arith.constant 0 : i32
          %dma_wait3A_249 = arith.constant 0 : i32
          %dma_wait3A_250 = arith.constant 0 : i32
          %dma_wait3A_251 = arith.constant 0 : i32
          %dma_wait3A_252 = tpu.memref_slice %arg8[%dma_wait3A_249, %dma_wait3A_250, %dma_wait3A_251] : memref<4x80x64xf32, #tpu.memory_space<vmem>> -> memref<1x80x64xf32, #tpu.memory_space<vmem>>
          %dma_wait3A_253 = tpu.memref_squeeze %dma_wait3A_252 : memref<1x80x64xf32, #tpu.memory_space<vmem>> -> memref<80x64xf32, #tpu.memory_space<vmem>>
          %dma_wait3A_254 = arith.constant 0 : i32
          %dma_wait3A_255 = tpu.memref_slice %arg6[%dma_wait3A_247, %dma_wait3A_248, %dma_wait3A_254] : memref<5x25x80xi32, #tpu.memory_space<vmem>> -> memref<1x1x80xi32, #tpu.memory_space<vmem>>
          %dma_wait3A_256 = tpu.memref_squeeze %dma_wait3A_255 : memref<1x1x80xi32, #tpu.memory_space<vmem>> -> memref<80xi32, #tpu.memory_space<vmem>>
          %dma_wait3A_257 = arith.constant 0 : i32
          %dma_wait3A_258 = arith.constant 0 : i32
          %dma_wait3A_259 = tpu.memref_slice %arg10[%dma_wait3A_257, %dma_wait3A_258] : memref<10000x64xf32, #tpu.memory_space<vmem_shared>> -> memref<10000x64xf32, #tpu.memory_space<vmem_shared>>
          tpu.wait_indirect_dma semaphore(%arg11 : memref<!tpu.dma_semaphore, #tpu.memory_space<semaphore_mem>>) src(%dma_wait3A_259 : memref<10000x64xf32, #tpu.memory_space<vmem_shared>>) dst(%dma_wait3A_253 : memref<80x64xf32, #tpu.memory_space<vmem>>)
          %sub3A_260 = arith.constant 1 : i32
          %sub3A_261 = arith.subi %scan3A_114, %sub3A_260 : i32
          %jit3A_262 = arith.constant 25 : i32
          %div3A_263 = arith.divsi %sub3A_261, %jit3A_262 : i32
          %sign3A_264 = arith.constant 0 : i32
          %sign3A_265 = arith.cmpi sgt, %sub3A_261, %sign3A_264 : i32
          %sign3A_266 = arith.extui %sign3A_265 : i1 to i32
          %sign3A_267 = arith.constant 0 : i32
          %sign3A_268 = arith.cmpi slt, %sub3A_261, %sign3A_267 : i32
          %sign3A_269 = arith.extui %sign3A_268 : i1 to i32
          %sign3A_270 = arith.subi %sign3A_266, %sign3A_269 : i32
          %sign3A_271 = arith.constant 0 : i32
          %sign3A_272 = arith.cmpi sgt, %jit3A_262, %sign3A_271 : i32
          %sign3A_273 = arith.extui %sign3A_272 : i1 to i32
          %sign3A_274 = arith.constant 0 : i32
          %sign3A_275 = arith.cmpi slt, %jit3A_262, %sign3A_274 : i32
          %sign3A_276 = arith.extui %sign3A_275 : i1 to i32
          %sign3A_277 = arith.subi %sign3A_273, %sign3A_276 : i32
          %ne3A_278 = arith.cmpi ne, %sign3A_270, %sign3A_277 : i32
          %rem3A_279 = arith.remsi %sub3A_261, %jit3A_262 : i32
          %ne3A_280 = arith.constant 0 : i32
          %ne3A_281 = arith.cmpi ne, %rem3A_279, %ne3A_280 : i32
          %and3A_282 = arith.andi %ne3A_278, %ne3A_281 : i1
          %sub3A_283 = arith.constant 1 : i32
          %sub3A_284 = arith.subi %div3A_263, %sub3A_283 : i32
          %select_n3A_285 = arith.select %and3A_282, %sub3A_284, %div3A_263 : i32
          %jit3A_286 = arith.constant 25 : i32
          %eq3A_287 = arith.constant 0 : i32
          %eq3A_288 = arith.cmpi eq, %jit3A_286, %eq3A_287 : i32
          %jit3A_289 = arith.constant 1 : i32
          %select_n3A_290 = arith.select %eq3A_288, %jit3A_289, %jit3A_286 : i32
          %rem3A_291 = arith.remsi %sub3A_261, %select_n3A_290 : i32
          %ne3A_292 = arith.constant 0 : i32
          %ne3A_293 = arith.cmpi ne, %rem3A_291, %ne3A_292 : i32
          %lt3A_294 = arith.constant 0 : i32
          %lt3A_295 = arith.cmpi slt, %rem3A_291, %lt3A_294 : i32
          %lt3A_296 = arith.constant 0 : i32
          %lt3A_297 = arith.cmpi slt, %select_n3A_290, %lt3A_296 : i32
          %ne3A_298 = arith.xori %lt3A_295, %lt3A_297 : i1
          %and3A_299 = arith.andi %ne3A_298, %ne3A_293 : i1
          %add3A_300 = arith.addi %rem3A_291, %select_n3A_290 : i32
          %select_n3A_301 = arith.select %and3A_299, %add3A_300, %rem3A_291 : i32
          %dma_start3A_302 = arith.constant 0 : i32
          %dma_start3A_303 = arith.constant 0 : i32
          %dma_start3A_304 = arith.constant 0 : i32
          %dma_start3A_305 = tpu.memref_slice %arg8[%dma_start3A_302, %dma_start3A_303, %dma_start3A_304] : memref<4x80x64xf32, #tpu.memory_space<vmem>> -> memref<1x80x64xf32, #tpu.memory_space<vmem>>
          %dma_start3A_306 = tpu.memref_squeeze %dma_start3A_305 : memref<1x80x64xf32, #tpu.memory_space<vmem>> -> memref<80x64xf32, #tpu.memory_space<vmem>>
          %dma_start3A_307 = arith.constant 0 : i32
          %dma_start3A_308 = tpu.memref_slice %arg7[%select_n3A_285, %select_n3A_301, %dma_start3A_307] : memref<5x25x80xi32, #tpu.memory_space<vmem>> -> memref<1x1x80xi32, #tpu.memory_space<vmem>>
          %dma_start3A_309 = tpu.memref_squeeze %dma_start3A_308 : memref<1x1x80xi32, #tpu.memory_space<vmem>> -> memref<80xi32, #tpu.memory_space<vmem>>
          %dma_start3A_310 = arith.constant 0 : i32
          %dma_start3A_311 = arith.constant 0 : i32
          %dma_start3A_312 = tpu.memref_slice %arg9[%dma_start3A_310, %dma_start3A_311] : memref<10000x64xf32, #tpu.memory_space<vmem_shared>> -> memref<10000x64xf32, #tpu.memory_space<vmem_shared>>
          tpu.enqueue_indirect_dma source(%dma_start3A_306 : memref<80x64xf32, #tpu.memory_space<vmem>>) target(%dma_start3A_312 : memref<10000x64xf32, #tpu.memory_space<vmem_shared>>) offsets(%dma_start3A_309 : memref<80xi32, #tpu.memory_space<vmem>>) semaphore(%arg15 : memref<!tpu.dma_semaphore, #tpu.memory_space<semaphore_mem>>) {add = true}
        } else {
        }
      } else {
      }
      %jit3A_148 = arith.constant 4 : i32
      %eq3A_149 = arith.constant 0 : i32
      %eq3A_150 = arith.cmpi eq, %jit3A_148, %eq3A_149 : i32
      %jit3A_151 = arith.constant 1 : i32
      %select_n3A_152 = arith.select %eq3A_150, %jit3A_151, %jit3A_148 : i32
      %rem3A_153 = arith.remsi %scan3A_114, %select_n3A_152 : i32
      %ne3A_154 = arith.constant 0 : i32
      %ne3A_155 = arith.cmpi ne, %rem3A_153, %ne3A_154 : i32
      %lt3A_156 = arith.constant 0 : i32
      %lt3A_157 = arith.cmpi slt, %rem3A_153, %lt3A_156 : i32
      %lt3A_158 = arith.constant 0 : i32
      %lt3A_159 = arith.cmpi slt, %select_n3A_152, %lt3A_158 : i32
      %ne3A_160 = arith.xori %lt3A_157, %lt3A_159 : i1
      %and3A_161 = arith.andi %ne3A_160, %ne3A_155 : i1
      %add3A_162 = arith.addi %rem3A_153, %select_n3A_152 : i32
      %select_n3A_163 = arith.select %and3A_161, %add3A_162, %rem3A_153 : i32
      %eq3A_164 = arith.constant 2 : i32
      %eq3A_165 = arith.cmpi eq, %select_n3A_163, %eq3A_164 : i32
      %convert_element_type3A_166 = arith.extui %eq3A_165 : i1 to i32
      %cond3A_167 = arith.constant 0 : i32
      %cond3A_168 = arith.cmpi ne, %convert_element_type3A_166, %cond3A_167 : i32
      scf.if %cond3A_168 {
        %ge3A = arith.constant 4 : i32
        %ge3A_190 = arith.cmpi sge, %scan3A_114, %ge3A : i32
        %convert_element_type3A_191 = arith.extui %ge3A_190 : i1 to i32
        %cond3A_192 = arith.constant 0 : i32
        %cond3A_193 = arith.cmpi ne, %convert_element_type3A_191, %cond3A_192 : i32
        scf.if %cond3A_193 {
          %dma_wait3A_247 = arith.constant 2 : i32
          %dma_wait3A_248 = arith.constant 0 : i32
          %dma_wait3A_249 = arith.constant 0 : i32
          %dma_wait3A_250 = arith.constant 0 : i32
          %dma_wait3A_251 = arith.constant 0 : i32
          %dma_wait3A_252 = tpu.memref_slice %arg8[%dma_wait3A_247, %dma_wait3A_250, %dma_wait3A_251] : memref<4x80x64xf32, #tpu.memory_space<vmem>> -> memref<1x80x64xf32, #tpu.memory_space<vmem>>
          %dma_wait3A_253 = tpu.memref_squeeze %dma_wait3A_252 : memref<1x80x64xf32, #tpu.memory_space<vmem>> -> memref<80x64xf32, #tpu.memory_space<vmem>>
          %dma_wait3A_254 = arith.constant 0 : i32
          %dma_wait3A_255 = tpu.memref_slice %arg7[%dma_wait3A_248, %dma_wait3A_249, %dma_wait3A_254] : memref<5x25x80xi32, #tpu.memory_space<vmem>> -> memref<1x1x80xi32, #tpu.memory_space<vmem>>
          %dma_wait3A_256 = tpu.memref_squeeze %dma_wait3A_255 : memref<1x1x80xi32, #tpu.memory_space<vmem>> -> memref<80xi32, #tpu.memory_space<vmem>>
          %dma_wait3A_257 = arith.constant 0 : i32
          %dma_wait3A_258 = arith.constant 0 : i32
          %dma_wait3A_259 = tpu.memref_slice %arg9[%dma_wait3A_257, %dma_wait3A_258] : memref<10000x64xf32, #tpu.memory_space<vmem_shared>> -> memref<10000x64xf32, #tpu.memory_space<vmem_shared>>
          tpu.wait_indirect_dma semaphore(%arg17 : memref<!tpu.dma_semaphore, #tpu.memory_space<semaphore_mem>>) src(%dma_wait3A_253 : memref<80x64xf32, #tpu.memory_space<vmem>>) dst(%dma_wait3A_259 : memref<10000x64xf32, #tpu.memory_space<vmem_shared>>)
        } else {
        }
        %jit3A_194 = arith.constant 25 : i32
        %div3A = arith.divsi %scan3A_114, %jit3A_194 : i32
        %sign3A = arith.constant 0 : i32
        %sign3A_195 = arith.cmpi sgt, %scan3A_114, %sign3A : i32
        %sign3A_196 = arith.extui %sign3A_195 : i1 to i32
        %sign3A_197 = arith.constant 0 : i32
        %sign3A_198 = arith.cmpi slt, %scan3A_114, %sign3A_197 : i32
        %sign3A_199 = arith.extui %sign3A_198 : i1 to i32
        %sign3A_200 = arith.subi %sign3A_196, %sign3A_199 : i32
        %sign3A_201 = arith.constant 0 : i32
        %sign3A_202 = arith.cmpi sgt, %jit3A_194, %sign3A_201 : i32
        %sign3A_203 = arith.extui %sign3A_202 : i1 to i32
        %sign3A_204 = arith.constant 0 : i32
        %sign3A_205 = arith.cmpi slt, %jit3A_194, %sign3A_204 : i32
        %sign3A_206 = arith.extui %sign3A_205 : i1 to i32
        %sign3A_207 = arith.subi %sign3A_203, %sign3A_206 : i32
        %ne3A_208 = arith.cmpi ne, %sign3A_200, %sign3A_207 : i32
        %rem3A_209 = arith.remsi %scan3A_114, %jit3A_194 : i32
        %ne3A_210 = arith.constant 0 : i32
        %ne3A_211 = arith.cmpi ne, %rem3A_209, %ne3A_210 : i32
        %and3A_212 = arith.andi %ne3A_208, %ne3A_211 : i1
        %sub3A = arith.constant 1 : i32
        %sub3A_213 = arith.subi %div3A, %sub3A : i32
        %select_n3A_214 = arith.select %and3A_212, %sub3A_213, %div3A : i32
        %jit3A_215 = arith.constant 25 : i32
        %eq3A_216 = arith.constant 0 : i32
        %eq3A_217 = arith.cmpi eq, %jit3A_215, %eq3A_216 : i32
        %jit3A_218 = arith.constant 1 : i32
        %select_n3A_219 = arith.select %eq3A_217, %jit3A_218, %jit3A_215 : i32
        %rem3A_220 = arith.remsi %scan3A_114, %select_n3A_219 : i32
        %ne3A_221 = arith.constant 0 : i32
        %ne3A_222 = arith.cmpi ne, %rem3A_220, %ne3A_221 : i32
        %lt3A_223 = arith.constant 0 : i32
        %lt3A_224 = arith.cmpi slt, %rem3A_220, %lt3A_223 : i32
        %lt3A_225 = arith.constant 0 : i32
        %lt3A_226 = arith.cmpi slt, %select_n3A_219, %lt3A_225 : i32
        %ne3A_227 = arith.xori %lt3A_224, %lt3A_226 : i1
        %and3A_228 = arith.andi %ne3A_227, %ne3A_222 : i1
        %add3A_229 = arith.addi %rem3A_220, %select_n3A_219 : i32
        %select_n3A_230 = arith.select %and3A_228, %add3A_229, %rem3A_220 : i32
        %dma_start3A_231 = arith.constant 2 : i32
        %dma_start3A_232 = arith.constant 0 : i32
        %dma_start3A_233 = arith.constant 0 : i32
        %dma_start3A_234 = tpu.memref_slice %arg8[%dma_start3A_231, %dma_start3A_232, %dma_start3A_233] : memref<4x80x64xf32, #tpu.memory_space<vmem>> -> memref<1x80x64xf32, #tpu.memory_space<vmem>>
        %dma_start3A_235 = tpu.memref_squeeze %dma_start3A_234 : memref<1x80x64xf32, #tpu.memory_space<vmem>> -> memref<80x64xf32, #tpu.memory_space<vmem>>
        %dma_start3A_236 = arith.constant 0 : i32
        %dma_start3A_237 = tpu.memref_slice %arg6[%select_n3A_214, %select_n3A_230, %dma_start3A_236] : memref<5x25x80xi32, #tpu.memory_space<vmem>> -> memref<1x1x80xi32, #tpu.memory_space<vmem>>
        %dma_start3A_238 = tpu.memref_squeeze %dma_start3A_237 : memref<1x1x80xi32, #tpu.memory_space<vmem>> -> memref<80xi32, #tpu.memory_space<vmem>>
        %dma_start3A_239 = arith.constant 0 : i32
        %dma_start3A_240 = arith.constant 0 : i32
        %dma_start3A_241 = tpu.memref_slice %arg10[%dma_start3A_239, %dma_start3A_240] : memref<10000x64xf32, #tpu.memory_space<vmem_shared>> -> memref<10000x64xf32, #tpu.memory_space<vmem_shared>>
        tpu.enqueue_indirect_dma source(%dma_start3A_241 : memref<10000x64xf32, #tpu.memory_space<vmem_shared>>) target(%dma_start3A_235 : memref<80x64xf32, #tpu.memory_space<vmem>>) offsets(%dma_start3A_238 : memref<80xi32, #tpu.memory_space<vmem>>) semaphore(%arg13 : memref<!tpu.dma_semaphore, #tpu.memory_space<semaphore_mem>>)
        %ge3A_242 = arith.constant 1 : i32
        %ge3A_243 = arith.cmpi sge, %scan3A_114, %ge3A_242 : i32
        %convert_element_type3A_244 = arith.extui %ge3A_243 : i1 to i32
        %cond3A_245 = arith.constant 0 : i32
        %cond3A_246 = arith.cmpi ne, %convert_element_type3A_244, %cond3A_245 : i32
        scf.if %cond3A_246 {
          %dma_wait3A_247 = arith.constant 0 : i32
          %dma_wait3A_248 = arith.constant 0 : i32
          %dma_wait3A_249 = arith.constant 1 : i32
          %dma_wait3A_250 = arith.constant 0 : i32
          %dma_wait3A_251 = arith.constant 0 : i32
          %dma_wait3A_252 = tpu.memref_slice %arg8[%dma_wait3A_249, %dma_wait3A_250, %dma_wait3A_251] : memref<4x80x64xf32, #tpu.memory_space<vmem>> -> memref<1x80x64xf32, #tpu.memory_space<vmem>>
          %dma_wait3A_253 = tpu.memref_squeeze %dma_wait3A_252 : memref<1x80x64xf32, #tpu.memory_space<vmem>> -> memref<80x64xf32, #tpu.memory_space<vmem>>
          %dma_wait3A_254 = arith.constant 0 : i32
          %dma_wait3A_255 = tpu.memref_slice %arg6[%dma_wait3A_247, %dma_wait3A_248, %dma_wait3A_254] : memref<5x25x80xi32, #tpu.memory_space<vmem>> -> memref<1x1x80xi32, #tpu.memory_space<vmem>>
          %dma_wait3A_256 = tpu.memref_squeeze %dma_wait3A_255 : memref<1x1x80xi32, #tpu.memory_space<vmem>> -> memref<80xi32, #tpu.memory_space<vmem>>
          %dma_wait3A_257 = arith.constant 0 : i32
          %dma_wait3A_258 = arith.constant 0 : i32
          %dma_wait3A_259 = tpu.memref_slice %arg10[%dma_wait3A_257, %dma_wait3A_258] : memref<10000x64xf32, #tpu.memory_space<vmem_shared>> -> memref<10000x64xf32, #tpu.memory_space<vmem_shared>>
          tpu.wait_indirect_dma semaphore(%arg12 : memref<!tpu.dma_semaphore, #tpu.memory_space<semaphore_mem>>) src(%dma_wait3A_259 : memref<10000x64xf32, #tpu.memory_space<vmem_shared>>) dst(%dma_wait3A_253 : memref<80x64xf32, #tpu.memory_space<vmem>>)
          %sub3A_260 = arith.constant 1 : i32
          %sub3A_261 = arith.subi %scan3A_114, %sub3A_260 : i32
          %jit3A_262 = arith.constant 25 : i32
          %div3A_263 = arith.divsi %sub3A_261, %jit3A_262 : i32
          %sign3A_264 = arith.constant 0 : i32
          %sign3A_265 = arith.cmpi sgt, %sub3A_261, %sign3A_264 : i32
          %sign3A_266 = arith.extui %sign3A_265 : i1 to i32
          %sign3A_267 = arith.constant 0 : i32
          %sign3A_268 = arith.cmpi slt, %sub3A_261, %sign3A_267 : i32
          %sign3A_269 = arith.extui %sign3A_268 : i1 to i32
          %sign3A_270 = arith.subi %sign3A_266, %sign3A_269 : i32
          %sign3A_271 = arith.constant 0 : i32
          %sign3A_272 = arith.cmpi sgt, %jit3A_262, %sign3A_271 : i32
          %sign3A_273 = arith.extui %sign3A_272 : i1 to i32
          %sign3A_274 = arith.constant 0 : i32
          %sign3A_275 = arith.cmpi slt, %jit3A_262, %sign3A_274 : i32
          %sign3A_276 = arith.extui %sign3A_275 : i1 to i32
          %sign3A_277 = arith.subi %sign3A_273, %sign3A_276 : i32
          %ne3A_278 = arith.cmpi ne, %sign3A_270, %sign3A_277 : i32
          %rem3A_279 = arith.remsi %sub3A_261, %jit3A_262 : i32
          %ne3A_280 = arith.constant 0 : i32
          %ne3A_281 = arith.cmpi ne, %rem3A_279, %ne3A_280 : i32
          %and3A_282 = arith.andi %ne3A_278, %ne3A_281 : i1
          %sub3A_283 = arith.constant 1 : i32
          %sub3A_284 = arith.subi %div3A_263, %sub3A_283 : i32
          %select_n3A_285 = arith.select %and3A_282, %sub3A_284, %div3A_263 : i32
          %jit3A_286 = arith.constant 25 : i32
          %eq3A_287 = arith.constant 0 : i32
          %eq3A_288 = arith.cmpi eq, %jit3A_286, %eq3A_287 : i32
          %jit3A_289 = arith.constant 1 : i32
          %select_n3A_290 = arith.select %eq3A_288, %jit3A_289, %jit3A_286 : i32
          %rem3A_291 = arith.remsi %sub3A_261, %select_n3A_290 : i32
          %ne3A_292 = arith.constant 0 : i32
          %ne3A_293 = arith.cmpi ne, %rem3A_291, %ne3A_292 : i32
          %lt3A_294 = arith.constant 0 : i32
          %lt3A_295 = arith.cmpi slt, %rem3A_291, %lt3A_294 : i32
          %lt3A_296 = arith.constant 0 : i32
          %lt3A_297 = arith.cmpi slt, %select_n3A_290, %lt3A_296 : i32
          %ne3A_298 = arith.xori %lt3A_295, %lt3A_297 : i1
          %and3A_299 = arith.andi %ne3A_298, %ne3A_293 : i1
          %add3A_300 = arith.addi %rem3A_291, %select_n3A_290 : i32
          %select_n3A_301 = arith.select %and3A_299, %add3A_300, %rem3A_291 : i32
          %dma_start3A_302 = arith.constant 1 : i32
          %dma_start3A_303 = arith.constant 0 : i32
          %dma_start3A_304 = arith.constant 0 : i32
          %dma_start3A_305 = tpu.memref_slice %arg8[%dma_start3A_302, %dma_start3A_303, %dma_start3A_304] : memref<4x80x64xf32, #tpu.memory_space<vmem>> -> memref<1x80x64xf32, #tpu.memory_space<vmem>>
          %dma_start3A_306 = tpu.memref_squeeze %dma_start3A_305 : memref<1x80x64xf32, #tpu.memory_space<vmem>> -> memref<80x64xf32, #tpu.memory_space<vmem>>
          %dma_start3A_307 = arith.constant 0 : i32
          %dma_start3A_308 = tpu.memref_slice %arg7[%select_n3A_285, %select_n3A_301, %dma_start3A_307] : memref<5x25x80xi32, #tpu.memory_space<vmem>> -> memref<1x1x80xi32, #tpu.memory_space<vmem>>
          %dma_start3A_309 = tpu.memref_squeeze %dma_start3A_308 : memref<1x1x80xi32, #tpu.memory_space<vmem>> -> memref<80xi32, #tpu.memory_space<vmem>>
          %dma_start3A_310 = arith.constant 0 : i32
          %dma_start3A_311 = arith.constant 0 : i32
          %dma_start3A_312 = tpu.memref_slice %arg9[%dma_start3A_310, %dma_start3A_311] : memref<10000x64xf32, #tpu.memory_space<vmem_shared>> -> memref<10000x64xf32, #tpu.memory_space<vmem_shared>>
          tpu.enqueue_indirect_dma source(%dma_start3A_306 : memref<80x64xf32, #tpu.memory_space<vmem>>) target(%dma_start3A_312 : memref<10000x64xf32, #tpu.memory_space<vmem_shared>>) offsets(%dma_start3A_309 : memref<80xi32, #tpu.memory_space<vmem>>) semaphore(%arg16 : memref<!tpu.dma_semaphore, #tpu.memory_space<semaphore_mem>>) {add = true}
        } else {
        }
      } else {
      }
      %jit3A_169 = arith.constant 4 : i32
      %eq3A_170 = arith.constant 0 : i32
      %eq3A_171 = arith.cmpi eq, %jit3A_169, %eq3A_170 : i32
      %jit3A_172 = arith.constant 1 : i32
      %select_n3A_173 = arith.select %eq3A_171, %jit3A_172, %jit3A_169 : i32
      %rem3A_174 = arith.remsi %scan3A_114, %select_n3A_173 : i32
      %ne3A_175 = arith.constant 0 : i32
      %ne3A_176 = arith.cmpi ne, %rem3A_174, %ne3A_175 : i32
      %lt3A_177 = arith.constant 0 : i32
      %lt3A_178 = arith.cmpi slt, %rem3A_174, %lt3A_177 : i32
      %lt3A_179 = arith.constant 0 : i32
      %lt3A_180 = arith.cmpi slt, %select_n3A_173, %lt3A_179 : i32
      %ne3A_181 = arith.xori %lt3A_178, %lt3A_180 : i1
      %and3A_182 = arith.andi %ne3A_181, %ne3A_176 : i1
      %add3A_183 = arith.addi %rem3A_174, %select_n3A_173 : i32
      %select_n3A_184 = arith.select %and3A_182, %add3A_183, %rem3A_174 : i32
      %eq3A_185 = arith.constant 3 : i32
      %eq3A_186 = arith.cmpi eq, %select_n3A_184, %eq3A_185 : i32
      %convert_element_type3A_187 = arith.extui %eq3A_186 : i1 to i32
      %cond3A_188 = arith.constant 0 : i32
      %cond3A_189 = arith.cmpi ne, %convert_element_type3A_187, %cond3A_188 : i32
      scf.if %cond3A_189 {
        %ge3A = arith.constant 4 : i32
        %ge3A_190 = arith.cmpi sge, %scan3A_114, %ge3A : i32
        %convert_element_type3A_191 = arith.extui %ge3A_190 : i1 to i32
        %cond3A_192 = arith.constant 0 : i32
        %cond3A_193 = arith.cmpi ne, %convert_element_type3A_191, %cond3A_192 : i32
        scf.if %cond3A_193 {
          %dma_wait3A_247 = arith.constant 3 : i32
          %dma_wait3A_248 = arith.constant 0 : i32
          %dma_wait3A_249 = arith.constant 0 : i32
          %dma_wait3A_250 = arith.constant 0 : i32
          %dma_wait3A_251 = arith.constant 0 : i32
          %dma_wait3A_252 = tpu.memref_slice %arg8[%dma_wait3A_247, %dma_wait3A_250, %dma_wait3A_251] : memref<4x80x64xf32, #tpu.memory_space<vmem>> -> memref<1x80x64xf32, #tpu.memory_space<vmem>>
          %dma_wait3A_253 = tpu.memref_squeeze %dma_wait3A_252 : memref<1x80x64xf32, #tpu.memory_space<vmem>> -> memref<80x64xf32, #tpu.memory_space<vmem>>
          %dma_wait3A_254 = arith.constant 0 : i32
          %dma_wait3A_255 = tpu.memref_slice %arg7[%dma_wait3A_248, %dma_wait3A_249, %dma_wait3A_254] : memref<5x25x80xi32, #tpu.memory_space<vmem>> -> memref<1x1x80xi32, #tpu.memory_space<vmem>>
          %dma_wait3A_256 = tpu.memref_squeeze %dma_wait3A_255 : memref<1x1x80xi32, #tpu.memory_space<vmem>> -> memref<80xi32, #tpu.memory_space<vmem>>
          %dma_wait3A_257 = arith.constant 0 : i32
          %dma_wait3A_258 = arith.constant 0 : i32
          %dma_wait3A_259 = tpu.memref_slice %arg9[%dma_wait3A_257, %dma_wait3A_258] : memref<10000x64xf32, #tpu.memory_space<vmem_shared>> -> memref<10000x64xf32, #tpu.memory_space<vmem_shared>>
          tpu.wait_indirect_dma semaphore(%arg18 : memref<!tpu.dma_semaphore, #tpu.memory_space<semaphore_mem>>) src(%dma_wait3A_253 : memref<80x64xf32, #tpu.memory_space<vmem>>) dst(%dma_wait3A_259 : memref<10000x64xf32, #tpu.memory_space<vmem_shared>>)
        } else {
        }
        %jit3A_194 = arith.constant 25 : i32
        %div3A = arith.divsi %scan3A_114, %jit3A_194 : i32
        %sign3A = arith.constant 0 : i32
        %sign3A_195 = arith.cmpi sgt, %scan3A_114, %sign3A : i32
        %sign3A_196 = arith.extui %sign3A_195 : i1 to i32
        %sign3A_197 = arith.constant 0 : i32
        %sign3A_198 = arith.cmpi slt, %scan3A_114, %sign3A_197 : i32
        %sign3A_199 = arith.extui %sign3A_198 : i1 to i32
        %sign3A_200 = arith.subi %sign3A_196, %sign3A_199 : i32
        %sign3A_201 = arith.constant 0 : i32
        %sign3A_202 = arith.cmpi sgt, %jit3A_194, %sign3A_201 : i32
        %sign3A_203 = arith.extui %sign3A_202 : i1 to i32
        %sign3A_204 = arith.constant 0 : i32
        %sign3A_205 = arith.cmpi slt, %jit3A_194, %sign3A_204 : i32
        %sign3A_206 = arith.extui %sign3A_205 : i1 to i32
        %sign3A_207 = arith.subi %sign3A_203, %sign3A_206 : i32
        %ne3A_208 = arith.cmpi ne, %sign3A_200, %sign3A_207 : i32
        %rem3A_209 = arith.remsi %scan3A_114, %jit3A_194 : i32
        %ne3A_210 = arith.constant 0 : i32
        %ne3A_211 = arith.cmpi ne, %rem3A_209, %ne3A_210 : i32
        %and3A_212 = arith.andi %ne3A_208, %ne3A_211 : i1
        %sub3A = arith.constant 1 : i32
        %sub3A_213 = arith.subi %div3A, %sub3A : i32
        %select_n3A_214 = arith.select %and3A_212, %sub3A_213, %div3A : i32
        %jit3A_215 = arith.constant 25 : i32
        %eq3A_216 = arith.constant 0 : i32
        %eq3A_217 = arith.cmpi eq, %jit3A_215, %eq3A_216 : i32
        %jit3A_218 = arith.constant 1 : i32
        %select_n3A_219 = arith.select %eq3A_217, %jit3A_218, %jit3A_215 : i32
        %rem3A_220 = arith.remsi %scan3A_114, %select_n3A_219 : i32
        %ne3A_221 = arith.constant 0 : i32
        %ne3A_222 = arith.cmpi ne, %rem3A_220, %ne3A_221 : i32
        %lt3A_223 = arith.constant 0 : i32
        %lt3A_224 = arith.cmpi slt, %rem3A_220, %lt3A_223 : i32
        %lt3A_225 = arith.constant 0 : i32
        %lt3A_226 = arith.cmpi slt, %select_n3A_219, %lt3A_225 : i32
        %ne3A_227 = arith.xori %lt3A_224, %lt3A_226 : i1
        %and3A_228 = arith.andi %ne3A_227, %ne3A_222 : i1
        %add3A_229 = arith.addi %rem3A_220, %select_n3A_219 : i32
        %select_n3A_230 = arith.select %and3A_228, %add3A_229, %rem3A_220 : i32
        %dma_start3A_231 = arith.constant 3 : i32
        %dma_start3A_232 = arith.constant 0 : i32
        %dma_start3A_233 = arith.constant 0 : i32
        %dma_start3A_234 = tpu.memref_slice %arg8[%dma_start3A_231, %dma_start3A_232, %dma_start3A_233] : memref<4x80x64xf32, #tpu.memory_space<vmem>> -> memref<1x80x64xf32, #tpu.memory_space<vmem>>
        %dma_start3A_235 = tpu.memref_squeeze %dma_start3A_234 : memref<1x80x64xf32, #tpu.memory_space<vmem>> -> memref<80x64xf32, #tpu.memory_space<vmem>>
        %dma_start3A_236 = arith.constant 0 : i32
        %dma_start3A_237 = tpu.memref_slice %arg6[%select_n3A_214, %select_n3A_230, %dma_start3A_236] : memref<5x25x80xi32, #tpu.memory_space<vmem>> -> memref<1x1x80xi32, #tpu.memory_space<vmem>>
        %dma_start3A_238 = tpu.memref_squeeze %dma_start3A_237 : memref<1x1x80xi32, #tpu.memory_space<vmem>> -> memref<80xi32, #tpu.memory_space<vmem>>
        %dma_start3A_239 = arith.constant 0 : i32
        %dma_start3A_240 = arith.constant 0 : i32
        %dma_start3A_241 = tpu.memref_slice %arg10[%dma_start3A_239, %dma_start3A_240] : memref<10000x64xf32, #tpu.memory_space<vmem_shared>> -> memref<10000x64xf32, #tpu.memory_space<vmem_shared>>
        tpu.enqueue_indirect_dma source(%dma_start3A_241 : memref<10000x64xf32, #tpu.memory_space<vmem_shared>>) target(%dma_start3A_235 : memref<80x64xf32, #tpu.memory_space<vmem>>) offsets(%dma_start3A_238 : memref<80xi32, #tpu.memory_space<vmem>>) semaphore(%arg14 : memref<!tpu.dma_semaphore, #tpu.memory_space<semaphore_mem>>)
        %ge3A_242 = arith.constant 1 : i32
        %ge3A_243 = arith.cmpi sge, %scan3A_114, %ge3A_242 : i32
        %convert_element_type3A_244 = arith.extui %ge3A_243 : i1 to i32
        %cond3A_245 = arith.constant 0 : i32
        %cond3A_246 = arith.cmpi ne, %convert_element_type3A_244, %cond3A_245 : i32
        scf.if %cond3A_246 {
          %dma_wait3A_247 = arith.constant 0 : i32
          %dma_wait3A_248 = arith.constant 0 : i32
          %dma_wait3A_249 = arith.constant 2 : i32
          %dma_wait3A_250 = arith.constant 0 : i32
          %dma_wait3A_251 = arith.constant 0 : i32
          %dma_wait3A_252 = tpu.memref_slice %arg8[%dma_wait3A_249, %dma_wait3A_250, %dma_wait3A_251] : memref<4x80x64xf32, #tpu.memory_space<vmem>> -> memref<1x80x64xf32, #tpu.memory_space<vmem>>
          %dma_wait3A_253 = tpu.memref_squeeze %dma_wait3A_252 : memref<1x80x64xf32, #tpu.memory_space<vmem>> -> memref<80x64xf32, #tpu.memory_space<vmem>>
          %dma_wait3A_254 = arith.constant 0 : i32
          %dma_wait3A_255 = tpu.memref_slice %arg6[%dma_wait3A_247, %dma_wait3A_248, %dma_wait3A_254] : memref<5x25x80xi32, #tpu.memory_space<vmem>> -> memref<1x1x80xi32, #tpu.memory_space<vmem>>
          %dma_wait3A_256 = tpu.memref_squeeze %dma_wait3A_255 : memref<1x1x80xi32, #tpu.memory_space<vmem>> -> memref<80xi32, #tpu.memory_space<vmem>>
          %dma_wait3A_257 = arith.constant 0 : i32
          %dma_wait3A_258 = arith.constant 0 : i32
          %dma_wait3A_259 = tpu.memref_slice %arg10[%dma_wait3A_257, %dma_wait3A_258] : memref<10000x64xf32, #tpu.memory_space<vmem_shared>> -> memref<10000x64xf32, #tpu.memory_space<vmem_shared>>
          tpu.wait_indirect_dma semaphore(%arg13 : memref<!tpu.dma_semaphore, #tpu.memory_space<semaphore_mem>>) src(%dma_wait3A_259 : memref<10000x64xf32, #tpu.memory_space<vmem_shared>>) dst(%dma_wait3A_253 : memref<80x64xf32, #tpu.memory_space<vmem>>)
          %sub3A_260 = arith.constant 1 : i32
          %sub3A_261 = arith.subi %scan3A_114, %sub3A_260 : i32
          %jit3A_262 = arith.constant 25 : i32
          %div3A_263 = arith.divsi %sub3A_261, %jit3A_262 : i32
          %sign3A_264 = arith.constant 0 : i32
          %sign3A_265 = arith.cmpi sgt, %sub3A_261, %sign3A_264 : i32
          %sign3A_266 = arith.extui %sign3A_265 : i1 to i32
          %sign3A_267 = arith.constant 0 : i32
          %sign3A_268 = arith.cmpi slt, %sub3A_261, %sign3A_267 : i32
          %sign3A_269 = arith.extui %sign3A_268 : i1 to i32
          %sign3A_270 = arith.subi %sign3A_266, %sign3A_269 : i32
          %sign3A_271 = arith.constant 0 : i32
          %sign3A_272 = arith.cmpi sgt, %jit3A_262, %sign3A_271 : i32
          %sign3A_273 = arith.extui %sign3A_272 : i1 to i32
          %sign3A_274 = arith.constant 0 : i32
          %sign3A_275 = arith.cmpi slt, %jit3A_262, %sign3A_274 : i32
          %sign3A_276 = arith.extui %sign3A_275 : i1 to i32
          %sign3A_277 = arith.subi %sign3A_273, %sign3A_276 : i32
          %ne3A_278 = arith.cmpi ne, %sign3A_270, %sign3A_277 : i32
          %rem3A_279 = arith.remsi %sub3A_261, %jit3A_262 : i32
          %ne3A_280 = arith.constant 0 : i32
          %ne3A_281 = arith.cmpi ne, %rem3A_279, %ne3A_280 : i32
          %and3A_282 = arith.andi %ne3A_278, %ne3A_281 : i1
          %sub3A_283 = arith.constant 1 : i32
          %sub3A_284 = arith.subi %div3A_263, %sub3A_283 : i32
          %select_n3A_285 = arith.select %and3A_282, %sub3A_284, %div3A_263 : i32
          %jit3A_286 = arith.constant 25 : i32
          %eq3A_287 = arith.constant 0 : i32
          %eq3A_288 = arith.cmpi eq, %jit3A_286, %eq3A_287 : i32
          %jit3A_289 = arith.constant 1 : i32
          %select_n3A_290 = arith.select %eq3A_288, %jit3A_289, %jit3A_286 : i32
          %rem3A_291 = arith.remsi %sub3A_261, %select_n3A_290 : i32
          %ne3A_292 = arith.constant 0 : i32
          %ne3A_293 = arith.cmpi ne, %rem3A_291, %ne3A_292 : i32
          %lt3A_294 = arith.constant 0 : i32
          %lt3A_295 = arith.cmpi slt, %rem3A_291, %lt3A_294 : i32
          %lt3A_296 = arith.constant 0 : i32
          %lt3A_297 = arith.cmpi slt, %select_n3A_290, %lt3A_296 : i32
          %ne3A_298 = arith.xori %lt3A_295, %lt3A_297 : i1
          %and3A_299 = arith.andi %ne3A_298, %ne3A_293 : i1
          %add3A_300 = arith.addi %rem3A_291, %select_n3A_290 : i32
          %select_n3A_301 = arith.select %and3A_299, %add3A_300, %rem3A_291 : i32
          %dma_start3A_302 = arith.constant 2 : i32
          %dma_start3A_303 = arith.constant 0 : i32
          %dma_start3A_304 = arith.constant 0 : i32
          %dma_start3A_305 = tpu.memref_slice %arg8[%dma_start3A_302, %dma_start3A_303, %dma_start3A_304] : memref<4x80x64xf32, #tpu.memory_space<vmem>> -> memref<1x80x64xf32, #tpu.memory_space<vmem>>
          %dma_start3A_306 = tpu.memref_squeeze %dma_start3A_305 : memref<1x80x64xf32, #tpu.memory_space<vmem>> -> memref<80x64xf32, #tpu.memory_space<vmem>>
          %dma_start3A_307 = arith.constant 0 : i32
          %dma_start3A_308 = tpu.memref_slice %arg7[%select_n3A_285, %select_n3A_301, %dma_start3A_307] : memref<5x25x80xi32, #tpu.memory_space<vmem>> -> memref<1x1x80xi32, #tpu.memory_space<vmem>>
          %dma_start3A_309 = tpu.memref_squeeze %dma_start3A_308 : memref<1x1x80xi32, #tpu.memory_space<vmem>> -> memref<80xi32, #tpu.memory_space<vmem>>
          %dma_start3A_310 = arith.constant 0 : i32
          %dma_start3A_311 = arith.constant 0 : i32
          %dma_start3A_312 = tpu.memref_slice %arg9[%dma_start3A_310, %dma_start3A_311] : memref<10000x64xf32, #tpu.memory_space<vmem_shared>> -> memref<10000x64xf32, #tpu.memory_space<vmem_shared>>
          tpu.enqueue_indirect_dma source(%dma_start3A_306 : memref<80x64xf32, #tpu.memory_space<vmem>>) target(%dma_start3A_312 : memref<10000x64xf32, #tpu.memory_space<vmem_shared>>) offsets(%dma_start3A_309 : memref<80xi32, #tpu.memory_space<vmem>>) semaphore(%arg17 : memref<!tpu.dma_semaphore, #tpu.memory_space<semaphore_mem>>) {add = true}
        } else {
        }
      } else {
      }
    }
    %scan3A_32 = arith.constant 125 : i32
    %dma_wait3A = arith.constant 0 : i32
    %dma_wait3A_33 = arith.constant 0 : i32
    %dma_wait3A_34 = arith.constant 0 : i32
    %dma_wait3A_35 = arith.constant 0 : i32
    %dma_wait3A_36 = arith.constant 0 : i32
    %dma_wait3A_37 = tpu.memref_slice %arg8[%dma_wait3A_34, %dma_wait3A_35, %dma_wait3A_36] : memref<4x80x64xf32, #tpu.memory_space<vmem>> -> memref<1x80x64xf32, #tpu.memory_space<vmem>>
    %dma_wait3A_38 = tpu.memref_squeeze %dma_wait3A_37 : memref<1x80x64xf32, #tpu.memory_space<vmem>> -> memref<80x64xf32, #tpu.memory_space<vmem>>
    %dma_wait3A_39 = arith.constant 0 : i32
    %dma_wait3A_40 = tpu.memref_slice %arg6[%dma_wait3A, %dma_wait3A_33, %dma_wait3A_39] : memref<5x25x80xi32, #tpu.memory_space<vmem>> -> memref<1x1x80xi32, #tpu.memory_space<vmem>>
    %dma_wait3A_41 = tpu.memref_squeeze %dma_wait3A_40 : memref<1x1x80xi32, #tpu.memory_space<vmem>> -> memref<80xi32, #tpu.memory_space<vmem>>
    %dma_wait3A_42 = arith.constant 0 : i32
    %dma_wait3A_43 = arith.constant 0 : i32
    %dma_wait3A_44 = tpu.memref_slice %arg10[%dma_wait3A_42, %dma_wait3A_43] : memref<10000x64xf32, #tpu.memory_space<vmem_shared>> -> memref<10000x64xf32, #tpu.memory_space<vmem_shared>>
    tpu.wait_indirect_dma semaphore(%arg11 : memref<!tpu.dma_semaphore, #tpu.memory_space<semaphore_mem>>) src(%dma_wait3A_44 : memref<10000x64xf32, #tpu.memory_space<vmem_shared>>) dst(%dma_wait3A_38 : memref<80x64xf32, #tpu.memory_space<vmem>>)
    %dma_start3A = arith.constant 0 : i32
    %dma_start3A_45 = arith.constant 4 : i32
    %dma_start3A_46 = arith.constant 24 : i32
    %dma_start3A_47 = arith.constant 0 : i32
    %dma_start3A_48 = arith.constant 0 : i32
    %dma_start3A_49 = tpu.memref_slice %arg8[%dma_start3A, %dma_start3A_47, %dma_start3A_48] : memref<4x80x64xf32, #tpu.memory_space<vmem>> -> memref<1x80x64xf32, #tpu.memory_space<vmem>>
    %dma_start3A_50 = tpu.memref_squeeze %dma_start3A_49 : memref<1x80x64xf32, #tpu.memory_space<vmem>> -> memref<80x64xf32, #tpu.memory_space<vmem>>
    %dma_start3A_51 = arith.constant 0 : i32
    %dma_start3A_52 = tpu.memref_slice %arg7[%dma_start3A_45, %dma_start3A_46, %dma_start3A_51] : memref<5x25x80xi32, #tpu.memory_space<vmem>> -> memref<1x1x80xi32, #tpu.memory_space<vmem>>
    %dma_start3A_53 = tpu.memref_squeeze %dma_start3A_52 : memref<1x1x80xi32, #tpu.memory_space<vmem>> -> memref<80xi32, #tpu.memory_space<vmem>>
    %dma_start3A_54 = arith.constant 0 : i32
    %dma_start3A_55 = arith.constant 0 : i32
    %dma_start3A_56 = tpu.memref_slice %arg9[%dma_start3A_54, %dma_start3A_55] : memref<10000x64xf32, #tpu.memory_space<vmem_shared>> -> memref<10000x64xf32, #tpu.memory_space<vmem_shared>>
    tpu.enqueue_indirect_dma source(%dma_start3A_50 : memref<80x64xf32, #tpu.memory_space<vmem>>) target(%dma_start3A_56 : memref<10000x64xf32, #tpu.memory_space<vmem_shared>>) offsets(%dma_start3A_53 : memref<80xi32, #tpu.memory_space<vmem>>) semaphore(%arg15 : memref<!tpu.dma_semaphore, #tpu.memory_space<semaphore_mem>>) {add = true}
    %dma_wait3A_57 = arith.constant 3 : i32
    %dma_wait3A_58 = arith.constant 0 : i32
    %dma_wait3A_59 = arith.constant 0 : i32
    %dma_wait3A_60 = arith.constant 0 : i32
    %dma_wait3A_61 = arith.constant 0 : i32
    %dma_wait3A_62 = tpu.memref_slice %arg8[%dma_wait3A_57, %dma_wait3A_60, %dma_wait3A_61] : memref<4x80x64xf32, #tpu.memory_space<vmem>> -> memref<1x80x64xf32, #tpu.memory_space<vmem>>
    %dma_wait3A_63 = tpu.memref_squeeze %dma_wait3A_62 : memref<1x80x64xf32, #tpu.memory_space<vmem>> -> memref<80x64xf32, #tpu.memory_space<vmem>>
    %dma_wait3A_64 = arith.constant 0 : i32
    %dma_wait3A_65 = tpu.memref_slice %arg7[%dma_wait3A_58, %dma_wait3A_59, %dma_wait3A_64] : memref<5x25x80xi32, #tpu.memory_space<vmem>> -> memref<1x1x80xi32, #tpu.memory_space<vmem>>
    %dma_wait3A_66 = tpu.memref_squeeze %dma_wait3A_65 : memref<1x1x80xi32, #tpu.memory_space<vmem>> -> memref<80xi32, #tpu.memory_space<vmem>>
    %dma_wait3A_67 = arith.constant 0 : i32
    %dma_wait3A_68 = arith.constant 0 : i32
    %dma_wait3A_69 = tpu.memref_slice %arg9[%dma_wait3A_67, %dma_wait3A_68] : memref<10000x64xf32, #tpu.memory_space<vmem_shared>> -> memref<10000x64xf32, #tpu.memory_space<vmem_shared>>
    tpu.wait_indirect_dma semaphore(%arg18 : memref<!tpu.dma_semaphore, #tpu.memory_space<semaphore_mem>>) src(%dma_wait3A_63 : memref<80x64xf32, #tpu.memory_space<vmem>>) dst(%dma_wait3A_69 : memref<10000x64xf32, #tpu.memory_space<vmem_shared>>)
    %dma_wait3A_70 = arith.constant 2 : i32
    %dma_wait3A_71 = arith.constant 0 : i32
    %dma_wait3A_72 = arith.constant 0 : i32
    %dma_wait3A_73 = arith.constant 0 : i32
    %dma_wait3A_74 = arith.constant 0 : i32
    %dma_wait3A_75 = tpu.memref_slice %arg8[%dma_wait3A_70, %dma_wait3A_73, %dma_wait3A_74] : memref<4x80x64xf32, #tpu.memory_space<vmem>> -> memref<1x80x64xf32, #tpu.memory_space<vmem>>
    %dma_wait3A_76 = tpu.memref_squeeze %dma_wait3A_75 : memref<1x80x64xf32, #tpu.memory_space<vmem>> -> memref<80x64xf32, #tpu.memory_space<vmem>>
    %dma_wait3A_77 = arith.constant 0 : i32
    %dma_wait3A_78 = tpu.memref_slice %arg7[%dma_wait3A_71, %dma_wait3A_72, %dma_wait3A_77] : memref<5x25x80xi32, #tpu.memory_space<vmem>> -> memref<1x1x80xi32, #tpu.memory_space<vmem>>
    %dma_wait3A_79 = tpu.memref_squeeze %dma_wait3A_78 : memref<1x1x80xi32, #tpu.memory_space<vmem>> -> memref<80xi32, #tpu.memory_space<vmem>>
    %dma_wait3A_80 = arith.constant 0 : i32
    %dma_wait3A_81 = arith.constant 0 : i32
    %dma_wait3A_82 = tpu.memref_slice %arg9[%dma_wait3A_80, %dma_wait3A_81] : memref<10000x64xf32, #tpu.memory_space<vmem_shared>> -> memref<10000x64xf32, #tpu.memory_space<vmem_shared>>
    tpu.wait_indirect_dma semaphore(%arg17 : memref<!tpu.dma_semaphore, #tpu.memory_space<semaphore_mem>>) src(%dma_wait3A_76 : memref<80x64xf32, #tpu.memory_space<vmem>>) dst(%dma_wait3A_82 : memref<10000x64xf32, #tpu.memory_space<vmem_shared>>)
    %dma_wait3A_83 = arith.constant 1 : i32
    %dma_wait3A_84 = arith.constant 0 : i32
    %dma_wait3A_85 = arith.constant 0 : i32
    %dma_wait3A_86 = arith.constant 0 : i32
    %dma_wait3A_87 = arith.constant 0 : i32
    %dma_wait3A_88 = tpu.memref_slice %arg8[%dma_wait3A_83, %dma_wait3A_86, %dma_wait3A_87] : memref<4x80x64xf32, #tpu.memory_space<vmem>> -> memref<1x80x64xf32, #tpu.memory_space<vmem>>
    %dma_wait3A_89 = tpu.memref_squeeze %dma_wait3A_88 : memref<1x80x64xf32, #tpu.memory_space<vmem>> -> memref<80x64xf32, #tpu.memory_space<vmem>>
    %dma_wait3A_90 = arith.constant 0 : i32
    %dma_wait3A_91 = tpu.memref_slice %arg7[%dma_wait3A_84, %dma_wait3A_85, %dma_wait3A_90] : memref<5x25x80xi32, #tpu.memory_space<vmem>> -> memref<1x1x80xi32, #tpu.memory_space<vmem>>
    %dma_wait3A_92 = tpu.memref_squeeze %dma_wait3A_91 : memref<1x1x80xi32, #tpu.memory_space<vmem>> -> memref<80xi32, #tpu.memory_space<vmem>>
    %dma_wait3A_93 = arith.constant 0 : i32
    %dma_wait3A_94 = arith.constant 0 : i32
    %dma_wait3A_95 = tpu.memref_slice %arg9[%dma_wait3A_93, %dma_wait3A_94] : memref<10000x64xf32, #tpu.memory_space<vmem_shared>> -> memref<10000x64xf32, #tpu.memory_space<vmem_shared>>
    tpu.wait_indirect_dma semaphore(%arg16 : memref<!tpu.dma_semaphore, #tpu.memory_space<semaphore_mem>>) src(%dma_wait3A_89 : memref<80x64xf32, #tpu.memory_space<vmem>>) dst(%dma_wait3A_95 : memref<10000x64xf32, #tpu.memory_space<vmem_shared>>)
    %dma_wait3A_96 = arith.constant 0 : i32
    %dma_wait3A_97 = arith.constant 0 : i32
    %dma_wait3A_98 = arith.constant 0 : i32
    %dma_wait3A_99 = arith.constant 0 : i32
    %dma_wait3A_100 = arith.constant 0 : i32
    %dma_wait3A_101 = tpu.memref_slice %arg8[%dma_wait3A_96, %dma_wait3A_99, %dma_wait3A_100] : memref<4x80x64xf32, #tpu.memory_space<vmem>> -> memref<1x80x64xf32, #tpu.memory_space<vmem>>
    %dma_wait3A_102 = tpu.memref_squeeze %dma_wait3A_101 : memref<1x80x64xf32, #tpu.memory_space<vmem>> -> memref<80x64xf32, #tpu.memory_space<vmem>>
    %dma_wait3A_103 = arith.constant 0 : i32
    %dma_wait3A_104 = tpu.memref_slice %arg7[%dma_wait3A_97, %dma_wait3A_98, %dma_wait3A_103] : memref<5x25x80xi32, #tpu.memory_space<vmem>> -> memref<1x1x80xi32, #tpu.memory_space<vmem>>
    %dma_wait3A_105 = tpu.memref_squeeze %dma_wait3A_104 : memref<1x1x80xi32, #tpu.memory_space<vmem>> -> memref<80xi32, #tpu.memory_space<vmem>>
    %dma_wait3A_106 = arith.constant 0 : i32
    %dma_wait3A_107 = arith.constant 0 : i32
    %dma_wait3A_108 = tpu.memref_slice %arg9[%dma_wait3A_106, %dma_wait3A_107] : memref<10000x64xf32, #tpu.memory_space<vmem_shared>> -> memref<10000x64xf32, #tpu.memory_space<vmem_shared>>
    tpu.wait_indirect_dma semaphore(%arg15 : memref<!tpu.dma_semaphore, #tpu.memory_space<semaphore_mem>>) src(%dma_wait3A_102 : memref<80x64xf32, #tpu.memory_space<vmem>>) dst(%dma_wait3A_108 : memref<10000x64xf32, #tpu.memory_space<vmem_shared>>)
    %barrier3A_109 = arith.constant 0 : index
    tpu.barrier barrier_id(%barrier3A_109)
    %mul3A_110 = arith.constant 625 : i32
    %mul3A_111 = arith.muli %arg1, %mul3A_110 : i32
    %mul3A_112 = arith.constant 625 : i32
    %mul3A_113 = arith.muli %arg1, %mul3A_112 : i32
    "tpu.region"() ({
      %run_scoped3A_114 = tpu.sem_alloc : memref<!tpu.dma_semaphore, #tpu.memory_space<semaphore_mem>>
      %dma_start3A_115 = arith.constant 0 : i32
      %dma_start3A_116 = tpu.memref_slice %arg5[%arg0, %mul3A_113, %dma_start3A_115] : memref<2x10000x64xf32, #tpu.memory_space<hbm>> -> memref<1x625x64xf32, #tpu.memory_space<hbm>>
      %dma_start3A_117 = tpu.memref_squeeze %dma_start3A_116 : memref<1x625x64xf32, #tpu.memory_space<hbm>> -> memref<625x64xf32, #tpu.memory_space<hbm>>
      %dma_start3A_118 = arith.constant 0 : i32
      %dma_start3A_119 = tpu.memref_slice %arg9[%mul3A_111, %dma_start3A_118] : memref<10000x64xf32, #tpu.memory_space<vmem_shared>> -> memref<625x64xf32, #tpu.memory_space<vmem_shared>>
      tpu.enqueue_dma source(%dma_start3A_119 : memref<625x64xf32, #tpu.memory_space<vmem_shared>>) target(%dma_start3A_117 : memref<625x64xf32, #tpu.memory_space<hbm>>) target_semaphore(%run_scoped3A_114 : memref<!tpu.dma_semaphore, #tpu.memory_space<semaphore_mem>>)
      %dma_wait3A_120 = arith.constant 0 : i32
      %dma_wait3A_121 = tpu.memref_slice %arg5[%arg0, %mul3A_113, %dma_wait3A_120] : memref<2x10000x64xf32, #tpu.memory_space<hbm>> -> memref<1x625x64xf32, #tpu.memory_space<hbm>>
      %dma_wait3A_122 = tpu.memref_squeeze %dma_wait3A_121 : memref<1x625x64xf32, #tpu.memory_space<hbm>> -> memref<625x64xf32, #tpu.memory_space<hbm>>
      %dma_wait3A_123 = arith.constant 0 : i32
      %dma_wait3A_124 = tpu.memref_slice %arg9[%mul3A_111, %dma_wait3A_123] : memref<10000x64xf32, #tpu.memory_space<vmem_shared>> -> memref<625x64xf32, #tpu.memory_space<vmem_shared>>
      tpu.wait_dma2 semaphore(%run_scoped3A_114 : memref<!tpu.dma_semaphore, #tpu.memory_space<semaphore_mem>>) src(%dma_wait3A_124 : memref<625x64xf32, #tpu.memory_space<vmem_shared>>) dst(%dma_wait3A_122 : memref<625x64xf32, #tpu.memory_space<hbm>>)
      tpu.yield
    }) : () -> ()
    return
  }
}

module attributes {stable_mosaic.version = 14 : i64} {
  func.func @_tc1_body(%arg0: memref<2x10112xf32, #tpu.memory_space<vmem>>, %arg1: memref<10000x128xf32, #tpu.memory_space<vmem>>, %arg2: memref<128x64xf32, #tpu.memory_space<vmem>>, %arg3: memref<1x64xf32, #tpu.memory_space<vmem>>, %arg4: memref<10000x64xf32, #tpu.memory_space<vmem>>, %arg5: memref<10000x64xf32, #tpu.memory_space<vmem>>) attributes {dimension_semantics = [], scalar_prefetch = 0 : i64, scratch_operands = 0 : i64, tpu.core_type = #tpu.core_type<tc>} {
    %get3A = arith.constant 0 : index
    %get3A_0 = arith.constant 0 : index
    %get3A_1 = vector.load %arg0[%get3A, %get3A_0] : memref<2x10112xf32, #tpu.memory_space<vmem>>, vector<1x10112xf32>
    %get3A_2 = vector.shape_cast %get3A_1 : vector<1x10112xf32> to vector<10112xf32>
    %get3A_3 = arith.constant 1 : index
    %get3A_4 = arith.constant 0 : index
    %get3A_5 = vector.load %arg0[%get3A_3, %get3A_4] : memref<2x10112xf32, #tpu.memory_space<vmem>>, vector<1x10112xf32>
    %get3A_6 = vector.shape_cast %get3A_5 : vector<1x10112xf32> to vector<10112xf32>
    %add3A = arith.addf %get3A_2, %get3A_6 : vector<10112xf32>
    %add3A_7 = arith.constant 1.000000e+00 : f32
    %add3A_8 = vector.broadcast %add3A_7 : f32 to vector<10112xf32>
    %add3A_9 = arith.addf %add3A, %add3A_8 : vector<10112xf32>
    %reshape3A = vector.shape_cast %add3A_9 : vector<10112xf32> to vector<1x10112xf32>
    %rsqrt3A = math.rsqrt %reshape3A : vector<1x10112xf32>
    %get3A_10 = arith.constant 0 : index
    %get3A_11 = arith.constant 0 : index
    %get3A_12 = vector.load %arg3[%get3A_10, %get3A_11] : memref<1x64xf32, #tpu.memory_space<vmem>>, vector<1x64xf32>
    %dot_general3A = arith.constant dense<0.000000e+00> : vector<10112x64xf32>
    %dot_general3A_13 = tpu.matmul %rsqrt3A, %get3A_12, %dot_general3A {dimension_numbers = #tpu.dot_dimension_numbers<[0], [0], [1], [1], [0, 1, 1, 1], [], []>, precision = #tpu.contract_precision<fp32>, transpose_lhs_hint = false} : vector<1x10112xf32>, vector<1x64xf32>, vector<10112x64xf32> -> vector<10112x64xf32>
    %slice3A = vector.extract_strided_slice %dot_general3A_13 {offsets = [0, 0], sizes = [10000, 64], strides = [1, 1]} : vector<10112x64xf32> to vector<10000x64xf32>
    %get3A_14 = arith.constant 0 : index
    %get3A_15 = arith.constant 0 : index
    %get3A_16 = vector.load %arg1[%get3A_14, %get3A_15] : memref<10000x128xf32, #tpu.memory_space<vmem>>, vector<10000x128xf32>
    %get3A_17 = arith.constant 0 : index
    %get3A_18 = arith.constant 0 : index
    %get3A_19 = vector.load %arg2[%get3A_17, %get3A_18] : memref<128x64xf32, #tpu.memory_space<vmem>>, vector<128x64xf32>
    %dot_general3A_20 = arith.constant dense<0.000000e+00> : vector<10000x64xf32>
    %dot_general3A_21 = tpu.matmul %get3A_16, %get3A_19, %dot_general3A_20 {dimension_numbers = #tpu.dot_dimension_numbers<[1], [0], [0], [1], [0, 0, 1, 1], [], []>, transpose_lhs_hint = false} : vector<10000x128xf32>, vector<128x64xf32>, vector<10000x64xf32> -> vector<10000x64xf32>
    %mul3A = arith.mulf %dot_general3A_21, %slice3A : vector<10000x64xf32>
    %swap3A = arith.constant 0 : index
    %swap3A_22 = arith.constant 0 : index
    %swap3A_23 = vector.load %arg4[%swap3A, %swap3A_22] : memref<10000x64xf32, #tpu.memory_space<vmem>>, vector<10000x64xf32>
    tpu.vector_store %arg4[%swap3A, %swap3A_22], %mul3A {strides = array<i32>} : memref<10000x64xf32, #tpu.memory_space<vmem>>, vector<10000x64xf32>,
    %swap3A_24 = arith.constant 0 : index
    %swap3A_25 = arith.constant 0 : index
    %swap3A_26 = vector.load %arg5[%swap3A_24, %swap3A_25] : memref<10000x64xf32, #tpu.memory_space<vmem>>, vector<10000x64xf32>
    tpu.vector_store %arg5[%swap3A_24, %swap3A_25], %slice3A {strides = array<i32>} : memref<10000x64xf32, #tpu.memory_space<vmem>>, vector<10000x64xf32>,
    return
  }
}

module attributes {stable_mosaic.version = 14 : i64} {
  func.func @_detile_body(%arg0: memref<2x320000xi32, #tpu.memory_space<vmem>>, %arg1: memref<320000xi32, #tpu.memory_space<vmem>>, %arg2: memref<320000xi32, #tpu.memory_space<vmem>>) attributes {dimension_semantics = [], scalar_prefetch = 0 : i64, scratch_operands = 0 : i64, tpu.core_type = #tpu.core_type<tc>} {
    %get3A = arith.constant 0 : index
    %get3A_0 = arith.constant 0 : index
    %get3A_1 = vector.load %arg0[%get3A, %get3A_0] : memref<2x320000xi32, #tpu.memory_space<vmem>>, vector<1x320000xi32>
    %get3A_2 = vector.shape_cast %get3A_1 : vector<1x320000xi32> to vector<320000xi32>
    %swap3A = arith.constant 0 : index
    %swap3A_3 = vector.load %arg1[%swap3A] : memref<320000xi32, #tpu.memory_space<vmem>>, vector<320000xi32>
    tpu.vector_store %arg1[%swap3A], %get3A_2 {strides = array<i32>} : memref<320000xi32, #tpu.memory_space<vmem>>, vector<320000xi32>,
    %get3A_4 = arith.constant 1 : index
    %get3A_5 = arith.constant 0 : index
    %get3A_6 = vector.load %arg0[%get3A_4, %get3A_5] : memref<2x320000xi32, #tpu.memory_space<vmem>>, vector<1x320000xi32>
    %get3A_7 = vector.shape_cast %get3A_6 : vector<1x320000xi32> to vector<320000xi32>
    %swap3A_8 = arith.constant 0 : index
    %swap3A_9 = vector.load %arg2[%swap3A_8] : memref<320000xi32, #tpu.memory_space<vmem>>, vector<320000xi32>
    tpu.vector_store %arg2[%swap3A_8], %get3A_7 {strides = array<i32>} : memref<320000xi32, #tpu.memory_space<vmem>>, vector<320000xi32>,
    return
  }
}

module attributes {stable_mosaic.version = 14 : i64} {
  func.func @_tc2_body(%arg0: i32, %arg1: memref<1x2000x64xf32, #tpu.memory_space<vmem>>, %arg2: memref<1x2000x64xf32, #tpu.memory_space<vmem>>, %arg3: memref<2000x64xf32, #tpu.memory_space<vmem>>, %arg4: memref<2000x64xf32, #tpu.memory_space<vmem>>, %arg5: memref<1x64xf32, #tpu.memory_space<vmem>>, %arg6: memref<64x64xf32, #tpu.memory_space<vmem>>, %arg7: memref<2000x64xf32, #tpu.memory_space<vmem>>) attributes {dimension_semantics = [#tpu.dimension_semantics<arbitrary>], iteration_bounds = array<i64: 5>, scalar_prefetch = 0 : i64, scratch_operands = 0 : i64, tpu.core_type = #tpu.core_type<tc>, window_params = [{transform_indices = @transform_0, window_bounds = array<i64: 1, 2000, 64>}, {transform_indices = @transform_1, window_bounds = array<i64: 1, 2000, 64>}, {transform_indices = @transform_2, window_bounds = array<i64: 2000, 64>}, {transform_indices = @transform_3, window_bounds = array<i64: 2000, 64>}, {pipeline_mode = #tpu.pipeline_mode<synchronous>, transform_indices = @transform_4, window_bounds = array<i64: 1, 64>}, {pipeline_mode = #tpu.pipeline_mode<synchronous>, transform_indices = @transform_5, window_bounds = array<i64: 64, 64>}, {transform_indices = @transform_6, window_bounds = array<i64: 2000, 64>}]} {
    %get3A = arith.constant 0 : index
    %get3A_0 = arith.constant 0 : index
    %get3A_1 = vector.load %arg4[%get3A, %get3A_0] : memref<2000x64xf32, #tpu.memory_space<vmem>>, vector<2000x64xf32>
    %get3A_2 = arith.constant 0 : index
    %get3A_3 = arith.constant 0 : index
    %get3A_4 = arith.constant 0 : index
    %get3A_5 = vector.load %arg1[%get3A_2, %get3A_3, %get3A_4] : memref<1x2000x64xf32, #tpu.memory_space<vmem>>, vector<1x2000x64xf32>
    %get3A_6 = vector.shape_cast %get3A_5 : vector<1x2000x64xf32> to vector<2000x64xf32>
    %get3A_7 = arith.constant 0 : index
    %get3A_8 = arith.constant 0 : index
    %get3A_9 = arith.constant 0 : index
    %get3A_10 = vector.load %arg2[%get3A_7, %get3A_8, %get3A_9] : memref<1x2000x64xf32, #tpu.memory_space<vmem>>, vector<1x2000x64xf32>
    %get3A_11 = vector.shape_cast %get3A_10 : vector<1x2000x64xf32> to vector<2000x64xf32>
    %add3A = arith.addf %get3A_6, %get3A_11 : vector<2000x64xf32>
    %get3A_12 = arith.constant 0 : index
    %get3A_13 = arith.constant 0 : index
    %get3A_14 = vector.load %arg3[%get3A_12, %get3A_13] : memref<2000x64xf32, #tpu.memory_space<vmem>>, vector<2000x64xf32>
    %sub3A = arith.subf %add3A, %get3A_14 : vector<2000x64xf32>
    %mul3A = arith.mulf %sub3A, %get3A_1 : vector<2000x64xf32>
    %get3A_15 = arith.constant 0 : index
    %get3A_16 = arith.constant 0 : index
    %get3A_17 = vector.load %arg5[%get3A_15, %get3A_16] : memref<1x64xf32, #tpu.memory_space<vmem>>, vector<1x64xf32>
    %add3A_18 = vector.broadcast %get3A_17 : vector<1x64xf32> to vector<2000x64xf32>
    %add3A_19 = arith.addf %mul3A, %add3A_18 : vector<2000x64xf32>
    %max3A = arith.constant 0.000000e+00 : f32
    %max3A_20 = vector.broadcast %max3A : f32 to vector<2000x64xf32>
    %max3A_21 = arith.maximumf %add3A_19, %max3A_20 : vector<2000x64xf32>
    %get3A_22 = arith.constant 0 : index
    %get3A_23 = arith.constant 0 : index
    %get3A_24 = vector.load %arg6[%get3A_22, %get3A_23] : memref<64x64xf32, #tpu.memory_space<vmem>>, vector<64x64xf32>
    %dot_general3A = arith.constant dense<0.000000e+00> : vector<2000x64xf32>
    %dot_general3A_25 = tpu.matmul %max3A_21, %get3A_24, %dot_general3A {dimension_numbers = #tpu.dot_dimension_numbers<[1], [0], [0], [1], [0, 0, 1, 1], [], []>, transpose_lhs_hint = false} : vector<2000x64xf32>, vector<64x64xf32>, vector<2000x64xf32> -> vector<2000x64xf32>
    %mul3A_26 = arith.mulf %dot_general3A_25, %get3A_1 : vector<2000x64xf32>
    %swap3A = arith.constant 0 : index
    %swap3A_27 = arith.constant 0 : index
    %swap3A_28 = vector.load %arg7[%swap3A, %swap3A_27] : memref<2000x64xf32, #tpu.memory_space<vmem>>, vector<2000x64xf32>
    tpu.vector_store %arg7[%swap3A, %swap3A_27], %mul3A_26 {strides = array<i32>} : memref<2000x64xf32, #tpu.memory_space<vmem>>, vector<2000x64xf32>,
    return
  }
  func.func @transform_0(%arg0: i32) -> (i32, i32, i32) {
    %c0_i32 = arith.constant 0 : i32
    %c0_i32_0 = arith.constant 0 : i32
    %c0_i32_1 = arith.constant 0 : i32
    return %c0_i32, %arg0, %c0_i32_0 : i32, i32, i32
  }
  func.func @transform_1(%arg0: i32) -> (i32, i32, i32) {
    %c1_i32 = arith.constant 1 : i32
    %c0_i32 = arith.constant 0 : i32
    %c0_i32_0 = arith.constant 0 : i32
    return %c1_i32, %arg0, %c0_i32 : i32, i32, i32
  }
  func.func @transform_2(%arg0: i32) -> (i32, i32) {
    %c0_i32 = arith.constant 0 : i32
    %c0_i32_0 = arith.constant 0 : i32
    return %arg0, %c0_i32 : i32, i32
  }
  func.func @transform_3(%arg0: i32) -> (i32, i32) {
    %c0_i32 = arith.constant 0 : i32
    %c0_i32_0 = arith.constant 0 : i32
    return %arg0, %c0_i32 : i32, i32
  }
  func.func @transform_4(%arg0: i32) -> (i32, i32) {
    %c0_i32 = arith.constant 0 : i32
    %c0_i32_0 = arith.constant 0 : i32
    %c0_i32_1 = arith.constant 0 : i32
    return %c0_i32, %c0_i32_0 : i32, i32
  }
  func.func @transform_5(%arg0: i32) -> (i32, i32) {
    %c0_i32 = arith.constant 0 : i32
    %c0_i32_0 = arith.constant 0 : i32
    %c0_i32_1 = arith.constant 0 : i32
    return %c0_i32, %c0_i32_0 : i32, i32
  }
  func.func @transform_6(%arg0: i32) -> (i32, i32) {
    %c0_i32 = arith.constant 0 : i32
    %c0_i32_0 = arith.constant 0 : i32
    return %arg0, %c0_i32 : i32, i32
  }
}

module attributes {stable_mosaic.version = 14 : i64} {
  func.func @_tc3_body(%arg0: i32, %arg1: memref<1x2000x64xf32, #tpu.memory_space<vmem>>, %arg2: memref<1x2000x64xf32, #tpu.memory_space<vmem>>, %arg3: memref<2000x64xf32, #tpu.memory_space<vmem>>, %arg4: memref<2000x64xf32, #tpu.memory_space<vmem>>, %arg5: memref<1x64xf32, #tpu.memory_space<vmem>>, %arg6: memref<2000x64xf32, #tpu.memory_space<vmem>>) attributes {dimension_semantics = [#tpu.dimension_semantics<arbitrary>], iteration_bounds = array<i64: 5>, scalar_prefetch = 0 : i64, scratch_operands = 0 : i64, tpu.core_type = #tpu.core_type<tc>, window_params = [{transform_indices = @transform_0, window_bounds = array<i64: 1, 2000, 64>}, {transform_indices = @transform_1, window_bounds = array<i64: 1, 2000, 64>}, {transform_indices = @transform_2, window_bounds = array<i64: 2000, 64>}, {transform_indices = @transform_3, window_bounds = array<i64: 2000, 64>}, {pipeline_mode = #tpu.pipeline_mode<synchronous>, transform_indices = @transform_4, window_bounds = array<i64: 1, 64>}, {transform_indices = @transform_5, window_bounds = array<i64: 2000, 64>}]} {
    %get3A = arith.constant 0 : index
    %get3A_0 = arith.constant 0 : index
    %get3A_1 = arith.constant 0 : index
    %get3A_2 = vector.load %arg1[%get3A, %get3A_0, %get3A_1] : memref<1x2000x64xf32, #tpu.memory_space<vmem>>, vector<1x2000x64xf32>
    %get3A_3 = vector.shape_cast %get3A_2 : vector<1x2000x64xf32> to vector<2000x64xf32>
    %get3A_4 = arith.constant 0 : index
    %get3A_5 = arith.constant 0 : index
    %get3A_6 = arith.constant 0 : index
    %get3A_7 = vector.load %arg2[%get3A_4, %get3A_5, %get3A_6] : memref<1x2000x64xf32, #tpu.memory_space<vmem>>, vector<1x2000x64xf32>
    %get3A_8 = vector.shape_cast %get3A_7 : vector<1x2000x64xf32> to vector<2000x64xf32>
    %add3A = arith.addf %get3A_3, %get3A_8 : vector<2000x64xf32>
    %get3A_9 = arith.constant 0 : index
    %get3A_10 = arith.constant 0 : index
    %get3A_11 = vector.load %arg3[%get3A_9, %get3A_10] : memref<2000x64xf32, #tpu.memory_space<vmem>>, vector<2000x64xf32>
    %sub3A = arith.subf %add3A, %get3A_11 : vector<2000x64xf32>
    %get3A_12 = arith.constant 0 : index
    %get3A_13 = arith.constant 0 : index
    %get3A_14 = vector.load %arg4[%get3A_12, %get3A_13] : memref<2000x64xf32, #tpu.memory_space<vmem>>, vector<2000x64xf32>
    %mul3A = arith.mulf %sub3A, %get3A_14 : vector<2000x64xf32>
    %get3A_15 = arith.constant 0 : index
    %get3A_16 = arith.constant 0 : index
    %get3A_17 = vector.load %arg5[%get3A_15, %get3A_16] : memref<1x64xf32, #tpu.memory_space<vmem>>, vector<1x64xf32>
    %add3A_18 = vector.broadcast %get3A_17 : vector<1x64xf32> to vector<2000x64xf32>
    %add3A_19 = arith.addf %mul3A, %add3A_18 : vector<2000x64xf32>
    %swap3A = arith.constant 0 : index
    %swap3A_20 = arith.constant 0 : index
    %swap3A_21 = vector.load %arg6[%swap3A, %swap3A_20] : memref<2000x64xf32, #tpu.memory_space<vmem>>, vector<2000x64xf32>
    tpu.vector_store %arg6[%swap3A, %swap3A_20], %add3A_19 {strides = array<i32>} : memref<2000x64xf32, #tpu.memory_space<vmem>>, vector<2000x64xf32>,
    return
  }
  func.func @transform_0(%arg0: i32) -> (i32, i32, i32) {
    %c0_i32 = arith.constant 0 : i32
    %c0_i32_0 = arith.constant 0 : i32
    %c0_i32_1 = arith.constant 0 : i32
    return %c0_i32, %arg0, %c0_i32_0 : i32, i32, i32
  }
  func.func @transform_1(%arg0: i32) -> (i32, i32, i32) {
    %c1_i32 = arith.constant 1 : i32
    %c0_i32 = arith.constant 0 : i32
    %c0_i32_0 = arith.constant 0 : i32
    return %c1_i32, %arg0, %c0_i32 : i32, i32, i32
  }
  func.func @transform_2(%arg0: i32) -> (i32, i32) {
    %c0_i32 = arith.constant 0 : i32
    %c0_i32_0 = arith.constant 0 : i32
    return %arg0, %c0_i32 : i32, i32
  }
  func.func @transform_3(%arg0: i32) -> (i32, i32) {
    %c0_i32 = arith.constant 0 : i32
    %c0_i32_0 = arith.constant 0 : i32
    return %arg0, %c0_i32 : i32, i32
  }
  func.func @transform_4(%arg0: i32) -> (i32, i32) {
    %c0_i32 = arith.constant 0 : i32
    %c0_i32_0 = arith.constant 0 : i32
    %c0_i32_1 = arith.constant 0 : i32
    return %c0_i32, %c0_i32_0 : i32, i32
  }
  func.func @transform_5(%arg0: i32) -> (i32, i32) {
    %c0_i32 = arith.constant 0 : i32
    %c0_i32_0 = arith.constant 0 : i32
    return %arg0, %c0_i32 : i32, i32
  }
}

</mosaic_0001>

<sc_bundles>
// kernel: kernel.12.cloned.1.call-start
scs
__scs_entry_jumppad:
0x0: {  	(pc) =	sbr.rel $0x88, $3  }
0x1: {  	(tag) =	ssettag $0x0;
	lr =	simm.s32 $0x1  }
0x2: {  	[smem:$0x3F9B] =	sst lr;
	_ =	strace $0xD0000000  }
0x3: {  	_ = 	snop  }
0x4: {  	_ = 	snop  }
0x5: {  	_ = 	snop  }
0x6: {  	_ = 	snop  }
0x7: {  	_ = 	snop  }
__scs_overlays_trampoline_lowered:
0x8: {  	[smem:$0x3FAA] =	sst s0  }
0x9: {  	[smem:$0x3FAB] =	sst s1  }
0xa: {  	[smem:$0x3FAC] =	sst s2  }
0xb: {  	[smem:$0x3FAD] =	sst s3  }
0xc: {  	[smem:$0x3FAE] =	sst s4  }
0xd: {  	[smem:$0x3FAF] =	sst s5  }
0xe: {  	[smem:$0x3FB0] =	sst s6  }
0xf: {  	[smem:$0x3FB1] =	sst s7  }
0x10: {  	[smem:$0x3FB2] =	sst s8  }
0x11: {  	[smem:$0x3FB3] =	sst s9;
	s0 =	simm.s32 @!p0 $0x0  }
0x12: {  	s1 =	sld [smem:$0x3F99];
	s0 =	simm.s32 @p0 $0x1  }
0x13: {  	[smem:$0x3FB4] =	sst s0;
	s0 =	simm.s32 @!p1 $0x0  }
0x14: {  	s2 =	sld [smem:$0x3F98];
	s0 =	simm.s32 @p1 $0x1  }
0x15: {  	[smem:$0x3FB5] =	sst s0;
	s0 =	simm.s32 @!p2 $0x0  }
0x16: {  	s3 =	sld [smem:$0x3FDB];
	s0 =	simm.s32 @p2 $0x1  }
0x17: {  	s4 =	simm.s32 $0x1BF5;
	[smem:$0x3FB7] =	sst s0  }
0x18: {  	s0 =	sld [smem:$0x3F9A];
	_ =	swait.ge [sflag:s4], $0x0  }
0x19: {  	s7 =	sld [smem:$0x3F9B]  }
0x1a: {  	s8 =	sadd.s32 $0xFFFFE003, lr  }
0x1b: {  	s9 =	sadd.s32 $0xFFFFFEF7, lr;
	s5 =	simm.s32 $0xFFFFFFFF;
	p2 =	slt.u32 s8, $0xFFFFF086  }
0x1c: {  	p1 =	slt.u32 s9, $0xF7A;
	s5 =	simm.s32 @!p2 $0x0  }
0x1d: {  	s5 =	simm.s32 @p1 $0x1;
	p0 =	seq.s32 s7, s2  }
0x1e: {  	s7 =	smul.u32 @!p0 $0xF7A, s2;
	p2 =	seq.s32 @!p0 s5, $0x0  }
0x1f: {  	s9 =	smul.u32 $0xF7A, s1;
	s8 =	simm.s32 @!p0 $0x1BF5;
	p2 =	por !p2, p0  }
0x20: {  	[sflag:s8] =	ssyncset.s32 @!p0 $0xFFFFF086;
	s6 =	sadd.s32 @!p0 s3, s7;
	s7 =	simm.s32 @!p0 $0x108  }
0x21: {  	s3 =	sadd.s32 s3, s9;
	s6 =	sadd.s32 @!p0 $0x88, s6;
	s7 =	simm.s32 @p2 $0x1082  }
0x22: {  	[simem:s7], [sflag:s8] =	dma.local @!p0 [hbm:s6], $0xF7A  }
0x23: {  	s9 =	sor.u32 $0xD0000000, s2;
	s6 =	simm.s32 $0x108;
	_ =	swait.ge @!p0 [sflag:s8], $0x0  }
0x24: {  	s3 =	sadd.s32 $0x88, s3;
	s6 =	simm.s32 @!p1 $0x1082;
	[sflag:s4] =	ssyncset.s32 $0xFFFFF086  }
0x25: {  	[simem:s6], [sflag:s4] =	dma.local [hbm:s3], $0xF7A  }
0x26: {  	[smem:$0x3F9B] =	sst s1;
	(tag) =	ssettag s2;
	_ =	strace s9  }
0x27: {  	s1 =	sld [smem:$0x3FAB]  }
0x28: {  	s2 =	sld [smem:$0x3FAC]  }
0x29: {  	s4 =	sld [smem:$0x3FAE]  }
0x2a: {  	p0 =	seq.s32 s5, $0x0;
	s5 =	sld [smem:$0x3FAF]  }
0x2b: {  	s6 =	sld [smem:$0x3FB0]  }
0x2c: {  	s7 =	sld [smem:$0x3FB1]  }
0x2d: {  	s3 =	simm.s32 $0x108;
	s8 =	sld [smem:$0x3FB2]  }
0x2e: {  	s3 =	simm.s32 @!p0 $0x1082;
	s9 =	sld [smem:$0x3FB3]  }
0x2f: {  	lr =	sadd.s32 s0, s3;
	s0 =	sld [smem:$0x3FAA]  }
0x30: {  	s3 =	sld [smem:$0x3FAD]  }
0x31: {  	[smem:$0x3FB6] =	sst s10  }
0x32: {  	s10 =	sld [smem:$0x3FB4];
	_ =	sdelay $0x3  }
0x33: {  	p0 =	seq.s32 s10, $0x1;
	s10 =	sld [smem:$0x3FB6];
	_ =	sdelay $0x3  }
0x34: {  	[smem:$0x3FB6] =	sst s10  }
0x35: {  	s10 =	sld [smem:$0x3FB5];
	_ =	sdelay $0x3  }
0x36: {  	p1 =	seq.s32 s10, $0x1;
	s10 =	sld [smem:$0x3FB6];
	_ =	sdelay $0x3  }
0x37: {  	[smem:$0x3FB6] =	sst s10  }
0x38: {  	s10 =	sld [smem:$0x3FB7]  }
0x39: {  	_ = 	snop;
	(pc) =	sbr.ind lr, $3  }
0x3a: {  	_ = 	snop  }
0x3b: {  	_ = 	snop  }
0x3c: {  	p2 =	seq.s32 s10, $0x1;
	s10 =	sld [smem:$0x3FB6]  }
0x3d: {  	_ =	shalt  }
0x3e: {  	_ =	shalt  }
0x3f: {  	_ =	shalt  }
0x40: {  	_ =	shalt  }
0x41: {  	_ =	shalt  }
0x42: {  	_ =	shalt  }
0x43: {  	_ =	shalt  }
0x44: {  	_ =	shalt  }
0x45: {  	_ =	shalt  }
0x46: {  	_ =	shalt  }
0x47: {  	_ =	shalt  }
0x48: {  	_ =	shalt  }
0x49: {  	_ =	shalt  }
0x4a: {  	_ =	shalt  }
0x4b: {  	_ =	shalt  }
0x4c: {  	_ =	shalt  }
0x4d: {  	_ =	shalt  }
0x4e: {  	_ =	shalt  }
0x4f: {  	_ =	shalt  }
0x50: {  	_ =	shalt  }
0x51: {  	_ =	shalt  }
0x52: {  	_ =	shalt  }
0x53: {  	_ =	shalt  }
0x54: {  	_ =	shalt  }
0x55: {  	_ =	shalt  }
0x56: {  	_ =	shalt  }
0x57: {  	_ =	shalt  }
0x58: {  	_ =	shalt  }
0x59: {  	_ =	shalt  }
0x5a: {  	_ =	shalt  }
0x5b: {  	_ =	shalt  }
0x5c: {  	_ =	shalt  }
0x5d: {  	_ =	shalt  }
0x5e: {  	_ =	shalt  }
0x5f: {  	_ =	shalt  }
0x60: {  	_ =	shalt  }
0x61: {  	_ =	shalt  }
0x62: {  	_ =	shalt  }
0x63: {  	_ =	shalt  }
0x64: {  	_ =	shalt  }
0x65: {  	_ =	shalt  }
0x66: {  	_ =	shalt  }
0x67: {  	_ =	shalt  }
0x68: {  	_ =	shalt  }
0x69: {  	_ =	shalt  }
0x6a: {  	_ =	shalt  }
0x6b: {  	_ =	shalt  }
0x6c: {  	_ =	shalt  }
0x6d: {  	_ =	shalt  }
0x6e: {  	_ =	shalt  }
0x6f: {  	_ =	shalt  }
0x70: {  	_ =	shalt  }
0x71: {  	_ =	shalt  }
0x72: {  	_ =	shalt  }
0x73: {  	_ =	shalt  }
0x74: {  	_ =	shalt  }
0x75: {  	_ =	shalt  }
0x76: {  	_ =	shalt  }
0x77: {  	_ =	shalt  }
0x78: {  	_ =	shalt  }
0x79: {  	_ =	shalt  }
0x7a: {  	_ =	shalt  }
0x7b: {  	_ =	shalt  }
0x7c: {  	_ =	shalt  }
0x7d: {  	_ =	shalt  }
0x7e: {  	_ =	shalt  }
0x7f: {  	_ =	shalt  }
0x80: {  	_ =	shalt  }
0x81: {  	_ =	shalt  }
0x82: {  	_ =	shalt  }
0x83: {  	_ =	shalt  }
0x84: {  	_ =	shalt  }
0x85: {  	_ =	shalt  }
0x86: {  	_ =	shalt  }
0x87: {  	_ =	shalt  }
.Lfunc_end0:
.L_simem_size_0:
called_computation.1_lowered:
.L_overlay_start_0:
0x88: {  	s2 =	sld [smem:$0x3FD9]  }
0x89: {  	s3 =	sld [smem:$0x3FFE];
	_ =	sdelay $0x1  }
0x8a: {  	s1 =	srdreg.scid  }
0x8b: {  	s0 =	sand.u32 $0x1, s1  }
0x8c: {  	s17 =	sshll.u32 s0, $0xA;
	s2 =	sadd.s32 s3, s2  }
0x8d: {  	s2 =	sadd.s32 s2, s17  }
0x8e: {  	[smem:$0x3FC2] =	sst s2  }
0x8f: {  	_ = 	snop  }
0x90: {  	s2 =	sld [smem:$0x3FD0];
	(tm) =	ssettm $0x1  }
0x91: {  	s18 =	sld [smem:$0x3FFB];
	_ =	sdelay $0x3  }
0x92: {  	_ =	strace s18  }
0x93: {  	s3 =	sld [smem:$0x3FFC];
	_ =	sdelay $0x3  }
0x94: {  	_ =	strace s3  }
0x95: {  	s3 =	sld [smem:$0x3FFD];
	_ =	sdelay $0x3  }
0x96: {  	_ =	strace s3  }
0x97: {  	_ =	strace $0x8FFFFFFF  }
0x98: {  	s19 =	sld [smem:$0x3FDB];
	_ =	sdelay $0x1  }
0x99: {  	s4 =	simm.s32 $_scs_section_size  }
0x9a: {  	s5 =	simm.s32 $_size__tile_overlayer_lowered;
	s6 =	simm.s32 $_tile_overlayer_lowered  }
0x9b: {  	s22 =	simm.s32 $0x1BFF;
	s21 =	sshll.u32 s6, $0x1;
	s3 =	sadd.s32 s4, s19  }
0x9c: {  	s7 =	simm.s32 $0x0;
	s20 =	sshll.u32 s5, $0x1;
	s5 =	sadd.s32 s21, s3  }
0x9d: {  	[timem:s7], [sflag:s22] =	dma.local [hbm:s5], s20  }
0x9e: {  	_ =	swait.ge [sflag:s22], s20  }
0x9f: {  	s4 =	ssub.s32 $0x0, s20;
	[sflag:s22] =	ssyncset.done $0x0  }
0xa0: {  	[sflag:s22] =	ssyncadd.s32 s4;
	_ =	sdelay $0x1  }
0xa1: {  	s23 =	simm.s32 $0x1B8B  }
0xa2: {  	_ =	swait.ge [sflag:s23], $0x1  }
0xa3: {  	[sflag:s23] =	ssyncset.done $0x0  }
0xa4: {  	s25 =	simm.s32 $0x1B8E;
	s24 =	sld [smem:$0x3FFE];
	[sflag:s23] =	ssyncadd.s32 $0xFFFFFFFF  }
0xa5: {  	s26 =	simm.s32 $execute0_lowered;
	[smem:$0x3FD2] =	sst s25  }
0xa6: {  	s5 =	sshll.u32 s26, $0x1;
	_ =	strace $0x80000049;
	[dreg:$0x1] =	wrdreg $0xFFFFFFFF  }
0xa7: {  	s28 =	simm.s32 $_size_execute0_lowered;
	s3 =	sadd.s32 s3, s5;
	[dreg:$0x0] =	wrdreg $0x0  }
0xa8: {  	s5 =	sshll.u32 s28, $0x1;
	[dreg:$0x2] =	wrdreg s3  }
0xa9: {  	[dreg:$0x3] =	wrdreg s5  }
0xaa: {  	[dreg:$0x4] =	wrdreg $0xC0  }
0xab: {  	_ =	task [dreg:s7], $0x5FFFF  }
0xac: {  	[dreg:$0x1] =	wrdreg $0xFFFFFFFF  }
0xad: {  	[dreg:$0x0] =	wrdreg $0x60  }
0xae: {  	[dreg:$0x2] =	wrdreg s2  }
0xaf: {  	[dreg:$0x3] =	wrdreg s24  }
0xb0: {  	[dreg:$0x4] =	wrdreg $0x9E200  }
0xb1: {  	[dreg:$0x5] =	wrdreg $0x13A600  }
0xb2: {  	[dreg:$0x6] =	wrdreg $0x9  }
0xb3: {  	_ =	task.clear_ibuf [dreg:s7], $0x7FFFF;
	_ =	strace $0x90000049  }
0xb4: {  	s29 =	simm.s32 $0x9;
	_ =	strace $0x8000004B  }
0xb5: {  	_ =	swait.ge [sflag:s29], $0x1  }
0xb6: {  	[sflag:s29] =	ssyncadd.s32 $0xFFFFFFFF  }
0xb7: {  	_ =	strace $0x9000004B  }
0xb8: {  	_ =	sfence  }
0xb9: {  	s30 =	sld [smem:$0x0];
	_ =	sdelay $0x2  }
0xba: {  	s31 =	sshll.u32 s1, $0xD;
	s1 =	sshrl.u32 s1, $0x2  }
0xbb: {  	s3 =	sand.u32 $0x4000, s31;
	s1 =	sadd.s32 s1, s30  }
0xbc: {  	s0 =	sor.u32 s3, s0;
	s1 =	sshll.u32 s1, $0x11  }
0xbd: {  	s0 =	sor.u32 s1, s0  }
0xbe: {  	s0 =	sadd.s32 $0x8F2B, s0  }
0xbf: {  	[sflag:s0] =	ssyncadd.remote.s32 $0x1  }
0xc0: {  	_ =	sfence.sel $0xFFFF  }
0xc1: {  	[dreg:$0x0] =	wrdreg $0xFFFFFFFF;
	(pc) =	sbr.abs _section_cstart, $3  }
0xc2: {  	[dreg:$0x1] =	wrdreg $0xFFFFFFFF  }
0xc3: {  	_ =	task.clear_ibuf [dreg:s7], $0x2FFFF;
	_ =	strace $0x9FFFFFFF  }
0xc4: {  	(tm) =	ssettm $0x7FFFFFFF  }
0xc5: {  	_ =	shalt  }
tec
execute0_lowered:
.L_overlay_start_1:
0x0: {  	(tag) =	ssettag $0x1  }
0x1: {  	s0 =	rddreg [dreg:$0x0]  }
0x2: {  	s1 =	rddreg [dreg:$0x1]  }
0x3: {  	s2 =	rddreg [dreg:$0x2]  }
0x4: {  	s3 =	rddreg [dreg:$0x3]  }
0x5: {  	s5 =	srdreg.scid;
	s10 =	stileid.u32;
	s4 =	simm.s32 $0x0  }
0x6: {  	s20 =	simm.s32 $0x9;
	s28 =	simm.s32 $0x5;
	s29 =	simm.s32 $0x0  }
0x7: {  	s5 =	sand.u32 $0x1, s5;
	s8 =	smul.u32 $0x9C40, s10;
	[smem:$0x7FF] =	sst s4  }
0x8: {  	s16 =	sadd.s32 $0xBE00, s1;
	s17 =	sadd.s32 $0x2000, s1;
	s25 =	sshll.u32 s10, $0x6  }
0x9: {  	s6 =	smul.u32 $0x9C400, s5;
	s7 =	ssub.s32 $0x2, s5;
	s5 =	sshll.u32 s5, $0x4  }
0xa: {  	_ =	strace $0x8000004A;
	s22 =	sshrl.u32 s7, $0x1;
	s5 =	sor.u32 s10, s5  }
0xb: {  	s23 =	sshrl.u32 s8, $0x3;
	s24 =	sadd.s32 s8, s2;
	s26 =	sadd.s32 s8, s3  }
0xc: {  	s6 =	sadd.s32 s8, s6;
	s19 =	ssub.s32 s7, s22;
	s9 =	smul.u32 $0x2710, s5  }
0xd: {  	[dreg:$0x5] =	wrdreg s24;
	s7 =	sor.u32 $0x1C09, s25;
	s21 =	sshrl.u32 s26, $0x3  }
0xe: {  	s24 =	simm.s32 $0x8;
	s25 =	simm.s32 $0x7;
	s6 =	sshrl.u32 s6, $0x3  }
0xf: {  	s26 =	simm.s32 $0x6;
	s19 =	smax.u32 s19, $0x1;
	s1 =	sadd.s32 s6, s1  }
0x10: {  	s6 =	sadd.s32 s0, s23;
	s18 =	sshrl.u32 s9, $0x3;
	s0 =	simm.s32 $0x1  }
0x11: {  	s30 =	sadd.s32 s16, s18;
	s31 =	sadd.s32 s17, s18;
	s11 =	sadd.s32 $0xFA, s18  }
.Ltmp0:
0x12: {  	s13 =	sadd.s32 $0x1F4, s18;
	[dreg:$0x6] =	wrdreg s30;
	(pc) =	sbr.rel .LBB2_1-.Ltmp0, $4  }
0x13: {  	s15 =	sadd.s32 $0x2EE, s18;
	s18 =	sadd.s32 $0x3E8, s18;
	[dreg:$0x7] =	wrdreg s31  }
0x14: {  	s10 =	sadd.s32 s16, s11;
	s11 =	sadd.s32 s17, s11;
	s12 =	sadd.s32 s16, s13  }
0x15: {  	s13 =	sadd.s32 s17, s13;
	s14 =	sadd.s32 s16, s15;
	s15 =	sadd.s32 s17, s15  }
0x16: {  	s16 =	sadd.s32 s16, s18;
	s17 =	sadd.s32 s17, s18;
	s18 =	sadd.s32 $0x15C00, s1  }
.LBB2_6:
0x17: {  	_ =	swait.ge [sflag:s0], $0x1400  }
0x18: {  	s1 =	simm.s32 $0x50;
	[sflag:s0] =	ssyncset.done $0x0  }
0x19: {  	s5 =	simm.s32 $0x4DD0;
	s8 =	simm.s32 $0x4E20;
	[sflag:s0] =	ssyncadd.s32 $0xFFFFEC00  }
0x1a: {  	[spmem:s2] =	stream.indirect.scatter.add.f32 [tilespmem:s8], [sflag:$0x5], $0x40, s5, s1, $0xb8;
	[tilespmem:$0x1D6A0] =	vst v63  }
0x1b: {  	_ =	swait.ge [sflag:s24], $0x1400  }
0x1c: {  	[sflag:s24] =	ssyncset.done $0x0  }
0x1d: {  	[sflag:s24] =	ssyncadd.s32 $0xFFFFEC00  }
0x1e: {  	_ =	swait.ge [sflag:s25], $0x1400  }
0x1f: {  	[sflag:s25] =	ssyncset.done $0x0  }
0x20: {  	[sflag:s25] =	ssyncadd.s32 $0xFFFFEC00  }
0x21: {  	_ =	swait.ge [sflag:s26], $0x1400  }
0x22: {  	[sflag:s26] =	ssyncset.done $0x0  }
0x23: {  	[sflag:s26] =	ssyncadd.s32 $0xFFFFEC00  }
0x24: {  	_ =	swait.ge [sflag:s28], $0x1400  }
0x25: {  	s29 =	sadd.s32 $0x1, s29;
	[sflag:s28] =	ssyncset.done $0x0  }
0x26: {  	p0 =	sne.s32 s29, s19;
	[sflag:s28] =	ssyncadd.s32 $0xFFFFEC00  }
.Ltmp1:
0x27: {  	[bflag:$0x0] =	sbarrier.arrive $0xFFFF;
	(pc) =	sbr.rel @!p0 .LBB2_7-.Ltmp1, $4  }
0x28: {  	[hbm:s18], [sflag:s7] =	dma.local [spmem:s30], $0x1388  }
0x29: {  	_ =	swait.ge [sflag:s20], $0x1388  }
0x2a: {  	[sflag:s20] =	ssyncset.done $0x0  }
0x2b: {  	[sflag:s20] =	ssyncadd.s32 $0xFFFFEC78  }
.LBB2_1:
0x2c: {  	s1 =	rddreg [dreg:$0x5]  }
0x2d: {  	s30 =	sshrl.u32 s1, $0x3  }
0x2e: {  	[spmem:s30], [sflag:s7] =	dma.local [hbm:s6], $0x1388  }
0x2f: {  	_ =	swait.ge [sflag:s20], $0x1388  }
0x30: {  	[sflag:s20] =	ssyncset.done $0x0  }
0x31: {  	[sflag:s20] =	ssyncadd.s32 $0xFFFFEC78  }
0x32: {  	[spmem:s21], [sflag:s7] =	dma.local [hbm:s6], $0x1388  }
0x33: {  	_ =	swait.ge [sflag:s20], $0x1388  }
0x34: {  	[sflag:s20] =	ssyncset.done $0x0  }
0x35: {  	s5 =	rddreg [dreg:$0x6];
	[sflag:s20] =	ssyncadd.s32 $0xFFFFEC78  }
0x36: {  	[tilespmem:s4], [sflag:$0x9] =	stream.linear.gather [hbm4b:s5+s4], $0x7D0, $0x38;
	[tilespmem:$0x1D6A0] =	vst v63  }
0x37: {  	_ =	swait.ge [sflag:s20], $0x7D0  }
0x38: {  	[sflag:s20] =	ssyncset.done $0x0  }
0x39: {  	s5 =	simm.s32 $0x2710;
	s8 =	rddreg [dreg:$0x7];
	[sflag:s20] =	ssyncadd.s32 $0xFFFFF830  }
0x3a: {  	[tilespmem:s5], [sflag:$0x9] =	stream.linear.gather [hbm4b:s8+s4], $0x7D0, $0x38;
	[tilespmem:$0x1D6A0] =	vst v63  }
0x3b: {  	_ =	swait.ge [sflag:s20], $0x7D0  }
0x3c: {  	[sflag:s20] =	ssyncset.done $0x0  }
0x3d: {  	s9 =	simm.s32 $0x7D0;
	[sflag:s20] =	ssyncadd.s32 $0xFFFFF830  }
0x3e: {  	[tilespmem:s9], [sflag:$0x9] =	stream.linear.gather [hbm4b:s10+s4], $0x7D0, $0x38;
	[tilespmem:$0x1D6A0] =	vst v63  }
0x3f: {  	_ =	swait.ge [sflag:s20], $0x7D0  }
0x40: {  	[sflag:s20] =	ssyncset.done $0x0  }
0x41: {  	s22 =	simm.s32 $0x2EE0;
	[sflag:s20] =	ssyncadd.s32 $0xFFFFF830  }
0x42: {  	[tilespmem:s22], [sflag:$0x9] =	stream.linear.gather [hbm4b:s11+s4], $0x7D0, $0x38;
	[tilespmem:$0x1D6A0] =	vst v63  }
0x43: {  	_ =	swait.ge [sflag:s20], $0x7D0  }
0x44: {  	[sflag:s20] =	ssyncset.done $0x0  }
0x45: {  	s23 =	simm.s32 $0xFA0;
	[sflag:s20] =	ssyncadd.s32 $0xFFFFF830  }
0x46: {  	[tilespmem:s23], [sflag:$0x9] =	stream.linear.gather [hbm4b:s12+s4], $0x7D0, $0x38;
	[tilespmem:$0x1D6A0] =	vst v63  }
0x47: {  	_ =	swait.ge [sflag:s20], $0x7D0  }
0x48: {  	[sflag:s20] =	ssyncset.done $0x0  }
0x49: {  	s5 =	simm.s32 $0x36B0;
	[sflag:s20] =	ssyncadd.s32 $0xFFFFF830  }
0x4a: {  	[tilespmem:s5], [sflag:$0x9] =	stream.linear.gather [hbm4b:s13+s4], $0x7D0, $0x38;
	[tilespmem:$0x1D6A0] =	vst v63  }
0x4b: {  	_ =	swait.ge [sflag:s20], $0x7D0  }
0x4c: {  	[sflag:s20] =	ssyncset.done $0x0  }
0x4d: {  	s8 =	simm.s32 $0x1770;
	[sflag:s20] =	ssyncadd.s32 $0xFFFFF830  }
0x4e: {  	[tilespmem:s8], [sflag:$0x9] =	stream.linear.gather [hbm4b:s14+s4], $0x7D0, $0x38;
	[tilespmem:$0x1D6A0] =	vst v63  }
0x4f: {  	_ =	swait.ge [sflag:s20], $0x7D0  }
0x50: {  	[sflag:s20] =	ssyncset.done $0x0  }
0x51: {  	s9 =	simm.s32 $0x3E80;
	[sflag:s20] =	ssyncadd.s32 $0xFFFFF830  }
0x52: {  	[tilespmem:s9], [sflag:$0x9] =	stream.linear.gather [hbm4b:s15+s4], $0x7D0, $0x38;
	[tilespmem:$0x1D6A0] =	vst v63  }
0x53: {  	_ =	swait.ge [sflag:s20], $0x7D0  }
0x54: {  	[sflag:s20] =	ssyncset.done $0x0  }
0x55: {  	s22 =	simm.s32 $0x1F40;
	[sflag:s20] =	ssyncadd.s32 $0xFFFFF830  }
0x56: {  	[tilespmem:s22], [sflag:$0x9] =	stream.linear.gather [hbm4b:s16+s4], $0x7D0, $0x38;
	[tilespmem:$0x1D6A0] =	vst v63  }
0x57: {  	_ =	swait.ge [sflag:s20], $0x7D0  }
0x58: {  	[sflag:s20] =	ssyncset.done $0x0  }
0x59: {  	s23 =	simm.s32 $0x4650;
	[sflag:s20] =	ssyncadd.s32 $0xFFFFF830  }
0x5a: {  	[tilespmem:s23], [sflag:$0x9] =	stream.linear.gather [hbm4b:s17+s4], $0x7D0, $0x38;
	[tilespmem:$0x1D6A0] =	vst v63  }
.Ltmp2:
0x5b: {  	_ =	swait.ge [sflag:s20], $0x7D0;
	(pc) =	sbr.rel .LBB2_2-.Ltmp2, $4  }
0x5c: {  	[sflag:s20] =	ssyncset.done $0x0  }
0x5d: {  	[sflag:s20] =	ssyncadd.s32 $0xFFFFF830  }
0x5e: {  	[bflag:$0x0] =	sbarrier.arrive $0xFFFF  }
0x5f: {  	s31 =	simm.s32 $0x0  }
.LBB2_4:
0x60: {  	p0 =	seq.s32 s1, $0x2  }
0x61: {  	s1 =	sand.u32 @p0 $0xFF, s31  }
0x62: {  	s1 =	smul.u32 @p0 $0x29, s1;
	_ =	sdelay $0x1  }
0x63: {  	s1 =	sshrl.u32 @p0 s1, $0xA  }
0x64: {  	s5 =	smul.u32 @p0 $0x19, s1  }
0x65: {  	p1 =	slt.u32 @p0 s31, $0x4;
	p2 =	seq.s32 @p0 s31, $0x0  }
0x66: {  	p3 =	por p1, !p0;
	p1 =	por p2, !p0;
	s5 =	ssub.s32 @p0 s31, s5  }
0x67: {  	s8 =	sadd.s32 @!p1 $0xFFFFFFFF, s31;
	s1 =	smul.u32 @p0 $0x1F40, s1;
	s5 =	sand.u32 @p0 $0xFF, s5  }
0x68: {  	s9 =	simm.s32 @!p3 $0x7;
	s22 =	sand.u32 @!p1 $0xFF, s8;
	s5 =	smul.u32 @p0 $0x140, s5  }
0x69: {  	_ =	swait.ge @!p3 [sflag:s9], $0x1400;
	s22 =	smul.u32 @!p1 $0x29, s22  }
0x6a: {  	[sflag:s9] =	ssyncset.done @!p3 $0x0;
	s1 =	sshrl.u32 @p0 s1, $0x2;
	s5 =	sshrl.u32 @p0 s5, $0x2  }
0x6b: {  	[sflag:s9] =	ssyncadd.s32 @!p3 $0xFFFFEC00;
	s1 =	sadd.s32 @p0 s5, s1;
	s5 =	sshrl.u32 @!p1 s22, $0xA  }
0x6c: {  	s9 =	simm.s32 @p0 $0x50;
	s22 =	simm.s32 @p0 $0x7620;
	s23 =	smul.u32 @!p1 $0x19, s5  }
0x6d: {  	[tilespmem:s22], [sflag:$0x3] =	stream.indirect.gather @p0 [spmem:s3], $0x40, s1, s9, $0xb8;
	[tilespmem:$0x1D6A0] =	vst v63  }
0x6e: {  	s1 =	ssub.s32 @!p1 s8, s23  }
0x6f: {  	s5 =	smul.u32 @!p1 $0x1F40, s5;
	s1 =	sand.u32 @!p1 $0xFF, s1  }
0x70: {  	s8 =	simm.s32 @!p1 $0x2;
	s1 =	smul.u32 @!p1 $0x140, s1  }
0x71: {  	s9 =	simm.s32 @!p1 $0x6220;
	_ =	swait.ge @!p1 [sflag:s8], $0x1400  }
0x72: {  	s5 =	sshrl.u32 @!p1 s5, $0x2;
	[sflag:s8] =	ssyncset.done @!p1 $0x0;
	s1 =	sshrl.u32 @!p1 s1, $0x2  }
0x73: {  	[sflag:s8] =	ssyncadd.s32 @!p1 $0xFFFFEC00;
	s1 =	sadd.s32 @!p1 s1, s5;
	s5 =	sand.u32 @!p0 $0xFF, s31  }
0x74: {  	s8 =	simm.s32 @!p1 $0x50;
	s1 =	sadd.s32 @!p1 $0x2710, s1;
	s5 =	smul.u32 @!p0 $0x29, s5  }
0x75: {  	[spmem:s2] =	stream.indirect.scatter.add.f32 @!p1 [tilespmem:s9], [sflag:$0x6], $0x40, s1, s8, $0xb8;
	[tilespmem:$0x1D6A0] =	vst v63  }
0x76: {  	s1 =	sshrl.u32 @!p0 s5, $0xA  }
0x77: {  	s5 =	smul.u32 @!p0 $0x19, s1  }
0x78: {  	p2 =	seq.s32 @!p0 s31, $0x0;
	p1 =	slt.u32 @!p0 s31, $0x4  }
0x79: {  	p3 =	por p1, p0;
	p1 =	por p2, p0;
	s5 =	ssub.s32 @!p0 s31, s5  }
0x7a: {  	s1 =	smul.u32 @!p0 $0x1F40, s1;
	s8 =	sadd.s32 @!p1 $0xFFFFFFFF, s31;
	s5 =	sand.u32 @!p0 $0xFF, s5  }
0x7b: {  	s9 =	simm.s32 @!p3 $0x8;
	s22 =	sand.u32 @!p1 $0xFF, s8;
	s5 =	smul.u32 @!p0 $0x140, s5  }
0x7c: {  	_ =	swait.ge @!p3 [sflag:s9], $0x1400;
	s22 =	smul.u32 @!p1 $0x29, s22  }
0x7d: {  	[sflag:s9] =	ssyncset.done @!p3 $0x0;
	s1 =	sshrl.u32 @!p0 s1, $0x2;
	s5 =	sshrl.u32 @!p0 s5, $0x2  }
0x7e: {  	[sflag:s9] =	ssyncadd.s32 @!p3 $0xFFFFEC00;
	s1 =	sadd.s32 @!p0 s5, s1;
	s5 =	sshrl.u32 @!p1 s22, $0xA  }
0x7f: {  	s9 =	simm.s32 @!p0 $0x50;
	s22 =	simm.s32 @!p0 $0x8A20;
	s23 =	smul.u32 @!p1 $0x19, s5  }
0x80: {  	[tilespmem:s22], [sflag:$0x4] =	stream.indirect.gather @!p0 [spmem:s3], $0x40, s1, s9, $0xb8;
	[tilespmem:$0x1D6A0] =	vst v63  }
0x81: {  	s1 =	ssub.s32 @!p1 s8, s23  }
0x82: {  	s5 =	smul.u32 @!p1 $0x1F40, s5;
	s1 =	sand.u32 @!p1 $0xFF, s1  }
0x83: {  	s8 =	simm.s32 @!p1 $0x3;
	s1 =	smul.u32 @!p1 $0x140, s1  }
0x84: {  	_ =	swait.ge @!p1 [sflag:s8], $0x1400  }
0x85: {  	s5 =	sshrl.u32 @!p1 s5, $0x2;
	[sflag:s8] =	ssyncset.done @!p1 $0x0;
	s1 =	sshrl.u32 @!p1 s1, $0x2  }
0x86: {  	[sflag:s8] =	ssyncadd.s32 @!p1 $0xFFFFEC00;
	s1 =	sadd.s32 @!p1 s1, s5  }
0x87: {  	s8 =	simm.s32 @!p1 $0x7620;
	s5 =	simm.s32 @!p1 $0x50;
	s1 =	sadd.s32 @!p1 $0x2710, s1  }
0x88: {  	[spmem:s2] =	stream.indirect.scatter.add.f32 @!p1 [tilespmem:s8], [sflag:$0x7], $0x40, s1, s5, $0xb8;
	[tilespmem:$0x1D6A0] =	vst v63  }
.LBB2_5:
0x89: {  	s31 =	sadd.s32 $0x1, s31  }
0x8a: {  	p0 =	sne.s32 s31, $0x7D  }
.Ltmp3:
0x8b: {  	_ = 	snop;
	(pc) =	sbr.rel @!p0 .LBB2_6-.Ltmp3, $1  }
0x8c: {  	_ =	sdelay $0x3  }
.LBB2_2:
0x8d: {  	s1 =	sand.u32 $0x3, s31  }
0x8e: {  	p0 =	sgt.s32 s1, $0x1  }
.Ltmp4:
0x8f: {  	_ = 	snop;
	(pc) =	sbr.rel @p0 .LBB2_4-.Ltmp4, $1  }
0x90: {  	_ =	sdelay $0x3  }
0x91: {  	p0 =	seq.s32 s1, $0x0  }
0x92: {  	s1 =	sand.u32 @p0 $0xFF, s31  }
0x93: {  	s1 =	smul.u32 @p0 $0x29, s1;
	_ =	sdelay $0x1  }
0x94: {  	p1 =	slt.u32 @p0 s31, $0x4;
	p2 =	seq.s32 @p0 s31, $0x0;
	s1 =	sshrl.u32 @p0 s1, $0xA  }
0x95: {  	p3 =	por p1, !p0;
	p1 =	por p2, !p0;
	s22 =	smul.u32 @p0 $0x19, s1  }
0x96: {  	s23 =	sadd.s32 @!p1 $0xFFFFFFFF, s31;
	s5 =	simm.s32 @!p3 $0x5  }
0x97: {  	s8 =	sand.u32 @!p1 $0xFF, s23;
	s1 =	smul.u32 @p0 $0x1F40, s1;
	s22 =	ssub.s32 @p0 s31, s22  }
0x98: {  	_ =	swait.ge @!p3 [sflag:s5], $0x1400;
	s8 =	smul.u32 @!p1 $0x29, s8;
	s22 =	sand.u32 @p0 $0xFF, s22  }
0x99: {  	[sflag:s5] =	ssyncset.done @!p3 $0x0;
	s22 =	smul.u32 @p0 $0x140, s22  }
0x9a: {  	[sflag:s5] =	ssyncadd.s32 @!p3 $0xFFFFEC00;
	s1 =	sshrl.u32 @p0 s1, $0x2  }
0x9b: {  	s5 =	sshrl.u32 @!p1 s8, $0xA;
	s8 =	simm.s32 @p0 $0x50;
	s22 =	sshrl.u32 @p0 s22, $0x2  }
0x9c: {  	s9 =	smul.u32 @!p1 $0x19, s5;
	s1 =	sadd.s32 @p0 s22, s1;
	s22 =	simm.s32 @p0 $0x4E20  }
0x9d: {  	[tilespmem:s22], [sflag:$0x1] =	stream.indirect.gather @p0 [spmem:s3], $0x40, s1, s8, $0xb8;
	[tilespmem:$0x1D6A0] =	vst v63  }
0x9e: {  	s1 =	ssub.s32 @!p1 s23, s9  }
0x9f: {  	s5 =	smul.u32 @!p1 $0x1F40, s5;
	s1 =	sand.u32 @!p1 $0xFF, s1  }
0xa0: {  	s8 =	simm.s32 @!p1 $0x4;
	s1 =	smul.u32 @!p1 $0x140, s1  }
0xa1: {  	s5 =	sshrl.u32 @!p1 s5, $0x2;
	_ =	swait.ge @!p1 [sflag:s8], $0x1400  }
0xa2: {  	s9 =	simm.s32 @!p1 $0x8A20;
	[sflag:s8] =	ssyncset.done @!p1 $0x0;
	s1 =	sshrl.u32 @!p1 s1, $0x2  }
0xa3: {  	[sflag:s8] =	ssyncadd.s32 @!p1 $0xFFFFEC00;
	s1 =	sadd.s32 @!p1 s1, s5;
	s5 =	sand.u32 @!p0 $0xFF, s31  }
0xa4: {  	s8 =	simm.s32 @!p1 $0x50;
	s1 =	sadd.s32 @!p1 $0x2710, s1;
	s5 =	smul.u32 @!p0 $0x29, s5  }
0xa5: {  	[spmem:s2] =	stream.indirect.scatter.add.f32 @!p1 [tilespmem:s9], [sflag:$0x8], $0x40, s1, s8, $0xb8;
	[tilespmem:$0x1D6A0] =	vst v63  }
0xa6: {  	s1 =	sshrl.u32 @!p0 s5, $0xA  }
0xa7: {  	s5 =	smul.u32 @!p0 $0x19, s1  }
0xa8: {  	p2 =	seq.s32 @!p0 s31, $0x0;
	p1 =	slt.u32 @!p0 s31, $0x4  }
0xa9: {  	p3 =	por p1, p0;
	p1 =	por p2, p0;
	s5 =	ssub.s32 @!p0 s31, s5  }
0xaa: {  	s1 =	smul.u32 @!p0 $0x1F40, s1;
	s8 =	sadd.s32 @!p1 $0xFFFFFFFF, s31;
	s5 =	sand.u32 @!p0 $0xFF, s5  }
0xab: {  	s9 =	simm.s32 @!p3 $0x6;
	s22 =	sand.u32 @!p1 $0xFF, s8;
	s5 =	smul.u32 @!p0 $0x140, s5  }
0xac: {  	_ =	swait.ge @!p3 [sflag:s9], $0x1400;
	s22 =	smul.u32 @!p1 $0x29, s22  }
0xad: {  	[sflag:s9] =	ssyncset.done @!p3 $0x0;
	s1 =	sshrl.u32 @!p0 s1, $0x2;
	s5 =	sshrl.u32 @!p0 s5, $0x2  }
0xae: {  	[sflag:s9] =	ssyncadd.s32 @!p3 $0xFFFFEC00;
	s1 =	sadd.s32 @!p0 s5, s1;
	s5 =	sshrl.u32 @!p1 s22, $0xA  }
0xaf: {  	s9 =	simm.s32 @!p0 $0x50;
	s22 =	simm.s32 @!p0 $0x6220;
	s23 =	smul.u32 @!p1 $0x19, s5  }
0xb0: {  	[tilespmem:s22], [sflag:$0x2] =	stream.indirect.gather @!p0 [spmem:s3], $0x40, s1, s9, $0xb8;
	[tilespmem:$0x1D6A0] =	vst v63  }
0xb1: {  	s1 =	ssub.s32 @!p1 s8, s23  }
0xb2: {  	s5 =	smul.u32 @!p1 $0x1F40, s5;
	s1 =	sand.u32 @!p1 $0xFF, s1  }
0xb3: {  	s8 =	simm.s32 @!p1 $0x1;
	s1 =	smul.u32 @!p1 $0x140, s1  }
.Ltmp5:
0xb4: {  	_ =	swait.ge @!p1 [sflag:s8], $0x1400;
	(pc) =	sbr.rel .LBB2_5-.Ltmp5, $4  }
0xb5: {  	s5 =	sshrl.u32 @!p1 s5, $0x2;
	[sflag:s8] =	ssyncset.done @!p1 $0x0;
	s1 =	sshrl.u32 @!p1 s1, $0x2  }
0xb6: {  	[sflag:s8] =	ssyncadd.s32 @!p1 $0xFFFFEC00;
	s1 =	sadd.s32 @!p1 s1, s5  }
0xb7: {  	s8 =	simm.s32 @!p1 $0x4E20;
	s5 =	simm.s32 @!p1 $0x50;
	s1 =	sadd.s32 @!p1 $0x2710, s1  }
0xb8: {  	[spmem:s2] =	stream.indirect.scatter.add.f32 @!p1 [tilespmem:s8], [sflag:$0x5], $0x40, s1, s5, $0xb8;
	[tilespmem:$0x1D6A0] =	vst v63  }
.LBB2_7:
0xb9: {  	_ =	sfence.sel $0x180000  }
0xba: {  	[bflag:$0x0] =	sbarrier.arrive $0xFFFF  }
0xbb: {  	_ =	strace $0x9000004A  }
0xbc: {  	s0 =	stileid.u32;
	[bflag:$0x2] =	sbarrier.arrive $0xFFFF  }
0xbd: {  	p0 =	sne.s32 s0, $0x0;
	s0 =	rddreg [dreg:$0x4]  }
0xbe: {  	s0 =	sadd.s32 @!p0 $0x100000, s0  }
0xbf: {  	[sflag:s0] =	ssyncadd.tile.s32 @!p0 $0x1;
	_ =	shalt  }
.Lfunc_end2:
_tile_overlayer_lowered:
.L_overlay_start_2:
0xc0: {  	(tag) =	ssettag $0x2  }
0xc1: {  	s0 =	rddreg [dreg:$0x0];
	s2 =	stileid.u32  }
0xc2: {  	s1 =	rddreg [dreg:$0x1];
	p0 =	sne.s32 s2, $0x0  }
0xc3: {  	s3 =	rddreg [dreg:$0x2];
	[bflag:$0x3] =	sbarrier.arrive $0xFFFF;
	s2 =	simm.s32 @!p0 $0x1C09  }
0xc4: {  	[timem:s3], [sflag:s2] =	dma.local @!p0 [hbm:s0], s1  }
0xc5: {  	s0 =	simm.s32 @!p0 $0x9  }
0xc6: {  	_ =	swait.ge @!p0 [sflag:s0], s1  }
0xc7: {  	s1 =	ssub.s32 @!p0 $0x0, s1;
	[sflag:s0] =	ssyncset.done @!p0 $0x0  }
0xc8: {  	[sflag:s0] =	ssyncadd.s32 @!p0 s1  }
0xc9: {  	[bflag:$0x3] =	sbarrier.arrive $0xFFFF  }
0xca: {  	_ =	shalt  }

// kernel: kernel.15.cloned.1.call-start
scs
__scs_entry_jumppad:
0x0: {  	(pc) =	sbr.rel $0x88, $3  }
0x1: {  	(tag) =	ssettag $0x0;
	lr =	simm.s32 $0x1  }
0x2: {  	[smem:$0x3F9B] =	sst lr;
	_ =	strace $0xD0000000  }
0x3: {  	_ = 	snop  }
0x4: {  	_ = 	snop  }
0x5: {  	_ = 	snop  }
0x6: {  	_ = 	snop  }
0x7: {  	_ = 	snop  }
__scs_overlays_trampoline_lowered:
0x8: {  	[smem:$0x3FAA] =	sst s0  }
0x9: {  	[smem:$0x3FAB] =	sst s1  }
0xa: {  	[smem:$0x3FAC] =	sst s2  }
0xb: {  	[smem:$0x3FAD] =	sst s3  }
0xc: {  	[smem:$0x3FAE] =	sst s4  }
0xd: {  	[smem:$0x3FAF] =	sst s5  }
0xe: {  	[smem:$0x3FB0] =	sst s6  }
0xf: {  	[smem:$0x3FB1] =	sst s7  }
0x10: {  	[smem:$0x3FB2] =	sst s8  }
0x11: {  	[smem:$0x3FB3] =	sst s9;
	s0 =	simm.s32 @!p0 $0x0  }
0x12: {  	s1 =	sld [smem:$0x3F99];
	s0 =	simm.s32 @p0 $0x1  }
0x13: {  	[smem:$0x3FB4] =	sst s0;
	s0 =	simm.s32 @!p1 $0x0  }
0x14: {  	s2 =	sld [smem:$0x3F98];
	s0 =	simm.s32 @p1 $0x1  }
0x15: {  	[smem:$0x3FB5] =	sst s0;
	s0 =	simm.s32 @!p2 $0x0  }
0x16: {  	s3 =	sld [smem:$0x3FDB];
	s0 =	simm.s32 @p2 $0x1  }
0x17: {  	s4 =	simm.s32 $0x1BF5;
	[smem:$0x3FB7] =	sst s0  }
0x18: {  	s0 =	sld [smem:$0x3F9A];
	_ =	swait.ge [sflag:s4], $0x0  }
0x19: {  	s7 =	sld [smem:$0x3F9B]  }
0x1a: {  	s8 =	sadd.s32 $0xFFFFE003, lr  }
0x1b: {  	s9 =	sadd.s32 $0xFFFFFEF7, lr;
	s5 =	simm.s32 $0xFFFFFFFF;
	p2 =	slt.u32 s8, $0xFFFFF086  }
0x1c: {  	p1 =	slt.u32 s9, $0xF7A;
	s5 =	simm.s32 @!p2 $0x0  }
0x1d: {  	s5 =	simm.s32 @p1 $0x1;
	p0 =	seq.s32 s7, s2  }
0x1e: {  	s7 =	smul.u32 @!p0 $0xF7A, s2;
	p2 =	seq.s32 @!p0 s5, $0x0  }
0x1f: {  	s9 =	smul.u32 $0xF7A, s1;
	s8 =	simm.s32 @!p0 $0x1BF5;
	p2 =	por !p2, p0  }
0x20: {  	[sflag:s8] =	ssyncset.s32 @!p0 $0xFFFFF086;
	s6 =	sadd.s32 @!p0 s3, s7;
	s7 =	simm.s32 @!p0 $0x108  }
0x21: {  	s3 =	sadd.s32 s3, s9;
	s6 =	sadd.s32 @!p0 $0x88, s6;
	s7 =	simm.s32 @p2 $0x1082  }
0x22: {  	[simem:s7], [sflag:s8] =	dma.local @!p0 [hbm:s6], $0xF7A  }
0x23: {  	s9 =	sor.u32 $0xD0000000, s2;
	s6 =	simm.s32 $0x108;
	_ =	swait.ge @!p0 [sflag:s8], $0x0  }
0x24: {  	s3 =	sadd.s32 $0x88, s3;
	s6 =	simm.s32 @!p1 $0x1082;
	[sflag:s4] =	ssyncset.s32 $0xFFFFF086  }
0x25: {  	[simem:s6], [sflag:s4] =	dma.local [hbm:s3], $0xF7A  }
0x26: {  	[smem:$0x3F9B] =	sst s1;
	(tag) =	ssettag s2;
	_ =	strace s9  }
0x27: {  	s1 =	sld [smem:$0x3FAB]  }
0x28: {  	s2 =	sld [smem:$0x3FAC]  }
0x29: {  	s4 =	sld [smem:$0x3FAE]  }
0x2a: {  	p0 =	seq.s32 s5, $0x0;
	s5 =	sld [smem:$0x3FAF]  }
0x2b: {  	s6 =	sld [smem:$0x3FB0]  }
0x2c: {  	s7 =	sld [smem:$0x3FB1]  }
0x2d: {  	s3 =	simm.s32 $0x108;
	s8 =	sld [smem:$0x3FB2]  }
0x2e: {  	s3 =	simm.s32 @!p0 $0x1082;
	s9 =	sld [smem:$0x3FB3]  }
0x2f: {  	lr =	sadd.s32 s0, s3;
	s0 =	sld [smem:$0x3FAA]  }
0x30: {  	s3 =	sld [smem:$0x3FAD]  }
0x31: {  	[smem:$0x3FB6] =	sst s10  }
0x32: {  	s10 =	sld [smem:$0x3FB4];
	_ =	sdelay $0x3  }
0x33: {  	p0 =	seq.s32 s10, $0x1;
	s10 =	sld [smem:$0x3FB6];
	_ =	sdelay $0x3  }
0x34: {  	[smem:$0x3FB6] =	sst s10  }
0x35: {  	s10 =	sld [smem:$0x3FB5];
	_ =	sdelay $0x3  }
0x36: {  	p1 =	seq.s32 s10, $0x1;
	s10 =	sld [smem:$0x3FB6];
	_ =	sdelay $0x3  }
0x37: {  	[smem:$0x3FB6] =	sst s10  }
0x38: {  	s10 =	sld [smem:$0x3FB7]  }
0x39: {  	_ = 	snop;
	(pc) =	sbr.ind lr, $3  }
0x3a: {  	_ = 	snop  }
0x3b: {  	_ = 	snop  }
0x3c: {  	p2 =	seq.s32 s10, $0x1;
	s10 =	sld [smem:$0x3FB6]  }
0x3d: {  	_ =	shalt  }
0x3e: {  	_ =	shalt  }
0x3f: {  	_ =	shalt  }
0x40: {  	_ =	shalt  }
0x41: {  	_ =	shalt  }
0x42: {  	_ =	shalt  }
0x43: {  	_ =	shalt  }
0x44: {  	_ =	shalt  }
0x45: {  	_ =	shalt  }
0x46: {  	_ =	shalt  }
0x47: {  	_ =	shalt  }
0x48: {  	_ =	shalt  }
0x49: {  	_ =	shalt  }
0x4a: {  	_ =	shalt  }
0x4b: {  	_ =	shalt  }
0x4c: {  	_ =	shalt  }
0x4d: {  	_ =	shalt  }
0x4e: {  	_ =	shalt  }
0x4f: {  	_ =	shalt  }
0x50: {  	_ =	shalt  }
0x51: {  	_ =	shalt  }
0x52: {  	_ =	shalt  }
0x53: {  	_ =	shalt  }
0x54: {  	_ =	shalt  }
0x55: {  	_ =	shalt  }
0x56: {  	_ =	shalt  }
0x57: {  	_ =	shalt  }
0x58: {  	_ =	shalt  }
0x59: {  	_ =	shalt  }
0x5a: {  	_ =	shalt  }
0x5b: {  	_ =	shalt  }
0x5c: {  	_ =	shalt  }
0x5d: {  	_ =	shalt  }
0x5e: {  	_ =	shalt  }
0x5f: {  	_ =	shalt  }
0x60: {  	_ =	shalt  }
0x61: {  	_ =	shalt  }
0x62: {  	_ =	shalt  }
0x63: {  	_ =	shalt  }
0x64: {  	_ =	shalt  }
0x65: {  	_ =	shalt  }
0x66: {  	_ =	shalt  }
0x67: {  	_ =	shalt  }
0x68: {  	_ =	shalt  }
0x69: {  	_ =	shalt  }
0x6a: {  	_ =	shalt  }
0x6b: {  	_ =	shalt  }
0x6c: {  	_ =	shalt  }
0x6d: {  	_ =	shalt  }
0x6e: {  	_ =	shalt  }
0x6f: {  	_ =	shalt  }
0x70: {  	_ =	shalt  }
0x71: {  	_ =	shalt  }
0x72: {  	_ =	shalt  }
0x73: {  	_ =	shalt  }
0x74: {  	_ =	shalt  }
0x75: {  	_ =	shalt  }
0x76: {  	_ =	shalt  }
0x77: {  	_ =	shalt  }
0x78: {  	_ =	shalt  }
0x79: {  	_ =	shalt  }
0x7a: {  	_ =	shalt  }
0x7b: {  	_ =	shalt  }
0x7c: {  	_ =	shalt  }
0x7d: {  	_ =	shalt  }
0x7e: {  	_ =	shalt  }
0x7f: {  	_ =	shalt  }
0x80: {  	_ =	shalt  }
0x81: {  	_ =	shalt  }
0x82: {  	_ =	shalt  }
0x83: {  	_ =	shalt  }
0x84: {  	_ =	shalt  }
0x85: {  	_ =	shalt  }
0x86: {  	_ =	shalt  }
0x87: {  	_ =	shalt  }
.Lfunc_end0:
.L_simem_size_0:
called_computation.2_lowered:
.L_overlay_start_0:
0x88: {  	s2 =	sld [smem:$0x3FD9]  }
0x89: {  	s3 =	sld [smem:$0x3FFE];
	_ =	sdelay $0x1  }
0x8a: {  	s1 =	srdreg.scid  }
0x8b: {  	s0 =	sand.u32 $0x1, s1  }
0x8c: {  	s17 =	sshll.u32 s0, $0xA;
	s2 =	sadd.s32 s3, s2  }
0x8d: {  	s2 =	sadd.s32 s2, s17  }
0x8e: {  	[smem:$0x3FC2] =	sst s2  }
0x8f: {  	_ = 	snop  }
0x90: {  	s2 =	sld [smem:$0x3FD0];
	(tm) =	ssettm $0x1  }
0x91: {  	s18 =	sld [smem:$0x3FFB];
	_ =	sdelay $0x3  }
0x92: {  	_ =	strace s18  }
0x93: {  	s3 =	sld [smem:$0x3FFC];
	_ =	sdelay $0x3  }
0x94: {  	_ =	strace s3  }
0x95: {  	s3 =	sld [smem:$0x3FFD];
	_ =	sdelay $0x3  }
0x96: {  	_ =	strace s3  }
0x97: {  	_ =	strace $0x8FFFFFFF  }
0x98: {  	s19 =	sld [smem:$0x3FDB];
	_ =	sdelay $0x1  }
0x99: {  	s4 =	simm.s32 $_scs_section_size  }
0x9a: {  	s5 =	simm.s32 $_size__tile_overlayer_lowered;
	s6 =	simm.s32 $_tile_overlayer_lowered  }
0x9b: {  	s22 =	simm.s32 $0x1BFF;
	s21 =	sshll.u32 s6, $0x1;
	s3 =	sadd.s32 s4, s19  }
0x9c: {  	s7 =	simm.s32 $0x0;
	s20 =	sshll.u32 s5, $0x1;
	s5 =	sadd.s32 s21, s3  }
0x9d: {  	[timem:s7], [sflag:s22] =	dma.local [hbm:s5], s20  }
0x9e: {  	_ =	swait.ge [sflag:s22], s20  }
0x9f: {  	s4 =	ssub.s32 $0x0, s20;
	[sflag:s22] =	ssyncset.done $0x0  }
0xa0: {  	[sflag:s22] =	ssyncadd.s32 s4;
	_ =	sdelay $0x1  }
0xa1: {  	s23 =	simm.s32 $0x1B8B  }
0xa2: {  	_ =	swait.ge [sflag:s23], $0x1  }
0xa3: {  	[sflag:s23] =	ssyncset.done $0x0  }
0xa4: {  	s25 =	simm.s32 $0x1B8E;
	s24 =	sld [smem:$0x3FFE];
	[sflag:s23] =	ssyncadd.s32 $0xFFFFFFFF  }
0xa5: {  	s26 =	simm.s32 $execute0_lowered;
	[smem:$0x3FD2] =	sst s25  }
0xa6: {  	s5 =	sshll.u32 s26, $0x1;
	_ =	strace $0x8000004C;
	[dreg:$0x1] =	wrdreg $0xFFFFFFFF  }
0xa7: {  	s28 =	simm.s32 $_size_execute0_lowered;
	s3 =	sadd.s32 s3, s5;
	[dreg:$0x0] =	wrdreg $0x0  }
0xa8: {  	s5 =	sshll.u32 s28, $0x1;
	[dreg:$0x2] =	wrdreg s3  }
0xa9: {  	[dreg:$0x3] =	wrdreg s5  }
0xaa: {  	[dreg:$0x4] =	wrdreg $0xC0  }
0xab: {  	_ =	task [dreg:s7], $0x5FFFF  }
0xac: {  	[dreg:$0x1] =	wrdreg $0xFFFFFFFF  }
0xad: {  	[dreg:$0x0] =	wrdreg $0x60  }
0xae: {  	[dreg:$0x2] =	wrdreg s2  }
0xaf: {  	[dreg:$0x3] =	wrdreg s24  }
0xb0: {  	[dreg:$0x4] =	wrdreg $0x9E200  }
0xb1: {  	[dreg:$0x5] =	wrdreg $0x13A600  }
0xb2: {  	[dreg:$0x6] =	wrdreg $0x9  }
0xb3: {  	_ =	task.clear_ibuf [dreg:s7], $0x7FFFF;
	_ =	strace $0x9000004C  }
0xb4: {  	s29 =	simm.s32 $0x9;
	_ =	strace $0x8000004E  }
0xb5: {  	_ =	swait.ge [sflag:s29], $0x1  }
0xb6: {  	[sflag:s29] =	ssyncadd.s32 $0xFFFFFFFF  }
0xb7: {  	_ =	strace $0x9000004E  }
0xb8: {  	_ =	sfence  }
0xb9: {  	s30 =	sld [smem:$0x0];
	_ =	sdelay $0x2  }
0xba: {  	s31 =	sshll.u32 s1, $0xD;
	s1 =	sshrl.u32 s1, $0x2  }
0xbb: {  	s3 =	sand.u32 $0x4000, s31;
	s1 =	sadd.s32 s1, s30  }
0xbc: {  	s0 =	sor.u32 s3, s0;
	s1 =	sshll.u32 s1, $0x11  }
0xbd: {  	s0 =	sor.u32 s1, s0  }
0xbe: {  	s0 =	sadd.s32 $0x8F2B, s0  }
0xbf: {  	[sflag:s0] =	ssyncadd.remote.s32 $0x1  }
0xc0: {  	_ =	sfence.sel $0xFFFF  }
0xc1: {  	[dreg:$0x0] =	wrdreg $0xFFFFFFFF;
	(pc) =	sbr.abs _section_cstart, $3  }
0xc2: {  	[dreg:$0x1] =	wrdreg $0xFFFFFFFF  }
0xc3: {  	_ =	task.clear_ibuf [dreg:s7], $0x2FFFF;
	_ =	strace $0x9FFFFFFF  }
0xc4: {  	(tm) =	ssettm $0x7FFFFFFF  }
0xc5: {  	_ =	shalt  }
tec
execute0_lowered:
.L_overlay_start_1:
0x0: {  	(tag) =	ssettag $0x1  }
0x1: {  	s0 =	rddreg [dreg:$0x0]  }
0x2: {  	s1 =	rddreg [dreg:$0x1]  }
0x3: {  	s2 =	rddreg [dreg:$0x2]  }
0x4: {  	s3 =	rddreg [dreg:$0x3]  }
0x5: {  	s5 =	srdreg.scid;
	s10 =	stileid.u32;
	s4 =	simm.s32 $0x0  }
0x6: {  	s20 =	simm.s32 $0x9;
	s28 =	simm.s32 $0x5;
	s29 =	simm.s32 $0x0  }
0x7: {  	s5 =	sand.u32 $0x1, s5;
	s8 =	smul.u32 $0x9C40, s10;
	[smem:$0x7FF] =	sst s4  }
0x8: {  	s16 =	sadd.s32 $0xBE00, s1;
	s17 =	sadd.s32 $0x2000, s1;
	s25 =	sshll.u32 s10, $0x6  }
0x9: {  	s6 =	smul.u32 $0x9C400, s5;
	s7 =	ssub.s32 $0x2, s5;
	s5 =	sshll.u32 s5, $0x4  }
0xa: {  	_ =	strace $0x8000004D;
	s22 =	sshrl.u32 s7, $0x1;
	s5 =	sor.u32 s10, s5  }
0xb: {  	s23 =	sshrl.u32 s8, $0x3;
	s24 =	sadd.s32 s8, s2;
	s26 =	sadd.s32 s8, s3  }
0xc: {  	s6 =	sadd.s32 s8, s6;
	s19 =	ssub.s32 s7, s22;
	s9 =	smul.u32 $0x2710, s5  }
0xd: {  	[dreg:$0x5] =	wrdreg s24;
	s7 =	sor.u32 $0x1C09, s25;
	s21 =	sshrl.u32 s26, $0x3  }
0xe: {  	s24 =	simm.s32 $0x8;
	s25 =	simm.s32 $0x7;
	s6 =	sshrl.u32 s6, $0x3  }
0xf: {  	s26 =	simm.s32 $0x6;
	s19 =	smax.u32 s19, $0x1;
	s1 =	sadd.s32 s6, s1  }
0x10: {  	s6 =	sadd.s32 s0, s23;
	s18 =	sshrl.u32 s9, $0x3;
	s0 =	simm.s32 $0x1  }
0x11: {  	s30 =	sadd.s32 s16, s18;
	s31 =	sadd.s32 s17, s18;
	s11 =	sadd.s32 $0xFA, s18  }
.Ltmp0:
0x12: {  	s13 =	sadd.s32 $0x1F4, s18;
	[dreg:$0x6] =	wrdreg s30;
	(pc) =	sbr.rel .LBB2_1-.Ltmp0, $4  }
0x13: {  	s15 =	sadd.s32 $0x2EE, s18;
	s18 =	sadd.s32 $0x3E8, s18;
	[dreg:$0x7] =	wrdreg s31  }
0x14: {  	s10 =	sadd.s32 s16, s11;
	s11 =	sadd.s32 s17, s11;
	s12 =	sadd.s32 s16, s13  }
0x15: {  	s13 =	sadd.s32 s17, s13;
	s14 =	sadd.s32 s16, s15;
	s15 =	sadd.s32 s17, s15  }
0x16: {  	s16 =	sadd.s32 s16, s18;
	s17 =	sadd.s32 s17, s18;
	s18 =	sadd.s32 $0x15C00, s1  }
.LBB2_6:
0x17: {  	_ =	swait.ge [sflag:s0], $0x1400  }
0x18: {  	s1 =	simm.s32 $0x50;
	[sflag:s0] =	ssyncset.done $0x0  }
0x19: {  	s5 =	simm.s32 $0x4DD0;
	s8 =	simm.s32 $0x4E20;
	[sflag:s0] =	ssyncadd.s32 $0xFFFFEC00  }
0x1a: {  	[spmem:s2] =	stream.indirect.scatter.add.f32 [tilespmem:s8], [sflag:$0x5], $0x40, s5, s1, $0xb8;
	[tilespmem:$0x1D6A0] =	vst v63  }
0x1b: {  	_ =	swait.ge [sflag:s24], $0x1400  }
0x1c: {  	[sflag:s24] =	ssyncset.done $0x0  }
0x1d: {  	[sflag:s24] =	ssyncadd.s32 $0xFFFFEC00  }
0x1e: {  	_ =	swait.ge [sflag:s25], $0x1400  }
0x1f: {  	[sflag:s25] =	ssyncset.done $0x0  }
0x20: {  	[sflag:s25] =	ssyncadd.s32 $0xFFFFEC00  }
0x21: {  	_ =	swait.ge [sflag:s26], $0x1400  }
0x22: {  	[sflag:s26] =	ssyncset.done $0x0  }
0x23: {  	[sflag:s26] =	ssyncadd.s32 $0xFFFFEC00  }
0x24: {  	_ =	swait.ge [sflag:s28], $0x1400  }
0x25: {  	s29 =	sadd.s32 $0x1, s29;
	[sflag:s28] =	ssyncset.done $0x0  }
0x26: {  	p0 =	sne.s32 s29, s19;
	[sflag:s28] =	ssyncadd.s32 $0xFFFFEC00  }
.Ltmp1:
0x27: {  	[bflag:$0x0] =	sbarrier.arrive $0xFFFF;
	(pc) =	sbr.rel @!p0 .LBB2_7-.Ltmp1, $4  }
0x28: {  	[hbm:s18], [sflag:s7] =	dma.local [spmem:s30], $0x1388  }
0x29: {  	_ =	swait.ge [sflag:s20], $0x1388  }
0x2a: {  	[sflag:s20] =	ssyncset.done $0x0  }
0x2b: {  	[sflag:s20] =	ssyncadd.s32 $0xFFFFEC78  }
.LBB2_1:
0x2c: {  	s1 =	rddreg [dreg:$0x5]  }
0x2d: {  	s30 =	sshrl.u32 s1, $0x3  }
0x2e: {  	[spmem:s30], [sflag:s7] =	dma.local [hbm:s6], $0x1388  }
0x2f: {  	_ =	swait.ge [sflag:s20], $0x1388  }
0x30: {  	[sflag:s20] =	ssyncset.done $0x0  }
0x31: {  	[sflag:s20] =	ssyncadd.s32 $0xFFFFEC78  }
0x32: {  	[spmem:s21], [sflag:s7] =	dma.local [hbm:s6], $0x1388  }
0x33: {  	_ =	swait.ge [sflag:s20], $0x1388  }
0x34: {  	[sflag:s20] =	ssyncset.done $0x0  }
0x35: {  	s5 =	rddreg [dreg:$0x6];
	[sflag:s20] =	ssyncadd.s32 $0xFFFFEC78  }
0x36: {  	[tilespmem:s4], [sflag:$0x9] =	stream.linear.gather [hbm4b:s5+s4], $0x7D0, $0x38;
	[tilespmem:$0x1D6A0] =	vst v63  }
0x37: {  	_ =	swait.ge [sflag:s20], $0x7D0  }
0x38: {  	[sflag:s20] =	ssyncset.done $0x0  }
0x39: {  	s5 =	simm.s32 $0x2710;
	s8 =	rddreg [dreg:$0x7];
	[sflag:s20] =	ssyncadd.s32 $0xFFFFF830  }
0x3a: {  	[tilespmem:s5], [sflag:$0x9] =	stream.linear.gather [hbm4b:s8+s4], $0x7D0, $0x38;
	[tilespmem:$0x1D6A0] =	vst v63  }
0x3b: {  	_ =	swait.ge [sflag:s20], $0x7D0  }
0x3c: {  	[sflag:s20] =	ssyncset.done $0x0  }
0x3d: {  	s9 =	simm.s32 $0x7D0;
	[sflag:s20] =	ssyncadd.s32 $0xFFFFF830  }
0x3e: {  	[tilespmem:s9], [sflag:$0x9] =	stream.linear.gather [hbm4b:s10+s4], $0x7D0, $0x38;
	[tilespmem:$0x1D6A0] =	vst v63  }
0x3f: {  	_ =	swait.ge [sflag:s20], $0x7D0  }
0x40: {  	[sflag:s20] =	ssyncset.done $0x0  }
0x41: {  	s22 =	simm.s32 $0x2EE0;
	[sflag:s20] =	ssyncadd.s32 $0xFFFFF830  }
0x42: {  	[tilespmem:s22], [sflag:$0x9] =	stream.linear.gather [hbm4b:s11+s4], $0x7D0, $0x38;
	[tilespmem:$0x1D6A0] =	vst v63  }
0x43: {  	_ =	swait.ge [sflag:s20], $0x7D0  }
0x44: {  	[sflag:s20] =	ssyncset.done $0x0  }
0x45: {  	s23 =	simm.s32 $0xFA0;
	[sflag:s20] =	ssyncadd.s32 $0xFFFFF830  }
0x46: {  	[tilespmem:s23], [sflag:$0x9] =	stream.linear.gather [hbm4b:s12+s4], $0x7D0, $0x38;
	[tilespmem:$0x1D6A0] =	vst v63  }
0x47: {  	_ =	swait.ge [sflag:s20], $0x7D0  }
0x48: {  	[sflag:s20] =	ssyncset.done $0x0  }
0x49: {  	s5 =	simm.s32 $0x36B0;
	[sflag:s20] =	ssyncadd.s32 $0xFFFFF830  }
0x4a: {  	[tilespmem:s5], [sflag:$0x9] =	stream.linear.gather [hbm4b:s13+s4], $0x7D0, $0x38;
	[tilespmem:$0x1D6A0] =	vst v63  }
0x4b: {  	_ =	swait.ge [sflag:s20], $0x7D0  }
0x4c: {  	[sflag:s20] =	ssyncset.done $0x0  }
0x4d: {  	s8 =	simm.s32 $0x1770;
	[sflag:s20] =	ssyncadd.s32 $0xFFFFF830  }
0x4e: {  	[tilespmem:s8], [sflag:$0x9] =	stream.linear.gather [hbm4b:s14+s4], $0x7D0, $0x38;
	[tilespmem:$0x1D6A0] =	vst v63  }
0x4f: {  	_ =	swait.ge [sflag:s20], $0x7D0  }
0x50: {  	[sflag:s20] =	ssyncset.done $0x0  }
0x51: {  	s9 =	simm.s32 $0x3E80;
	[sflag:s20] =	ssyncadd.s32 $0xFFFFF830  }
0x52: {  	[tilespmem:s9], [sflag:$0x9] =	stream.linear.gather [hbm4b:s15+s4], $0x7D0, $0x38;
	[tilespmem:$0x1D6A0] =	vst v63  }
0x53: {  	_ =	swait.ge [sflag:s20], $0x7D0  }
0x54: {  	[sflag:s20] =	ssyncset.done $0x0  }
0x55: {  	s22 =	simm.s32 $0x1F40;
	[sflag:s20] =	ssyncadd.s32 $0xFFFFF830  }
0x56: {  	[tilespmem:s22], [sflag:$0x9] =	stream.linear.gather [hbm4b:s16+s4], $0x7D0, $0x38;
	[tilespmem:$0x1D6A0] =	vst v63  }
0x57: {  	_ =	swait.ge [sflag:s20], $0x7D0  }
0x58: {  	[sflag:s20] =	ssyncset.done $0x0  }
0x59: {  	s23 =	simm.s32 $0x4650;
	[sflag:s20] =	ssyncadd.s32 $0xFFFFF830  }
0x5a: {  	[tilespmem:s23], [sflag:$0x9] =	stream.linear.gather [hbm4b:s17+s4], $0x7D0, $0x38;
	[tilespmem:$0x1D6A0] =	vst v63  }
.Ltmp2:
0x5b: {  	_ =	swait.ge [sflag:s20], $0x7D0;
	(pc) =	sbr.rel .LBB2_2-.Ltmp2, $4  }
0x5c: {  	[sflag:s20] =	ssyncset.done $0x0  }
0x5d: {  	[sflag:s20] =	ssyncadd.s32 $0xFFFFF830  }
0x5e: {  	[bflag:$0x0] =	sbarrier.arrive $0xFFFF  }
0x5f: {  	s31 =	simm.s32 $0x0  }
.LBB2_4:
0x60: {  	p0 =	seq.s32 s1, $0x2  }
0x61: {  	s1 =	sand.u32 @p0 $0xFF, s31  }
0x62: {  	s1 =	smul.u32 @p0 $0x29, s1;
	_ =	sdelay $0x1  }
0x63: {  	s1 =	sshrl.u32 @p0 s1, $0xA  }
0x64: {  	s5 =	smul.u32 @p0 $0x19, s1  }
0x65: {  	p1 =	slt.u32 @p0 s31, $0x4;
	p2 =	seq.s32 @p0 s31, $0x0  }
0x66: {  	p3 =	por p1, !p0;
	p1 =	por p2, !p0;
	s5 =	ssub.s32 @p0 s31, s5  }
0x67: {  	s8 =	sadd.s32 @!p1 $0xFFFFFFFF, s31;
	s1 =	smul.u32 @p0 $0x1F40, s1;
	s5 =	sand.u32 @p0 $0xFF, s5  }
0x68: {  	s9 =	simm.s32 @!p3 $0x7;
	s22 =	sand.u32 @!p1 $0xFF, s8;
	s5 =	smul.u32 @p0 $0x140, s5  }
0x69: {  	_ =	swait.ge @!p3 [sflag:s9], $0x1400;
	s22 =	smul.u32 @!p1 $0x29, s22  }
0x6a: {  	[sflag:s9] =	ssyncset.done @!p3 $0x0;
	s1 =	sshrl.u32 @p0 s1, $0x2;
	s5 =	sshrl.u32 @p0 s5, $0x2  }
0x6b: {  	[sflag:s9] =	ssyncadd.s32 @!p3 $0xFFFFEC00;
	s1 =	sadd.s32 @p0 s5, s1;
	s5 =	sshrl.u32 @!p1 s22, $0xA  }
0x6c: {  	s9 =	simm.s32 @p0 $0x50;
	s22 =	simm.s32 @p0 $0x7620;
	s23 =	smul.u32 @!p1 $0x19, s5  }
0x6d: {  	[tilespmem:s22], [sflag:$0x3] =	stream.indirect.gather @p0 [spmem:s3], $0x40, s1, s9, $0xb8;
	[tilespmem:$0x1D6A0] =	vst v63  }
0x6e: {  	s1 =	ssub.s32 @!p1 s8, s23  }
0x6f: {  	s5 =	smul.u32 @!p1 $0x1F40, s5;
	s1 =	sand.u32 @!p1 $0xFF, s1  }
0x70: {  	s8 =	simm.s32 @!p1 $0x2;
	s1 =	smul.u32 @!p1 $0x140, s1  }
0x71: {  	s9 =	simm.s32 @!p1 $0x6220;
	_ =	swait.ge @!p1 [sflag:s8], $0x1400  }
0x72: {  	s5 =	sshrl.u32 @!p1 s5, $0x2;
	[sflag:s8] =	ssyncset.done @!p1 $0x0;
	s1 =	sshrl.u32 @!p1 s1, $0x2  }
0x73: {  	[sflag:s8] =	ssyncadd.s32 @!p1 $0xFFFFEC00;
	s1 =	sadd.s32 @!p1 s1, s5;
	s5 =	sand.u32 @!p0 $0xFF, s31  }
0x74: {  	s8 =	simm.s32 @!p1 $0x50;
	s1 =	sadd.s32 @!p1 $0x2710, s1;
	s5 =	smul.u32 @!p0 $0x29, s5  }
0x75: {  	[spmem:s2] =	stream.indirect.scatter.add.f32 @!p1 [tilespmem:s9], [sflag:$0x6], $0x40, s1, s8, $0xb8;
	[tilespmem:$0x1D6A0] =	vst v63  }
0x76: {  	s1 =	sshrl.u32 @!p0 s5, $0xA  }
0x77: {  	s5 =	smul.u32 @!p0 $0x19, s1  }
0x78: {  	p2 =	seq.s32 @!p0 s31, $0x0;
	p1 =	slt.u32 @!p0 s31, $0x4  }
0x79: {  	p3 =	por p1, p0;
	p1 =	por p2, p0;
	s5 =	ssub.s32 @!p0 s31, s5  }
0x7a: {  	s1 =	smul.u32 @!p0 $0x1F40, s1;
	s8 =	sadd.s32 @!p1 $0xFFFFFFFF, s31;
	s5 =	sand.u32 @!p0 $0xFF, s5  }
0x7b: {  	s9 =	simm.s32 @!p3 $0x8;
	s22 =	sand.u32 @!p1 $0xFF, s8;
	s5 =	smul.u32 @!p0 $0x140, s5  }
0x7c: {  	_ =	swait.ge @!p3 [sflag:s9], $0x1400;
	s22 =	smul.u32 @!p1 $0x29, s22  }
0x7d: {  	[sflag:s9] =	ssyncset.done @!p3 $0x0;
	s1 =	sshrl.u32 @!p0 s1, $0x2;
	s5 =	sshrl.u32 @!p0 s5, $0x2  }
0x7e: {  	[sflag:s9] =	ssyncadd.s32 @!p3 $0xFFFFEC00;
	s1 =	sadd.s32 @!p0 s5, s1;
	s5 =	sshrl.u32 @!p1 s22, $0xA  }
0x7f: {  	s9 =	simm.s32 @!p0 $0x50;
	s22 =	simm.s32 @!p0 $0x8A20;
	s23 =	smul.u32 @!p1 $0x19, s5  }
0x80: {  	[tilespmem:s22], [sflag:$0x4] =	stream.indirect.gather @!p0 [spmem:s3], $0x40, s1, s9, $0xb8;
	[tilespmem:$0x1D6A0] =	vst v63  }
0x81: {  	s1 =	ssub.s32 @!p1 s8, s23  }
0x82: {  	s5 =	smul.u32 @!p1 $0x1F40, s5;
	s1 =	sand.u32 @!p1 $0xFF, s1  }
0x83: {  	s8 =	simm.s32 @!p1 $0x3;
	s1 =	smul.u32 @!p1 $0x140, s1  }
0x84: {  	_ =	swait.ge @!p1 [sflag:s8], $0x1400  }
0x85: {  	s5 =	sshrl.u32 @!p1 s5, $0x2;
	[sflag:s8] =	ssyncset.done @!p1 $0x0;
	s1 =	sshrl.u32 @!p1 s1, $0x2  }
0x86: {  	[sflag:s8] =	ssyncadd.s32 @!p1 $0xFFFFEC00;
	s1 =	sadd.s32 @!p1 s1, s5  }
0x87: {  	s8 =	simm.s32 @!p1 $0x7620;
	s5 =	simm.s32 @!p1 $0x50;
	s1 =	sadd.s32 @!p1 $0x2710, s1  }
0x88: {  	[spmem:s2] =	stream.indirect.scatter.add.f32 @!p1 [tilespmem:s8], [sflag:$0x7], $0x40, s1, s5, $0xb8;
	[tilespmem:$0x1D6A0] =	vst v63  }
.LBB2_5:
0x89: {  	s31 =	sadd.s32 $0x1, s31  }
0x8a: {  	p0 =	sne.s32 s31, $0x7D  }
.Ltmp3:
0x8b: {  	_ = 	snop;
	(pc) =	sbr.rel @!p0 .LBB2_6-.Ltmp3, $1  }
0x8c: {  	_ =	sdelay $0x3  }
.LBB2_2:
0x8d: {  	s1 =	sand.u32 $0x3, s31  }
0x8e: {  	p0 =	sgt.s32 s1, $0x1  }
.Ltmp4:
0x8f: {  	_ = 	snop;
	(pc) =	sbr.rel @p0 .LBB2_4-.Ltmp4, $1  }
0x90: {  	_ =	sdelay $0x3  }
0x91: {  	p0 =	seq.s32 s1, $0x0  }
0x92: {  	s1 =	sand.u32 @p0 $0xFF, s31  }
0x93: {  	s1 =	smul.u32 @p0 $0x29, s1;
	_ =	sdelay $0x1  }
0x94: {  	p1 =	slt.u32 @p0 s31, $0x4;
	p2 =	seq.s32 @p0 s31, $0x0;
	s1 =	sshrl.u32 @p0 s1, $0xA  }
0x95: {  	p3 =	por p1, !p0;
	p1 =	por p2, !p0;
	s22 =	smul.u32 @p0 $0x19, s1  }
0x96: {  	s23 =	sadd.s32 @!p1 $0xFFFFFFFF, s31;
	s5 =	simm.s32 @!p3 $0x5  }
0x97: {  	s8 =	sand.u32 @!p1 $0xFF, s23;
	s1 =	smul.u32 @p0 $0x1F40, s1;
	s22 =	ssub.s32 @p0 s31, s22  }
0x98: {  	_ =	swait.ge @!p3 [sflag:s5], $0x1400;
	s8 =	smul.u32 @!p1 $0x29, s8;
	s22 =	sand.u32 @p0 $0xFF, s22  }
0x99: {  	[sflag:s5] =	ssyncset.done @!p3 $0x0;
	s22 =	smul.u32 @p0 $0x140, s22  }
0x9a: {  	[sflag:s5] =	ssyncadd.s32 @!p3 $0xFFFFEC00;
	s1 =	sshrl.u32 @p0 s1, $0x2  }
0x9b: {  	s5 =	sshrl.u32 @!p1 s8, $0xA;
	s8 =	simm.s32 @p0 $0x50;
	s22 =	sshrl.u32 @p0 s22, $0x2  }
0x9c: {  	s9 =	smul.u32 @!p1 $0x19, s5;
	s1 =	sadd.s32 @p0 s22, s1;
	s22 =	simm.s32 @p0 $0x4E20  }
0x9d: {  	[tilespmem:s22], [sflag:$0x1] =	stream.indirect.gather @p0 [spmem:s3], $0x40, s1, s8, $0xb8;
	[tilespmem:$0x1D6A0] =	vst v63  }
0x9e: {  	s1 =	ssub.s32 @!p1 s23, s9  }
0x9f: {  	s5 =	smul.u32 @!p1 $0x1F40, s5;
	s1 =	sand.u32 @!p1 $0xFF, s1  }
0xa0: {  	s8 =	simm.s32 @!p1 $0x4;
	s1 =	smul.u32 @!p1 $0x140, s1  }
0xa1: {  	s5 =	sshrl.u32 @!p1 s5, $0x2;
	_ =	swait.ge @!p1 [sflag:s8], $0x1400  }
0xa2: {  	s9 =	simm.s32 @!p1 $0x8A20;
	[sflag:s8] =	ssyncset.done @!p1 $0x0;
	s1 =	sshrl.u32 @!p1 s1, $0x2  }
0xa3: {  	[sflag:s8] =	ssyncadd.s32 @!p1 $0xFFFFEC00;
	s1 =	sadd.s32 @!p1 s1, s5;
	s5 =	sand.u32 @!p0 $0xFF, s31  }
0xa4: {  	s8 =	simm.s32 @!p1 $0x50;
	s1 =	sadd.s32 @!p1 $0x2710, s1;
	s5 =	smul.u32 @!p0 $0x29, s5  }
0xa5: {  	[spmem:s2] =	stream.indirect.scatter.add.f32 @!p1 [tilespmem:s9], [sflag:$0x8], $0x40, s1, s8, $0xb8;
	[tilespmem:$0x1D6A0] =	vst v63  }
0xa6: {  	s1 =	sshrl.u32 @!p0 s5, $0xA  }
0xa7: {  	s5 =	smul.u32 @!p0 $0x19, s1  }
0xa8: {  	p2 =	seq.s32 @!p0 s31, $0x0;
	p1 =	slt.u32 @!p0 s31, $0x4  }
0xa9: {  	p3 =	por p1, p0;
	p1 =	por p2, p0;
	s5 =	ssub.s32 @!p0 s31, s5  }
0xaa: {  	s1 =	smul.u32 @!p0 $0x1F40, s1;
	s8 =	sadd.s32 @!p1 $0xFFFFFFFF, s31;
	s5 =	sand.u32 @!p0 $0xFF, s5  }
0xab: {  	s9 =	simm.s32 @!p3 $0x6;
	s22 =	sand.u32 @!p1 $0xFF, s8;
	s5 =	smul.u32 @!p0 $0x140, s5  }
0xac: {  	_ =	swait.ge @!p3 [sflag:s9], $0x1400;
	s22 =	smul.u32 @!p1 $0x29, s22  }
0xad: {  	[sflag:s9] =	ssyncset.done @!p3 $0x0;
	s1 =	sshrl.u32 @!p0 s1, $0x2;
	s5 =	sshrl.u32 @!p0 s5, $0x2  }
0xae: {  	[sflag:s9] =	ssyncadd.s32 @!p3 $0xFFFFEC00;
	s1 =	sadd.s32 @!p0 s5, s1;
	s5 =	sshrl.u32 @!p1 s22, $0xA  }
0xaf: {  	s9 =	simm.s32 @!p0 $0x50;
	s22 =	simm.s32 @!p0 $0x6220;
	s23 =	smul.u32 @!p1 $0x19, s5  }
0xb0: {  	[tilespmem:s22], [sflag:$0x2] =	stream.indirect.gather @!p0 [spmem:s3], $0x40, s1, s9, $0xb8;
	[tilespmem:$0x1D6A0] =	vst v63  }
0xb1: {  	s1 =	ssub.s32 @!p1 s8, s23  }
0xb2: {  	s5 =	smul.u32 @!p1 $0x1F40, s5;
	s1 =	sand.u32 @!p1 $0xFF, s1  }
0xb3: {  	s8 =	simm.s32 @!p1 $0x1;
	s1 =	smul.u32 @!p1 $0x140, s1  }
.Ltmp5:
0xb4: {  	_ =	swait.ge @!p1 [sflag:s8], $0x1400;
	(pc) =	sbr.rel .LBB2_5-.Ltmp5, $4  }
0xb5: {  	s5 =	sshrl.u32 @!p1 s5, $0x2;
	[sflag:s8] =	ssyncset.done @!p1 $0x0;
	s1 =	sshrl.u32 @!p1 s1, $0x2  }
0xb6: {  	[sflag:s8] =	ssyncadd.s32 @!p1 $0xFFFFEC00;
	s1 =	sadd.s32 @!p1 s1, s5  }
0xb7: {  	s8 =	simm.s32 @!p1 $0x4E20;
	s5 =	simm.s32 @!p1 $0x50;
	s1 =	sadd.s32 @!p1 $0x2710, s1  }
0xb8: {  	[spmem:s2] =	stream.indirect.scatter.add.f32 @!p1 [tilespmem:s8], [sflag:$0x5], $0x40, s1, s5, $0xb8;
	[tilespmem:$0x1D6A0] =	vst v63  }
.LBB2_7:
0xb9: {  	_ =	sfence.sel $0x180000  }
0xba: {  	[bflag:$0x0] =	sbarrier.arrive $0xFFFF  }
0xbb: {  	_ =	strace $0x9000004D  }
0xbc: {  	s0 =	stileid.u32;
	[bflag:$0x2] =	sbarrier.arrive $0xFFFF  }
0xbd: {  	p0 =	sne.s32 s0, $0x0;
	s0 =	rddreg [dreg:$0x4]  }
0xbe: {  	s0 =	sadd.s32 @!p0 $0x100000, s0  }
0xbf: {  	[sflag:s0] =	ssyncadd.tile.s32 @!p0 $0x1;
	_ =	shalt  }
.Lfunc_end2:
_tile_overlayer_lowered:
.L_overlay_start_2:
0xc0: {  	(tag) =	ssettag $0x2  }
0xc1: {  	s0 =	rddreg [dreg:$0x0];
	s2 =	stileid.u32  }
0xc2: {  	s1 =	rddreg [dreg:$0x1];
	p0 =	sne.s32 s2, $0x0  }
0xc3: {  	s3 =	rddreg [dreg:$0x2];
	[bflag:$0x3] =	sbarrier.arrive $0xFFFF;
	s2 =	simm.s32 @!p0 $0x1C09  }
0xc4: {  	[timem:s3], [sflag:s2] =	dma.local @!p0 [hbm:s0], s1  }
0xc5: {  	s0 =	simm.s32 @!p0 $0x9  }
0xc6: {  	_ =	swait.ge @!p0 [sflag:s0], s1  }
0xc7: {  	s1 =	ssub.s32 @!p0 $0x0, s1;
	[sflag:s0] =	ssyncset.done @!p0 $0x0  }
0xc8: {  	[sflag:s0] =	ssyncadd.s32 @!p0 s1  }
0xc9: {  	[bflag:$0x3] =	sbarrier.arrive $0xFFFF  }
0xca: {  	_ =	shalt  }

// kernel: kernel.9.cloned.1.call-start
scs
__scs_entry_jumppad:
0x0: {  	(pc) =	sbr.rel $0x88, $3  }
0x1: {  	(tag) =	ssettag $0x0;
	lr =	simm.s32 $0x1  }
0x2: {  	[smem:$0x3F9B] =	sst lr;
	_ =	strace $0xD0000000  }
0x3: {  	_ = 	snop  }
0x4: {  	_ = 	snop  }
0x5: {  	_ = 	snop  }
0x6: {  	_ = 	snop  }
0x7: {  	_ = 	snop  }
__scs_overlays_trampoline_lowered:
0x8: {  	[smem:$0x3FAA] =	sst s0  }
0x9: {  	[smem:$0x3FAB] =	sst s1  }
0xa: {  	[smem:$0x3FAC] =	sst s2  }
0xb: {  	[smem:$0x3FAD] =	sst s3  }
0xc: {  	[smem:$0x3FAE] =	sst s4  }
0xd: {  	[smem:$0x3FAF] =	sst s5  }
0xe: {  	[smem:$0x3FB0] =	sst s6  }
0xf: {  	[smem:$0x3FB1] =	sst s7  }
0x10: {  	[smem:$0x3FB2] =	sst s8  }
0x11: {  	[smem:$0x3FB3] =	sst s9;
	s0 =	simm.s32 @!p0 $0x0  }
0x12: {  	s1 =	sld [smem:$0x3F99];
	s0 =	simm.s32 @p0 $0x1  }
0x13: {  	[smem:$0x3FB4] =	sst s0;
	s0 =	simm.s32 @!p1 $0x0  }
0x14: {  	s2 =	sld [smem:$0x3F98];
	s0 =	simm.s32 @p1 $0x1  }
0x15: {  	[smem:$0x3FB5] =	sst s0;
	s0 =	simm.s32 @!p2 $0x0  }
0x16: {  	s3 =	sld [smem:$0x3FDB];
	s0 =	simm.s32 @p2 $0x1  }
0x17: {  	s4 =	simm.s32 $0x1BF5;
	[smem:$0x3FB7] =	sst s0  }
0x18: {  	s0 =	sld [smem:$0x3F9A];
	_ =	swait.ge [sflag:s4], $0x0  }
0x19: {  	s7 =	sld [smem:$0x3F9B]  }
0x1a: {  	s8 =	sadd.s32 $0xFFFFE003, lr  }
0x1b: {  	s9 =	sadd.s32 $0xFFFFFEF7, lr;
	s5 =	simm.s32 $0xFFFFFFFF;
	p2 =	slt.u32 s8, $0xFFFFF086  }
0x1c: {  	p1 =	slt.u32 s9, $0xF7A;
	s5 =	simm.s32 @!p2 $0x0  }
0x1d: {  	s5 =	simm.s32 @p1 $0x1;
	p0 =	seq.s32 s7, s2  }
0x1e: {  	s7 =	smul.u32 @!p0 $0xF7A, s2;
	p2 =	seq.s32 @!p0 s5, $0x0  }
0x1f: {  	s9 =	smul.u32 $0xF7A, s1;
	s8 =	simm.s32 @!p0 $0x1BF5;
	p2 =	por !p2, p0  }
0x20: {  	[sflag:s8] =	ssyncset.s32 @!p0 $0xFFFFF086;
	s6 =	sadd.s32 @!p0 s3, s7;
	s7 =	simm.s32 @!p0 $0x108  }
0x21: {  	s3 =	sadd.s32 s3, s9;
	s6 =	sadd.s32 @!p0 $0x88, s6;
	s7 =	simm.s32 @p2 $0x1082  }
0x22: {  	[simem:s7], [sflag:s8] =	dma.local @!p0 [hbm:s6], $0xF7A  }
0x23: {  	s9 =	sor.u32 $0xD0000000, s2;
	s6 =	simm.s32 $0x108;
	_ =	swait.ge @!p0 [sflag:s8], $0x0  }
0x24: {  	s3 =	sadd.s32 $0x88, s3;
	s6 =	simm.s32 @!p1 $0x1082;
	[sflag:s4] =	ssyncset.s32 $0xFFFFF086  }
0x25: {  	[simem:s6], [sflag:s4] =	dma.local [hbm:s3], $0xF7A  }
0x26: {  	[smem:$0x3F9B] =	sst s1;
	(tag) =	ssettag s2;
	_ =	strace s9  }
0x27: {  	s1 =	sld [smem:$0x3FAB]  }
0x28: {  	s2 =	sld [smem:$0x3FAC]  }
0x29: {  	s4 =	sld [smem:$0x3FAE]  }
0x2a: {  	p0 =	seq.s32 s5, $0x0;
	s5 =	sld [smem:$0x3FAF]  }
0x2b: {  	s6 =	sld [smem:$0x3FB0]  }
0x2c: {  	s7 =	sld [smem:$0x3FB1]  }
0x2d: {  	s3 =	simm.s32 $0x108;
	s8 =	sld [smem:$0x3FB2]  }
0x2e: {  	s3 =	simm.s32 @!p0 $0x1082;
	s9 =	sld [smem:$0x3FB3]  }
0x2f: {  	lr =	sadd.s32 s0, s3;
	s0 =	sld [smem:$0x3FAA]  }
0x30: {  	s3 =	sld [smem:$0x3FAD]  }
0x31: {  	[smem:$0x3FB6] =	sst s10  }
0x32: {  	s10 =	sld [smem:$0x3FB4];
	_ =	sdelay $0x3  }
0x33: {  	p0 =	seq.s32 s10, $0x1;
	s10 =	sld [smem:$0x3FB6];
	_ =	sdelay $0x3  }
0x34: {  	[smem:$0x3FB6] =	sst s10  }
0x35: {  	s10 =	sld [smem:$0x3FB5];
	_ =	sdelay $0x3  }
0x36: {  	p1 =	seq.s32 s10, $0x1;
	s10 =	sld [smem:$0x3FB6];
	_ =	sdelay $0x3  }
0x37: {  	[smem:$0x3FB6] =	sst s10  }
0x38: {  	s10 =	sld [smem:$0x3FB7]  }
0x39: {  	_ = 	snop;
	(pc) =	sbr.ind lr, $3  }
0x3a: {  	_ = 	snop  }
0x3b: {  	_ = 	snop  }
0x3c: {  	p2 =	seq.s32 s10, $0x1;
	s10 =	sld [smem:$0x3FB6]  }
0x3d: {  	_ =	shalt  }
0x3e: {  	_ =	shalt  }
0x3f: {  	_ =	shalt  }
0x40: {  	_ =	shalt  }
0x41: {  	_ =	shalt  }
0x42: {  	_ =	shalt  }
0x43: {  	_ =	shalt  }
0x44: {  	_ =	shalt  }
0x45: {  	_ =	shalt  }
0x46: {  	_ =	shalt  }
0x47: {  	_ =	shalt  }
0x48: {  	_ =	shalt  }
0x49: {  	_ =	shalt  }
0x4a: {  	_ =	shalt  }
0x4b: {  	_ =	shalt  }
0x4c: {  	_ =	shalt  }
0x4d: {  	_ =	shalt  }
0x4e: {  	_ =	shalt  }
0x4f: {  	_ =	shalt  }
0x50: {  	_ =	shalt  }
0x51: {  	_ =	shalt  }
0x52: {  	_ =	shalt  }
0x53: {  	_ =	shalt  }
0x54: {  	_ =	shalt  }
0x55: {  	_ =	shalt  }
0x56: {  	_ =	shalt  }
0x57: {  	_ =	shalt  }
0x58: {  	_ =	shalt  }
0x59: {  	_ =	shalt  }
0x5a: {  	_ =	shalt  }
0x5b: {  	_ =	shalt  }
0x5c: {  	_ =	shalt  }
0x5d: {  	_ =	shalt  }
0x5e: {  	_ =	shalt  }
0x5f: {  	_ =	shalt  }
0x60: {  	_ =	shalt  }
0x61: {  	_ =	shalt  }
0x62: {  	_ =	shalt  }
0x63: {  	_ =	shalt  }
0x64: {  	_ =	shalt  }
0x65: {  	_ =	shalt  }
0x66: {  	_ =	shalt  }
0x67: {  	_ =	shalt  }
0x68: {  	_ =	shalt  }
0x69: {  	_ =	shalt  }
0x6a: {  	_ =	shalt  }
0x6b: {  	_ =	shalt  }
0x6c: {  	_ =	shalt  }
0x6d: {  	_ =	shalt  }
0x6e: {  	_ =	shalt  }
0x6f: {  	_ =	shalt  }
0x70: {  	_ =	shalt  }
0x71: {  	_ =	shalt  }
0x72: {  	_ =	shalt  }
0x73: {  	_ =	shalt  }
0x74: {  	_ =	shalt  }
0x75: {  	_ =	shalt  }
0x76: {  	_ =	shalt  }
0x77: {  	_ =	shalt  }
0x78: {  	_ =	shalt  }
0x79: {  	_ =	shalt  }
0x7a: {  	_ =	shalt  }
0x7b: {  	_ =	shalt  }
0x7c: {  	_ =	shalt  }
0x7d: {  	_ =	shalt  }
0x7e: {  	_ =	shalt  }
0x7f: {  	_ =	shalt  }
0x80: {  	_ =	shalt  }
0x81: {  	_ =	shalt  }
0x82: {  	_ =	shalt  }
0x83: {  	_ =	shalt  }
0x84: {  	_ =	shalt  }
0x85: {  	_ =	shalt  }
0x86: {  	_ =	shalt  }
0x87: {  	_ =	shalt  }
.Lfunc_end0:
.L_simem_size_0:
called_computation_lowered:
.L_overlay_start_0:
0x88: {  	s2 =	sld [smem:$0x3FD9]  }
0x89: {  	s3 =	sld [smem:$0x3FFE];
	_ =	sdelay $0x1  }
0x8a: {  	s1 =	srdreg.scid  }
0x8b: {  	s0 =	sand.u32 $0x1, s1  }
0x8c: {  	s17 =	sshll.u32 s0, $0xA;
	s2 =	sadd.s32 s3, s2  }
0x8d: {  	s2 =	sadd.s32 s2, s17  }
0x8e: {  	[smem:$0x3FC2] =	sst s2  }
0x8f: {  	_ = 	snop  }
0x90: {  	s2 =	sld [smem:$0x3FD0];
	(tm) =	ssettm $0x1  }
0x91: {  	s18 =	sld [smem:$0x3FFB];
	_ =	sdelay $0x3  }
0x92: {  	_ =	strace s18  }
0x93: {  	s3 =	sld [smem:$0x3FFC];
	_ =	sdelay $0x3  }
0x94: {  	_ =	strace s3  }
0x95: {  	s3 =	sld [smem:$0x3FFD];
	_ =	sdelay $0x3  }
0x96: {  	_ =	strace s3  }
0x97: {  	_ =	strace $0x8FFFFFFF  }
0x98: {  	s19 =	sld [smem:$0x3FDB];
	_ =	sdelay $0x1  }
0x99: {  	s4 =	simm.s32 $_scs_section_size  }
0x9a: {  	s5 =	simm.s32 $_size__tile_overlayer_lowered;
	s6 =	simm.s32 $_tile_overlayer_lowered  }
0x9b: {  	s22 =	simm.s32 $0x1BFF;
	s21 =	sshll.u32 s6, $0x1;
	s3 =	sadd.s32 s4, s19  }
0x9c: {  	s7 =	simm.s32 $0x0;
	s20 =	sshll.u32 s5, $0x1;
	s5 =	sadd.s32 s21, s3  }
0x9d: {  	[timem:s7], [sflag:s22] =	dma.local [hbm:s5], s20  }
0x9e: {  	_ =	swait.ge [sflag:s22], s20  }
0x9f: {  	s4 =	ssub.s32 $0x0, s20;
	[sflag:s22] =	ssyncset.done $0x0  }
0xa0: {  	[sflag:s22] =	ssyncadd.s32 s4;
	_ =	sdelay $0x1  }
0xa1: {  	s23 =	simm.s32 $0x1B8B  }
0xa2: {  	_ =	swait.ge [sflag:s23], $0x1  }
0xa3: {  	[sflag:s23] =	ssyncset.done $0x0  }
0xa4: {  	s25 =	simm.s32 $0x1B8E;
	s24 =	sld [smem:$0x3FFE];
	[sflag:s23] =	ssyncadd.s32 $0xFFFFFFFF  }
0xa5: {  	s26 =	simm.s32 $execute0_lowered;
	[smem:$0x3FD2] =	sst s25  }
0xa6: {  	s5 =	sshll.u32 s26, $0x1;
	_ =	strace $0x80000046;
	[dreg:$0x1] =	wrdreg $0xFFFFFFFF  }
0xa7: {  	s28 =	simm.s32 $_size_execute0_lowered;
	s3 =	sadd.s32 s3, s5;
	[dreg:$0x0] =	wrdreg $0x0  }
0xa8: {  	s5 =	sshll.u32 s28, $0x1;
	[dreg:$0x2] =	wrdreg s3  }
0xa9: {  	[dreg:$0x3] =	wrdreg s5  }
0xaa: {  	[dreg:$0x4] =	wrdreg $0xC0  }
0xab: {  	_ =	task [dreg:s7], $0x5FFFF  }
0xac: {  	[dreg:$0x1] =	wrdreg $0xFFFFFFFF  }
0xad: {  	[dreg:$0x0] =	wrdreg $0x60  }
0xae: {  	[dreg:$0x2] =	wrdreg s24  }
0xaf: {  	[dreg:$0x3] =	wrdreg s2  }
0xb0: {  	[dreg:$0x4] =	wrdreg $0x8200  }
0xb1: {  	[dreg:$0x5] =	wrdreg $0x9  }
0xb2: {  	_ =	task.clear_ibuf [dreg:s7], $0x6FFFF;
	_ =	strace $0x90000046  }
0xb3: {  	s29 =	simm.s32 $0x9;
	_ =	strace $0x80000048  }
0xb4: {  	_ =	swait.ge [sflag:s29], $0x1  }
0xb5: {  	[sflag:s29] =	ssyncadd.s32 $0xFFFFFFFF  }
0xb6: {  	_ =	strace $0x90000048  }
0xb7: {  	_ =	sfence  }
0xb8: {  	s30 =	sld [smem:$0x0];
	_ =	sdelay $0x2  }
0xb9: {  	s31 =	sshll.u32 s1, $0xD;
	s1 =	sshrl.u32 s1, $0x2  }
0xba: {  	s3 =	sand.u32 $0x4000, s31;
	s1 =	sadd.s32 s1, s30  }
0xbb: {  	s0 =	sor.u32 s3, s0;
	s1 =	sshll.u32 s1, $0x11  }
0xbc: {  	s0 =	sor.u32 s1, s0  }
0xbd: {  	s0 =	sadd.s32 $0x8F2B, s0  }
0xbe: {  	[sflag:s0] =	ssyncadd.remote.s32 $0x1  }
0xbf: {  	_ =	sfence.sel $0xFFFF  }
0xc0: {  	[dreg:$0x0] =	wrdreg $0xFFFFFFFF;
	(pc) =	sbr.abs _section_cstart, $3  }
0xc1: {  	[dreg:$0x1] =	wrdreg $0xFFFFFFFF  }
0xc2: {  	_ =	task.clear_ibuf [dreg:s7], $0x2FFFF;
	_ =	strace $0x9FFFFFFF  }
0xc3: {  	(tm) =	ssettm $0x7FFFFFFF  }
tec
execute0_lowered:
.L_overlay_start_1:
0x0: {  	(tag) =	ssettag $0x1  }
0x1: {  	s4 =	rddreg [dreg:$0x0]  }
0x2: {  	s6 =	rddreg [dreg:$0x1]  }
0x3: {  	s0 =	srdreg.scid;
	s2 =	rddreg [dreg:$0x2]  }
0x4: {  	s3 =	simm.s32 $0x0;
	s14 =	simm.s32 $0x1;
	s15 =	simm.s32 $0x50  }
0x5: {  	s16 =	simm.s32 $0x7D0;
	s5 =	sand.u32 $0x1, s0;
	s0 =	stileid.u32  }
0x6: {  	s17 =	simm.s32 $0x0;
	[smem:$0x7FF] =	sst s3;
	s8 =	smul.u32 $0x278, s0  }
0x7: {  	s1 =	sshll.u32 s5, $0x4;
	s9 =	ssub.s32 $0x2, s5;
	s5 =	smul.u32 $0x2780, s5  }
0x8: {  	s31 =	sshll.u32 s0, $0x6;
	s7 =	sor.u32 s0, s1;
	s1 =	rddreg [dreg:$0x3]  }
0x9: {  	_ =	strace $0x80000047;
	s11 =	sshrl.u32 s9, $0x1;
	s7 =	smul.u32 $0x2710, s7  }
0xa: {  	s10 =	sshrl.u32 s8, $0x3;
	s13 =	sadd.s32 s8, s2;
	s8 =	sadd.s32 s8, s5  }
0xb: {  	s30 =	ssub.s32 s9, s11;
	s5 =	sor.u32 $0x1C01, s31;
	s8 =	sshrl.u32 s8, $0x3  }
0xc: {  	s13 =	sshrl.u32 s13, $0x3;
	s7 =	sshrl.u32 s7, $0x3;
	s6 =	sadd.s32 s6, s8  }
0xd: {  	s12 =	sadd.s32 s7, s4;
	s4 =	sadd.s32 s10, s4;
	s7 =	smax.u32 s30, $0x1  }
0xe: {  	s4 =	sadd.s32 $0x15C00, s4;
	s8 =	sadd.s32 $0x2000, s12;
	s9 =	sadd.s32 $0x20FA, s12  }
0xf: {  	v0 =	vimm.f32 $1.000000000e+00;
	s10 =	sadd.s32 $0x21F4, s12;
	s11 =	sadd.s32 $0x22EE, s12;
	s12 =	sadd.s32 $0x23E8, s12  }
.LBB2_1:
0x10: {  	[tilespmem:$0x7D0] =	vst v0  }
0x11: {  	[tilespmem:$0x7E0] =	vst v0  }
0x12: {  	[tilespmem:$0x7F0] =	vst v0  }
0x13: {  	[tilespmem:$0x800] =	vst v0  }
0x14: {  	[tilespmem:$0x810] =	vst v0  }
0x15: {  	[spmem:s13], [sflag:s5] =	dma.local [hbm:s4], $0x4F  }
0x16: {  	_ =	swait.ge [sflag:s14], $0x4F  }
0x17: {  	[sflag:s14] =	ssyncset.done $0x0  }
0x18: {  	[sflag:s14] =	ssyncadd.s32 $0xFFFFFFB1  }
0x19: {  	[bflag:$0x0] =	sbarrier.arrive $0xFFFF  }
0x1a: {  	[tilespmem:s3], [sflag:$0x1] =	stream.linear.gather [hbm4b:s8+s3], $0x7D0, $0x38;
	[tilespmem:$0xA98] =	vst v63  }
0x1b: {  	_ =	swait.ge [sflag:s14], $0x7D0  }
0x1c: {  	[sflag:s14] =	ssyncset.done $0x0  }
0x1d: {  	s18 =	simm.s32 $0x0;
	[sflag:s14] =	ssyncadd.s32 $0xFFFFF830  }
0x1e: {  	[spmem:s2] =	stream.indirect.scatter.add.f32 [tilespmem:s16], [sflag:$0x1], $0x1, s18, s15, $0xb8;
	[tilespmem:$0xA98] =	vst v63  }
0x1f: {  	_ =	swait.ge [sflag:s14], $0x50  }
0x20: {  	s18 =	simm.s32 $0x140;
	[sflag:s14] =	ssyncset.done $0x0  }
.LBB2_2:
0x21: {  	s19 =	sshra.s32 s18, $0x2;
	[sflag:s14] =	ssyncadd.s32 $0xFFFFFFB0;
	p0 =	sne.s32 s18, $0x1E00  }
0x22: {  	[spmem:s2] =	stream.indirect.scatter.add.f32 [tilespmem:s16], [sflag:$0x1], $0x1, s19, s15, $0xb8;
	[tilespmem:$0xA98] =	vst v63  }
.Ltmp0:
0x23: {  	_ = 	snop;
	(pc) =	sbr.rel @p0 .LBB2_2-.Ltmp0, $4  }
0x24: {  	_ = 	snop  }
0x25: {  	s18 =	sadd.s32 $0x140, s18  }
0x26: {  	_ =	swait.ge [sflag:s14], $0x50  }
0x27: {  	[sflag:s14] =	ssyncset.done $0x0  }
0x28: {  	[sflag:s14] =	ssyncadd.s32 $0xFFFFFFB0;
	s18 =	simm.s32 $0x0  }
0x29: {  	[tilespmem:s18], [sflag:$0x1] =	stream.linear.gather [hbm4b:s9+s18], $0x7D0, $0x38;
	[tilespmem:$0xA98] =	vst v63  }
0x2a: {  	_ =	swait.ge [sflag:s14], $0x7D0  }
0x2b: {  	[sflag:s14] =	ssyncset.done $0x0  }
0x2c: {  	s31 =	simm.s32 $0x0;
	[sflag:s14] =	ssyncadd.s32 $0xFFFFF830  }
0x2d: {  	[spmem:s2] =	stream.indirect.scatter.add.f32 [tilespmem:s16], [sflag:$0x1], $0x1, s31, s15, $0xb8;
	[tilespmem:$0xA98] =	vst v63  }
0x2e: {  	_ =	swait.ge [sflag:s14], $0x50  }
0x2f: {  	s18 =	simm.s32 $0x140;
	[sflag:s14] =	ssyncset.done $0x0  }
.LBB2_4:
0x30: {  	s19 =	sshra.s32 s18, $0x2;
	[sflag:s14] =	ssyncadd.s32 $0xFFFFFFB0;
	p0 =	sne.s32 s18, $0x1E00  }
0x31: {  	[spmem:s2] =	stream.indirect.scatter.add.f32 [tilespmem:s16], [sflag:$0x1], $0x1, s19, s15, $0xb8;
	[tilespmem:$0xA98] =	vst v63  }
.Ltmp1:
0x32: {  	_ = 	snop;
	(pc) =	sbr.rel @p0 .LBB2_4-.Ltmp1, $4  }
0x33: {  	_ = 	snop  }
0x34: {  	s18 =	sadd.s32 $0x140, s18  }
0x35: {  	_ =	swait.ge [sflag:s14], $0x50  }
0x36: {  	[sflag:s14] =	ssyncset.done $0x0  }
0x37: {  	[sflag:s14] =	ssyncadd.s32 $0xFFFFFFB0;
	s18 =	simm.s32 $0x0  }
0x38: {  	[tilespmem:s18], [sflag:$0x1] =	stream.linear.gather [hbm4b:s10+s18], $0x7D0, $0x38;
	[tilespmem:$0xA98] =	vst v63  }
0x39: {  	_ =	swait.ge [sflag:s14], $0x7D0  }
0x3a: {  	[sflag:s14] =	ssyncset.done $0x0  }
0x3b: {  	s31 =	simm.s32 $0x0;
	[sflag:s14] =	ssyncadd.s32 $0xFFFFF830  }
0x3c: {  	[spmem:s2] =	stream.indirect.scatter.add.f32 [tilespmem:s16], [sflag:$0x1], $0x1, s31, s15, $0xb8;
	[tilespmem:$0xA98] =	vst v63  }
0x3d: {  	_ =	swait.ge [sflag:s14], $0x50  }
0x3e: {  	s18 =	simm.s32 $0x140;
	[sflag:s14] =	ssyncset.done $0x0  }
.LBB2_6:
0x3f: {  	s19 =	sshra.s32 s18, $0x2;
	[sflag:s14] =	ssyncadd.s32 $0xFFFFFFB0;
	p0 =	sne.s32 s18, $0x1E00  }
0x40: {  	[spmem:s2] =	stream.indirect.scatter.add.f32 [tilespmem:s16], [sflag:$0x1], $0x1, s19, s15, $0xb8;
	[tilespmem:$0xA98] =	vst v63  }
.Ltmp2:
0x41: {  	_ = 	snop;
	(pc) =	sbr.rel @p0 .LBB2_6-.Ltmp2, $4  }
0x42: {  	_ = 	snop  }
0x43: {  	s18 =	sadd.s32 $0x140, s18  }
0x44: {  	_ =	swait.ge [sflag:s14], $0x50  }
0x45: {  	[sflag:s14] =	ssyncset.done $0x0  }
0x46: {  	[sflag:s14] =	ssyncadd.s32 $0xFFFFFFB0;
	s18 =	simm.s32 $0x0  }
0x47: {  	[tilespmem:s18], [sflag:$0x1] =	stream.linear.gather [hbm4b:s11+s18], $0x7D0, $0x38;
	[tilespmem:$0xA98] =	vst v63  }
0x48: {  	_ =	swait.ge [sflag:s14], $0x7D0  }
0x49: {  	[sflag:s14] =	ssyncset.done $0x0  }
0x4a: {  	s31 =	simm.s32 $0x0;
	[sflag:s14] =	ssyncadd.s32 $0xFFFFF830  }
0x4b: {  	[spmem:s2] =	stream.indirect.scatter.add.f32 [tilespmem:s16], [sflag:$0x1], $0x1, s31, s15, $0xb8;
	[tilespmem:$0xA98] =	vst v63  }
0x4c: {  	_ =	swait.ge [sflag:s14], $0x50  }
0x4d: {  	s18 =	simm.s32 $0x140;
	[sflag:s14] =	ssyncset.done $0x0  }
.LBB2_8:
0x4e: {  	s19 =	sshra.s32 s18, $0x2;
	[sflag:s14] =	ssyncadd.s32 $0xFFFFFFB0;
	p0 =	sne.s32 s18, $0x1E00  }
0x4f: {  	[spmem:s2] =	stream.indirect.scatter.add.f32 [tilespmem:s16], [sflag:$0x1], $0x1, s19, s15, $0xb8;
	[tilespmem:$0xA98] =	vst v63  }
.Ltmp3:
0x50: {  	_ = 	snop;
	(pc) =	sbr.rel @p0 .LBB2_8-.Ltmp3, $4  }
0x51: {  	_ = 	snop  }
0x52: {  	s18 =	sadd.s32 $0x140, s18  }
0x53: {  	_ =	swait.ge [sflag:s14], $0x50  }
0x54: {  	[sflag:s14] =	ssyncset.done $0x0  }
0x55: {  	[sflag:s14] =	ssyncadd.s32 $0xFFFFFFB0;
	s18 =	simm.s32 $0x0  }
0x56: {  	[tilespmem:s18], [sflag:$0x1] =	stream.linear.gather [hbm4b:s12+s18], $0x7D0, $0x38;
	[tilespmem:$0xA98] =	vst v63  }
0x57: {  	_ =	swait.ge [sflag:s14], $0x7D0  }
0x58: {  	[sflag:s14] =	ssyncset.done $0x0  }
0x59: {  	s31 =	simm.s32 $0x0;
	[sflag:s14] =	ssyncadd.s32 $0xFFFFF830  }
0x5a: {  	[spmem:s2] =	stream.indirect.scatter.add.f32 [tilespmem:s16], [sflag:$0x1], $0x1, s31, s15, $0xb8;
	[tilespmem:$0xA98] =	vst v63  }
0x5b: {  	_ =	swait.ge [sflag:s14], $0x50  }
0x5c: {  	s18 =	simm.s32 $0x140;
	[sflag:s14] =	ssyncset.done $0x0  }
.LBB2_10:
0x5d: {  	s19 =	sshra.s32 s18, $0x2;
	[sflag:s14] =	ssyncadd.s32 $0xFFFFFFB0;
	p0 =	sne.s32 s18, $0x1E00  }
0x5e: {  	[spmem:s2] =	stream.indirect.scatter.add.f32 [tilespmem:s16], [sflag:$0x1], $0x1, s19, s15, $0xb8;
	[tilespmem:$0xA98] =	vst v63  }
.Ltmp4:
0x5f: {  	_ = 	snop;
	(pc) =	sbr.rel @p0 .LBB2_10-.Ltmp4, $4  }
0x60: {  	_ = 	snop  }
0x61: {  	s18 =	sadd.s32 $0x140, s18  }
0x62: {  	_ =	swait.ge [sflag:s14], $0x50  }
0x63: {  	[sflag:s14] =	ssyncset.done $0x0  }
0x64: {  	s17 =	sadd.s32 $0x1, s17  }
0x65: {  	[sflag:s14] =	ssyncadd.s32 $0xFFFFFFB0;
	p0 =	sne.s32 s17, s7  }
.Ltmp5:
0x66: {  	[bflag:$0x0] =	sbarrier.arrive $0xFFFF;
	(pc) =	sbr.rel @p0 .LBB2_1-.Ltmp5, $4  }
0x67: {  	[hbm:s6], [sflag:s5] =	dma.local [spmem:s13], $0x4F  }
0x68: {  	_ =	swait.ge [sflag:s14], $0x4F  }
0x69: {  	[sflag:s14] =	ssyncset.done $0x0  }
0x6a: {  	[sflag:s14] =	ssyncadd.s32 $0xFFFFFFB1  }
0x6b: {  	_ =	sfence.sel $0x180000  }
0x6c: {  	[bflag:$0x0] =	sbarrier.arrive $0xFFFF  }
0x6d: {  	p0 =	sne.s32 s0, $0x0;
	_ =	strace $0x90000047  }
0x6e: {  	s0 =	sadd.s32 @!p0 $0x100000, s1;
	[bflag:$0x2] =	sbarrier.arrive $0xFFFF  }
0x6f: {  	[sflag:s0] =	ssyncadd.tile.s32 @!p0 $0x1;
	_ =	shalt  }
.Lfunc_end2:
_tile_overlayer_lowered:
.L_overlay_start_2:
0x70: {  	(tag) =	ssettag $0x2  }
0x71: {  	s0 =	rddreg [dreg:$0x0];
	s2 =	stileid.u32  }
0x72: {  	s1 =	rddreg [dreg:$0x1];
	p0 =	sne.s32 s2, $0x0  }
0x73: {  	s3 =	rddreg [dreg:$0x2];
	[bflag:$0x3] =	sbarrier.arrive $0xFFFF;
	s2 =	simm.s32 @!p0 $0x1C01  }
0x74: {  	[timem:s3], [sflag:s2] =	dma.local @!p0 [hbm:s0], s1  }
0x75: {  	s0 =	simm.s32 @!p0 $0x1  }
0x76: {  	_ =	swait.ge @!p0 [sflag:s0], s1  }
0x77: {  	s1 =	ssub.s32 @!p0 $0x0, s1;
	[sflag:s0] =	ssyncset.done @!p0 $0x0  }
0x78: {  	[sflag:s0] =	ssyncadd.s32 @!p0 s1  }
0x79: {  	[bflag:$0x3] =	sbarrier.arrive $0xFFFF  }
0x7a: {  	_ =	shalt  }

</sc_bundles>
